<compile_context>
chip_gen: v7x
topology: tpu7x:2x2x1
jax: 0.10.2.dev20260603
libtpu: 0.0.44.dev20260713+nightly
codegen_flags: <defaults>
</compile_context>

<pallas_src>
import functools

import jax
import jax.numpy as jnp
from jax import lax
from jax.experimental import pallas as pl
from jax.experimental.pallas import tpu as pltpu
from jax.experimental.pallas import tpu_sc as plsc

NC = 2
NS = 16
NW = NC * NS
C = 128
NR = 8
GA = 6
NX = 4


@jax.jit
def _gather_lb(idx3, table):
    nw, n_chunks, c = idx3.shape
    V, D = table.shape
    L = 50
    BT = 128

    mesh = plsc.VectorSubcoreMesh(core_axis_name="c", subcore_axis_name="s")

    @functools.partial(
        pl.kernel,
        out_type=jax.ShapeDtypeStruct((L, D // 8, BT, 8, C), jnp.float32),
        mesh=mesh,
        scratch_types=[
            pltpu.VMEM((n_chunks, c), jnp.int32),
            pltpu.VMEM((NR, c, D), jnp.float32),
            pltpu.VMEM((NX, D // 8, 8, c + 1), jnp.float32),
            pltpu.SemaphoreType.DMA((NR,)),
            pltpu.SemaphoreType.DMA((NX,)),
        ],
        compiler_params=pltpu.CompilerParams(use_tc_tiling_on_sc=False,
                                             needs_layout_passes=False),
    )
    def k(idx_hbm, table_hbm, out_hbm, idx_v, rows_v, xpose_v, gsem, osem):
        wid = lax.axis_index("s") * NC + lax.axis_index("c")
        g0 = wid * n_chunks
        pltpu.sync_copy(idx_hbm.at[wid], idx_v)

        def start_gather(t, rb):
            pltpu.async_copy(table_hbm.at[idx_v.at[t]], rows_v.at[rb],
                             gsem.at[rb])

        def wait_gather(t, rb):
            pltpu.make_async_copy(table_hbm.at[idx_v.at[t]], rows_v.at[rb],
                                  gsem.at[rb]).wait()

        def out_slice(t):
            g = g0 + t
            return out_hbm.at[g // BT, :, g % BT]

        def xpose_src(xb):
            return xpose_v.at[xb, :, :, pl.ds(0, c)]

        def start_write(t, xb):
            pltpu.async_copy(xpose_src(xb), out_slice(t), osem.at[xb])

        def wait_write(t, xb):
            pltpu.make_async_copy(xpose_src(xb), out_slice(t),
                                  osem.at[xb]).wait()

        iot = lax.iota(jnp.int32, 16)
        dt_q = [(16 * q + iot) >> 3 for q in range(4)]
        dr_q = [(16 * q + iot) & 7 for q in range(4)]

        def transpose(rb, xb):
            def tbody(b):
                bs = jnp.full((16,), b, jnp.int32)
                for q in range(4):
                    v = rows_v[rb, b, pl.ds(16 * q, 16)]
                    plsc.store_scatter(xpose_v.at[xb],
                                       [dt_q[q], dr_q[q], bs], v)

            plsc.parallel_loop(0, c, unroll=8)(tbody)

        for rb in range(GA):
            start_gather(rb, rb)

        def body(tt):
            for b in range(NR):
                t = tt + b
                xb = b % NX
                wait_gather(t, b)

                @pl.when(t + GA < n_chunks)
                def _():
                    start_gather(t + GA, (b + GA) % NR)

                @pl.when(t >= NX)
                def _():
                    wait_write(t - NX, xb)

                transpose(b, xb)
                start_write(t, xb)

        pl.loop(0, n_chunks, step=NR)(body)

        for xb in range(NX):
            wait_write(n_chunks - NX + xb, xb)

    return k(idx3, table)


def kernel(inp, table):
    B, L = inp.shape
    D = table.shape[1]
    N = B * L
    idx3 = inp.T.reshape(NW, N // (NW * C), C).astype(jnp.int32)
    out5 = _gather_lb(idx3, table)
    return jnp.transpose(out5, (2, 4, 0, 1, 3)).reshape(B, L, D)

# --- scband reference (transcript-rebuilt; emitter-appended) ---
"""Pipeline reference for scband-open-chem-embedding-38654705664772 (READ-ONLY COPY).

The authoritative reference and input builder live on the scoring server;
editing this copy changes nothing except your own understanding.
"""

import jax, jax.numpy as jnp
import numpy as np

NUM_EMBEDDINGS = 1000000
EMBEDDING_DIM = 64
PADDING_IDX = 0


def setup_inputs(seed: int = 0) -> dict:
    key = jax.random.key(seed)
    k_idx, k_tab = jax.random.split(key)
    inp = jax.random.randint(k_idx, (16384, 50), 0, NUM_EMBEDDINGS, dtype=jnp.int64)
    table = jax.random.normal(k_tab, (NUM_EMBEDDINGS, EMBEDDING_DIM), dtype=jnp.float32)
    # nn.Embedding with padding_idx zeros that row at init
    table = table.at[PADDING_IDX].set(jnp.zeros((EMBEDDING_DIM,), dtype=jnp.float32))
    return {"inp": inp, "table": table}


def reference(inp, table):
    # OpenChemEmbedding (subclass behavior): out = self.embedding(inp)
    # nn.Embedding forward is a row gather from the weight table.
    out = jnp.take(table, inp, axis=0)  # [B, L, D]
    return out

if __name__ == "__main__":
    import jax
    _d = setup_inputs()
    print(jax.jit(kernel)(*tuple(_d.values())))

</pallas_src>

<mosaic_0001>
#map = affine_map<(d0, d1) -> (0, 0, 0)>
#map1 = affine_map<(d0, d1) -> (0, 0)>
#map2 = affine_map<(d0, d1) -> (0, 0, 0, 0, 0)>
module attributes {stable_mosaic.version = 14 : i64} {
  func.func @k(%arg0: i32, %arg1: i32, %arg2: memref<32x200x128xi32, #tpu.memory_space<hbm>>, %arg3: memref<1000000x64xf32, #tpu.memory_space<hbm>>, %arg4: memref<50x8x128x8x128xf32, #tpu.memory_space<hbm>>, %arg5: memref<200x128xi32, #tpu.memory_space<vmem>>, %arg6: memref<8x128x64xf32, #tpu.memory_space<vmem>>, %arg7: memref<4x8x8x129xf32, #tpu.memory_space<vmem>>, %arg8: memref<8x!tpu.dma_semaphore, #tpu.memory_space<semaphore_mem>>, %arg9: memref<4x!tpu.dma_semaphore, #tpu.memory_space<semaphore_mem>>) attributes {dimension_semantics = [#tpu.dimension_semantics<core_parallel>, #tpu.dimension_semantics<subcore_parallel>], iteration_bounds = array<i64: 2, 16>, scalar_prefetch = 0 : i64, scratch_operands = 5 : i64, tpu.core_type = #tpu.core_type<sc_vector_subcore>, window_params = [{transform_indices = #map}, {transform_indices = #map1}, {transform_indices = #map2}]} {
    %mul3A = arith.constant 2 : i32
    %mul3A_0 = arith.muli %arg1, %mul3A : i32
    %add3A = arith.addi %mul3A_0, %arg0 : i32
    %mul3A_1 = arith.constant 200 : i32
    %mul3A_2 = arith.muli %add3A, %mul3A_1 : i32
    "tpu.region"() ({
      %run_scoped3A = tpu.sem_alloc : memref<!tpu.dma_semaphore, #tpu.memory_space<semaphore_mem>>
      %dma_start3A_396 = arith.constant 0 : i32
      %dma_start3A_397 = arith.constant 0 : i32
      %dma_start3A_398 = tpu.memref_slice %arg2[%add3A, %dma_start3A_396, %dma_start3A_397] : memref<32x200x128xi32, #tpu.memory_space<hbm>> -> memref<1x200x128xi32, #tpu.memory_space<hbm>>
      %dma_start3A_399 = tpu.memref_squeeze %dma_start3A_398 : memref<1x200x128xi32, #tpu.memory_space<hbm>> -> memref<200x128xi32, #tpu.memory_space<hbm>>
      %dma_start3A_400 = arith.constant 0 : i32
      %dma_start3A_401 = arith.constant 0 : i32
      %dma_start3A_402 = tpu.memref_slice %arg2[%add3A, %dma_start3A_400, %dma_start3A_401] : memref<32x200x128xi32, #tpu.memory_space<hbm>> -> memref<1x200x128xi32, #tpu.memory_space<hbm>>
      %dma_start3A_403 = tpu.memref_squeeze %dma_start3A_402 : memref<1x200x128xi32, #tpu.memory_space<hbm>> -> memref<200x128xi32, #tpu.memory_space<hbm>>
      tpu.enqueue_dma source(%dma_start3A_403 : memref<200x128xi32, #tpu.memory_space<hbm>>) target(%arg5 : memref<200x128xi32, #tpu.memory_space<vmem>>) target_semaphore(%run_scoped3A : memref<!tpu.dma_semaphore, #tpu.memory_space<semaphore_mem>>)
      %dma_wait3A_404 = arith.constant 0 : i32
      %dma_wait3A_405 = arith.constant 0 : i32
      %dma_wait3A_406 = tpu.memref_slice %arg2[%add3A, %dma_wait3A_404, %dma_wait3A_405] : memref<32x200x128xi32, #tpu.memory_space<hbm>> -> memref<1x200x128xi32, #tpu.memory_space<hbm>>
      %dma_wait3A_407 = tpu.memref_squeeze %dma_wait3A_406 : memref<1x200x128xi32, #tpu.memory_space<hbm>> -> memref<200x128xi32, #tpu.memory_space<hbm>>
      %dma_wait3A_408 = arith.constant 0 : i32
      %dma_wait3A_409 = arith.constant 0 : i32
      %dma_wait3A_410 = tpu.memref_slice %arg2[%add3A, %dma_wait3A_408, %dma_wait3A_409] : memref<32x200x128xi32, #tpu.memory_space<hbm>> -> memref<1x200x128xi32, #tpu.memory_space<hbm>>
      %dma_wait3A_411 = tpu.memref_squeeze %dma_wait3A_410 : memref<1x200x128xi32, #tpu.memory_space<hbm>> -> memref<200x128xi32, #tpu.memory_space<hbm>>
      tpu.wait_dma2 semaphore(%run_scoped3A : memref<!tpu.dma_semaphore, #tpu.memory_space<semaphore_mem>>) src(%dma_wait3A_411 : memref<200x128xi32, #tpu.memory_space<hbm>>) dst(%arg5 : memref<200x128xi32, #tpu.memory_space<vmem>>)
      tpu.yield
    }) : () -> ()
    %iota3A = tpu.iota {dimensions = array<i32: 0>} : vector<16xi32>
    %add3A_3 = arith.constant 0 : i32
    %add3A_4 = vector.broadcast %add3A_3 : i32 to vector<16xi32>
    %add3A_5 = arith.addi %add3A_4, %iota3A : vector<16xi32>
    %shift_right_arithmetic3A = arith.constant 3 : i32
    %shift_right_arithmetic3A_6 = vector.broadcast %shift_right_arithmetic3A : i32 to vector<16xi32>
    %shift_right_arithmetic3A_7 = arith.shrsi %add3A_5, %shift_right_arithmetic3A_6 : vector<16xi32>
    %add3A_8 = arith.constant 16 : i32
    %add3A_9 = vector.broadcast %add3A_8 : i32 to vector<16xi32>
    %add3A_10 = arith.addi %add3A_9, %iota3A : vector<16xi32>
    %shift_right_arithmetic3A_11 = arith.constant 3 : i32
    %shift_right_arithmetic3A_12 = vector.broadcast %shift_right_arithmetic3A_11 : i32 to vector<16xi32>
    %shift_right_arithmetic3A_13 = arith.shrsi %add3A_10, %shift_right_arithmetic3A_12 : vector<16xi32>
    %add3A_14 = arith.constant 32 : i32
    %add3A_15 = vector.broadcast %add3A_14 : i32 to vector<16xi32>
    %add3A_16 = arith.addi %add3A_15, %iota3A : vector<16xi32>
    %shift_right_arithmetic3A_17 = arith.constant 3 : i32
    %shift_right_arithmetic3A_18 = vector.broadcast %shift_right_arithmetic3A_17 : i32 to vector<16xi32>
    %shift_right_arithmetic3A_19 = arith.shrsi %add3A_16, %shift_right_arithmetic3A_18 : vector<16xi32>
    %add3A_20 = arith.constant 48 : i32
    %add3A_21 = vector.broadcast %add3A_20 : i32 to vector<16xi32>
    %add3A_22 = arith.addi %add3A_21, %iota3A : vector<16xi32>
    %shift_right_arithmetic3A_23 = arith.constant 3 : i32
    %shift_right_arithmetic3A_24 = vector.broadcast %shift_right_arithmetic3A_23 : i32 to vector<16xi32>
    %shift_right_arithmetic3A_25 = arith.shrsi %add3A_22, %shift_right_arithmetic3A_24 : vector<16xi32>
    %add3A_26 = arith.constant 0 : i32
    %add3A_27 = vector.broadcast %add3A_26 : i32 to vector<16xi32>
    %add3A_28 = arith.addi %add3A_27, %iota3A : vector<16xi32>
    %and3A = arith.constant 7 : i32
    %and3A_29 = vector.broadcast %and3A : i32 to vector<16xi32>
    %and3A_30 = arith.andi %add3A_28, %and3A_29 : vector<16xi32>
    %add3A_31 = arith.constant 16 : i32
    %add3A_32 = vector.broadcast %add3A_31 : i32 to vector<16xi32>
    %add3A_33 = arith.addi %add3A_32, %iota3A : vector<16xi32>
    %and3A_34 = arith.constant 7 : i32
    %and3A_35 = vector.broadcast %and3A_34 : i32 to vector<16xi32>
    %and3A_36 = arith.andi %add3A_33, %and3A_35 : vector<16xi32>
    %add3A_37 = arith.constant 32 : i32
    %add3A_38 = vector.broadcast %add3A_37 : i32 to vector<16xi32>
    %add3A_39 = arith.addi %add3A_38, %iota3A : vector<16xi32>
    %and3A_40 = arith.constant 7 : i32
    %and3A_41 = vector.broadcast %and3A_40 : i32 to vector<16xi32>
    %and3A_42 = arith.andi %add3A_39, %and3A_41 : vector<16xi32>
    %add3A_43 = arith.constant 48 : i32
    %add3A_44 = vector.broadcast %add3A_43 : i32 to vector<16xi32>
    %add3A_45 = arith.addi %add3A_44, %iota3A : vector<16xi32>
    %and3A_46 = arith.constant 7 : i32
    %and3A_47 = vector.broadcast %and3A_46 : i32 to vector<16xi32>
    %and3A_48 = arith.andi %add3A_45, %and3A_47 : vector<16xi32>
    %dma_start3A = arith.constant 0 : i32
    %dma_start3A_49 = arith.constant 0 : i32
    %dma_start3A_50 = arith.constant 0 : i32
    %dma_start3A_51 = arith.constant 0 : i32
    %dma_start3A_52 = arith.constant 0 : i32
    %dma_start3A_53 = tpu.memref_slice %arg6[%dma_start3A_49, %dma_start3A_51, %dma_start3A_52] : memref<8x128x64xf32, #tpu.memory_space<vmem>> -> memref<1x128x64xf32, #tpu.memory_space<vmem>>
    %dma_start3A_54 = tpu.memref_squeeze %dma_start3A_53 : memref<1x128x64xf32, #tpu.memory_space<vmem>> -> memref<128x64xf32, #tpu.memory_space<vmem>>
    %dma_start3A_55 = arith.constant 0 : i32
    %dma_start3A_56 = tpu.memref_slice %arg5[%dma_start3A, %dma_start3A_55] : memref<200x128xi32, #tpu.memory_space<vmem>> -> memref<1x128xi32, #tpu.memory_space<vmem>>
    %dma_start3A_57 = tpu.memref_squeeze %dma_start3A_56 : memref<1x128xi32, #tpu.memory_space<vmem>> -> memref<128xi32, #tpu.memory_space<vmem>>
    %dma_start3A_58 = arith.constant 0 : i32
    %dma_start3A_59 = arith.constant 0 : i32
    %dma_start3A_60 = tpu.memref_slice %arg3[%dma_start3A_58, %dma_start3A_59] : memref<1000000x64xf32, #tpu.memory_space<hbm>> -> memref<1000000x64xf32, #tpu.memory_space<hbm>>
    %dma_start3A_61 = tpu.memref_slice %arg8[%dma_start3A_50] : memref<8x!tpu.dma_semaphore, #tpu.memory_space<semaphore_mem>> -> memref<1x!tpu.dma_semaphore, #tpu.memory_space<semaphore_mem>>
    %dma_start3A_62 = tpu.memref_squeeze %dma_start3A_61 : memref<1x!tpu.dma_semaphore, #tpu.memory_space<semaphore_mem>> -> memref<!tpu.dma_semaphore, #tpu.memory_space<semaphore_mem>>
    tpu.enqueue_indirect_dma source(%dma_start3A_60 : memref<1000000x64xf32, #tpu.memory_space<hbm>>) target(%dma_start3A_54 : memref<128x64xf32, #tpu.memory_space<vmem>>) offsets(%dma_start3A_57 : memref<128xi32, #tpu.memory_space<vmem>>) semaphore(%dma_start3A_62 : memref<!tpu.dma_semaphore, #tpu.memory_space<semaphore_mem>>)
    %dma_start3A_63 = arith.constant 1 : i32
    %dma_start3A_64 = arith.constant 1 : i32
    %dma_start3A_65 = arith.constant 1 : i32
    %dma_start3A_66 = arith.constant 0 : i32
    %dma_start3A_67 = arith.constant 0 : i32
    %dma_start3A_68 = tpu.memref_slice %arg6[%dma_start3A_64, %dma_start3A_66, %dma_start3A_67] : memref<8x128x64xf32, #tpu.memory_space<vmem>> -> memref<1x128x64xf32, #tpu.memory_space<vmem>>
    %dma_start3A_69 = tpu.memref_squeeze %dma_start3A_68 : memref<1x128x64xf32, #tpu.memory_space<vmem>> -> memref<128x64xf32, #tpu.memory_space<vmem>>
    %dma_start3A_70 = arith.constant 0 : i32
    %dma_start3A_71 = tpu.memref_slice %arg5[%dma_start3A_63, %dma_start3A_70] : memref<200x128xi32, #tpu.memory_space<vmem>> -> memref<1x128xi32, #tpu.memory_space<vmem>>
    %dma_start3A_72 = tpu.memref_squeeze %dma_start3A_71 : memref<1x128xi32, #tpu.memory_space<vmem>> -> memref<128xi32, #tpu.memory_space<vmem>>
    %dma_start3A_73 = arith.constant 0 : i32
    %dma_start3A_74 = arith.constant 0 : i32
    %dma_start3A_75 = tpu.memref_slice %arg3[%dma_start3A_73, %dma_start3A_74] : memref<1000000x64xf32, #tpu.memory_space<hbm>> -> memref<1000000x64xf32, #tpu.memory_space<hbm>>
    %dma_start3A_76 = tpu.memref_slice %arg8[%dma_start3A_65] : memref<8x!tpu.dma_semaphore, #tpu.memory_space<semaphore_mem>> -> memref<1x!tpu.dma_semaphore, #tpu.memory_space<semaphore_mem>>
    %dma_start3A_77 = tpu.memref_squeeze %dma_start3A_76 : memref<1x!tpu.dma_semaphore, #tpu.memory_space<semaphore_mem>> -> memref<!tpu.dma_semaphore, #tpu.memory_space<semaphore_mem>>
    tpu.enqueue_indirect_dma source(%dma_start3A_75 : memref<1000000x64xf32, #tpu.memory_space<hbm>>) target(%dma_start3A_69 : memref<128x64xf32, #tpu.memory_space<vmem>>) offsets(%dma_start3A_72 : memref<128xi32, #tpu.memory_space<vmem>>) semaphore(%dma_start3A_77 : memref<!tpu.dma_semaphore, #tpu.memory_space<semaphore_mem>>)
    %dma_start3A_78 = arith.constant 2 : i32
    %dma_start3A_79 = arith.constant 2 : i32
    %dma_start3A_80 = arith.constant 2 : i32
    %dma_start3A_81 = arith.constant 0 : i32
    %dma_start3A_82 = arith.constant 0 : i32
    %dma_start3A_83 = tpu.memref_slice %arg6[%dma_start3A_79, %dma_start3A_81, %dma_start3A_82] : memref<8x128x64xf32, #tpu.memory_space<vmem>> -> memref<1x128x64xf32, #tpu.memory_space<vmem>>
    %dma_start3A_84 = tpu.memref_squeeze %dma_start3A_83 : memref<1x128x64xf32, #tpu.memory_space<vmem>> -> memref<128x64xf32, #tpu.memory_space<vmem>>
    %dma_start3A_85 = arith.constant 0 : i32
    %dma_start3A_86 = tpu.memref_slice %arg5[%dma_start3A_78, %dma_start3A_85] : memref<200x128xi32, #tpu.memory_space<vmem>> -> memref<1x128xi32, #tpu.memory_space<vmem>>
    %dma_start3A_87 = tpu.memref_squeeze %dma_start3A_86 : memref<1x128xi32, #tpu.memory_space<vmem>> -> memref<128xi32, #tpu.memory_space<vmem>>
    %dma_start3A_88 = arith.constant 0 : i32
    %dma_start3A_89 = arith.constant 0 : i32
    %dma_start3A_90 = tpu.memref_slice %arg3[%dma_start3A_88, %dma_start3A_89] : memref<1000000x64xf32, #tpu.memory_space<hbm>> -> memref<1000000x64xf32, #tpu.memory_space<hbm>>
    %dma_start3A_91 = tpu.memref_slice %arg8[%dma_start3A_80] : memref<8x!tpu.dma_semaphore, #tpu.memory_space<semaphore_mem>> -> memref<1x!tpu.dma_semaphore, #tpu.memory_space<semaphore_mem>>
    %dma_start3A_92 = tpu.memref_squeeze %dma_start3A_91 : memref<1x!tpu.dma_semaphore, #tpu.memory_space<semaphore_mem>> -> memref<!tpu.dma_semaphore, #tpu.memory_space<semaphore_mem>>
    tpu.enqueue_indirect_dma source(%dma_start3A_90 : memref<1000000x64xf32, #tpu.memory_space<hbm>>) target(%dma_start3A_84 : memref<128x64xf32, #tpu.memory_space<vmem>>) offsets(%dma_start3A_87 : memref<128xi32, #tpu.memory_space<vmem>>) semaphore(%dma_start3A_92 : memref<!tpu.dma_semaphore, #tpu.memory_space<semaphore_mem>>)
    %dma_start3A_93 = arith.constant 3 : i32
    %dma_start3A_94 = arith.constant 3 : i32
    %dma_start3A_95 = arith.constant 3 : i32
    %dma_start3A_96 = arith.constant 0 : i32
    %dma_start3A_97 = arith.constant 0 : i32
    %dma_start3A_98 = tpu.memref_slice %arg6[%dma_start3A_94, %dma_start3A_96, %dma_start3A_97] : memref<8x128x64xf32, #tpu.memory_space<vmem>> -> memref<1x128x64xf32, #tpu.memory_space<vmem>>
    %dma_start3A_99 = tpu.memref_squeeze %dma_start3A_98 : memref<1x128x64xf32, #tpu.memory_space<vmem>> -> memref<128x64xf32, #tpu.memory_space<vmem>>
    %dma_start3A_100 = arith.constant 0 : i32
    %dma_start3A_101 = tpu.memref_slice %arg5[%dma_start3A_93, %dma_start3A_100] : memref<200x128xi32, #tpu.memory_space<vmem>> -> memref<1x128xi32, #tpu.memory_space<vmem>>
    %dma_start3A_102 = tpu.memref_squeeze %dma_start3A_101 : memref<1x128xi32, #tpu.memory_space<vmem>> -> memref<128xi32, #tpu.memory_space<vmem>>
    %dma_start3A_103 = arith.constant 0 : i32
    %dma_start3A_104 = arith.constant 0 : i32
    %dma_start3A_105 = tpu.memref_slice %arg3[%dma_start3A_103, %dma_start3A_104] : memref<1000000x64xf32, #tpu.memory_space<hbm>> -> memref<1000000x64xf32, #tpu.memory_space<hbm>>
    %dma_start3A_106 = tpu.memref_slice %arg8[%dma_start3A_95] : memref<8x!tpu.dma_semaphore, #tpu.memory_space<semaphore_mem>> -> memref<1x!tpu.dma_semaphore, #tpu.memory_space<semaphore_mem>>
    %dma_start3A_107 = tpu.memref_squeeze %dma_start3A_106 : memref<1x!tpu.dma_semaphore, #tpu.memory_space<semaphore_mem>> -> memref<!tpu.dma_semaphore, #tpu.memory_space<semaphore_mem>>
    tpu.enqueue_indirect_dma source(%dma_start3A_105 : memref<1000000x64xf32, #tpu.memory_space<hbm>>) target(%dma_start3A_99 : memref<128x64xf32, #tpu.memory_space<vmem>>) offsets(%dma_start3A_102 : memref<128xi32, #tpu.memory_space<vmem>>) semaphore(%dma_start3A_107 : memref<!tpu.dma_semaphore, #tpu.memory_space<semaphore_mem>>)
    %dma_start3A_108 = arith.constant 4 : i32
    %dma_start3A_109 = arith.constant 4 : i32
    %dma_start3A_110 = arith.constant 4 : i32
    %dma_start3A_111 = arith.constant 0 : i32
    %dma_start3A_112 = arith.constant 0 : i32
    %dma_start3A_113 = tpu.memref_slice %arg6[%dma_start3A_109, %dma_start3A_111, %dma_start3A_112] : memref<8x128x64xf32, #tpu.memory_space<vmem>> -> memref<1x128x64xf32, #tpu.memory_space<vmem>>
    %dma_start3A_114 = tpu.memref_squeeze %dma_start3A_113 : memref<1x128x64xf32, #tpu.memory_space<vmem>> -> memref<128x64xf32, #tpu.memory_space<vmem>>
    %dma_start3A_115 = arith.constant 0 : i32
    %dma_start3A_116 = tpu.memref_slice %arg5[%dma_start3A_108, %dma_start3A_115] : memref<200x128xi32, #tpu.memory_space<vmem>> -> memref<1x128xi32, #tpu.memory_space<vmem>>
    %dma_start3A_117 = tpu.memref_squeeze %dma_start3A_116 : memref<1x128xi32, #tpu.memory_space<vmem>> -> memref<128xi32, #tpu.memory_space<vmem>>
    %dma_start3A_118 = arith.constant 0 : i32
    %dma_start3A_119 = arith.constant 0 : i32
    %dma_start3A_120 = tpu.memref_slice %arg3[%dma_start3A_118, %dma_start3A_119] : memref<1000000x64xf32, #tpu.memory_space<hbm>> -> memref<1000000x64xf32, #tpu.memory_space<hbm>>
    %dma_start3A_121 = tpu.memref_slice %arg8[%dma_start3A_110] : memref<8x!tpu.dma_semaphore, #tpu.memory_space<semaphore_mem>> -> memref<1x!tpu.dma_semaphore, #tpu.memory_space<semaphore_mem>>
    %dma_start3A_122 = tpu.memref_squeeze %dma_start3A_121 : memref<1x!tpu.dma_semaphore, #tpu.memory_space<semaphore_mem>> -> memref<!tpu.dma_semaphore, #tpu.memory_space<semaphore_mem>>
    tpu.enqueue_indirect_dma source(%dma_start3A_120 : memref<1000000x64xf32, #tpu.memory_space<hbm>>) target(%dma_start3A_114 : memref<128x64xf32, #tpu.memory_space<vmem>>) offsets(%dma_start3A_117 : memref<128xi32, #tpu.memory_space<vmem>>) semaphore(%dma_start3A_122 : memref<!tpu.dma_semaphore, #tpu.memory_space<semaphore_mem>>)
    %dma_start3A_123 = arith.constant 5 : i32
    %dma_start3A_124 = arith.constant 5 : i32
    %dma_start3A_125 = arith.constant 5 : i32
    %dma_start3A_126 = arith.constant 0 : i32
    %dma_start3A_127 = arith.constant 0 : i32
    %dma_start3A_128 = tpu.memref_slice %arg6[%dma_start3A_124, %dma_start3A_126, %dma_start3A_127] : memref<8x128x64xf32, #tpu.memory_space<vmem>> -> memref<1x128x64xf32, #tpu.memory_space<vmem>>
    %dma_start3A_129 = tpu.memref_squeeze %dma_start3A_128 : memref<1x128x64xf32, #tpu.memory_space<vmem>> -> memref<128x64xf32, #tpu.memory_space<vmem>>
    %dma_start3A_130 = arith.constant 0 : i32
    %dma_start3A_131 = tpu.memref_slice %arg5[%dma_start3A_123, %dma_start3A_130] : memref<200x128xi32, #tpu.memory_space<vmem>> -> memref<1x128xi32, #tpu.memory_space<vmem>>
    %dma_start3A_132 = tpu.memref_squeeze %dma_start3A_131 : memref<1x128xi32, #tpu.memory_space<vmem>> -> memref<128xi32, #tpu.memory_space<vmem>>
    %dma_start3A_133 = arith.constant 0 : i32
    %dma_start3A_134 = arith.constant 0 : i32
    %dma_start3A_135 = tpu.memref_slice %arg3[%dma_start3A_133, %dma_start3A_134] : memref<1000000x64xf32, #tpu.memory_space<hbm>> -> memref<1000000x64xf32, #tpu.memory_space<hbm>>
    %dma_start3A_136 = tpu.memref_slice %arg8[%dma_start3A_125] : memref<8x!tpu.dma_semaphore, #tpu.memory_space<semaphore_mem>> -> memref<1x!tpu.dma_semaphore, #tpu.memory_space<semaphore_mem>>
    %dma_start3A_137 = tpu.memref_squeeze %dma_start3A_136 : memref<1x!tpu.dma_semaphore, #tpu.memory_space<semaphore_mem>> -> memref<!tpu.dma_semaphore, #tpu.memory_space<semaphore_mem>>
    tpu.enqueue_indirect_dma source(%dma_start3A_135 : memref<1000000x64xf32, #tpu.memory_space<hbm>>) target(%dma_start3A_129 : memref<128x64xf32, #tpu.memory_space<vmem>>) offsets(%dma_start3A_132 : memref<128xi32, #tpu.memory_space<vmem>>) semaphore(%dma_start3A_137 : memref<!tpu.dma_semaphore, #tpu.memory_space<semaphore_mem>>)
    %scan3A = arith.constant 0 : i32
    %scan3A_138 = arith.constant 25 : i32
    %scan3A_139 = arith.addi %scan3A, %scan3A_138 : i32
    %scan3A_140 = arith.constant 1 : i32
    scf.for %scan3A_396 = %scan3A to %scan3A_139 step %scan3A_140  : i32 {
      %mul3A_397 = arith.constant 8 : i32
      %mul3A_398 = arith.muli %scan3A_396, %mul3A_397 : i32
      %add3A_399 = arith.constant 0 : i32
      %add3A_400 = arith.addi %add3A_399, %mul3A_398 : i32
      %add3A_401 = arith.constant 0 : i32
      %add3A_402 = arith.addi %add3A_400, %add3A_401 : i32
      %dma_wait3A_403 = arith.constant 0 : i32
      %dma_wait3A_404 = arith.constant 0 : i32
      %dma_wait3A_405 = arith.constant 0 : i32
      %dma_wait3A_406 = arith.constant 0 : i32
      %dma_wait3A_407 = tpu.memref_slice %arg6[%dma_wait3A_403, %dma_wait3A_405, %dma_wait3A_406] : memref<8x128x64xf32, #tpu.memory_space<vmem>> -> memref<1x128x64xf32, #tpu.memory_space<vmem>>
      %dma_wait3A_408 = tpu.memref_squeeze %dma_wait3A_407 : memref<1x128x64xf32, #tpu.memory_space<vmem>> -> memref<128x64xf32, #tpu.memory_space<vmem>>
      %dma_wait3A_409 = arith.constant 0 : i32
      %dma_wait3A_410 = tpu.memref_slice %arg5[%add3A_402, %dma_wait3A_409] : memref<200x128xi32, #tpu.memory_space<vmem>> -> memref<1x128xi32, #tpu.memory_space<vmem>>
      %dma_wait3A_411 = tpu.memref_squeeze %dma_wait3A_410 : memref<1x128xi32, #tpu.memory_space<vmem>> -> memref<128xi32, #tpu.memory_space<vmem>>
      %dma_wait3A_412 = arith.constant 0 : i32
      %dma_wait3A_413 = arith.constant 0 : i32
      %dma_wait3A_414 = tpu.memref_slice %arg3[%dma_wait3A_412, %dma_wait3A_413] : memref<1000000x64xf32, #tpu.memory_space<hbm>> -> memref<1000000x64xf32, #tpu.memory_space<hbm>>
      %dma_wait3A_415 = tpu.memref_slice %arg8[%dma_wait3A_404] : memref<8x!tpu.dma_semaphore, #tpu.memory_space<semaphore_mem>> -> memref<1x!tpu.dma_semaphore, #tpu.memory_space<semaphore_mem>>
      %dma_wait3A_416 = tpu.memref_squeeze %dma_wait3A_415 : memref<1x!tpu.dma_semaphore, #tpu.memory_space<semaphore_mem>> -> memref<!tpu.dma_semaphore, #tpu.memory_space<semaphore_mem>>
      tpu.wait_indirect_dma semaphore(%dma_wait3A_416 : memref<!tpu.dma_semaphore, #tpu.memory_space<semaphore_mem>>) src(%dma_wait3A_414 : memref<1000000x64xf32, #tpu.memory_space<hbm>>) dst(%dma_wait3A_408 : memref<128x64xf32, #tpu.memory_space<vmem>>)
      %add3A_417 = arith.constant 6 : i32
      %add3A_418 = arith.addi %add3A_402, %add3A_417 : i32
      %lt3A_419 = arith.constant 200 : i32
      %lt3A_420 = arith.cmpi slt, %add3A_418, %lt3A_419 : i32
      %convert_element_type3A = arith.extui %lt3A_420 : i1 to i32
      %cond3A = arith.constant 0 : i32
      %cond3A_421 = arith.cmpi ne, %convert_element_type3A, %cond3A : i32
      scf.if %cond3A_421 {
        %add3A_1165 = arith.constant 6 : i32
        %add3A_1166 = arith.addi %add3A_402, %add3A_1165 : i32
        %dma_start3A_1167 = arith.constant 6 : i32
        %dma_start3A_1168 = arith.constant 6 : i32
        %dma_start3A_1169 = arith.constant 0 : i32
        %dma_start3A_1170 = arith.constant 0 : i32
        %dma_start3A_1171 = tpu.memref_slice %arg6[%dma_start3A_1167, %dma_start3A_1169, %dma_start3A_1170] : memref<8x128x64xf32, #tpu.memory_space<vmem>> -> memref<1x128x64xf32, #tpu.memory_space<vmem>>
        %dma_start3A_1172 = tpu.memref_squeeze %dma_start3A_1171 : memref<1x128x64xf32, #tpu.memory_space<vmem>> -> memref<128x64xf32, #tpu.memory_space<vmem>>
        %dma_start3A_1173 = arith.constant 0 : i32
        %dma_start3A_1174 = tpu.memref_slice %arg5[%add3A_1166, %dma_start3A_1173] : memref<200x128xi32, #tpu.memory_space<vmem>> -> memref<1x128xi32, #tpu.memory_space<vmem>>
        %dma_start3A_1175 = tpu.memref_squeeze %dma_start3A_1174 : memref<1x128xi32, #tpu.memory_space<vmem>> -> memref<128xi32, #tpu.memory_space<vmem>>
        %dma_start3A_1176 = arith.constant 0 : i32
        %dma_start3A_1177 = arith.constant 0 : i32
        %dma_start3A_1178 = tpu.memref_slice %arg3[%dma_start3A_1176, %dma_start3A_1177] : memref<1000000x64xf32, #tpu.memory_space<hbm>> -> memref<1000000x64xf32, #tpu.memory_space<hbm>>
        %dma_start3A_1179 = tpu.memref_slice %arg8[%dma_start3A_1168] : memref<8x!tpu.dma_semaphore, #tpu.memory_space<semaphore_mem>> -> memref<1x!tpu.dma_semaphore, #tpu.memory_space<semaphore_mem>>
        %dma_start3A_1180 = tpu.memref_squeeze %dma_start3A_1179 : memref<1x!tpu.dma_semaphore, #tpu.memory_space<semaphore_mem>> -> memref<!tpu.dma_semaphore, #tpu.memory_space<semaphore_mem>>
        tpu.enqueue_indirect_dma source(%dma_start3A_1178 : memref<1000000x64xf32, #tpu.memory_space<hbm>>) target(%dma_start3A_1172 : memref<128x64xf32, #tpu.memory_space<vmem>>) offsets(%dma_start3A_1175 : memref<128xi32, #tpu.memory_space<vmem>>) semaphore(%dma_start3A_1180 : memref<!tpu.dma_semaphore, #tpu.memory_space<semaphore_mem>>)
      } else {
      }
      %ge3A = arith.constant 4 : i32
      %ge3A_422 = arith.cmpi sge, %add3A_402, %ge3A : i32
      %convert_element_type3A_423 = arith.extui %ge3A_422 : i1 to i32
      %cond3A_424 = arith.constant 0 : i32
      %cond3A_425 = arith.cmpi ne, %convert_element_type3A_423, %cond3A_424 : i32
      scf.if %cond3A_425 {
        %sub3A_1165 = arith.constant 4 : i32
        %sub3A_1166 = arith.subi %add3A_402, %sub3A_1165 : i32
        %add3A_1167 = arith.addi %mul3A_2, %sub3A_1166 : i32
        %jit3A_1168 = arith.constant 128 : i32
        %div3A_1169 = arith.divsi %add3A_1167, %jit3A_1168 : i32
        %sign3A_1170 = arith.constant 0 : i32
        %sign3A_1171 = arith.cmpi sgt, %add3A_1167, %sign3A_1170 : i32
        %sign3A_1172 = arith.extui %sign3A_1171 : i1 to i32
        %sign3A_1173 = arith.constant 0 : i32
        %sign3A_1174 = arith.cmpi slt, %add3A_1167, %sign3A_1173 : i32
        %sign3A_1175 = arith.extui %sign3A_1174 : i1 to i32
        %sign3A_1176 = arith.subi %sign3A_1172, %sign3A_1175 : i32
        %sign3A_1177 = arith.constant 0 : i32
        %sign3A_1178 = arith.cmpi sgt, %jit3A_1168, %sign3A_1177 : i32
        %sign3A_1179 = arith.extui %sign3A_1178 : i1 to i32
        %sign3A_1180 = arith.constant 0 : i32
        %sign3A_1181 = arith.cmpi slt, %jit3A_1168, %sign3A_1180 : i32
        %sign3A_1182 = arith.extui %sign3A_1181 : i1 to i32
        %sign3A_1183 = arith.subi %sign3A_1179, %sign3A_1182 : i32
        %ne3A_1184 = arith.cmpi ne, %sign3A_1176, %sign3A_1183 : i32
        %rem3A_1185 = arith.remsi %add3A_1167, %jit3A_1168 : i32
        %ne3A_1186 = arith.constant 0 : i32
        %ne3A_1187 = arith.cmpi ne, %rem3A_1185, %ne3A_1186 : i32
        %and3A_1188 = arith.andi %ne3A_1184, %ne3A_1187 : i1
        %sub3A_1189 = arith.constant 1 : i32
        %sub3A_1190 = arith.subi %div3A_1169, %sub3A_1189 : i32
        %select_n3A_1191 = arith.select %and3A_1188, %sub3A_1190, %div3A_1169 : i32
        %jit3A_1192 = arith.constant 128 : i32
        %eq3A_1193 = arith.constant 0 : i32
        %eq3A_1194 = arith.cmpi eq, %jit3A_1192, %eq3A_1193 : i32
        %jit3A_1195 = arith.constant 1 : i32
        %select_n3A_1196 = arith.select %eq3A_1194, %jit3A_1195, %jit3A_1192 : i32
        %rem3A_1197 = arith.remsi %add3A_1167, %select_n3A_1196 : i32
        %ne3A_1198 = arith.constant 0 : i32
        %ne3A_1199 = arith.cmpi ne, %rem3A_1197, %ne3A_1198 : i32
        %lt3A_1200 = arith.constant 0 : i32
        %lt3A_1201 = arith.cmpi slt, %rem3A_1197, %lt3A_1200 : i32
        %lt3A_1202 = arith.constant 0 : i32
        %lt3A_1203 = arith.cmpi slt, %select_n3A_1196, %lt3A_1202 : i32
        %ne3A_1204 = arith.xori %lt3A_1201, %lt3A_1203 : i1
        %and3A_1205 = arith.andi %ne3A_1204, %ne3A_1199 : i1
        %add3A_1206 = arith.addi %rem3A_1197, %select_n3A_1196 : i32
        %select_n3A_1207 = arith.select %and3A_1205, %add3A_1206, %rem3A_1197 : i32
        %dma_wait3A_1208 = arith.constant 0 : i32
        %dma_wait3A_1209 = arith.constant 0 : i32
        %dma_wait3A_1210 = arith.constant 0 : i32
        %dma_wait3A_1211 = arith.constant 0 : i32
        %dma_wait3A_1212 = arith.constant 0 : i32
        %dma_wait3A_1213 = tpu.memref_slice %arg7[%dma_wait3A_1208, %dma_wait3A_1210, %dma_wait3A_1211, %dma_wait3A_1212] : memref<4x8x8x129xf32, #tpu.memory_space<vmem>> -> memref<1x8x8x128xf32, #tpu.memory_space<vmem>>
        %dma_wait3A_1214 = tpu.memref_squeeze %dma_wait3A_1213 : memref<1x8x8x128xf32, #tpu.memory_space<vmem>> -> memref<8x8x128xf32, #tpu.memory_space<vmem>>
        %dma_wait3A_1215 = arith.constant 0 : i32
        %dma_wait3A_1216 = arith.constant 0 : i32
        %dma_wait3A_1217 = arith.constant 0 : i32
        %dma_wait3A_1218 = tpu.memref_slice %arg4[%select_n3A_1191, %dma_wait3A_1215, %select_n3A_1207, %dma_wait3A_1216, %dma_wait3A_1217] : memref<50x8x128x8x128xf32, #tpu.memory_space<hbm>> -> memref<1x8x1x8x128xf32, #tpu.memory_space<hbm>>
        %dma_wait3A_1219 = tpu.memref_squeeze %dma_wait3A_1218 : memref<1x8x1x8x128xf32, #tpu.memory_space<hbm>> -> memref<8x8x128xf32, #tpu.memory_space<hbm>>
        %dma_wait3A_1220 = tpu.memref_slice %arg9[%dma_wait3A_1209] : memref<4x!tpu.dma_semaphore, #tpu.memory_space<semaphore_mem>> -> memref<1x!tpu.dma_semaphore, #tpu.memory_space<semaphore_mem>>
        %dma_wait3A_1221 = tpu.memref_squeeze %dma_wait3A_1220 : memref<1x!tpu.dma_semaphore, #tpu.memory_space<semaphore_mem>> -> memref<!tpu.dma_semaphore, #tpu.memory_space<semaphore_mem>>
        %dma_wait3A_1222 = arith.constant 0 : i32
        %dma_wait3A_1223 = arith.constant 0 : i32
        %dma_wait3A_1224 = arith.constant 0 : i32
        %dma_wait3A_1225 = tpu.memref_slice %arg4[%select_n3A_1191, %dma_wait3A_1222, %select_n3A_1207, %dma_wait3A_1223, %dma_wait3A_1224] : memref<50x8x128x8x128xf32, #tpu.memory_space<hbm>> -> memref<1x8x1x8x128xf32, #tpu.memory_space<hbm>>
        %dma_wait3A_1226 = tpu.memref_squeeze %dma_wait3A_1225 : memref<1x8x1x8x128xf32, #tpu.memory_space<hbm>> -> memref<8x8x128xf32, #tpu.memory_space<hbm>>
        %dma_wait3A_1227 = arith.constant 0 : i32
        %dma_wait3A_1228 = arith.constant 0 : i32
        %dma_wait3A_1229 = arith.constant 0 : i32
        %dma_wait3A_1230 = tpu.memref_slice %arg7[%dma_wait3A_1208, %dma_wait3A_1227, %dma_wait3A_1228, %dma_wait3A_1229] : memref<4x8x8x129xf32, #tpu.memory_space<vmem>> -> memref<1x8x8x128xf32, #tpu.memory_space<vmem>>
        %dma_wait3A_1231 = tpu.memref_squeeze %dma_wait3A_1230 : memref<1x8x8x128xf32, #tpu.memory_space<vmem>> -> memref<8x8x128xf32, #tpu.memory_space<vmem>>
        tpu.wait_dma2 semaphore(%dma_wait3A_1221 : memref<!tpu.dma_semaphore, #tpu.memory_space<semaphore_mem>>) src(%dma_wait3A_1231 : memref<8x8x128xf32, #tpu.memory_space<vmem>>) dst(%dma_wait3A_1226 : memref<8x8x128xf32, #tpu.memory_space<hbm>>)
      } else {
      }
      %parallel_loop3A = arith.constant 0 : i32
      %parallel_loop3A_426 = arith.constant 128 : i32
      %parallel_loop3A_427 = arith.constant 1 : i32
      scf.for %parallel_loop3A_1165 = %parallel_loop3A to %parallel_loop3A_426 step %parallel_loop3A_427  : i32 {
        %parallel_loop3A_1166 = vector.broadcast %parallel_loop3A_1165 : i32 to vector<16xi32>
        %parallel_loop3A_1167 = arith.constant 0 : i32
        %parallel_loop3A_1168 = arith.index_cast %parallel_loop3A_1167 : i32 to index
        %parallel_loop3A_1169 = arith.index_cast %parallel_loop3A_1165 : i32 to index
        %parallel_loop3A_1170 = arith.constant 0 : index
        %parallel_loop3A_1171 = tpu.vector_load %arg6[%parallel_loop3A_1168, %parallel_loop3A_1169, %parallel_loop3A_1170] {strides = array<i32>} : memref<8x128x64xf32, #tpu.memory_space<vmem>>, vector<16xf32>,
        %parallel_loop3A_1172 = arith.constant 0 : i32
        %parallel_loop3A_1173 = arith.constant 0 : i32
        %parallel_loop3A_1174 = arith.constant 0 : i32
        %parallel_loop3A_1175 = arith.constant 0 : i32
        %parallel_loop3A_1176 = tpu.memref_slice %arg7[%parallel_loop3A_1172, %parallel_loop3A_1173, %parallel_loop3A_1174, %parallel_loop3A_1175] : memref<4x8x8x129xf32, #tpu.memory_space<vmem>> -> memref<1x8x8x129xf32, #tpu.memory_space<vmem>>
        %parallel_loop3A_1177 = tpu.memref_squeeze %parallel_loop3A_1176 : memref<1x8x8x129xf32, #tpu.memory_space<vmem>> -> memref<8x8x129xf32, #tpu.memory_space<vmem>>
        tpu.vector_store_idx %parallel_loop3A_1177[%shift_right_arithmetic3A_7, %and3A_30, %parallel_loop3A_1166], %parallel_loop3A_1171 : memref<8x8x129xf32, #tpu.memory_space<vmem>>[vector<16xi32>, vector<16xi32>, vector<16xi32>], vector<16xf32>,
        %parallel_loop3A_1178 = arith.constant 0 : i32
        %parallel_loop3A_1179 = arith.index_cast %parallel_loop3A_1178 : i32 to index
        %parallel_loop3A_1180 = arith.index_cast %parallel_loop3A_1165 : i32 to index
        %parallel_loop3A_1181 = arith.constant 16 : index
        %parallel_loop3A_1182 = tpu.vector_load %arg6[%parallel_loop3A_1179, %parallel_loop3A_1180, %parallel_loop3A_1181] {strides = array<i32>} : memref<8x128x64xf32, #tpu.memory_space<vmem>>, vector<16xf32>,
        %parallel_loop3A_1183 = arith.constant 0 : i32
        %parallel_loop3A_1184 = arith.constant 0 : i32
        %parallel_loop3A_1185 = arith.constant 0 : i32
        %parallel_loop3A_1186 = arith.constant 0 : i32
        %parallel_loop3A_1187 = tpu.memref_slice %arg7[%parallel_loop3A_1183, %parallel_loop3A_1184, %parallel_loop3A_1185, %parallel_loop3A_1186] : memref<4x8x8x129xf32, #tpu.memory_space<vmem>> -> memref<1x8x8x129xf32, #tpu.memory_space<vmem>>
        %parallel_loop3A_1188 = tpu.memref_squeeze %parallel_loop3A_1187 : memref<1x8x8x129xf32, #tpu.memory_space<vmem>> -> memref<8x8x129xf32, #tpu.memory_space<vmem>>
        tpu.vector_store_idx %parallel_loop3A_1188[%shift_right_arithmetic3A_13, %and3A_36, %parallel_loop3A_1166], %parallel_loop3A_1182 : memref<8x8x129xf32, #tpu.memory_space<vmem>>[vector<16xi32>, vector<16xi32>, vector<16xi32>], vector<16xf32>,
        %parallel_loop3A_1189 = arith.constant 0 : i32
        %parallel_loop3A_1190 = arith.index_cast %parallel_loop3A_1189 : i32 to index
        %parallel_loop3A_1191 = arith.index_cast %parallel_loop3A_1165 : i32 to index
        %parallel_loop3A_1192 = arith.constant 32 : index
        %parallel_loop3A_1193 = tpu.vector_load %arg6[%parallel_loop3A_1190, %parallel_loop3A_1191, %parallel_loop3A_1192] {strides = array<i32>} : memref<8x128x64xf32, #tpu.memory_space<vmem>>, vector<16xf32>,
        %parallel_loop3A_1194 = arith.constant 0 : i32
        %parallel_loop3A_1195 = arith.constant 0 : i32
        %parallel_loop3A_1196 = arith.constant 0 : i32
        %parallel_loop3A_1197 = arith.constant 0 : i32
        %parallel_loop3A_1198 = tpu.memref_slice %arg7[%parallel_loop3A_1194, %parallel_loop3A_1195, %parallel_loop3A_1196, %parallel_loop3A_1197] : memref<4x8x8x129xf32, #tpu.memory_space<vmem>> -> memref<1x8x8x129xf32, #tpu.memory_space<vmem>>
        %parallel_loop3A_1199 = tpu.memref_squeeze %parallel_loop3A_1198 : memref<1x8x8x129xf32, #tpu.memory_space<vmem>> -> memref<8x8x129xf32, #tpu.memory_space<vmem>>
        tpu.vector_store_idx %parallel_loop3A_1199[%shift_right_arithmetic3A_19, %and3A_42, %parallel_loop3A_1166], %parallel_loop3A_1193 : memref<8x8x129xf32, #tpu.memory_space<vmem>>[vector<16xi32>, vector<16xi32>, vector<16xi32>], vector<16xf32>,
        %parallel_loop3A_1200 = arith.constant 0 : i32
        %parallel_loop3A_1201 = arith.index_cast %parallel_loop3A_1200 : i32 to index
        %parallel_loop3A_1202 = arith.index_cast %parallel_loop3A_1165 : i32 to index
        %parallel_loop3A_1203 = arith.constant 48 : index
        %parallel_loop3A_1204 = tpu.vector_load %arg6[%parallel_loop3A_1201, %parallel_loop3A_1202, %parallel_loop3A_1203] {strides = array<i32>} : memref<8x128x64xf32, #tpu.memory_space<vmem>>, vector<16xf32>,
        %parallel_loop3A_1205 = arith.constant 0 : i32
        %parallel_loop3A_1206 = arith.constant 0 : i32
        %parallel_loop3A_1207 = arith.constant 0 : i32
        %parallel_loop3A_1208 = arith.constant 0 : i32
        %parallel_loop3A_1209 = tpu.memref_slice %arg7[%parallel_loop3A_1205, %parallel_loop3A_1206, %parallel_loop3A_1207, %parallel_loop3A_1208] : memref<4x8x8x129xf32, #tpu.memory_space<vmem>> -> memref<1x8x8x129xf32, #tpu.memory_space<vmem>>
        %parallel_loop3A_1210 = tpu.memref_squeeze %parallel_loop3A_1209 : memref<1x8x8x129xf32, #tpu.memory_space<vmem>> -> memref<8x8x129xf32, #tpu.memory_space<vmem>>
        tpu.vector_store_idx %parallel_loop3A_1210[%shift_right_arithmetic3A_25, %and3A_48, %parallel_loop3A_1166], %parallel_loop3A_1204 : memref<8x8x129xf32, #tpu.memory_space<vmem>>[vector<16xi32>, vector<16xi32>, vector<16xi32>], vector<16xf32>,
      } {sc.loop_unroll_factor = 8 : i64, sc.parallel_access}
      %add3A_428 = arith.addi %mul3A_2, %add3A_402 : i32
      %jit3A_429 = arith.constant 128 : i32
      %div3A_430 = arith.divsi %add3A_428, %jit3A_429 : i32
      %sign3A_431 = arith.constant 0 : i32
      %sign3A_432 = arith.cmpi sgt, %add3A_428, %sign3A_431 : i32
      %sign3A_433 = arith.extui %sign3A_432 : i1 to i32
      %sign3A_434 = arith.constant 0 : i32
      %sign3A_435 = arith.cmpi slt, %add3A_428, %sign3A_434 : i32
      %sign3A_436 = arith.extui %sign3A_435 : i1 to i32
      %sign3A_437 = arith.subi %sign3A_433, %sign3A_436 : i32
      %sign3A_438 = arith.constant 0 : i32
      %sign3A_439 = arith.cmpi sgt, %jit3A_429, %sign3A_438 : i32
      %sign3A_440 = arith.extui %sign3A_439 : i1 to i32
      %sign3A_441 = arith.constant 0 : i32
      %sign3A_442 = arith.cmpi slt, %jit3A_429, %sign3A_441 : i32
      %sign3A_443 = arith.extui %sign3A_442 : i1 to i32
      %sign3A_444 = arith.subi %sign3A_440, %sign3A_443 : i32
      %ne3A_445 = arith.cmpi ne, %sign3A_437, %sign3A_444 : i32
      %rem3A_446 = arith.remsi %add3A_428, %jit3A_429 : i32
      %ne3A_447 = arith.constant 0 : i32
      %ne3A_448 = arith.cmpi ne, %rem3A_446, %ne3A_447 : i32
      %and3A_449 = arith.andi %ne3A_445, %ne3A_448 : i1
      %sub3A_450 = arith.constant 1 : i32
      %sub3A_451 = arith.subi %div3A_430, %sub3A_450 : i32
      %select_n3A_452 = arith.select %and3A_449, %sub3A_451, %div3A_430 : i32
      %jit3A_453 = arith.constant 128 : i32
      %eq3A_454 = arith.constant 0 : i32
      %eq3A_455 = arith.cmpi eq, %jit3A_453, %eq3A_454 : i32
      %jit3A_456 = arith.constant 1 : i32
      %select_n3A_457 = arith.select %eq3A_455, %jit3A_456, %jit3A_453 : i32
      %rem3A_458 = arith.remsi %add3A_428, %select_n3A_457 : i32
      %ne3A_459 = arith.constant 0 : i32
      %ne3A_460 = arith.cmpi ne, %rem3A_458, %ne3A_459 : i32
      %lt3A_461 = arith.constant 0 : i32
      %lt3A_462 = arith.cmpi slt, %rem3A_458, %lt3A_461 : i32
      %lt3A_463 = arith.constant 0 : i32
      %lt3A_464 = arith.cmpi slt, %select_n3A_457, %lt3A_463 : i32
      %ne3A_465 = arith.xori %lt3A_462, %lt3A_464 : i1
      %and3A_466 = arith.andi %ne3A_465, %ne3A_460 : i1
      %add3A_467 = arith.addi %rem3A_458, %select_n3A_457 : i32
      %select_n3A_468 = arith.select %and3A_466, %add3A_467, %rem3A_458 : i32
      %dma_start3A_469 = arith.constant 0 : i32
      %dma_start3A_470 = arith.constant 0 : i32
      %dma_start3A_471 = arith.constant 0 : i32
      %dma_start3A_472 = arith.constant 0 : i32
      %dma_start3A_473 = arith.constant 0 : i32
      %dma_start3A_474 = tpu.memref_slice %arg7[%dma_start3A_469, %dma_start3A_471, %dma_start3A_472, %dma_start3A_473] : memref<4x8x8x129xf32, #tpu.memory_space<vmem>> -> memref<1x8x8x128xf32, #tpu.memory_space<vmem>>
      %dma_start3A_475 = tpu.memref_squeeze %dma_start3A_474 : memref<1x8x8x128xf32, #tpu.memory_space<vmem>> -> memref<8x8x128xf32, #tpu.memory_space<vmem>>
      %dma_start3A_476 = arith.constant 0 : i32
      %dma_start3A_477 = arith.constant 0 : i32
      %dma_start3A_478 = arith.constant 0 : i32
      %dma_start3A_479 = tpu.memref_slice %arg4[%select_n3A_452, %dma_start3A_476, %select_n3A_468, %dma_start3A_477, %dma_start3A_478] : memref<50x8x128x8x128xf32, #tpu.memory_space<hbm>> -> memref<1x8x1x8x128xf32, #tpu.memory_space<hbm>>
      %dma_start3A_480 = tpu.memref_squeeze %dma_start3A_479 : memref<1x8x1x8x128xf32, #tpu.memory_space<hbm>> -> memref<8x8x128xf32, #tpu.memory_space<hbm>>
      %dma_start3A_481 = tpu.memref_slice %arg9[%dma_start3A_470] : memref<4x!tpu.dma_semaphore, #tpu.memory_space<semaphore_mem>> -> memref<1x!tpu.dma_semaphore, #tpu.memory_space<semaphore_mem>>
      %dma_start3A_482 = tpu.memref_squeeze %dma_start3A_481 : memref<1x!tpu.dma_semaphore, #tpu.memory_space<semaphore_mem>> -> memref<!tpu.dma_semaphore, #tpu.memory_space<semaphore_mem>>
      %dma_start3A_483 = arith.constant 0 : i32
      %dma_start3A_484 = arith.constant 0 : i32
      %dma_start3A_485 = arith.constant 0 : i32
      %dma_start3A_486 = tpu.memref_slice %arg4[%select_n3A_452, %dma_start3A_483, %select_n3A_468, %dma_start3A_484, %dma_start3A_485] : memref<50x8x128x8x128xf32, #tpu.memory_space<hbm>> -> memref<1x8x1x8x128xf32, #tpu.memory_space<hbm>>
      %dma_start3A_487 = tpu.memref_squeeze %dma_start3A_486 : memref<1x8x1x8x128xf32, #tpu.memory_space<hbm>> -> memref<8x8x128xf32, #tpu.memory_space<hbm>>
      %dma_start3A_488 = arith.constant 0 : i32
      %dma_start3A_489 = arith.constant 0 : i32
      %dma_start3A_490 = arith.constant 0 : i32
      %dma_start3A_491 = tpu.memref_slice %arg7[%dma_start3A_469, %dma_start3A_488, %dma_start3A_489, %dma_start3A_490] : memref<4x8x8x129xf32, #tpu.memory_space<vmem>> -> memref<1x8x8x128xf32, #tpu.memory_space<vmem>>
      %dma_start3A_492 = tpu.memref_squeeze %dma_start3A_491 : memref<1x8x8x128xf32, #tpu.memory_space<vmem>> -> memref<8x8x128xf32, #tpu.memory_space<vmem>>
      tpu.enqueue_dma source(%dma_start3A_492 : memref<8x8x128xf32, #tpu.memory_space<vmem>>) target(%dma_start3A_487 : memref<8x8x128xf32, #tpu.memory_space<hbm>>) target_semaphore(%dma_start3A_482 : memref<!tpu.dma_semaphore, #tpu.memory_space<semaphore_mem>>)
      %add3A_493 = arith.constant 1 : i32
      %add3A_494 = arith.addi %add3A_400, %add3A_493 : i32
      %dma_wait3A_495 = arith.constant 1 : i32
      %dma_wait3A_496 = arith.constant 1 : i32
      %dma_wait3A_497 = arith.constant 0 : i32
      %dma_wait3A_498 = arith.constant 0 : i32
      %dma_wait3A_499 = tpu.memref_slice %arg6[%dma_wait3A_495, %dma_wait3A_497, %dma_wait3A_498] : memref<8x128x64xf32, #tpu.memory_space<vmem>> -> memref<1x128x64xf32, #tpu.memory_space<vmem>>
      %dma_wait3A_500 = tpu.memref_squeeze %dma_wait3A_499 : memref<1x128x64xf32, #tpu.memory_space<vmem>> -> memref<128x64xf32, #tpu.memory_space<vmem>>
      %dma_wait3A_501 = arith.constant 0 : i32
      %dma_wait3A_502 = tpu.memref_slice %arg5[%add3A_494, %dma_wait3A_501] : memref<200x128xi32, #tpu.memory_space<vmem>> -> memref<1x128xi32, #tpu.memory_space<vmem>>
      %dma_wait3A_503 = tpu.memref_squeeze %dma_wait3A_502 : memref<1x128xi32, #tpu.memory_space<vmem>> -> memref<128xi32, #tpu.memory_space<vmem>>
      %dma_wait3A_504 = arith.constant 0 : i32
      %dma_wait3A_505 = arith.constant 0 : i32
      %dma_wait3A_506 = tpu.memref_slice %arg3[%dma_wait3A_504, %dma_wait3A_505] : memref<1000000x64xf32, #tpu.memory_space<hbm>> -> memref<1000000x64xf32, #tpu.memory_space<hbm>>
      %dma_wait3A_507 = tpu.memref_slice %arg8[%dma_wait3A_496] : memref<8x!tpu.dma_semaphore, #tpu.memory_space<semaphore_mem>> -> memref<1x!tpu.dma_semaphore, #tpu.memory_space<semaphore_mem>>
      %dma_wait3A_508 = tpu.memref_squeeze %dma_wait3A_507 : memref<1x!tpu.dma_semaphore, #tpu.memory_space<semaphore_mem>> -> memref<!tpu.dma_semaphore, #tpu.memory_space<semaphore_mem>>
      tpu.wait_indirect_dma semaphore(%dma_wait3A_508 : memref<!tpu.dma_semaphore, #tpu.memory_space<semaphore_mem>>) src(%dma_wait3A_506 : memref<1000000x64xf32, #tpu.memory_space<hbm>>) dst(%dma_wait3A_500 : memref<128x64xf32, #tpu.memory_space<vmem>>)
      %add3A_509 = arith.constant 6 : i32
      %add3A_510 = arith.addi %add3A_494, %add3A_509 : i32
      %lt3A_511 = arith.constant 200 : i32
      %lt3A_512 = arith.cmpi slt, %add3A_510, %lt3A_511 : i32
      %convert_element_type3A_513 = arith.extui %lt3A_512 : i1 to i32
      %cond3A_514 = arith.constant 0 : i32
      %cond3A_515 = arith.cmpi ne, %convert_element_type3A_513, %cond3A_514 : i32
      scf.if %cond3A_515 {
        %add3A_1165 = arith.constant 6 : i32
        %add3A_1166 = arith.addi %add3A_494, %add3A_1165 : i32
        %dma_start3A_1167 = arith.constant 7 : i32
        %dma_start3A_1168 = arith.constant 7 : i32
        %dma_start3A_1169 = arith.constant 0 : i32
        %dma_start3A_1170 = arith.constant 0 : i32
        %dma_start3A_1171 = tpu.memref_slice %arg6[%dma_start3A_1167, %dma_start3A_1169, %dma_start3A_1170] : memref<8x128x64xf32, #tpu.memory_space<vmem>> -> memref<1x128x64xf32, #tpu.memory_space<vmem>>
        %dma_start3A_1172 = tpu.memref_squeeze %dma_start3A_1171 : memref<1x128x64xf32, #tpu.memory_space<vmem>> -> memref<128x64xf32, #tpu.memory_space<vmem>>
        %dma_start3A_1173 = arith.constant 0 : i32
        %dma_start3A_1174 = tpu.memref_slice %arg5[%add3A_1166, %dma_start3A_1173] : memref<200x128xi32, #tpu.memory_space<vmem>> -> memref<1x128xi32, #tpu.memory_space<vmem>>
        %dma_start3A_1175 = tpu.memref_squeeze %dma_start3A_1174 : memref<1x128xi32, #tpu.memory_space<vmem>> -> memref<128xi32, #tpu.memory_space<vmem>>
        %dma_start3A_1176 = arith.constant 0 : i32
        %dma_start3A_1177 = arith.constant 0 : i32
        %dma_start3A_1178 = tpu.memref_slice %arg3[%dma_start3A_1176, %dma_start3A_1177] : memref<1000000x64xf32, #tpu.memory_space<hbm>> -> memref<1000000x64xf32, #tpu.memory_space<hbm>>
        %dma_start3A_1179 = tpu.memref_slice %arg8[%dma_start3A_1168] : memref<8x!tpu.dma_semaphore, #tpu.memory_space<semaphore_mem>> -> memref<1x!tpu.dma_semaphore, #tpu.memory_space<semaphore_mem>>
        %dma_start3A_1180 = tpu.memref_squeeze %dma_start3A_1179 : memref<1x!tpu.dma_semaphore, #tpu.memory_space<semaphore_mem>> -> memref<!tpu.dma_semaphore, #tpu.memory_space<semaphore_mem>>
        tpu.enqueue_indirect_dma source(%dma_start3A_1178 : memref<1000000x64xf32, #tpu.memory_space<hbm>>) target(%dma_start3A_1172 : memref<128x64xf32, #tpu.memory_space<vmem>>) offsets(%dma_start3A_1175 : memref<128xi32, #tpu.memory_space<vmem>>) semaphore(%dma_start3A_1180 : memref<!tpu.dma_semaphore, #tpu.memory_space<semaphore_mem>>)
      } else {
      }
      %ge3A_516 = arith.constant 4 : i32
      %ge3A_517 = arith.cmpi sge, %add3A_494, %ge3A_516 : i32
      %convert_element_type3A_518 = arith.extui %ge3A_517 : i1 to i32
      %cond3A_519 = arith.constant 0 : i32
      %cond3A_520 = arith.cmpi ne, %convert_element_type3A_518, %cond3A_519 : i32
      scf.if %cond3A_520 {
        %sub3A_1165 = arith.constant 4 : i32
        %sub3A_1166 = arith.subi %add3A_494, %sub3A_1165 : i32
        %add3A_1167 = arith.addi %mul3A_2, %sub3A_1166 : i32
        %jit3A_1168 = arith.constant 128 : i32
        %div3A_1169 = arith.divsi %add3A_1167, %jit3A_1168 : i32
        %sign3A_1170 = arith.constant 0 : i32
        %sign3A_1171 = arith.cmpi sgt, %add3A_1167, %sign3A_1170 : i32
        %sign3A_1172 = arith.extui %sign3A_1171 : i1 to i32
        %sign3A_1173 = arith.constant 0 : i32
        %sign3A_1174 = arith.cmpi slt, %add3A_1167, %sign3A_1173 : i32
        %sign3A_1175 = arith.extui %sign3A_1174 : i1 to i32
        %sign3A_1176 = arith.subi %sign3A_1172, %sign3A_1175 : i32
        %sign3A_1177 = arith.constant 0 : i32
        %sign3A_1178 = arith.cmpi sgt, %jit3A_1168, %sign3A_1177 : i32
        %sign3A_1179 = arith.extui %sign3A_1178 : i1 to i32
        %sign3A_1180 = arith.constant 0 : i32
        %sign3A_1181 = arith.cmpi slt, %jit3A_1168, %sign3A_1180 : i32
        %sign3A_1182 = arith.extui %sign3A_1181 : i1 to i32
        %sign3A_1183 = arith.subi %sign3A_1179, %sign3A_1182 : i32
        %ne3A_1184 = arith.cmpi ne, %sign3A_1176, %sign3A_1183 : i32
        %rem3A_1185 = arith.remsi %add3A_1167, %jit3A_1168 : i32
        %ne3A_1186 = arith.constant 0 : i32
        %ne3A_1187 = arith.cmpi ne, %rem3A_1185, %ne3A_1186 : i32
        %and3A_1188 = arith.andi %ne3A_1184, %ne3A_1187 : i1
        %sub3A_1189 = arith.constant 1 : i32
        %sub3A_1190 = arith.subi %div3A_1169, %sub3A_1189 : i32
        %select_n3A_1191 = arith.select %and3A_1188, %sub3A_1190, %div3A_1169 : i32
        %jit3A_1192 = arith.constant 128 : i32
        %eq3A_1193 = arith.constant 0 : i32
        %eq3A_1194 = arith.cmpi eq, %jit3A_1192, %eq3A_1193 : i32
        %jit3A_1195 = arith.constant 1 : i32
        %select_n3A_1196 = arith.select %eq3A_1194, %jit3A_1195, %jit3A_1192 : i32
        %rem3A_1197 = arith.remsi %add3A_1167, %select_n3A_1196 : i32
        %ne3A_1198 = arith.constant 0 : i32
        %ne3A_1199 = arith.cmpi ne, %rem3A_1197, %ne3A_1198 : i32
        %lt3A_1200 = arith.constant 0 : i32
        %lt3A_1201 = arith.cmpi slt, %rem3A_1197, %lt3A_1200 : i32
        %lt3A_1202 = arith.constant 0 : i32
        %lt3A_1203 = arith.cmpi slt, %select_n3A_1196, %lt3A_1202 : i32
        %ne3A_1204 = arith.xori %lt3A_1201, %lt3A_1203 : i1
        %and3A_1205 = arith.andi %ne3A_1204, %ne3A_1199 : i1
        %add3A_1206 = arith.addi %rem3A_1197, %select_n3A_1196 : i32
        %select_n3A_1207 = arith.select %and3A_1205, %add3A_1206, %rem3A_1197 : i32
        %dma_wait3A_1208 = arith.constant 1 : i32
        %dma_wait3A_1209 = arith.constant 1 : i32
        %dma_wait3A_1210 = arith.constant 0 : i32
        %dma_wait3A_1211 = arith.constant 0 : i32
        %dma_wait3A_1212 = arith.constant 0 : i32
        %dma_wait3A_1213 = tpu.memref_slice %arg7[%dma_wait3A_1208, %dma_wait3A_1210, %dma_wait3A_1211, %dma_wait3A_1212] : memref<4x8x8x129xf32, #tpu.memory_space<vmem>> -> memref<1x8x8x128xf32, #tpu.memory_space<vmem>>
        %dma_wait3A_1214 = tpu.memref_squeeze %dma_wait3A_1213 : memref<1x8x8x128xf32, #tpu.memory_space<vmem>> -> memref<8x8x128xf32, #tpu.memory_space<vmem>>
        %dma_wait3A_1215 = arith.constant 0 : i32
        %dma_wait3A_1216 = arith.constant 0 : i32
        %dma_wait3A_1217 = arith.constant 0 : i32
        %dma_wait3A_1218 = tpu.memref_slice %arg4[%select_n3A_1191, %dma_wait3A_1215, %select_n3A_1207, %dma_wait3A_1216, %dma_wait3A_1217] : memref<50x8x128x8x128xf32, #tpu.memory_space<hbm>> -> memref<1x8x1x8x128xf32, #tpu.memory_space<hbm>>
        %dma_wait3A_1219 = tpu.memref_squeeze %dma_wait3A_1218 : memref<1x8x1x8x128xf32, #tpu.memory_space<hbm>> -> memref<8x8x128xf32, #tpu.memory_space<hbm>>
        %dma_wait3A_1220 = tpu.memref_slice %arg9[%dma_wait3A_1209] : memref<4x!tpu.dma_semaphore, #tpu.memory_space<semaphore_mem>> -> memref<1x!tpu.dma_semaphore, #tpu.memory_space<semaphore_mem>>
        %dma_wait3A_1221 = tpu.memref_squeeze %dma_wait3A_1220 : memref<1x!tpu.dma_semaphore, #tpu.memory_space<semaphore_mem>> -> memref<!tpu.dma_semaphore, #tpu.memory_space<semaphore_mem>>
        %dma_wait3A_1222 = arith.constant 0 : i32
        %dma_wait3A_1223 = arith.constant 0 : i32
        %dma_wait3A_1224 = arith.constant 0 : i32
        %dma_wait3A_1225 = tpu.memref_slice %arg4[%select_n3A_1191, %dma_wait3A_1222, %select_n3A_1207, %dma_wait3A_1223, %dma_wait3A_1224] : memref<50x8x128x8x128xf32, #tpu.memory_space<hbm>> -> memref<1x8x1x8x128xf32, #tpu.memory_space<hbm>>
        %dma_wait3A_1226 = tpu.memref_squeeze %dma_wait3A_1225 : memref<1x8x1x8x128xf32, #tpu.memory_space<hbm>> -> memref<8x8x128xf32, #tpu.memory_space<hbm>>
        %dma_wait3A_1227 = arith.constant 0 : i32
        %dma_wait3A_1228 = arith.constant 0 : i32
        %dma_wait3A_1229 = arith.constant 0 : i32
        %dma_wait3A_1230 = tpu.memref_slice %arg7[%dma_wait3A_1208, %dma_wait3A_1227, %dma_wait3A_1228, %dma_wait3A_1229] : memref<4x8x8x129xf32, #tpu.memory_space<vmem>> -> memref<1x8x8x128xf32, #tpu.memory_space<vmem>>
        %dma_wait3A_1231 = tpu.memref_squeeze %dma_wait3A_1230 : memref<1x8x8x128xf32, #tpu.memory_space<vmem>> -> memref<8x8x128xf32, #tpu.memory_space<vmem>>
        tpu.wait_dma2 semaphore(%dma_wait3A_1221 : memref<!tpu.dma_semaphore, #tpu.memory_space<semaphore_mem>>) src(%dma_wait3A_1231 : memref<8x8x128xf32, #tpu.memory_space<vmem>>) dst(%dma_wait3A_1226 : memref<8x8x128xf32, #tpu.memory_space<hbm>>)
      } else {
      }
      %parallel_loop3A_521 = arith.constant 0 : i32
      %parallel_loop3A_522 = arith.constant 128 : i32
      %parallel_loop3A_523 = arith.constant 1 : i32
      scf.for %parallel_loop3A_1165 = %parallel_loop3A_521 to %parallel_loop3A_522 step %parallel_loop3A_523  : i32 {
        %parallel_loop3A_1166 = vector.broadcast %parallel_loop3A_1165 : i32 to vector<16xi32>
        %parallel_loop3A_1167 = arith.constant 1 : i32
        %parallel_loop3A_1168 = arith.index_cast %parallel_loop3A_1167 : i32 to index
        %parallel_loop3A_1169 = arith.index_cast %parallel_loop3A_1165 : i32 to index
        %parallel_loop3A_1170 = arith.constant 0 : index
        %parallel_loop3A_1171 = tpu.vector_load %arg6[%parallel_loop3A_1168, %parallel_loop3A_1169, %parallel_loop3A_1170] {strides = array<i32>} : memref<8x128x64xf32, #tpu.memory_space<vmem>>, vector<16xf32>,
        %parallel_loop3A_1172 = arith.constant 1 : i32
        %parallel_loop3A_1173 = arith.constant 0 : i32
        %parallel_loop3A_1174 = arith.constant 0 : i32
        %parallel_loop3A_1175 = arith.constant 0 : i32
        %parallel_loop3A_1176 = tpu.memref_slice %arg7[%parallel_loop3A_1172, %parallel_loop3A_1173, %parallel_loop3A_1174, %parallel_loop3A_1175] : memref<4x8x8x129xf32, #tpu.memory_space<vmem>> -> memref<1x8x8x129xf32, #tpu.memory_space<vmem>>
        %parallel_loop3A_1177 = tpu.memref_squeeze %parallel_loop3A_1176 : memref<1x8x8x129xf32, #tpu.memory_space<vmem>> -> memref<8x8x129xf32, #tpu.memory_space<vmem>>
        tpu.vector_store_idx %parallel_loop3A_1177[%shift_right_arithmetic3A_7, %and3A_30, %parallel_loop3A_1166], %parallel_loop3A_1171 : memref<8x8x129xf32, #tpu.memory_space<vmem>>[vector<16xi32>, vector<16xi32>, vector<16xi32>], vector<16xf32>,
        %parallel_loop3A_1178 = arith.constant 1 : i32
        %parallel_loop3A_1179 = arith.index_cast %parallel_loop3A_1178 : i32 to index
        %parallel_loop3A_1180 = arith.index_cast %parallel_loop3A_1165 : i32 to index
        %parallel_loop3A_1181 = arith.constant 16 : index
        %parallel_loop3A_1182 = tpu.vector_load %arg6[%parallel_loop3A_1179, %parallel_loop3A_1180, %parallel_loop3A_1181] {strides = array<i32>} : memref<8x128x64xf32, #tpu.memory_space<vmem>>, vector<16xf32>,
        %parallel_loop3A_1183 = arith.constant 1 : i32
        %parallel_loop3A_1184 = arith.constant 0 : i32
        %parallel_loop3A_1185 = arith.constant 0 : i32
        %parallel_loop3A_1186 = arith.constant 0 : i32
        %parallel_loop3A_1187 = tpu.memref_slice %arg7[%parallel_loop3A_1183, %parallel_loop3A_1184, %parallel_loop3A_1185, %parallel_loop3A_1186] : memref<4x8x8x129xf32, #tpu.memory_space<vmem>> -> memref<1x8x8x129xf32, #tpu.memory_space<vmem>>
        %parallel_loop3A_1188 = tpu.memref_squeeze %parallel_loop3A_1187 : memref<1x8x8x129xf32, #tpu.memory_space<vmem>> -> memref<8x8x129xf32, #tpu.memory_space<vmem>>
        tpu.vector_store_idx %parallel_loop3A_1188[%shift_right_arithmetic3A_13, %and3A_36, %parallel_loop3A_1166], %parallel_loop3A_1182 : memref<8x8x129xf32, #tpu.memory_space<vmem>>[vector<16xi32>, vector<16xi32>, vector<16xi32>], vector<16xf32>,
        %parallel_loop3A_1189 = arith.constant 1 : i32
        %parallel_loop3A_1190 = arith.index_cast %parallel_loop3A_1189 : i32 to index
        %parallel_loop3A_1191 = arith.index_cast %parallel_loop3A_1165 : i32 to index
        %parallel_loop3A_1192 = arith.constant 32 : index
        %parallel_loop3A_1193 = tpu.vector_load %arg6[%parallel_loop3A_1190, %parallel_loop3A_1191, %parallel_loop3A_1192] {strides = array<i32>} : memref<8x128x64xf32, #tpu.memory_space<vmem>>, vector<16xf32>,
        %parallel_loop3A_1194 = arith.constant 1 : i32
        %parallel_loop3A_1195 = arith.constant 0 : i32
        %parallel_loop3A_1196 = arith.constant 0 : i32
        %parallel_loop3A_1197 = arith.constant 0 : i32
        %parallel_loop3A_1198 = tpu.memref_slice %arg7[%parallel_loop3A_1194, %parallel_loop3A_1195, %parallel_loop3A_1196, %parallel_loop3A_1197] : memref<4x8x8x129xf32, #tpu.memory_space<vmem>> -> memref<1x8x8x129xf32, #tpu.memory_space<vmem>>
        %parallel_loop3A_1199 = tpu.memref_squeeze %parallel_loop3A_1198 : memref<1x8x8x129xf32, #tpu.memory_space<vmem>> -> memref<8x8x129xf32, #tpu.memory_space<vmem>>
        tpu.vector_store_idx %parallel_loop3A_1199[%shift_right_arithmetic3A_19, %and3A_42, %parallel_loop3A_1166], %parallel_loop3A_1193 : memref<8x8x129xf32, #tpu.memory_space<vmem>>[vector<16xi32>, vector<16xi32>, vector<16xi32>], vector<16xf32>,
        %parallel_loop3A_1200 = arith.constant 1 : i32
        %parallel_loop3A_1201 = arith.index_cast %parallel_loop3A_1200 : i32 to index
        %parallel_loop3A_1202 = arith.index_cast %parallel_loop3A_1165 : i32 to index
        %parallel_loop3A_1203 = arith.constant 48 : index
        %parallel_loop3A_1204 = tpu.vector_load %arg6[%parallel_loop3A_1201, %parallel_loop3A_1202, %parallel_loop3A_1203] {strides = array<i32>} : memref<8x128x64xf32, #tpu.memory_space<vmem>>, vector<16xf32>,
        %parallel_loop3A_1205 = arith.constant 1 : i32
        %parallel_loop3A_1206 = arith.constant 0 : i32
        %parallel_loop3A_1207 = arith.constant 0 : i32
        %parallel_loop3A_1208 = arith.constant 0 : i32
        %parallel_loop3A_1209 = tpu.memref_slice %arg7[%parallel_loop3A_1205, %parallel_loop3A_1206, %parallel_loop3A_1207, %parallel_loop3A_1208] : memref<4x8x8x129xf32, #tpu.memory_space<vmem>> -> memref<1x8x8x129xf32, #tpu.memory_space<vmem>>
        %parallel_loop3A_1210 = tpu.memref_squeeze %parallel_loop3A_1209 : memref<1x8x8x129xf32, #tpu.memory_space<vmem>> -> memref<8x8x129xf32, #tpu.memory_space<vmem>>
        tpu.vector_store_idx %parallel_loop3A_1210[%shift_right_arithmetic3A_25, %and3A_48, %parallel_loop3A_1166], %parallel_loop3A_1204 : memref<8x8x129xf32, #tpu.memory_space<vmem>>[vector<16xi32>, vector<16xi32>, vector<16xi32>], vector<16xf32>,
      } {sc.loop_unroll_factor = 8 : i64, sc.parallel_access}
      %add3A_524 = arith.addi %mul3A_2, %add3A_494 : i32
      %jit3A_525 = arith.constant 128 : i32
      %div3A_526 = arith.divsi %add3A_524, %jit3A_525 : i32
      %sign3A_527 = arith.constant 0 : i32
      %sign3A_528 = arith.cmpi sgt, %add3A_524, %sign3A_527 : i32
      %sign3A_529 = arith.extui %sign3A_528 : i1 to i32
      %sign3A_530 = arith.constant 0 : i32
      %sign3A_531 = arith.cmpi slt, %add3A_524, %sign3A_530 : i32
      %sign3A_532 = arith.extui %sign3A_531 : i1 to i32
      %sign3A_533 = arith.subi %sign3A_529, %sign3A_532 : i32
      %sign3A_534 = arith.constant 0 : i32
      %sign3A_535 = arith.cmpi sgt, %jit3A_525, %sign3A_534 : i32
      %sign3A_536 = arith.extui %sign3A_535 : i1 to i32
      %sign3A_537 = arith.constant 0 : i32
      %sign3A_538 = arith.cmpi slt, %jit3A_525, %sign3A_537 : i32
      %sign3A_539 = arith.extui %sign3A_538 : i1 to i32
      %sign3A_540 = arith.subi %sign3A_536, %sign3A_539 : i32
      %ne3A_541 = arith.cmpi ne, %sign3A_533, %sign3A_540 : i32
      %rem3A_542 = arith.remsi %add3A_524, %jit3A_525 : i32
      %ne3A_543 = arith.constant 0 : i32
      %ne3A_544 = arith.cmpi ne, %rem3A_542, %ne3A_543 : i32
      %and3A_545 = arith.andi %ne3A_541, %ne3A_544 : i1
      %sub3A_546 = arith.constant 1 : i32
      %sub3A_547 = arith.subi %div3A_526, %sub3A_546 : i32
      %select_n3A_548 = arith.select %and3A_545, %sub3A_547, %div3A_526 : i32
      %jit3A_549 = arith.constant 128 : i32
      %eq3A_550 = arith.constant 0 : i32
      %eq3A_551 = arith.cmpi eq, %jit3A_549, %eq3A_550 : i32
      %jit3A_552 = arith.constant 1 : i32
      %select_n3A_553 = arith.select %eq3A_551, %jit3A_552, %jit3A_549 : i32
      %rem3A_554 = arith.remsi %add3A_524, %select_n3A_553 : i32
      %ne3A_555 = arith.constant 0 : i32
      %ne3A_556 = arith.cmpi ne, %rem3A_554, %ne3A_555 : i32
      %lt3A_557 = arith.constant 0 : i32
      %lt3A_558 = arith.cmpi slt, %rem3A_554, %lt3A_557 : i32
      %lt3A_559 = arith.constant 0 : i32
      %lt3A_560 = arith.cmpi slt, %select_n3A_553, %lt3A_559 : i32
      %ne3A_561 = arith.xori %lt3A_558, %lt3A_560 : i1
      %and3A_562 = arith.andi %ne3A_561, %ne3A_556 : i1
      %add3A_563 = arith.addi %rem3A_554, %select_n3A_553 : i32
      %select_n3A_564 = arith.select %and3A_562, %add3A_563, %rem3A_554 : i32
      %dma_start3A_565 = arith.constant 1 : i32
      %dma_start3A_566 = arith.constant 1 : i32
      %dma_start3A_567 = arith.constant 0 : i32
      %dma_start3A_568 = arith.constant 0 : i32
      %dma_start3A_569 = arith.constant 0 : i32
      %dma_start3A_570 = tpu.memref_slice %arg7[%dma_start3A_565, %dma_start3A_567, %dma_start3A_568, %dma_start3A_569] : memref<4x8x8x129xf32, #tpu.memory_space<vmem>> -> memref<1x8x8x128xf32, #tpu.memory_space<vmem>>
      %dma_start3A_571 = tpu.memref_squeeze %dma_start3A_570 : memref<1x8x8x128xf32, #tpu.memory_space<vmem>> -> memref<8x8x128xf32, #tpu.memory_space<vmem>>
      %dma_start3A_572 = arith.constant 0 : i32
      %dma_start3A_573 = arith.constant 0 : i32
      %dma_start3A_574 = arith.constant 0 : i32
      %dma_start3A_575 = tpu.memref_slice %arg4[%select_n3A_548, %dma_start3A_572, %select_n3A_564, %dma_start3A_573, %dma_start3A_574] : memref<50x8x128x8x128xf32, #tpu.memory_space<hbm>> -> memref<1x8x1x8x128xf32, #tpu.memory_space<hbm>>
      %dma_start3A_576 = tpu.memref_squeeze %dma_start3A_575 : memref<1x8x1x8x128xf32, #tpu.memory_space<hbm>> -> memref<8x8x128xf32, #tpu.memory_space<hbm>>
      %dma_start3A_577 = tpu.memref_slice %arg9[%dma_start3A_566] : memref<4x!tpu.dma_semaphore, #tpu.memory_space<semaphore_mem>> -> memref<1x!tpu.dma_semaphore, #tpu.memory_space<semaphore_mem>>
      %dma_start3A_578 = tpu.memref_squeeze %dma_start3A_577 : memref<1x!tpu.dma_semaphore, #tpu.memory_space<semaphore_mem>> -> memref<!tpu.dma_semaphore, #tpu.memory_space<semaphore_mem>>
      %dma_start3A_579 = arith.constant 0 : i32
      %dma_start3A_580 = arith.constant 0 : i32
      %dma_start3A_581 = arith.constant 0 : i32
      %dma_start3A_582 = tpu.memref_slice %arg4[%select_n3A_548, %dma_start3A_579, %select_n3A_564, %dma_start3A_580, %dma_start3A_581] : memref<50x8x128x8x128xf32, #tpu.memory_space<hbm>> -> memref<1x8x1x8x128xf32, #tpu.memory_space<hbm>>
      %dma_start3A_583 = tpu.memref_squeeze %dma_start3A_582 : memref<1x8x1x8x128xf32, #tpu.memory_space<hbm>> -> memref<8x8x128xf32, #tpu.memory_space<hbm>>
      %dma_start3A_584 = arith.constant 0 : i32
      %dma_start3A_585 = arith.constant 0 : i32
      %dma_start3A_586 = arith.constant 0 : i32
      %dma_start3A_587 = tpu.memref_slice %arg7[%dma_start3A_565, %dma_start3A_584, %dma_start3A_585, %dma_start3A_586] : memref<4x8x8x129xf32, #tpu.memory_space<vmem>> -> memref<1x8x8x128xf32, #tpu.memory_space<vmem>>
      %dma_start3A_588 = tpu.memref_squeeze %dma_start3A_587 : memref<1x8x8x128xf32, #tpu.memory_space<vmem>> -> memref<8x8x128xf32, #tpu.memory_space<vmem>>
      tpu.enqueue_dma source(%dma_start3A_588 : memref<8x8x128xf32, #tpu.memory_space<vmem>>) target(%dma_start3A_583 : memref<8x8x128xf32, #tpu.memory_space<hbm>>) target_semaphore(%dma_start3A_578 : memref<!tpu.dma_semaphore, #tpu.memory_space<semaphore_mem>>)
      %add3A_589 = arith.constant 2 : i32
      %add3A_590 = arith.addi %add3A_400, %add3A_589 : i32
      %dma_wait3A_591 = arith.constant 2 : i32
      %dma_wait3A_592 = arith.constant 2 : i32
      %dma_wait3A_593 = arith.constant 0 : i32
      %dma_wait3A_594 = arith.constant 0 : i32
      %dma_wait3A_595 = tpu.memref_slice %arg6[%dma_wait3A_591, %dma_wait3A_593, %dma_wait3A_594] : memref<8x128x64xf32, #tpu.memory_space<vmem>> -> memref<1x128x64xf32, #tpu.memory_space<vmem>>
      %dma_wait3A_596 = tpu.memref_squeeze %dma_wait3A_595 : memref<1x128x64xf32, #tpu.memory_space<vmem>> -> memref<128x64xf32, #tpu.memory_space<vmem>>
      %dma_wait3A_597 = arith.constant 0 : i32
      %dma_wait3A_598 = tpu.memref_slice %arg5[%add3A_590, %dma_wait3A_597] : memref<200x128xi32, #tpu.memory_space<vmem>> -> memref<1x128xi32, #tpu.memory_space<vmem>>
      %dma_wait3A_599 = tpu.memref_squeeze %dma_wait3A_598 : memref<1x128xi32, #tpu.memory_space<vmem>> -> memref<128xi32, #tpu.memory_space<vmem>>
      %dma_wait3A_600 = arith.constant 0 : i32
      %dma_wait3A_601 = arith.constant 0 : i32
      %dma_wait3A_602 = tpu.memref_slice %arg3[%dma_wait3A_600, %dma_wait3A_601] : memref<1000000x64xf32, #tpu.memory_space<hbm>> -> memref<1000000x64xf32, #tpu.memory_space<hbm>>
      %dma_wait3A_603 = tpu.memref_slice %arg8[%dma_wait3A_592] : memref<8x!tpu.dma_semaphore, #tpu.memory_space<semaphore_mem>> -> memref<1x!tpu.dma_semaphore, #tpu.memory_space<semaphore_mem>>
      %dma_wait3A_604 = tpu.memref_squeeze %dma_wait3A_603 : memref<1x!tpu.dma_semaphore, #tpu.memory_space<semaphore_mem>> -> memref<!tpu.dma_semaphore, #tpu.memory_space<semaphore_mem>>
      tpu.wait_indirect_dma semaphore(%dma_wait3A_604 : memref<!tpu.dma_semaphore, #tpu.memory_space<semaphore_mem>>) src(%dma_wait3A_602 : memref<1000000x64xf32, #tpu.memory_space<hbm>>) dst(%dma_wait3A_596 : memref<128x64xf32, #tpu.memory_space<vmem>>)
      %add3A_605 = arith.constant 6 : i32
      %add3A_606 = arith.addi %add3A_590, %add3A_605 : i32
      %lt3A_607 = arith.constant 200 : i32
      %lt3A_608 = arith.cmpi slt, %add3A_606, %lt3A_607 : i32
      %convert_element_type3A_609 = arith.extui %lt3A_608 : i1 to i32
      %cond3A_610 = arith.constant 0 : i32
      %cond3A_611 = arith.cmpi ne, %convert_element_type3A_609, %cond3A_610 : i32
      scf.if %cond3A_611 {
        %add3A_1165 = arith.constant 6 : i32
        %add3A_1166 = arith.addi %add3A_590, %add3A_1165 : i32
        %dma_start3A_1167 = arith.constant 0 : i32
        %dma_start3A_1168 = arith.constant 0 : i32
        %dma_start3A_1169 = arith.constant 0 : i32
        %dma_start3A_1170 = arith.constant 0 : i32
        %dma_start3A_1171 = tpu.memref_slice %arg6[%dma_start3A_1167, %dma_start3A_1169, %dma_start3A_1170] : memref<8x128x64xf32, #tpu.memory_space<vmem>> -> memref<1x128x64xf32, #tpu.memory_space<vmem>>
        %dma_start3A_1172 = tpu.memref_squeeze %dma_start3A_1171 : memref<1x128x64xf32, #tpu.memory_space<vmem>> -> memref<128x64xf32, #tpu.memory_space<vmem>>
        %dma_start3A_1173 = arith.constant 0 : i32
        %dma_start3A_1174 = tpu.memref_slice %arg5[%add3A_1166, %dma_start3A_1173] : memref<200x128xi32, #tpu.memory_space<vmem>> -> memref<1x128xi32, #tpu.memory_space<vmem>>
        %dma_start3A_1175 = tpu.memref_squeeze %dma_start3A_1174 : memref<1x128xi32, #tpu.memory_space<vmem>> -> memref<128xi32, #tpu.memory_space<vmem>>
        %dma_start3A_1176 = arith.constant 0 : i32
        %dma_start3A_1177 = arith.constant 0 : i32
        %dma_start3A_1178 = tpu.memref_slice %arg3[%dma_start3A_1176, %dma_start3A_1177] : memref<1000000x64xf32, #tpu.memory_space<hbm>> -> memref<1000000x64xf32, #tpu.memory_space<hbm>>
        %dma_start3A_1179 = tpu.memref_slice %arg8[%dma_start3A_1168] : memref<8x!tpu.dma_semaphore, #tpu.memory_space<semaphore_mem>> -> memref<1x!tpu.dma_semaphore, #tpu.memory_space<semaphore_mem>>
        %dma_start3A_1180 = tpu.memref_squeeze %dma_start3A_1179 : memref<1x!tpu.dma_semaphore, #tpu.memory_space<semaphore_mem>> -> memref<!tpu.dma_semaphore, #tpu.memory_space<semaphore_mem>>
        tpu.enqueue_indirect_dma source(%dma_start3A_1178 : memref<1000000x64xf32, #tpu.memory_space<hbm>>) target(%dma_start3A_1172 : memref<128x64xf32, #tpu.memory_space<vmem>>) offsets(%dma_start3A_1175 : memref<128xi32, #tpu.memory_space<vmem>>) semaphore(%dma_start3A_1180 : memref<!tpu.dma_semaphore, #tpu.memory_space<semaphore_mem>>)
      } else {
      }
      %ge3A_612 = arith.constant 4 : i32
      %ge3A_613 = arith.cmpi sge, %add3A_590, %ge3A_612 : i32
      %convert_element_type3A_614 = arith.extui %ge3A_613 : i1 to i32
      %cond3A_615 = arith.constant 0 : i32
      %cond3A_616 = arith.cmpi ne, %convert_element_type3A_614, %cond3A_615 : i32
      scf.if %cond3A_616 {
        %sub3A_1165 = arith.constant 4 : i32
        %sub3A_1166 = arith.subi %add3A_590, %sub3A_1165 : i32
        %add3A_1167 = arith.addi %mul3A_2, %sub3A_1166 : i32
        %jit3A_1168 = arith.constant 128 : i32
        %div3A_1169 = arith.divsi %add3A_1167, %jit3A_1168 : i32
        %sign3A_1170 = arith.constant 0 : i32
        %sign3A_1171 = arith.cmpi sgt, %add3A_1167, %sign3A_1170 : i32
        %sign3A_1172 = arith.extui %sign3A_1171 : i1 to i32
        %sign3A_1173 = arith.constant 0 : i32
        %sign3A_1174 = arith.cmpi slt, %add3A_1167, %sign3A_1173 : i32
        %sign3A_1175 = arith.extui %sign3A_1174 : i1 to i32
        %sign3A_1176 = arith.subi %sign3A_1172, %sign3A_1175 : i32
        %sign3A_1177 = arith.constant 0 : i32
        %sign3A_1178 = arith.cmpi sgt, %jit3A_1168, %sign3A_1177 : i32
        %sign3A_1179 = arith.extui %sign3A_1178 : i1 to i32
        %sign3A_1180 = arith.constant 0 : i32
        %sign3A_1181 = arith.cmpi slt, %jit3A_1168, %sign3A_1180 : i32
        %sign3A_1182 = arith.extui %sign3A_1181 : i1 to i32
        %sign3A_1183 = arith.subi %sign3A_1179, %sign3A_1182 : i32
        %ne3A_1184 = arith.cmpi ne, %sign3A_1176, %sign3A_1183 : i32
        %rem3A_1185 = arith.remsi %add3A_1167, %jit3A_1168 : i32
        %ne3A_1186 = arith.constant 0 : i32
        %ne3A_1187 = arith.cmpi ne, %rem3A_1185, %ne3A_1186 : i32
        %and3A_1188 = arith.andi %ne3A_1184, %ne3A_1187 : i1
        %sub3A_1189 = arith.constant 1 : i32
        %sub3A_1190 = arith.subi %div3A_1169, %sub3A_1189 : i32
        %select_n3A_1191 = arith.select %and3A_1188, %sub3A_1190, %div3A_1169 : i32
        %jit3A_1192 = arith.constant 128 : i32
        %eq3A_1193 = arith.constant 0 : i32
        %eq3A_1194 = arith.cmpi eq, %jit3A_1192, %eq3A_1193 : i32
        %jit3A_1195 = arith.constant 1 : i32
        %select_n3A_1196 = arith.select %eq3A_1194, %jit3A_1195, %jit3A_1192 : i32
        %rem3A_1197 = arith.remsi %add3A_1167, %select_n3A_1196 : i32
        %ne3A_1198 = arith.constant 0 : i32
        %ne3A_1199 = arith.cmpi ne, %rem3A_1197, %ne3A_1198 : i32
        %lt3A_1200 = arith.constant 0 : i32
        %lt3A_1201 = arith.cmpi slt, %rem3A_1197, %lt3A_1200 : i32
        %lt3A_1202 = arith.constant 0 : i32
        %lt3A_1203 = arith.cmpi slt, %select_n3A_1196, %lt3A_1202 : i32
        %ne3A_1204 = arith.xori %lt3A_1201, %lt3A_1203 : i1
        %and3A_1205 = arith.andi %ne3A_1204, %ne3A_1199 : i1
        %add3A_1206 = arith.addi %rem3A_1197, %select_n3A_1196 : i32
        %select_n3A_1207 = arith.select %and3A_1205, %add3A_1206, %rem3A_1197 : i32
        %dma_wait3A_1208 = arith.constant 2 : i32
        %dma_wait3A_1209 = arith.constant 2 : i32
        %dma_wait3A_1210 = arith.constant 0 : i32
        %dma_wait3A_1211 = arith.constant 0 : i32
        %dma_wait3A_1212 = arith.constant 0 : i32
        %dma_wait3A_1213 = tpu.memref_slice %arg7[%dma_wait3A_1208, %dma_wait3A_1210, %dma_wait3A_1211, %dma_wait3A_1212] : memref<4x8x8x129xf32, #tpu.memory_space<vmem>> -> memref<1x8x8x128xf32, #tpu.memory_space<vmem>>
        %dma_wait3A_1214 = tpu.memref_squeeze %dma_wait3A_1213 : memref<1x8x8x128xf32, #tpu.memory_space<vmem>> -> memref<8x8x128xf32, #tpu.memory_space<vmem>>
        %dma_wait3A_1215 = arith.constant 0 : i32
        %dma_wait3A_1216 = arith.constant 0 : i32
        %dma_wait3A_1217 = arith.constant 0 : i32
        %dma_wait3A_1218 = tpu.memref_slice %arg4[%select_n3A_1191, %dma_wait3A_1215, %select_n3A_1207, %dma_wait3A_1216, %dma_wait3A_1217] : memref<50x8x128x8x128xf32, #tpu.memory_space<hbm>> -> memref<1x8x1x8x128xf32, #tpu.memory_space<hbm>>
        %dma_wait3A_1219 = tpu.memref_squeeze %dma_wait3A_1218 : memref<1x8x1x8x128xf32, #tpu.memory_space<hbm>> -> memref<8x8x128xf32, #tpu.memory_space<hbm>>
        %dma_wait3A_1220 = tpu.memref_slice %arg9[%dma_wait3A_1209] : memref<4x!tpu.dma_semaphore, #tpu.memory_space<semaphore_mem>> -> memref<1x!tpu.dma_semaphore, #tpu.memory_space<semaphore_mem>>
        %dma_wait3A_1221 = tpu.memref_squeeze %dma_wait3A_1220 : memref<1x!tpu.dma_semaphore, #tpu.memory_space<semaphore_mem>> -> memref<!tpu.dma_semaphore, #tpu.memory_space<semaphore_mem>>
        %dma_wait3A_1222 = arith.constant 0 : i32
        %dma_wait3A_1223 = arith.constant 0 : i32
        %dma_wait3A_1224 = arith.constant 0 : i32
        %dma_wait3A_1225 = tpu.memref_slice %arg4[%select_n3A_1191, %dma_wait3A_1222, %select_n3A_1207, %dma_wait3A_1223, %dma_wait3A_1224] : memref<50x8x128x8x128xf32, #tpu.memory_space<hbm>> -> memref<1x8x1x8x128xf32, #tpu.memory_space<hbm>>
        %dma_wait3A_1226 = tpu.memref_squeeze %dma_wait3A_1225 : memref<1x8x1x8x128xf32, #tpu.memory_space<hbm>> -> memref<8x8x128xf32, #tpu.memory_space<hbm>>
        %dma_wait3A_1227 = arith.constant 0 : i32
        %dma_wait3A_1228 = arith.constant 0 : i32
        %dma_wait3A_1229 = arith.constant 0 : i32
        %dma_wait3A_1230 = tpu.memref_slice %arg7[%dma_wait3A_1208, %dma_wait3A_1227, %dma_wait3A_1228, %dma_wait3A_1229] : memref<4x8x8x129xf32, #tpu.memory_space<vmem>> -> memref<1x8x8x128xf32, #tpu.memory_space<vmem>>
        %dma_wait3A_1231 = tpu.memref_squeeze %dma_wait3A_1230 : memref<1x8x8x128xf32, #tpu.memory_space<vmem>> -> memref<8x8x128xf32, #tpu.memory_space<vmem>>
        tpu.wait_dma2 semaphore(%dma_wait3A_1221 : memref<!tpu.dma_semaphore, #tpu.memory_space<semaphore_mem>>) src(%dma_wait3A_1231 : memref<8x8x128xf32, #tpu.memory_space<vmem>>) dst(%dma_wait3A_1226 : memref<8x8x128xf32, #tpu.memory_space<hbm>>)
      } else {
      }
      %parallel_loop3A_617 = arith.constant 0 : i32
      %parallel_loop3A_618 = arith.constant 128 : i32
      %parallel_loop3A_619 = arith.constant 1 : i32
      scf.for %parallel_loop3A_1165 = %parallel_loop3A_617 to %parallel_loop3A_618 step %parallel_loop3A_619  : i32 {
        %parallel_loop3A_1166 = vector.broadcast %parallel_loop3A_1165 : i32 to vector<16xi32>
        %parallel_loop3A_1167 = arith.constant 2 : i32
        %parallel_loop3A_1168 = arith.index_cast %parallel_loop3A_1167 : i32 to index
        %parallel_loop3A_1169 = arith.index_cast %parallel_loop3A_1165 : i32 to index
        %parallel_loop3A_1170 = arith.constant 0 : index
        %parallel_loop3A_1171 = tpu.vector_load %arg6[%parallel_loop3A_1168, %parallel_loop3A_1169, %parallel_loop3A_1170] {strides = array<i32>} : memref<8x128x64xf32, #tpu.memory_space<vmem>>, vector<16xf32>,
        %parallel_loop3A_1172 = arith.constant 2 : i32
        %parallel_loop3A_1173 = arith.constant 0 : i32
        %parallel_loop3A_1174 = arith.constant 0 : i32
        %parallel_loop3A_1175 = arith.constant 0 : i32
        %parallel_loop3A_1176 = tpu.memref_slice %arg7[%parallel_loop3A_1172, %parallel_loop3A_1173, %parallel_loop3A_1174, %parallel_loop3A_1175] : memref<4x8x8x129xf32, #tpu.memory_space<vmem>> -> memref<1x8x8x129xf32, #tpu.memory_space<vmem>>
        %parallel_loop3A_1177 = tpu.memref_squeeze %parallel_loop3A_1176 : memref<1x8x8x129xf32, #tpu.memory_space<vmem>> -> memref<8x8x129xf32, #tpu.memory_space<vmem>>
        tpu.vector_store_idx %parallel_loop3A_1177[%shift_right_arithmetic3A_7, %and3A_30, %parallel_loop3A_1166], %parallel_loop3A_1171 : memref<8x8x129xf32, #tpu.memory_space<vmem>>[vector<16xi32>, vector<16xi32>, vector<16xi32>], vector<16xf32>,
        %parallel_loop3A_1178 = arith.constant 2 : i32
        %parallel_loop3A_1179 = arith.index_cast %parallel_loop3A_1178 : i32 to index
        %parallel_loop3A_1180 = arith.index_cast %parallel_loop3A_1165 : i32 to index
        %parallel_loop3A_1181 = arith.constant 16 : index
        %parallel_loop3A_1182 = tpu.vector_load %arg6[%parallel_loop3A_1179, %parallel_loop3A_1180, %parallel_loop3A_1181] {strides = array<i32>} : memref<8x128x64xf32, #tpu.memory_space<vmem>>, vector<16xf32>,
        %parallel_loop3A_1183 = arith.constant 2 : i32
        %parallel_loop3A_1184 = arith.constant 0 : i32
        %parallel_loop3A_1185 = arith.constant 0 : i32
        %parallel_loop3A_1186 = arith.constant 0 : i32
        %parallel_loop3A_1187 = tpu.memref_slice %arg7[%parallel_loop3A_1183, %parallel_loop3A_1184, %parallel_loop3A_1185, %parallel_loop3A_1186] : memref<4x8x8x129xf32, #tpu.memory_space<vmem>> -> memref<1x8x8x129xf32, #tpu.memory_space<vmem>>
        %parallel_loop3A_1188 = tpu.memref_squeeze %parallel_loop3A_1187 : memref<1x8x8x129xf32, #tpu.memory_space<vmem>> -> memref<8x8x129xf32, #tpu.memory_space<vmem>>
        tpu.vector_store_idx %parallel_loop3A_1188[%shift_right_arithmetic3A_13, %and3A_36, %parallel_loop3A_1166], %parallel_loop3A_1182 : memref<8x8x129xf32, #tpu.memory_space<vmem>>[vector<16xi32>, vector<16xi32>, vector<16xi32>], vector<16xf32>,
        %parallel_loop3A_1189 = arith.constant 2 : i32
        %parallel_loop3A_1190 = arith.index_cast %parallel_loop3A_1189 : i32 to index
        %parallel_loop3A_1191 = arith.index_cast %parallel_loop3A_1165 : i32 to index
        %parallel_loop3A_1192 = arith.constant 32 : index
        %parallel_loop3A_1193 = tpu.vector_load %arg6[%parallel_loop3A_1190, %parallel_loop3A_1191, %parallel_loop3A_1192] {strides = array<i32>} : memref<8x128x64xf32, #tpu.memory_space<vmem>>, vector<16xf32>,
        %parallel_loop3A_1194 = arith.constant 2 : i32
        %parallel_loop3A_1195 = arith.constant 0 : i32
        %parallel_loop3A_1196 = arith.constant 0 : i32
        %parallel_loop3A_1197 = arith.constant 0 : i32
        %parallel_loop3A_1198 = tpu.memref_slice %arg7[%parallel_loop3A_1194, %parallel_loop3A_1195, %parallel_loop3A_1196, %parallel_loop3A_1197] : memref<4x8x8x129xf32, #tpu.memory_space<vmem>> -> memref<1x8x8x129xf32, #tpu.memory_space<vmem>>
        %parallel_loop3A_1199 = tpu.memref_squeeze %parallel_loop3A_1198 : memref<1x8x8x129xf32, #tpu.memory_space<vmem>> -> memref<8x8x129xf32, #tpu.memory_space<vmem>>
        tpu.vector_store_idx %parallel_loop3A_1199[%shift_right_arithmetic3A_19, %and3A_42, %parallel_loop3A_1166], %parallel_loop3A_1193 : memref<8x8x129xf32, #tpu.memory_space<vmem>>[vector<16xi32>, vector<16xi32>, vector<16xi32>], vector<16xf32>,
        %parallel_loop3A_1200 = arith.constant 2 : i32
        %parallel_loop3A_1201 = arith.index_cast %parallel_loop3A_1200 : i32 to index
        %parallel_loop3A_1202 = arith.index_cast %parallel_loop3A_1165 : i32 to index
        %parallel_loop3A_1203 = arith.constant 48 : index
        %parallel_loop3A_1204 = tpu.vector_load %arg6[%parallel_loop3A_1201, %parallel_loop3A_1202, %parallel_loop3A_1203] {strides = array<i32>} : memref<8x128x64xf32, #tpu.memory_space<vmem>>, vector<16xf32>,
        %parallel_loop3A_1205 = arith.constant 2 : i32
        %parallel_loop3A_1206 = arith.constant 0 : i32
        %parallel_loop3A_1207 = arith.constant 0 : i32
        %parallel_loop3A_1208 = arith.constant 0 : i32
        %parallel_loop3A_1209 = tpu.memref_slice %arg7[%parallel_loop3A_1205, %parallel_loop3A_1206, %parallel_loop3A_1207, %parallel_loop3A_1208] : memref<4x8x8x129xf32, #tpu.memory_space<vmem>> -> memref<1x8x8x129xf32, #tpu.memory_space<vmem>>
        %parallel_loop3A_1210 = tpu.memref_squeeze %parallel_loop3A_1209 : memref<1x8x8x129xf32, #tpu.memory_space<vmem>> -> memref<8x8x129xf32, #tpu.memory_space<vmem>>
        tpu.vector_store_idx %parallel_loop3A_1210[%shift_right_arithmetic3A_25, %and3A_48, %parallel_loop3A_1166], %parallel_loop3A_1204 : memref<8x8x129xf32, #tpu.memory_space<vmem>>[vector<16xi32>, vector<16xi32>, vector<16xi32>], vector<16xf32>,
      } {sc.loop_unroll_factor = 8 : i64, sc.parallel_access}
      %add3A_620 = arith.addi %mul3A_2, %add3A_590 : i32
      %jit3A_621 = arith.constant 128 : i32
      %div3A_622 = arith.divsi %add3A_620, %jit3A_621 : i32
      %sign3A_623 = arith.constant 0 : i32
      %sign3A_624 = arith.cmpi sgt, %add3A_620, %sign3A_623 : i32
      %sign3A_625 = arith.extui %sign3A_624 : i1 to i32
      %sign3A_626 = arith.constant 0 : i32
      %sign3A_627 = arith.cmpi slt, %add3A_620, %sign3A_626 : i32
      %sign3A_628 = arith.extui %sign3A_627 : i1 to i32
      %sign3A_629 = arith.subi %sign3A_625, %sign3A_628 : i32
      %sign3A_630 = arith.constant 0 : i32
      %sign3A_631 = arith.cmpi sgt, %jit3A_621, %sign3A_630 : i32
      %sign3A_632 = arith.extui %sign3A_631 : i1 to i32
      %sign3A_633 = arith.constant 0 : i32
      %sign3A_634 = arith.cmpi slt, %jit3A_621, %sign3A_633 : i32
      %sign3A_635 = arith.extui %sign3A_634 : i1 to i32
      %sign3A_636 = arith.subi %sign3A_632, %sign3A_635 : i32
      %ne3A_637 = arith.cmpi ne, %sign3A_629, %sign3A_636 : i32
      %rem3A_638 = arith.remsi %add3A_620, %jit3A_621 : i32
      %ne3A_639 = arith.constant 0 : i32
      %ne3A_640 = arith.cmpi ne, %rem3A_638, %ne3A_639 : i32
      %and3A_641 = arith.andi %ne3A_637, %ne3A_640 : i1
      %sub3A_642 = arith.constant 1 : i32
      %sub3A_643 = arith.subi %div3A_622, %sub3A_642 : i32
      %select_n3A_644 = arith.select %and3A_641, %sub3A_643, %div3A_622 : i32
      %jit3A_645 = arith.constant 128 : i32
      %eq3A_646 = arith.constant 0 : i32
      %eq3A_647 = arith.cmpi eq, %jit3A_645, %eq3A_646 : i32
      %jit3A_648 = arith.constant 1 : i32
      %select_n3A_649 = arith.select %eq3A_647, %jit3A_648, %jit3A_645 : i32
      %rem3A_650 = arith.remsi %add3A_620, %select_n3A_649 : i32
      %ne3A_651 = arith.constant 0 : i32
      %ne3A_652 = arith.cmpi ne, %rem3A_650, %ne3A_651 : i32
      %lt3A_653 = arith.constant 0 : i32
      %lt3A_654 = arith.cmpi slt, %rem3A_650, %lt3A_653 : i32
      %lt3A_655 = arith.constant 0 : i32
      %lt3A_656 = arith.cmpi slt, %select_n3A_649, %lt3A_655 : i32
      %ne3A_657 = arith.xori %lt3A_654, %lt3A_656 : i1
      %and3A_658 = arith.andi %ne3A_657, %ne3A_652 : i1
      %add3A_659 = arith.addi %rem3A_650, %select_n3A_649 : i32
      %select_n3A_660 = arith.select %and3A_658, %add3A_659, %rem3A_650 : i32
      %dma_start3A_661 = arith.constant 2 : i32
      %dma_start3A_662 = arith.constant 2 : i32
      %dma_start3A_663 = arith.constant 0 : i32
      %dma_start3A_664 = arith.constant 0 : i32
      %dma_start3A_665 = arith.constant 0 : i32
      %dma_start3A_666 = tpu.memref_slice %arg7[%dma_start3A_661, %dma_start3A_663, %dma_start3A_664, %dma_start3A_665] : memref<4x8x8x129xf32, #tpu.memory_space<vmem>> -> memref<1x8x8x128xf32, #tpu.memory_space<vmem>>
      %dma_start3A_667 = tpu.memref_squeeze %dma_start3A_666 : memref<1x8x8x128xf32, #tpu.memory_space<vmem>> -> memref<8x8x128xf32, #tpu.memory_space<vmem>>
      %dma_start3A_668 = arith.constant 0 : i32
      %dma_start3A_669 = arith.constant 0 : i32
      %dma_start3A_670 = arith.constant 0 : i32
      %dma_start3A_671 = tpu.memref_slice %arg4[%select_n3A_644, %dma_start3A_668, %select_n3A_660, %dma_start3A_669, %dma_start3A_670] : memref<50x8x128x8x128xf32, #tpu.memory_space<hbm>> -> memref<1x8x1x8x128xf32, #tpu.memory_space<hbm>>
      %dma_start3A_672 = tpu.memref_squeeze %dma_start3A_671 : memref<1x8x1x8x128xf32, #tpu.memory_space<hbm>> -> memref<8x8x128xf32, #tpu.memory_space<hbm>>
      %dma_start3A_673 = tpu.memref_slice %arg9[%dma_start3A_662] : memref<4x!tpu.dma_semaphore, #tpu.memory_space<semaphore_mem>> -> memref<1x!tpu.dma_semaphore, #tpu.memory_space<semaphore_mem>>
      %dma_start3A_674 = tpu.memref_squeeze %dma_start3A_673 : memref<1x!tpu.dma_semaphore, #tpu.memory_space<semaphore_mem>> -> memref<!tpu.dma_semaphore, #tpu.memory_space<semaphore_mem>>
      %dma_start3A_675 = arith.constant 0 : i32
      %dma_start3A_676 = arith.constant 0 : i32
      %dma_start3A_677 = arith.constant 0 : i32
      %dma_start3A_678 = tpu.memref_slice %arg4[%select_n3A_644, %dma_start3A_675, %select_n3A_660, %dma_start3A_676, %dma_start3A_677] : memref<50x8x128x8x128xf32, #tpu.memory_space<hbm>> -> memref<1x8x1x8x128xf32, #tpu.memory_space<hbm>>
      %dma_start3A_679 = tpu.memref_squeeze %dma_start3A_678 : memref<1x8x1x8x128xf32, #tpu.memory_space<hbm>> -> memref<8x8x128xf32, #tpu.memory_space<hbm>>
      %dma_start3A_680 = arith.constant 0 : i32
      %dma_start3A_681 = arith.constant 0 : i32
      %dma_start3A_682 = arith.constant 0 : i32
      %dma_start3A_683 = tpu.memref_slice %arg7[%dma_start3A_661, %dma_start3A_680, %dma_start3A_681, %dma_start3A_682] : memref<4x8x8x129xf32, #tpu.memory_space<vmem>> -> memref<1x8x8x128xf32, #tpu.memory_space<vmem>>
      %dma_start3A_684 = tpu.memref_squeeze %dma_start3A_683 : memref<1x8x8x128xf32, #tpu.memory_space<vmem>> -> memref<8x8x128xf32, #tpu.memory_space<vmem>>
      tpu.enqueue_dma source(%dma_start3A_684 : memref<8x8x128xf32, #tpu.memory_space<vmem>>) target(%dma_start3A_679 : memref<8x8x128xf32, #tpu.memory_space<hbm>>) target_semaphore(%dma_start3A_674 : memref<!tpu.dma_semaphore, #tpu.memory_space<semaphore_mem>>)
      %add3A_685 = arith.constant 3 : i32
      %add3A_686 = arith.addi %add3A_400, %add3A_685 : i32
      %dma_wait3A_687 = arith.constant 3 : i32
      %dma_wait3A_688 = arith.constant 3 : i32
      %dma_wait3A_689 = arith.constant 0 : i32
      %dma_wait3A_690 = arith.constant 0 : i32
      %dma_wait3A_691 = tpu.memref_slice %arg6[%dma_wait3A_687, %dma_wait3A_689, %dma_wait3A_690] : memref<8x128x64xf32, #tpu.memory_space<vmem>> -> memref<1x128x64xf32, #tpu.memory_space<vmem>>
      %dma_wait3A_692 = tpu.memref_squeeze %dma_wait3A_691 : memref<1x128x64xf32, #tpu.memory_space<vmem>> -> memref<128x64xf32, #tpu.memory_space<vmem>>
      %dma_wait3A_693 = arith.constant 0 : i32
      %dma_wait3A_694 = tpu.memref_slice %arg5[%add3A_686, %dma_wait3A_693] : memref<200x128xi32, #tpu.memory_space<vmem>> -> memref<1x128xi32, #tpu.memory_space<vmem>>
      %dma_wait3A_695 = tpu.memref_squeeze %dma_wait3A_694 : memref<1x128xi32, #tpu.memory_space<vmem>> -> memref<128xi32, #tpu.memory_space<vmem>>
      %dma_wait3A_696 = arith.constant 0 : i32
      %dma_wait3A_697 = arith.constant 0 : i32
      %dma_wait3A_698 = tpu.memref_slice %arg3[%dma_wait3A_696, %dma_wait3A_697] : memref<1000000x64xf32, #tpu.memory_space<hbm>> -> memref<1000000x64xf32, #tpu.memory_space<hbm>>
      %dma_wait3A_699 = tpu.memref_slice %arg8[%dma_wait3A_688] : memref<8x!tpu.dma_semaphore, #tpu.memory_space<semaphore_mem>> -> memref<1x!tpu.dma_semaphore, #tpu.memory_space<semaphore_mem>>
      %dma_wait3A_700 = tpu.memref_squeeze %dma_wait3A_699 : memref<1x!tpu.dma_semaphore, #tpu.memory_space<semaphore_mem>> -> memref<!tpu.dma_semaphore, #tpu.memory_space<semaphore_mem>>
      tpu.wait_indirect_dma semaphore(%dma_wait3A_700 : memref<!tpu.dma_semaphore, #tpu.memory_space<semaphore_mem>>) src(%dma_wait3A_698 : memref<1000000x64xf32, #tpu.memory_space<hbm>>) dst(%dma_wait3A_692 : memref<128x64xf32, #tpu.memory_space<vmem>>)
      %add3A_701 = arith.constant 6 : i32
      %add3A_702 = arith.addi %add3A_686, %add3A_701 : i32
      %lt3A_703 = arith.constant 200 : i32
      %lt3A_704 = arith.cmpi slt, %add3A_702, %lt3A_703 : i32
      %convert_element_type3A_705 = arith.extui %lt3A_704 : i1 to i32
      %cond3A_706 = arith.constant 0 : i32
      %cond3A_707 = arith.cmpi ne, %convert_element_type3A_705, %cond3A_706 : i32
      scf.if %cond3A_707 {
        %add3A_1165 = arith.constant 6 : i32
        %add3A_1166 = arith.addi %add3A_686, %add3A_1165 : i32
        %dma_start3A_1167 = arith.constant 1 : i32
        %dma_start3A_1168 = arith.constant 1 : i32
        %dma_start3A_1169 = arith.constant 0 : i32
        %dma_start3A_1170 = arith.constant 0 : i32
        %dma_start3A_1171 = tpu.memref_slice %arg6[%dma_start3A_1167, %dma_start3A_1169, %dma_start3A_1170] : memref<8x128x64xf32, #tpu.memory_space<vmem>> -> memref<1x128x64xf32, #tpu.memory_space<vmem>>
        %dma_start3A_1172 = tpu.memref_squeeze %dma_start3A_1171 : memref<1x128x64xf32, #tpu.memory_space<vmem>> -> memref<128x64xf32, #tpu.memory_space<vmem>>
        %dma_start3A_1173 = arith.constant 0 : i32
        %dma_start3A_1174 = tpu.memref_slice %arg5[%add3A_1166, %dma_start3A_1173] : memref<200x128xi32, #tpu.memory_space<vmem>> -> memref<1x128xi32, #tpu.memory_space<vmem>>
        %dma_start3A_1175 = tpu.memref_squeeze %dma_start3A_1174 : memref<1x128xi32, #tpu.memory_space<vmem>> -> memref<128xi32, #tpu.memory_space<vmem>>
        %dma_start3A_1176 = arith.constant 0 : i32
        %dma_start3A_1177 = arith.constant 0 : i32
        %dma_start3A_1178 = tpu.memref_slice %arg3[%dma_start3A_1176, %dma_start3A_1177] : memref<1000000x64xf32, #tpu.memory_space<hbm>> -> memref<1000000x64xf32, #tpu.memory_space<hbm>>
        %dma_start3A_1179 = tpu.memref_slice %arg8[%dma_start3A_1168] : memref<8x!tpu.dma_semaphore, #tpu.memory_space<semaphore_mem>> -> memref<1x!tpu.dma_semaphore, #tpu.memory_space<semaphore_mem>>
        %dma_start3A_1180 = tpu.memref_squeeze %dma_start3A_1179 : memref<1x!tpu.dma_semaphore, #tpu.memory_space<semaphore_mem>> -> memref<!tpu.dma_semaphore, #tpu.memory_space<semaphore_mem>>
        tpu.enqueue_indirect_dma source(%dma_start3A_1178 : memref<1000000x64xf32, #tpu.memory_space<hbm>>) target(%dma_start3A_1172 : memref<128x64xf32, #tpu.memory_space<vmem>>) offsets(%dma_start3A_1175 : memref<128xi32, #tpu.memory_space<vmem>>) semaphore(%dma_start3A_1180 : memref<!tpu.dma_semaphore, #tpu.memory_space<semaphore_mem>>)
      } else {
      }
      %ge3A_708 = arith.constant 4 : i32
      %ge3A_709 = arith.cmpi sge, %add3A_686, %ge3A_708 : i32
      %convert_element_type3A_710 = arith.extui %ge3A_709 : i1 to i32
      %cond3A_711 = arith.constant 0 : i32
      %cond3A_712 = arith.cmpi ne, %convert_element_type3A_710, %cond3A_711 : i32
      scf.if %cond3A_712 {
        %sub3A_1165 = arith.constant 4 : i32
        %sub3A_1166 = arith.subi %add3A_686, %sub3A_1165 : i32
        %add3A_1167 = arith.addi %mul3A_2, %sub3A_1166 : i32
        %jit3A_1168 = arith.constant 128 : i32
        %div3A_1169 = arith.divsi %add3A_1167, %jit3A_1168 : i32
        %sign3A_1170 = arith.constant 0 : i32
        %sign3A_1171 = arith.cmpi sgt, %add3A_1167, %sign3A_1170 : i32
        %sign3A_1172 = arith.extui %sign3A_1171 : i1 to i32
        %sign3A_1173 = arith.constant 0 : i32
        %sign3A_1174 = arith.cmpi slt, %add3A_1167, %sign3A_1173 : i32
        %sign3A_1175 = arith.extui %sign3A_1174 : i1 to i32
        %sign3A_1176 = arith.subi %sign3A_1172, %sign3A_1175 : i32
        %sign3A_1177 = arith.constant 0 : i32
        %sign3A_1178 = arith.cmpi sgt, %jit3A_1168, %sign3A_1177 : i32
        %sign3A_1179 = arith.extui %sign3A_1178 : i1 to i32
        %sign3A_1180 = arith.constant 0 : i32
        %sign3A_1181 = arith.cmpi slt, %jit3A_1168, %sign3A_1180 : i32
        %sign3A_1182 = arith.extui %sign3A_1181 : i1 to i32
        %sign3A_1183 = arith.subi %sign3A_1179, %sign3A_1182 : i32
        %ne3A_1184 = arith.cmpi ne, %sign3A_1176, %sign3A_1183 : i32
        %rem3A_1185 = arith.remsi %add3A_1167, %jit3A_1168 : i32
        %ne3A_1186 = arith.constant 0 : i32
        %ne3A_1187 = arith.cmpi ne, %rem3A_1185, %ne3A_1186 : i32
        %and3A_1188 = arith.andi %ne3A_1184, %ne3A_1187 : i1
        %sub3A_1189 = arith.constant 1 : i32
        %sub3A_1190 = arith.subi %div3A_1169, %sub3A_1189 : i32
        %select_n3A_1191 = arith.select %and3A_1188, %sub3A_1190, %div3A_1169 : i32
        %jit3A_1192 = arith.constant 128 : i32
        %eq3A_1193 = arith.constant 0 : i32
        %eq3A_1194 = arith.cmpi eq, %jit3A_1192, %eq3A_1193 : i32
        %jit3A_1195 = arith.constant 1 : i32
        %select_n3A_1196 = arith.select %eq3A_1194, %jit3A_1195, %jit3A_1192 : i32
        %rem3A_1197 = arith.remsi %add3A_1167, %select_n3A_1196 : i32
        %ne3A_1198 = arith.constant 0 : i32
        %ne3A_1199 = arith.cmpi ne, %rem3A_1197, %ne3A_1198 : i32
        %lt3A_1200 = arith.constant 0 : i32
        %lt3A_1201 = arith.cmpi slt, %rem3A_1197, %lt3A_1200 : i32
        %lt3A_1202 = arith.constant 0 : i32
        %lt3A_1203 = arith.cmpi slt, %select_n3A_1196, %lt3A_1202 : i32
        %ne3A_1204 = arith.xori %lt3A_1201, %lt3A_1203 : i1
        %and3A_1205 = arith.andi %ne3A_1204, %ne3A_1199 : i1
        %add3A_1206 = arith.addi %rem3A_1197, %select_n3A_1196 : i32
        %select_n3A_1207 = arith.select %and3A_1205, %add3A_1206, %rem3A_1197 : i32
        %dma_wait3A_1208 = arith.constant 3 : i32
        %dma_wait3A_1209 = arith.constant 3 : i32
        %dma_wait3A_1210 = arith.constant 0 : i32
        %dma_wait3A_1211 = arith.constant 0 : i32
        %dma_wait3A_1212 = arith.constant 0 : i32
        %dma_wait3A_1213 = tpu.memref_slice %arg7[%dma_wait3A_1208, %dma_wait3A_1210, %dma_wait3A_1211, %dma_wait3A_1212] : memref<4x8x8x129xf32, #tpu.memory_space<vmem>> -> memref<1x8x8x128xf32, #tpu.memory_space<vmem>>
        %dma_wait3A_1214 = tpu.memref_squeeze %dma_wait3A_1213 : memref<1x8x8x128xf32, #tpu.memory_space<vmem>> -> memref<8x8x128xf32, #tpu.memory_space<vmem>>
        %dma_wait3A_1215 = arith.constant 0 : i32
        %dma_wait3A_1216 = arith.constant 0 : i32
        %dma_wait3A_1217 = arith.constant 0 : i32
        %dma_wait3A_1218 = tpu.memref_slice %arg4[%select_n3A_1191, %dma_wait3A_1215, %select_n3A_1207, %dma_wait3A_1216, %dma_wait3A_1217] : memref<50x8x128x8x128xf32, #tpu.memory_space<hbm>> -> memref<1x8x1x8x128xf32, #tpu.memory_space<hbm>>
        %dma_wait3A_1219 = tpu.memref_squeeze %dma_wait3A_1218 : memref<1x8x1x8x128xf32, #tpu.memory_space<hbm>> -> memref<8x8x128xf32, #tpu.memory_space<hbm>>
        %dma_wait3A_1220 = tpu.memref_slice %arg9[%dma_wait3A_1209] : memref<4x!tpu.dma_semaphore, #tpu.memory_space<semaphore_mem>> -> memref<1x!tpu.dma_semaphore, #tpu.memory_space<semaphore_mem>>
        %dma_wait3A_1221 = tpu.memref_squeeze %dma_wait3A_1220 : memref<1x!tpu.dma_semaphore, #tpu.memory_space<semaphore_mem>> -> memref<!tpu.dma_semaphore, #tpu.memory_space<semaphore_mem>>
        %dma_wait3A_1222 = arith.constant 0 : i32
        %dma_wait3A_1223 = arith.constant 0 : i32
        %dma_wait3A_1224 = arith.constant 0 : i32
        %dma_wait3A_1225 = tpu.memref_slice %arg4[%select_n3A_1191, %dma_wait3A_1222, %select_n3A_1207, %dma_wait3A_1223, %dma_wait3A_1224] : memref<50x8x128x8x128xf32, #tpu.memory_space<hbm>> -> memref<1x8x1x8x128xf32, #tpu.memory_space<hbm>>
        %dma_wait3A_1226 = tpu.memref_squeeze %dma_wait3A_1225 : memref<1x8x1x8x128xf32, #tpu.memory_space<hbm>> -> memref<8x8x128xf32, #tpu.memory_space<hbm>>
        %dma_wait3A_1227 = arith.constant 0 : i32
        %dma_wait3A_1228 = arith.constant 0 : i32
        %dma_wait3A_1229 = arith.constant 0 : i32
        %dma_wait3A_1230 = tpu.memref_slice %arg7[%dma_wait3A_1208, %dma_wait3A_1227, %dma_wait3A_1228, %dma_wait3A_1229] : memref<4x8x8x129xf32, #tpu.memory_space<vmem>> -> memref<1x8x8x128xf32, #tpu.memory_space<vmem>>
        %dma_wait3A_1231 = tpu.memref_squeeze %dma_wait3A_1230 : memref<1x8x8x128xf32, #tpu.memory_space<vmem>> -> memref<8x8x128xf32, #tpu.memory_space<vmem>>
        tpu.wait_dma2 semaphore(%dma_wait3A_1221 : memref<!tpu.dma_semaphore, #tpu.memory_space<semaphore_mem>>) src(%dma_wait3A_1231 : memref<8x8x128xf32, #tpu.memory_space<vmem>>) dst(%dma_wait3A_1226 : memref<8x8x128xf32, #tpu.memory_space<hbm>>)
      } else {
      }
      %parallel_loop3A_713 = arith.constant 0 : i32
      %parallel_loop3A_714 = arith.constant 128 : i32
      %parallel_loop3A_715 = arith.constant 1 : i32
      scf.for %parallel_loop3A_1165 = %parallel_loop3A_713 to %parallel_loop3A_714 step %parallel_loop3A_715  : i32 {
        %parallel_loop3A_1166 = vector.broadcast %parallel_loop3A_1165 : i32 to vector<16xi32>
        %parallel_loop3A_1167 = arith.constant 3 : i32
        %parallel_loop3A_1168 = arith.index_cast %parallel_loop3A_1167 : i32 to index
        %parallel_loop3A_1169 = arith.index_cast %parallel_loop3A_1165 : i32 to index
        %parallel_loop3A_1170 = arith.constant 0 : index
        %parallel_loop3A_1171 = tpu.vector_load %arg6[%parallel_loop3A_1168, %parallel_loop3A_1169, %parallel_loop3A_1170] {strides = array<i32>} : memref<8x128x64xf32, #tpu.memory_space<vmem>>, vector<16xf32>,
        %parallel_loop3A_1172 = arith.constant 3 : i32
        %parallel_loop3A_1173 = arith.constant 0 : i32
        %parallel_loop3A_1174 = arith.constant 0 : i32
        %parallel_loop3A_1175 = arith.constant 0 : i32
        %parallel_loop3A_1176 = tpu.memref_slice %arg7[%parallel_loop3A_1172, %parallel_loop3A_1173, %parallel_loop3A_1174, %parallel_loop3A_1175] : memref<4x8x8x129xf32, #tpu.memory_space<vmem>> -> memref<1x8x8x129xf32, #tpu.memory_space<vmem>>
        %parallel_loop3A_1177 = tpu.memref_squeeze %parallel_loop3A_1176 : memref<1x8x8x129xf32, #tpu.memory_space<vmem>> -> memref<8x8x129xf32, #tpu.memory_space<vmem>>
        tpu.vector_store_idx %parallel_loop3A_1177[%shift_right_arithmetic3A_7, %and3A_30, %parallel_loop3A_1166], %parallel_loop3A_1171 : memref<8x8x129xf32, #tpu.memory_space<vmem>>[vector<16xi32>, vector<16xi32>, vector<16xi32>], vector<16xf32>,
        %parallel_loop3A_1178 = arith.constant 3 : i32
        %parallel_loop3A_1179 = arith.index_cast %parallel_loop3A_1178 : i32 to index
        %parallel_loop3A_1180 = arith.index_cast %parallel_loop3A_1165 : i32 to index
        %parallel_loop3A_1181 = arith.constant 16 : index
        %parallel_loop3A_1182 = tpu.vector_load %arg6[%parallel_loop3A_1179, %parallel_loop3A_1180, %parallel_loop3A_1181] {strides = array<i32>} : memref<8x128x64xf32, #tpu.memory_space<vmem>>, vector<16xf32>,
        %parallel_loop3A_1183 = arith.constant 3 : i32
        %parallel_loop3A_1184 = arith.constant 0 : i32
        %parallel_loop3A_1185 = arith.constant 0 : i32
        %parallel_loop3A_1186 = arith.constant 0 : i32
        %parallel_loop3A_1187 = tpu.memref_slice %arg7[%parallel_loop3A_1183, %parallel_loop3A_1184, %parallel_loop3A_1185, %parallel_loop3A_1186] : memref<4x8x8x129xf32, #tpu.memory_space<vmem>> -> memref<1x8x8x129xf32, #tpu.memory_space<vmem>>
        %parallel_loop3A_1188 = tpu.memref_squeeze %parallel_loop3A_1187 : memref<1x8x8x129xf32, #tpu.memory_space<vmem>> -> memref<8x8x129xf32, #tpu.memory_space<vmem>>
        tpu.vector_store_idx %parallel_loop3A_1188[%shift_right_arithmetic3A_13, %and3A_36, %parallel_loop3A_1166], %parallel_loop3A_1182 : memref<8x8x129xf32, #tpu.memory_space<vmem>>[vector<16xi32>, vector<16xi32>, vector<16xi32>], vector<16xf32>,
        %parallel_loop3A_1189 = arith.constant 3 : i32
        %parallel_loop3A_1190 = arith.index_cast %parallel_loop3A_1189 : i32 to index
        %parallel_loop3A_1191 = arith.index_cast %parallel_loop3A_1165 : i32 to index
        %parallel_loop3A_1192 = arith.constant 32 : index
        %parallel_loop3A_1193 = tpu.vector_load %arg6[%parallel_loop3A_1190, %parallel_loop3A_1191, %parallel_loop3A_1192] {strides = array<i32>} : memref<8x128x64xf32, #tpu.memory_space<vmem>>, vector<16xf32>,
        %parallel_loop3A_1194 = arith.constant 3 : i32
        %parallel_loop3A_1195 = arith.constant 0 : i32
        %parallel_loop3A_1196 = arith.constant 0 : i32
        %parallel_loop3A_1197 = arith.constant 0 : i32
        %parallel_loop3A_1198 = tpu.memref_slice %arg7[%parallel_loop3A_1194, %parallel_loop3A_1195, %parallel_loop3A_1196, %parallel_loop3A_1197] : memref<4x8x8x129xf32, #tpu.memory_space<vmem>> -> memref<1x8x8x129xf32, #tpu.memory_space<vmem>>
        %parallel_loop3A_1199 = tpu.memref_squeeze %parallel_loop3A_1198 : memref<1x8x8x129xf32, #tpu.memory_space<vmem>> -> memref<8x8x129xf32, #tpu.memory_space<vmem>>
        tpu.vector_store_idx %parallel_loop3A_1199[%shift_right_arithmetic3A_19, %and3A_42, %parallel_loop3A_1166], %parallel_loop3A_1193 : memref<8x8x129xf32, #tpu.memory_space<vmem>>[vector<16xi32>, vector<16xi32>, vector<16xi32>], vector<16xf32>,
        %parallel_loop3A_1200 = arith.constant 3 : i32
        %parallel_loop3A_1201 = arith.index_cast %parallel_loop3A_1200 : i32 to index
        %parallel_loop3A_1202 = arith.index_cast %parallel_loop3A_1165 : i32 to index
        %parallel_loop3A_1203 = arith.constant 48 : index
        %parallel_loop3A_1204 = tpu.vector_load %arg6[%parallel_loop3A_1201, %parallel_loop3A_1202, %parallel_loop3A_1203] {strides = array<i32>} : memref<8x128x64xf32, #tpu.memory_space<vmem>>, vector<16xf32>,
        %parallel_loop3A_1205 = arith.constant 3 : i32
        %parallel_loop3A_1206 = arith.constant 0 : i32
        %parallel_loop3A_1207 = arith.constant 0 : i32
        %parallel_loop3A_1208 = arith.constant 0 : i32
        %parallel_loop3A_1209 = tpu.memref_slice %arg7[%parallel_loop3A_1205, %parallel_loop3A_1206, %parallel_loop3A_1207, %parallel_loop3A_1208] : memref<4x8x8x129xf32, #tpu.memory_space<vmem>> -> memref<1x8x8x129xf32, #tpu.memory_space<vmem>>
        %parallel_loop3A_1210 = tpu.memref_squeeze %parallel_loop3A_1209 : memref<1x8x8x129xf32, #tpu.memory_space<vmem>> -> memref<8x8x129xf32, #tpu.memory_space<vmem>>
        tpu.vector_store_idx %parallel_loop3A_1210[%shift_right_arithmetic3A_25, %and3A_48, %parallel_loop3A_1166], %parallel_loop3A_1204 : memref<8x8x129xf32, #tpu.memory_space<vmem>>[vector<16xi32>, vector<16xi32>, vector<16xi32>], vector<16xf32>,
      } {sc.loop_unroll_factor = 8 : i64, sc.parallel_access}
      %add3A_716 = arith.addi %mul3A_2, %add3A_686 : i32
      %jit3A_717 = arith.constant 128 : i32
      %div3A_718 = arith.divsi %add3A_716, %jit3A_717 : i32
      %sign3A_719 = arith.constant 0 : i32
      %sign3A_720 = arith.cmpi sgt, %add3A_716, %sign3A_719 : i32
      %sign3A_721 = arith.extui %sign3A_720 : i1 to i32
      %sign3A_722 = arith.constant 0 : i32
      %sign3A_723 = arith.cmpi slt, %add3A_716, %sign3A_722 : i32
      %sign3A_724 = arith.extui %sign3A_723 : i1 to i32
      %sign3A_725 = arith.subi %sign3A_721, %sign3A_724 : i32
      %sign3A_726 = arith.constant 0 : i32
      %sign3A_727 = arith.cmpi sgt, %jit3A_717, %sign3A_726 : i32
      %sign3A_728 = arith.extui %sign3A_727 : i1 to i32
      %sign3A_729 = arith.constant 0 : i32
      %sign3A_730 = arith.cmpi slt, %jit3A_717, %sign3A_729 : i32
      %sign3A_731 = arith.extui %sign3A_730 : i1 to i32
      %sign3A_732 = arith.subi %sign3A_728, %sign3A_731 : i32
      %ne3A_733 = arith.cmpi ne, %sign3A_725, %sign3A_732 : i32
      %rem3A_734 = arith.remsi %add3A_716, %jit3A_717 : i32
      %ne3A_735 = arith.constant 0 : i32
      %ne3A_736 = arith.cmpi ne, %rem3A_734, %ne3A_735 : i32
      %and3A_737 = arith.andi %ne3A_733, %ne3A_736 : i1
      %sub3A_738 = arith.constant 1 : i32
      %sub3A_739 = arith.subi %div3A_718, %sub3A_738 : i32
      %select_n3A_740 = arith.select %and3A_737, %sub3A_739, %div3A_718 : i32
      %jit3A_741 = arith.constant 128 : i32
      %eq3A_742 = arith.constant 0 : i32
      %eq3A_743 = arith.cmpi eq, %jit3A_741, %eq3A_742 : i32
      %jit3A_744 = arith.constant 1 : i32
      %select_n3A_745 = arith.select %eq3A_743, %jit3A_744, %jit3A_741 : i32
      %rem3A_746 = arith.remsi %add3A_716, %select_n3A_745 : i32
      %ne3A_747 = arith.constant 0 : i32
      %ne3A_748 = arith.cmpi ne, %rem3A_746, %ne3A_747 : i32
      %lt3A_749 = arith.constant 0 : i32
      %lt3A_750 = arith.cmpi slt, %rem3A_746, %lt3A_749 : i32
      %lt3A_751 = arith.constant 0 : i32
      %lt3A_752 = arith.cmpi slt, %select_n3A_745, %lt3A_751 : i32
      %ne3A_753 = arith.xori %lt3A_750, %lt3A_752 : i1
      %and3A_754 = arith.andi %ne3A_753, %ne3A_748 : i1
      %add3A_755 = arith.addi %rem3A_746, %select_n3A_745 : i32
      %select_n3A_756 = arith.select %and3A_754, %add3A_755, %rem3A_746 : i32
      %dma_start3A_757 = arith.constant 3 : i32
      %dma_start3A_758 = arith.constant 3 : i32
      %dma_start3A_759 = arith.constant 0 : i32
      %dma_start3A_760 = arith.constant 0 : i32
      %dma_start3A_761 = arith.constant 0 : i32
      %dma_start3A_762 = tpu.memref_slice %arg7[%dma_start3A_757, %dma_start3A_759, %dma_start3A_760, %dma_start3A_761] : memref<4x8x8x129xf32, #tpu.memory_space<vmem>> -> memref<1x8x8x128xf32, #tpu.memory_space<vmem>>
      %dma_start3A_763 = tpu.memref_squeeze %dma_start3A_762 : memref<1x8x8x128xf32, #tpu.memory_space<vmem>> -> memref<8x8x128xf32, #tpu.memory_space<vmem>>
      %dma_start3A_764 = arith.constant 0 : i32
      %dma_start3A_765 = arith.constant 0 : i32
      %dma_start3A_766 = arith.constant 0 : i32
      %dma_start3A_767 = tpu.memref_slice %arg4[%select_n3A_740, %dma_start3A_764, %select_n3A_756, %dma_start3A_765, %dma_start3A_766] : memref<50x8x128x8x128xf32, #tpu.memory_space<hbm>> -> memref<1x8x1x8x128xf32, #tpu.memory_space<hbm>>
      %dma_start3A_768 = tpu.memref_squeeze %dma_start3A_767 : memref<1x8x1x8x128xf32, #tpu.memory_space<hbm>> -> memref<8x8x128xf32, #tpu.memory_space<hbm>>
      %dma_start3A_769 = tpu.memref_slice %arg9[%dma_start3A_758] : memref<4x!tpu.dma_semaphore, #tpu.memory_space<semaphore_mem>> -> memref<1x!tpu.dma_semaphore, #tpu.memory_space<semaphore_mem>>
      %dma_start3A_770 = tpu.memref_squeeze %dma_start3A_769 : memref<1x!tpu.dma_semaphore, #tpu.memory_space<semaphore_mem>> -> memref<!tpu.dma_semaphore, #tpu.memory_space<semaphore_mem>>
      %dma_start3A_771 = arith.constant 0 : i32
      %dma_start3A_772 = arith.constant 0 : i32
      %dma_start3A_773 = arith.constant 0 : i32
      %dma_start3A_774 = tpu.memref_slice %arg4[%select_n3A_740, %dma_start3A_771, %select_n3A_756, %dma_start3A_772, %dma_start3A_773] : memref<50x8x128x8x128xf32, #tpu.memory_space<hbm>> -> memref<1x8x1x8x128xf32, #tpu.memory_space<hbm>>
      %dma_start3A_775 = tpu.memref_squeeze %dma_start3A_774 : memref<1x8x1x8x128xf32, #tpu.memory_space<hbm>> -> memref<8x8x128xf32, #tpu.memory_space<hbm>>
      %dma_start3A_776 = arith.constant 0 : i32
      %dma_start3A_777 = arith.constant 0 : i32
      %dma_start3A_778 = arith.constant 0 : i32
      %dma_start3A_779 = tpu.memref_slice %arg7[%dma_start3A_757, %dma_start3A_776, %dma_start3A_777, %dma_start3A_778] : memref<4x8x8x129xf32, #tpu.memory_space<vmem>> -> memref<1x8x8x128xf32, #tpu.memory_space<vmem>>
      %dma_start3A_780 = tpu.memref_squeeze %dma_start3A_779 : memref<1x8x8x128xf32, #tpu.memory_space<vmem>> -> memref<8x8x128xf32, #tpu.memory_space<vmem>>
      tpu.enqueue_dma source(%dma_start3A_780 : memref<8x8x128xf32, #tpu.memory_space<vmem>>) target(%dma_start3A_775 : memref<8x8x128xf32, #tpu.memory_space<hbm>>) target_semaphore(%dma_start3A_770 : memref<!tpu.dma_semaphore, #tpu.memory_space<semaphore_mem>>)
      %add3A_781 = arith.constant 4 : i32
      %add3A_782 = arith.addi %add3A_400, %add3A_781 : i32
      %dma_wait3A_783 = arith.constant 4 : i32
      %dma_wait3A_784 = arith.constant 4 : i32
      %dma_wait3A_785 = arith.constant 0 : i32
      %dma_wait3A_786 = arith.constant 0 : i32
      %dma_wait3A_787 = tpu.memref_slice %arg6[%dma_wait3A_783, %dma_wait3A_785, %dma_wait3A_786] : memref<8x128x64xf32, #tpu.memory_space<vmem>> -> memref<1x128x64xf32, #tpu.memory_space<vmem>>
      %dma_wait3A_788 = tpu.memref_squeeze %dma_wait3A_787 : memref<1x128x64xf32, #tpu.memory_space<vmem>> -> memref<128x64xf32, #tpu.memory_space<vmem>>
      %dma_wait3A_789 = arith.constant 0 : i32
      %dma_wait3A_790 = tpu.memref_slice %arg5[%add3A_782, %dma_wait3A_789] : memref<200x128xi32, #tpu.memory_space<vmem>> -> memref<1x128xi32, #tpu.memory_space<vmem>>
      %dma_wait3A_791 = tpu.memref_squeeze %dma_wait3A_790 : memref<1x128xi32, #tpu.memory_space<vmem>> -> memref<128xi32, #tpu.memory_space<vmem>>
      %dma_wait3A_792 = arith.constant 0 : i32
      %dma_wait3A_793 = arith.constant 0 : i32
      %dma_wait3A_794 = tpu.memref_slice %arg3[%dma_wait3A_792, %dma_wait3A_793] : memref<1000000x64xf32, #tpu.memory_space<hbm>> -> memref<1000000x64xf32, #tpu.memory_space<hbm>>
      %dma_wait3A_795 = tpu.memref_slice %arg8[%dma_wait3A_784] : memref<8x!tpu.dma_semaphore, #tpu.memory_space<semaphore_mem>> -> memref<1x!tpu.dma_semaphore, #tpu.memory_space<semaphore_mem>>
      %dma_wait3A_796 = tpu.memref_squeeze %dma_wait3A_795 : memref<1x!tpu.dma_semaphore, #tpu.memory_space<semaphore_mem>> -> memref<!tpu.dma_semaphore, #tpu.memory_space<semaphore_mem>>
      tpu.wait_indirect_dma semaphore(%dma_wait3A_796 : memref<!tpu.dma_semaphore, #tpu.memory_space<semaphore_mem>>) src(%dma_wait3A_794 : memref<1000000x64xf32, #tpu.memory_space<hbm>>) dst(%dma_wait3A_788 : memref<128x64xf32, #tpu.memory_space<vmem>>)
      %add3A_797 = arith.constant 6 : i32
      %add3A_798 = arith.addi %add3A_782, %add3A_797 : i32
      %lt3A_799 = arith.constant 200 : i32
      %lt3A_800 = arith.cmpi slt, %add3A_798, %lt3A_799 : i32
      %convert_element_type3A_801 = arith.extui %lt3A_800 : i1 to i32
      %cond3A_802 = arith.constant 0 : i32
      %cond3A_803 = arith.cmpi ne, %convert_element_type3A_801, %cond3A_802 : i32
      scf.if %cond3A_803 {
        %add3A_1165 = arith.constant 6 : i32
        %add3A_1166 = arith.addi %add3A_782, %add3A_1165 : i32
        %dma_start3A_1167 = arith.constant 2 : i32
        %dma_start3A_1168 = arith.constant 2 : i32
        %dma_start3A_1169 = arith.constant 0 : i32
        %dma_start3A_1170 = arith.constant 0 : i32
        %dma_start3A_1171 = tpu.memref_slice %arg6[%dma_start3A_1167, %dma_start3A_1169, %dma_start3A_1170] : memref<8x128x64xf32, #tpu.memory_space<vmem>> -> memref<1x128x64xf32, #tpu.memory_space<vmem>>
        %dma_start3A_1172 = tpu.memref_squeeze %dma_start3A_1171 : memref<1x128x64xf32, #tpu.memory_space<vmem>> -> memref<128x64xf32, #tpu.memory_space<vmem>>
        %dma_start3A_1173 = arith.constant 0 : i32
        %dma_start3A_1174 = tpu.memref_slice %arg5[%add3A_1166, %dma_start3A_1173] : memref<200x128xi32, #tpu.memory_space<vmem>> -> memref<1x128xi32, #tpu.memory_space<vmem>>
        %dma_start3A_1175 = tpu.memref_squeeze %dma_start3A_1174 : memref<1x128xi32, #tpu.memory_space<vmem>> -> memref<128xi32, #tpu.memory_space<vmem>>
        %dma_start3A_1176 = arith.constant 0 : i32
        %dma_start3A_1177 = arith.constant 0 : i32
        %dma_start3A_1178 = tpu.memref_slice %arg3[%dma_start3A_1176, %dma_start3A_1177] : memref<1000000x64xf32, #tpu.memory_space<hbm>> -> memref<1000000x64xf32, #tpu.memory_space<hbm>>
        %dma_start3A_1179 = tpu.memref_slice %arg8[%dma_start3A_1168] : memref<8x!tpu.dma_semaphore, #tpu.memory_space<semaphore_mem>> -> memref<1x!tpu.dma_semaphore, #tpu.memory_space<semaphore_mem>>
        %dma_start3A_1180 = tpu.memref_squeeze %dma_start3A_1179 : memref<1x!tpu.dma_semaphore, #tpu.memory_space<semaphore_mem>> -> memref<!tpu.dma_semaphore, #tpu.memory_space<semaphore_mem>>
        tpu.enqueue_indirect_dma source(%dma_start3A_1178 : memref<1000000x64xf32, #tpu.memory_space<hbm>>) target(%dma_start3A_1172 : memref<128x64xf32, #tpu.memory_space<vmem>>) offsets(%dma_start3A_1175 : memref<128xi32, #tpu.memory_space<vmem>>) semaphore(%dma_start3A_1180 : memref<!tpu.dma_semaphore, #tpu.memory_space<semaphore_mem>>)
      } else {
      }
      %ge3A_804 = arith.constant 4 : i32
      %ge3A_805 = arith.cmpi sge, %add3A_782, %ge3A_804 : i32
      %convert_element_type3A_806 = arith.extui %ge3A_805 : i1 to i32
      %cond3A_807 = arith.constant 0 : i32
      %cond3A_808 = arith.cmpi ne, %convert_element_type3A_806, %cond3A_807 : i32
      scf.if %cond3A_808 {
        %sub3A_1165 = arith.constant 4 : i32
        %sub3A_1166 = arith.subi %add3A_782, %sub3A_1165 : i32
        %add3A_1167 = arith.addi %mul3A_2, %sub3A_1166 : i32
        %jit3A_1168 = arith.constant 128 : i32
        %div3A_1169 = arith.divsi %add3A_1167, %jit3A_1168 : i32
        %sign3A_1170 = arith.constant 0 : i32
        %sign3A_1171 = arith.cmpi sgt, %add3A_1167, %sign3A_1170 : i32
        %sign3A_1172 = arith.extui %sign3A_1171 : i1 to i32
        %sign3A_1173 = arith.constant 0 : i32
        %sign3A_1174 = arith.cmpi slt, %add3A_1167, %sign3A_1173 : i32
        %sign3A_1175 = arith.extui %sign3A_1174 : i1 to i32
        %sign3A_1176 = arith.subi %sign3A_1172, %sign3A_1175 : i32
        %sign3A_1177 = arith.constant 0 : i32
        %sign3A_1178 = arith.cmpi sgt, %jit3A_1168, %sign3A_1177 : i32
        %sign3A_1179 = arith.extui %sign3A_1178 : i1 to i32
        %sign3A_1180 = arith.constant 0 : i32
        %sign3A_1181 = arith.cmpi slt, %jit3A_1168, %sign3A_1180 : i32
        %sign3A_1182 = arith.extui %sign3A_1181 : i1 to i32
        %sign3A_1183 = arith.subi %sign3A_1179, %sign3A_1182 : i32
        %ne3A_1184 = arith.cmpi ne, %sign3A_1176, %sign3A_1183 : i32
        %rem3A_1185 = arith.remsi %add3A_1167, %jit3A_1168 : i32
        %ne3A_1186 = arith.constant 0 : i32
        %ne3A_1187 = arith.cmpi ne, %rem3A_1185, %ne3A_1186 : i32
        %and3A_1188 = arith.andi %ne3A_1184, %ne3A_1187 : i1
        %sub3A_1189 = arith.constant 1 : i32
        %sub3A_1190 = arith.subi %div3A_1169, %sub3A_1189 : i32
        %select_n3A_1191 = arith.select %and3A_1188, %sub3A_1190, %div3A_1169 : i32
        %jit3A_1192 = arith.constant 128 : i32
        %eq3A_1193 = arith.constant 0 : i32
        %eq3A_1194 = arith.cmpi eq, %jit3A_1192, %eq3A_1193 : i32
        %jit3A_1195 = arith.constant 1 : i32
        %select_n3A_1196 = arith.select %eq3A_1194, %jit3A_1195, %jit3A_1192 : i32
        %rem3A_1197 = arith.remsi %add3A_1167, %select_n3A_1196 : i32
        %ne3A_1198 = arith.constant 0 : i32
        %ne3A_1199 = arith.cmpi ne, %rem3A_1197, %ne3A_1198 : i32
        %lt3A_1200 = arith.constant 0 : i32
        %lt3A_1201 = arith.cmpi slt, %rem3A_1197, %lt3A_1200 : i32
        %lt3A_1202 = arith.constant 0 : i32
        %lt3A_1203 = arith.cmpi slt, %select_n3A_1196, %lt3A_1202 : i32
        %ne3A_1204 = arith.xori %lt3A_1201, %lt3A_1203 : i1
        %and3A_1205 = arith.andi %ne3A_1204, %ne3A_1199 : i1
        %add3A_1206 = arith.addi %rem3A_1197, %select_n3A_1196 : i32
        %select_n3A_1207 = arith.select %and3A_1205, %add3A_1206, %rem3A_1197 : i32
        %dma_wait3A_1208 = arith.constant 0 : i32
        %dma_wait3A_1209 = arith.constant 0 : i32
        %dma_wait3A_1210 = arith.constant 0 : i32
        %dma_wait3A_1211 = arith.constant 0 : i32
        %dma_wait3A_1212 = arith.constant 0 : i32
        %dma_wait3A_1213 = tpu.memref_slice %arg7[%dma_wait3A_1208, %dma_wait3A_1210, %dma_wait3A_1211, %dma_wait3A_1212] : memref<4x8x8x129xf32, #tpu.memory_space<vmem>> -> memref<1x8x8x128xf32, #tpu.memory_space<vmem>>
        %dma_wait3A_1214 = tpu.memref_squeeze %dma_wait3A_1213 : memref<1x8x8x128xf32, #tpu.memory_space<vmem>> -> memref<8x8x128xf32, #tpu.memory_space<vmem>>
        %dma_wait3A_1215 = arith.constant 0 : i32
        %dma_wait3A_1216 = arith.constant 0 : i32
        %dma_wait3A_1217 = arith.constant 0 : i32
        %dma_wait3A_1218 = tpu.memref_slice %arg4[%select_n3A_1191, %dma_wait3A_1215, %select_n3A_1207, %dma_wait3A_1216, %dma_wait3A_1217] : memref<50x8x128x8x128xf32, #tpu.memory_space<hbm>> -> memref<1x8x1x8x128xf32, #tpu.memory_space<hbm>>
        %dma_wait3A_1219 = tpu.memref_squeeze %dma_wait3A_1218 : memref<1x8x1x8x128xf32, #tpu.memory_space<hbm>> -> memref<8x8x128xf32, #tpu.memory_space<hbm>>
        %dma_wait3A_1220 = tpu.memref_slice %arg9[%dma_wait3A_1209] : memref<4x!tpu.dma_semaphore, #tpu.memory_space<semaphore_mem>> -> memref<1x!tpu.dma_semaphore, #tpu.memory_space<semaphore_mem>>
        %dma_wait3A_1221 = tpu.memref_squeeze %dma_wait3A_1220 : memref<1x!tpu.dma_semaphore, #tpu.memory_space<semaphore_mem>> -> memref<!tpu.dma_semaphore, #tpu.memory_space<semaphore_mem>>
        %dma_wait3A_1222 = arith.constant 0 : i32
        %dma_wait3A_1223 = arith.constant 0 : i32
        %dma_wait3A_1224 = arith.constant 0 : i32
        %dma_wait3A_1225 = tpu.memref_slice %arg4[%select_n3A_1191, %dma_wait3A_1222, %select_n3A_1207, %dma_wait3A_1223, %dma_wait3A_1224] : memref<50x8x128x8x128xf32, #tpu.memory_space<hbm>> -> memref<1x8x1x8x128xf32, #tpu.memory_space<hbm>>
        %dma_wait3A_1226 = tpu.memref_squeeze %dma_wait3A_1225 : memref<1x8x1x8x128xf32, #tpu.memory_space<hbm>> -> memref<8x8x128xf32, #tpu.memory_space<hbm>>
        %dma_wait3A_1227 = arith.constant 0 : i32
        %dma_wait3A_1228 = arith.constant 0 : i32
        %dma_wait3A_1229 = arith.constant 0 : i32
        %dma_wait3A_1230 = tpu.memref_slice %arg7[%dma_wait3A_1208, %dma_wait3A_1227, %dma_wait3A_1228, %dma_wait3A_1229] : memref<4x8x8x129xf32, #tpu.memory_space<vmem>> -> memref<1x8x8x128xf32, #tpu.memory_space<vmem>>
        %dma_wait3A_1231 = tpu.memref_squeeze %dma_wait3A_1230 : memref<1x8x8x128xf32, #tpu.memory_space<vmem>> -> memref<8x8x128xf32, #tpu.memory_space<vmem>>
        tpu.wait_dma2 semaphore(%dma_wait3A_1221 : memref<!tpu.dma_semaphore, #tpu.memory_space<semaphore_mem>>) src(%dma_wait3A_1231 : memref<8x8x128xf32, #tpu.memory_space<vmem>>) dst(%dma_wait3A_1226 : memref<8x8x128xf32, #tpu.memory_space<hbm>>)
      } else {
      }
      %parallel_loop3A_809 = arith.constant 0 : i32
      %parallel_loop3A_810 = arith.constant 128 : i32
      %parallel_loop3A_811 = arith.constant 1 : i32
      scf.for %parallel_loop3A_1165 = %parallel_loop3A_809 to %parallel_loop3A_810 step %parallel_loop3A_811  : i32 {
        %parallel_loop3A_1166 = vector.broadcast %parallel_loop3A_1165 : i32 to vector<16xi32>
        %parallel_loop3A_1167 = arith.constant 4 : i32
        %parallel_loop3A_1168 = arith.index_cast %parallel_loop3A_1167 : i32 to index
        %parallel_loop3A_1169 = arith.index_cast %parallel_loop3A_1165 : i32 to index
        %parallel_loop3A_1170 = arith.constant 0 : index
        %parallel_loop3A_1171 = tpu.vector_load %arg6[%parallel_loop3A_1168, %parallel_loop3A_1169, %parallel_loop3A_1170] {strides = array<i32>} : memref<8x128x64xf32, #tpu.memory_space<vmem>>, vector<16xf32>,
        %parallel_loop3A_1172 = arith.constant 0 : i32
        %parallel_loop3A_1173 = arith.constant 0 : i32
        %parallel_loop3A_1174 = arith.constant 0 : i32
        %parallel_loop3A_1175 = arith.constant 0 : i32
        %parallel_loop3A_1176 = tpu.memref_slice %arg7[%parallel_loop3A_1172, %parallel_loop3A_1173, %parallel_loop3A_1174, %parallel_loop3A_1175] : memref<4x8x8x129xf32, #tpu.memory_space<vmem>> -> memref<1x8x8x129xf32, #tpu.memory_space<vmem>>
        %parallel_loop3A_1177 = tpu.memref_squeeze %parallel_loop3A_1176 : memref<1x8x8x129xf32, #tpu.memory_space<vmem>> -> memref<8x8x129xf32, #tpu.memory_space<vmem>>
        tpu.vector_store_idx %parallel_loop3A_1177[%shift_right_arithmetic3A_7, %and3A_30, %parallel_loop3A_1166], %parallel_loop3A_1171 : memref<8x8x129xf32, #tpu.memory_space<vmem>>[vector<16xi32>, vector<16xi32>, vector<16xi32>], vector<16xf32>,
        %parallel_loop3A_1178 = arith.constant 4 : i32
        %parallel_loop3A_1179 = arith.index_cast %parallel_loop3A_1178 : i32 to index
        %parallel_loop3A_1180 = arith.index_cast %parallel_loop3A_1165 : i32 to index
        %parallel_loop3A_1181 = arith.constant 16 : index
        %parallel_loop3A_1182 = tpu.vector_load %arg6[%parallel_loop3A_1179, %parallel_loop3A_1180, %parallel_loop3A_1181] {strides = array<i32>} : memref<8x128x64xf32, #tpu.memory_space<vmem>>, vector<16xf32>,
        %parallel_loop3A_1183 = arith.constant 0 : i32
        %parallel_loop3A_1184 = arith.constant 0 : i32
        %parallel_loop3A_1185 = arith.constant 0 : i32
        %parallel_loop3A_1186 = arith.constant 0 : i32
        %parallel_loop3A_1187 = tpu.memref_slice %arg7[%parallel_loop3A_1183, %parallel_loop3A_1184, %parallel_loop3A_1185, %parallel_loop3A_1186] : memref<4x8x8x129xf32, #tpu.memory_space<vmem>> -> memref<1x8x8x129xf32, #tpu.memory_space<vmem>>
        %parallel_loop3A_1188 = tpu.memref_squeeze %parallel_loop3A_1187 : memref<1x8x8x129xf32, #tpu.memory_space<vmem>> -> memref<8x8x129xf32, #tpu.memory_space<vmem>>
        tpu.vector_store_idx %parallel_loop3A_1188[%shift_right_arithmetic3A_13, %and3A_36, %parallel_loop3A_1166], %parallel_loop3A_1182 : memref<8x8x129xf32, #tpu.memory_space<vmem>>[vector<16xi32>, vector<16xi32>, vector<16xi32>], vector<16xf32>,
        %parallel_loop3A_1189 = arith.constant 4 : i32
        %parallel_loop3A_1190 = arith.index_cast %parallel_loop3A_1189 : i32 to index
        %parallel_loop3A_1191 = arith.index_cast %parallel_loop3A_1165 : i32 to index
        %parallel_loop3A_1192 = arith.constant 32 : index
        %parallel_loop3A_1193 = tpu.vector_load %arg6[%parallel_loop3A_1190, %parallel_loop3A_1191, %parallel_loop3A_1192] {strides = array<i32>} : memref<8x128x64xf32, #tpu.memory_space<vmem>>, vector<16xf32>,
        %parallel_loop3A_1194 = arith.constant 0 : i32
        %parallel_loop3A_1195 = arith.constant 0 : i32
        %parallel_loop3A_1196 = arith.constant 0 : i32
        %parallel_loop3A_1197 = arith.constant 0 : i32
        %parallel_loop3A_1198 = tpu.memref_slice %arg7[%parallel_loop3A_1194, %parallel_loop3A_1195, %parallel_loop3A_1196, %parallel_loop3A_1197] : memref<4x8x8x129xf32, #tpu.memory_space<vmem>> -> memref<1x8x8x129xf32, #tpu.memory_space<vmem>>
        %parallel_loop3A_1199 = tpu.memref_squeeze %parallel_loop3A_1198 : memref<1x8x8x129xf32, #tpu.memory_space<vmem>> -> memref<8x8x129xf32, #tpu.memory_space<vmem>>
        tpu.vector_store_idx %parallel_loop3A_1199[%shift_right_arithmetic3A_19, %and3A_42, %parallel_loop3A_1166], %parallel_loop3A_1193 : memref<8x8x129xf32, #tpu.memory_space<vmem>>[vector<16xi32>, vector<16xi32>, vector<16xi32>], vector<16xf32>,
        %parallel_loop3A_1200 = arith.constant 4 : i32
        %parallel_loop3A_1201 = arith.index_cast %parallel_loop3A_1200 : i32 to index
        %parallel_loop3A_1202 = arith.index_cast %parallel_loop3A_1165 : i32 to index
        %parallel_loop3A_1203 = arith.constant 48 : index
        %parallel_loop3A_1204 = tpu.vector_load %arg6[%parallel_loop3A_1201, %parallel_loop3A_1202, %parallel_loop3A_1203] {strides = array<i32>} : memref<8x128x64xf32, #tpu.memory_space<vmem>>, vector<16xf32>,
        %parallel_loop3A_1205 = arith.constant 0 : i32
        %parallel_loop3A_1206 = arith.constant 0 : i32
        %parallel_loop3A_1207 = arith.constant 0 : i32
        %parallel_loop3A_1208 = arith.constant 0 : i32
        %parallel_loop3A_1209 = tpu.memref_slice %arg7[%parallel_loop3A_1205, %parallel_loop3A_1206, %parallel_loop3A_1207, %parallel_loop3A_1208] : memref<4x8x8x129xf32, #tpu.memory_space<vmem>> -> memref<1x8x8x129xf32, #tpu.memory_space<vmem>>
        %parallel_loop3A_1210 = tpu.memref_squeeze %parallel_loop3A_1209 : memref<1x8x8x129xf32, #tpu.memory_space<vmem>> -> memref<8x8x129xf32, #tpu.memory_space<vmem>>
        tpu.vector_store_idx %parallel_loop3A_1210[%shift_right_arithmetic3A_25, %and3A_48, %parallel_loop3A_1166], %parallel_loop3A_1204 : memref<8x8x129xf32, #tpu.memory_space<vmem>>[vector<16xi32>, vector<16xi32>, vector<16xi32>], vector<16xf32>,
      } {sc.loop_unroll_factor = 8 : i64, sc.parallel_access}
      %add3A_812 = arith.addi %mul3A_2, %add3A_782 : i32
      %jit3A_813 = arith.constant 128 : i32
      %div3A_814 = arith.divsi %add3A_812, %jit3A_813 : i32
      %sign3A_815 = arith.constant 0 : i32
      %sign3A_816 = arith.cmpi sgt, %add3A_812, %sign3A_815 : i32
      %sign3A_817 = arith.extui %sign3A_816 : i1 to i32
      %sign3A_818 = arith.constant 0 : i32
      %sign3A_819 = arith.cmpi slt, %add3A_812, %sign3A_818 : i32
      %sign3A_820 = arith.extui %sign3A_819 : i1 to i32
      %sign3A_821 = arith.subi %sign3A_817, %sign3A_820 : i32
      %sign3A_822 = arith.constant 0 : i32
      %sign3A_823 = arith.cmpi sgt, %jit3A_813, %sign3A_822 : i32
      %sign3A_824 = arith.extui %sign3A_823 : i1 to i32
      %sign3A_825 = arith.constant 0 : i32
      %sign3A_826 = arith.cmpi slt, %jit3A_813, %sign3A_825 : i32
      %sign3A_827 = arith.extui %sign3A_826 : i1 to i32
      %sign3A_828 = arith.subi %sign3A_824, %sign3A_827 : i32
      %ne3A_829 = arith.cmpi ne, %sign3A_821, %sign3A_828 : i32
      %rem3A_830 = arith.remsi %add3A_812, %jit3A_813 : i32
      %ne3A_831 = arith.constant 0 : i32
      %ne3A_832 = arith.cmpi ne, %rem3A_830, %ne3A_831 : i32
      %and3A_833 = arith.andi %ne3A_829, %ne3A_832 : i1
      %sub3A_834 = arith.constant 1 : i32
      %sub3A_835 = arith.subi %div3A_814, %sub3A_834 : i32
      %select_n3A_836 = arith.select %and3A_833, %sub3A_835, %div3A_814 : i32
      %jit3A_837 = arith.constant 128 : i32
      %eq3A_838 = arith.constant 0 : i32
      %eq3A_839 = arith.cmpi eq, %jit3A_837, %eq3A_838 : i32
      %jit3A_840 = arith.constant 1 : i32
      %select_n3A_841 = arith.select %eq3A_839, %jit3A_840, %jit3A_837 : i32
      %rem3A_842 = arith.remsi %add3A_812, %select_n3A_841 : i32
      %ne3A_843 = arith.constant 0 : i32
      %ne3A_844 = arith.cmpi ne, %rem3A_842, %ne3A_843 : i32
      %lt3A_845 = arith.constant 0 : i32
      %lt3A_846 = arith.cmpi slt, %rem3A_842, %lt3A_845 : i32
      %lt3A_847 = arith.constant 0 : i32
      %lt3A_848 = arith.cmpi slt, %select_n3A_841, %lt3A_847 : i32
      %ne3A_849 = arith.xori %lt3A_846, %lt3A_848 : i1
      %and3A_850 = arith.andi %ne3A_849, %ne3A_844 : i1
      %add3A_851 = arith.addi %rem3A_842, %select_n3A_841 : i32
      %select_n3A_852 = arith.select %and3A_850, %add3A_851, %rem3A_842 : i32
      %dma_start3A_853 = arith.constant 0 : i32
      %dma_start3A_854 = arith.constant 0 : i32
      %dma_start3A_855 = arith.constant 0 : i32
      %dma_start3A_856 = arith.constant 0 : i32
      %dma_start3A_857 = arith.constant 0 : i32
      %dma_start3A_858 = tpu.memref_slice %arg7[%dma_start3A_853, %dma_start3A_855, %dma_start3A_856, %dma_start3A_857] : memref<4x8x8x129xf32, #tpu.memory_space<vmem>> -> memref<1x8x8x128xf32, #tpu.memory_space<vmem>>
      %dma_start3A_859 = tpu.memref_squeeze %dma_start3A_858 : memref<1x8x8x128xf32, #tpu.memory_space<vmem>> -> memref<8x8x128xf32, #tpu.memory_space<vmem>>
      %dma_start3A_860 = arith.constant 0 : i32
      %dma_start3A_861 = arith.constant 0 : i32
      %dma_start3A_862 = arith.constant 0 : i32
      %dma_start3A_863 = tpu.memref_slice %arg4[%select_n3A_836, %dma_start3A_860, %select_n3A_852, %dma_start3A_861, %dma_start3A_862] : memref<50x8x128x8x128xf32, #tpu.memory_space<hbm>> -> memref<1x8x1x8x128xf32, #tpu.memory_space<hbm>>
      %dma_start3A_864 = tpu.memref_squeeze %dma_start3A_863 : memref<1x8x1x8x128xf32, #tpu.memory_space<hbm>> -> memref<8x8x128xf32, #tpu.memory_space<hbm>>
      %dma_start3A_865 = tpu.memref_slice %arg9[%dma_start3A_854] : memref<4x!tpu.dma_semaphore, #tpu.memory_space<semaphore_mem>> -> memref<1x!tpu.dma_semaphore, #tpu.memory_space<semaphore_mem>>
      %dma_start3A_866 = tpu.memref_squeeze %dma_start3A_865 : memref<1x!tpu.dma_semaphore, #tpu.memory_space<semaphore_mem>> -> memref<!tpu.dma_semaphore, #tpu.memory_space<semaphore_mem>>
      %dma_start3A_867 = arith.constant 0 : i32
      %dma_start3A_868 = arith.constant 0 : i32
      %dma_start3A_869 = arith.constant 0 : i32
      %dma_start3A_870 = tpu.memref_slice %arg4[%select_n3A_836, %dma_start3A_867, %select_n3A_852, %dma_start3A_868, %dma_start3A_869] : memref<50x8x128x8x128xf32, #tpu.memory_space<hbm>> -> memref<1x8x1x8x128xf32, #tpu.memory_space<hbm>>
      %dma_start3A_871 = tpu.memref_squeeze %dma_start3A_870 : memref<1x8x1x8x128xf32, #tpu.memory_space<hbm>> -> memref<8x8x128xf32, #tpu.memory_space<hbm>>
      %dma_start3A_872 = arith.constant 0 : i32
      %dma_start3A_873 = arith.constant 0 : i32
      %dma_start3A_874 = arith.constant 0 : i32
      %dma_start3A_875 = tpu.memref_slice %arg7[%dma_start3A_853, %dma_start3A_872, %dma_start3A_873, %dma_start3A_874] : memref<4x8x8x129xf32, #tpu.memory_space<vmem>> -> memref<1x8x8x128xf32, #tpu.memory_space<vmem>>
      %dma_start3A_876 = tpu.memref_squeeze %dma_start3A_875 : memref<1x8x8x128xf32, #tpu.memory_space<vmem>> -> memref<8x8x128xf32, #tpu.memory_space<vmem>>
      tpu.enqueue_dma source(%dma_start3A_876 : memref<8x8x128xf32, #tpu.memory_space<vmem>>) target(%dma_start3A_871 : memref<8x8x128xf32, #tpu.memory_space<hbm>>) target_semaphore(%dma_start3A_866 : memref<!tpu.dma_semaphore, #tpu.memory_space<semaphore_mem>>)
      %add3A_877 = arith.constant 5 : i32
      %add3A_878 = arith.addi %add3A_400, %add3A_877 : i32
      %dma_wait3A_879 = arith.constant 5 : i32
      %dma_wait3A_880 = arith.constant 5 : i32
      %dma_wait3A_881 = arith.constant 0 : i32
      %dma_wait3A_882 = arith.constant 0 : i32
      %dma_wait3A_883 = tpu.memref_slice %arg6[%dma_wait3A_879, %dma_wait3A_881, %dma_wait3A_882] : memref<8x128x64xf32, #tpu.memory_space<vmem>> -> memref<1x128x64xf32, #tpu.memory_space<vmem>>
      %dma_wait3A_884 = tpu.memref_squeeze %dma_wait3A_883 : memref<1x128x64xf32, #tpu.memory_space<vmem>> -> memref<128x64xf32, #tpu.memory_space<vmem>>
      %dma_wait3A_885 = arith.constant 0 : i32
      %dma_wait3A_886 = tpu.memref_slice %arg5[%add3A_878, %dma_wait3A_885] : memref<200x128xi32, #tpu.memory_space<vmem>> -> memref<1x128xi32, #tpu.memory_space<vmem>>
      %dma_wait3A_887 = tpu.memref_squeeze %dma_wait3A_886 : memref<1x128xi32, #tpu.memory_space<vmem>> -> memref<128xi32, #tpu.memory_space<vmem>>
      %dma_wait3A_888 = arith.constant 0 : i32
      %dma_wait3A_889 = arith.constant 0 : i32
      %dma_wait3A_890 = tpu.memref_slice %arg3[%dma_wait3A_888, %dma_wait3A_889] : memref<1000000x64xf32, #tpu.memory_space<hbm>> -> memref<1000000x64xf32, #tpu.memory_space<hbm>>
      %dma_wait3A_891 = tpu.memref_slice %arg8[%dma_wait3A_880] : memref<8x!tpu.dma_semaphore, #tpu.memory_space<semaphore_mem>> -> memref<1x!tpu.dma_semaphore, #tpu.memory_space<semaphore_mem>>
      %dma_wait3A_892 = tpu.memref_squeeze %dma_wait3A_891 : memref<1x!tpu.dma_semaphore, #tpu.memory_space<semaphore_mem>> -> memref<!tpu.dma_semaphore, #tpu.memory_space<semaphore_mem>>
      tpu.wait_indirect_dma semaphore(%dma_wait3A_892 : memref<!tpu.dma_semaphore, #tpu.memory_space<semaphore_mem>>) src(%dma_wait3A_890 : memref<1000000x64xf32, #tpu.memory_space<hbm>>) dst(%dma_wait3A_884 : memref<128x64xf32, #tpu.memory_space<vmem>>)
      %add3A_893 = arith.constant 6 : i32
      %add3A_894 = arith.addi %add3A_878, %add3A_893 : i32
      %lt3A_895 = arith.constant 200 : i32
      %lt3A_896 = arith.cmpi slt, %add3A_894, %lt3A_895 : i32
      %convert_element_type3A_897 = arith.extui %lt3A_896 : i1 to i32
      %cond3A_898 = arith.constant 0 : i32
      %cond3A_899 = arith.cmpi ne, %convert_element_type3A_897, %cond3A_898 : i32
      scf.if %cond3A_899 {
        %add3A_1165 = arith.constant 6 : i32
        %add3A_1166 = arith.addi %add3A_878, %add3A_1165 : i32
        %dma_start3A_1167 = arith.constant 3 : i32
        %dma_start3A_1168 = arith.constant 3 : i32
        %dma_start3A_1169 = arith.constant 0 : i32
        %dma_start3A_1170 = arith.constant 0 : i32
        %dma_start3A_1171 = tpu.memref_slice %arg6[%dma_start3A_1167, %dma_start3A_1169, %dma_start3A_1170] : memref<8x128x64xf32, #tpu.memory_space<vmem>> -> memref<1x128x64xf32, #tpu.memory_space<vmem>>
        %dma_start3A_1172 = tpu.memref_squeeze %dma_start3A_1171 : memref<1x128x64xf32, #tpu.memory_space<vmem>> -> memref<128x64xf32, #tpu.memory_space<vmem>>
        %dma_start3A_1173 = arith.constant 0 : i32
        %dma_start3A_1174 = tpu.memref_slice %arg5[%add3A_1166, %dma_start3A_1173] : memref<200x128xi32, #tpu.memory_space<vmem>> -> memref<1x128xi32, #tpu.memory_space<vmem>>
        %dma_start3A_1175 = tpu.memref_squeeze %dma_start3A_1174 : memref<1x128xi32, #tpu.memory_space<vmem>> -> memref<128xi32, #tpu.memory_space<vmem>>
        %dma_start3A_1176 = arith.constant 0 : i32
        %dma_start3A_1177 = arith.constant 0 : i32
        %dma_start3A_1178 = tpu.memref_slice %arg3[%dma_start3A_1176, %dma_start3A_1177] : memref<1000000x64xf32, #tpu.memory_space<hbm>> -> memref<1000000x64xf32, #tpu.memory_space<hbm>>
        %dma_start3A_1179 = tpu.memref_slice %arg8[%dma_start3A_1168] : memref<8x!tpu.dma_semaphore, #tpu.memory_space<semaphore_mem>> -> memref<1x!tpu.dma_semaphore, #tpu.memory_space<semaphore_mem>>
        %dma_start3A_1180 = tpu.memref_squeeze %dma_start3A_1179 : memref<1x!tpu.dma_semaphore, #tpu.memory_space<semaphore_mem>> -> memref<!tpu.dma_semaphore, #tpu.memory_space<semaphore_mem>>
        tpu.enqueue_indirect_dma source(%dma_start3A_1178 : memref<1000000x64xf32, #tpu.memory_space<hbm>>) target(%dma_start3A_1172 : memref<128x64xf32, #tpu.memory_space<vmem>>) offsets(%dma_start3A_1175 : memref<128xi32, #tpu.memory_space<vmem>>) semaphore(%dma_start3A_1180 : memref<!tpu.dma_semaphore, #tpu.memory_space<semaphore_mem>>)
      } else {
      }
      %ge3A_900 = arith.constant 4 : i32
      %ge3A_901 = arith.cmpi sge, %add3A_878, %ge3A_900 : i32
      %convert_element_type3A_902 = arith.extui %ge3A_901 : i1 to i32
      %cond3A_903 = arith.constant 0 : i32
      %cond3A_904 = arith.cmpi ne, %convert_element_type3A_902, %cond3A_903 : i32
      scf.if %cond3A_904 {
        %sub3A_1165 = arith.constant 4 : i32
        %sub3A_1166 = arith.subi %add3A_878, %sub3A_1165 : i32
        %add3A_1167 = arith.addi %mul3A_2, %sub3A_1166 : i32
        %jit3A_1168 = arith.constant 128 : i32
        %div3A_1169 = arith.divsi %add3A_1167, %jit3A_1168 : i32
        %sign3A_1170 = arith.constant 0 : i32
        %sign3A_1171 = arith.cmpi sgt, %add3A_1167, %sign3A_1170 : i32
        %sign3A_1172 = arith.extui %sign3A_1171 : i1 to i32
        %sign3A_1173 = arith.constant 0 : i32
        %sign3A_1174 = arith.cmpi slt, %add3A_1167, %sign3A_1173 : i32
        %sign3A_1175 = arith.extui %sign3A_1174 : i1 to i32
        %sign3A_1176 = arith.subi %sign3A_1172, %sign3A_1175 : i32
        %sign3A_1177 = arith.constant 0 : i32
        %sign3A_1178 = arith.cmpi sgt, %jit3A_1168, %sign3A_1177 : i32
        %sign3A_1179 = arith.extui %sign3A_1178 : i1 to i32
        %sign3A_1180 = arith.constant 0 : i32
        %sign3A_1181 = arith.cmpi slt, %jit3A_1168, %sign3A_1180 : i32
        %sign3A_1182 = arith.extui %sign3A_1181 : i1 to i32
        %sign3A_1183 = arith.subi %sign3A_1179, %sign3A_1182 : i32
        %ne3A_1184 = arith.cmpi ne, %sign3A_1176, %sign3A_1183 : i32
        %rem3A_1185 = arith.remsi %add3A_1167, %jit3A_1168 : i32
        %ne3A_1186 = arith.constant 0 : i32
        %ne3A_1187 = arith.cmpi ne, %rem3A_1185, %ne3A_1186 : i32
        %and3A_1188 = arith.andi %ne3A_1184, %ne3A_1187 : i1
        %sub3A_1189 = arith.constant 1 : i32
        %sub3A_1190 = arith.subi %div3A_1169, %sub3A_1189 : i32
        %select_n3A_1191 = arith.select %and3A_1188, %sub3A_1190, %div3A_1169 : i32
        %jit3A_1192 = arith.constant 128 : i32
        %eq3A_1193 = arith.constant 0 : i32
        %eq3A_1194 = arith.cmpi eq, %jit3A_1192, %eq3A_1193 : i32
        %jit3A_1195 = arith.constant 1 : i32
        %select_n3A_1196 = arith.select %eq3A_1194, %jit3A_1195, %jit3A_1192 : i32
        %rem3A_1197 = arith.remsi %add3A_1167, %select_n3A_1196 : i32
        %ne3A_1198 = arith.constant 0 : i32
        %ne3A_1199 = arith.cmpi ne, %rem3A_1197, %ne3A_1198 : i32
        %lt3A_1200 = arith.constant 0 : i32
        %lt3A_1201 = arith.cmpi slt, %rem3A_1197, %lt3A_1200 : i32
        %lt3A_1202 = arith.constant 0 : i32
        %lt3A_1203 = arith.cmpi slt, %select_n3A_1196, %lt3A_1202 : i32
        %ne3A_1204 = arith.xori %lt3A_1201, %lt3A_1203 : i1
        %and3A_1205 = arith.andi %ne3A_1204, %ne3A_1199 : i1
        %add3A_1206 = arith.addi %rem3A_1197, %select_n3A_1196 : i32
        %select_n3A_1207 = arith.select %and3A_1205, %add3A_1206, %rem3A_1197 : i32
        %dma_wait3A_1208 = arith.constant 1 : i32
        %dma_wait3A_1209 = arith.constant 1 : i32
        %dma_wait3A_1210 = arith.constant 0 : i32
        %dma_wait3A_1211 = arith.constant 0 : i32
        %dma_wait3A_1212 = arith.constant 0 : i32
        %dma_wait3A_1213 = tpu.memref_slice %arg7[%dma_wait3A_1208, %dma_wait3A_1210, %dma_wait3A_1211, %dma_wait3A_1212] : memref<4x8x8x129xf32, #tpu.memory_space<vmem>> -> memref<1x8x8x128xf32, #tpu.memory_space<vmem>>
        %dma_wait3A_1214 = tpu.memref_squeeze %dma_wait3A_1213 : memref<1x8x8x128xf32, #tpu.memory_space<vmem>> -> memref<8x8x128xf32, #tpu.memory_space<vmem>>
        %dma_wait3A_1215 = arith.constant 0 : i32
        %dma_wait3A_1216 = arith.constant 0 : i32
        %dma_wait3A_1217 = arith.constant 0 : i32
        %dma_wait3A_1218 = tpu.memref_slice %arg4[%select_n3A_1191, %dma_wait3A_1215, %select_n3A_1207, %dma_wait3A_1216, %dma_wait3A_1217] : memref<50x8x128x8x128xf32, #tpu.memory_space<hbm>> -> memref<1x8x1x8x128xf32, #tpu.memory_space<hbm>>
        %dma_wait3A_1219 = tpu.memref_squeeze %dma_wait3A_1218 : memref<1x8x1x8x128xf32, #tpu.memory_space<hbm>> -> memref<8x8x128xf32, #tpu.memory_space<hbm>>
        %dma_wait3A_1220 = tpu.memref_slice %arg9[%dma_wait3A_1209] : memref<4x!tpu.dma_semaphore, #tpu.memory_space<semaphore_mem>> -> memref<1x!tpu.dma_semaphore, #tpu.memory_space<semaphore_mem>>
        %dma_wait3A_1221 = tpu.memref_squeeze %dma_wait3A_1220 : memref<1x!tpu.dma_semaphore, #tpu.memory_space<semaphore_mem>> -> memref<!tpu.dma_semaphore, #tpu.memory_space<semaphore_mem>>
        %dma_wait3A_1222 = arith.constant 0 : i32
        %dma_wait3A_1223 = arith.constant 0 : i32
        %dma_wait3A_1224 = arith.constant 0 : i32
        %dma_wait3A_1225 = tpu.memref_slice %arg4[%select_n3A_1191, %dma_wait3A_1222, %select_n3A_1207, %dma_wait3A_1223, %dma_wait3A_1224] : memref<50x8x128x8x128xf32, #tpu.memory_space<hbm>> -> memref<1x8x1x8x128xf32, #tpu.memory_space<hbm>>
        %dma_wait3A_1226 = tpu.memref_squeeze %dma_wait3A_1225 : memref<1x8x1x8x128xf32, #tpu.memory_space<hbm>> -> memref<8x8x128xf32, #tpu.memory_space<hbm>>
        %dma_wait3A_1227 = arith.constant 0 : i32
        %dma_wait3A_1228 = arith.constant 0 : i32
        %dma_wait3A_1229 = arith.constant 0 : i32
        %dma_wait3A_1230 = tpu.memref_slice %arg7[%dma_wait3A_1208, %dma_wait3A_1227, %dma_wait3A_1228, %dma_wait3A_1229] : memref<4x8x8x129xf32, #tpu.memory_space<vmem>> -> memref<1x8x8x128xf32, #tpu.memory_space<vmem>>
        %dma_wait3A_1231 = tpu.memref_squeeze %dma_wait3A_1230 : memref<1x8x8x128xf32, #tpu.memory_space<vmem>> -> memref<8x8x128xf32, #tpu.memory_space<vmem>>
        tpu.wait_dma2 semaphore(%dma_wait3A_1221 : memref<!tpu.dma_semaphore, #tpu.memory_space<semaphore_mem>>) src(%dma_wait3A_1231 : memref<8x8x128xf32, #tpu.memory_space<vmem>>) dst(%dma_wait3A_1226 : memref<8x8x128xf32, #tpu.memory_space<hbm>>)
      } else {
      }
      %parallel_loop3A_905 = arith.constant 0 : i32
      %parallel_loop3A_906 = arith.constant 128 : i32
      %parallel_loop3A_907 = arith.constant 1 : i32
      scf.for %parallel_loop3A_1165 = %parallel_loop3A_905 to %parallel_loop3A_906 step %parallel_loop3A_907  : i32 {
        %parallel_loop3A_1166 = vector.broadcast %parallel_loop3A_1165 : i32 to vector<16xi32>
        %parallel_loop3A_1167 = arith.constant 5 : i32
        %parallel_loop3A_1168 = arith.index_cast %parallel_loop3A_1167 : i32 to index
        %parallel_loop3A_1169 = arith.index_cast %parallel_loop3A_1165 : i32 to index
        %parallel_loop3A_1170 = arith.constant 0 : index
        %parallel_loop3A_1171 = tpu.vector_load %arg6[%parallel_loop3A_1168, %parallel_loop3A_1169, %parallel_loop3A_1170] {strides = array<i32>} : memref<8x128x64xf32, #tpu.memory_space<vmem>>, vector<16xf32>,
        %parallel_loop3A_1172 = arith.constant 1 : i32
        %parallel_loop3A_1173 = arith.constant 0 : i32
        %parallel_loop3A_1174 = arith.constant 0 : i32
        %parallel_loop3A_1175 = arith.constant 0 : i32
        %parallel_loop3A_1176 = tpu.memref_slice %arg7[%parallel_loop3A_1172, %parallel_loop3A_1173, %parallel_loop3A_1174, %parallel_loop3A_1175] : memref<4x8x8x129xf32, #tpu.memory_space<vmem>> -> memref<1x8x8x129xf32, #tpu.memory_space<vmem>>
        %parallel_loop3A_1177 = tpu.memref_squeeze %parallel_loop3A_1176 : memref<1x8x8x129xf32, #tpu.memory_space<vmem>> -> memref<8x8x129xf32, #tpu.memory_space<vmem>>
        tpu.vector_store_idx %parallel_loop3A_1177[%shift_right_arithmetic3A_7, %and3A_30, %parallel_loop3A_1166], %parallel_loop3A_1171 : memref<8x8x129xf32, #tpu.memory_space<vmem>>[vector<16xi32>, vector<16xi32>, vector<16xi32>], vector<16xf32>,
        %parallel_loop3A_1178 = arith.constant 5 : i32
        %parallel_loop3A_1179 = arith.index_cast %parallel_loop3A_1178 : i32 to index
        %parallel_loop3A_1180 = arith.index_cast %parallel_loop3A_1165 : i32 to index
        %parallel_loop3A_1181 = arith.constant 16 : index
        %parallel_loop3A_1182 = tpu.vector_load %arg6[%parallel_loop3A_1179, %parallel_loop3A_1180, %parallel_loop3A_1181] {strides = array<i32>} : memref<8x128x64xf32, #tpu.memory_space<vmem>>, vector<16xf32>,
        %parallel_loop3A_1183 = arith.constant 1 : i32
        %parallel_loop3A_1184 = arith.constant 0 : i32
        %parallel_loop3A_1185 = arith.constant 0 : i32
        %parallel_loop3A_1186 = arith.constant 0 : i32
        %parallel_loop3A_1187 = tpu.memref_slice %arg7[%parallel_loop3A_1183, %parallel_loop3A_1184, %parallel_loop3A_1185, %parallel_loop3A_1186] : memref<4x8x8x129xf32, #tpu.memory_space<vmem>> -> memref<1x8x8x129xf32, #tpu.memory_space<vmem>>
        %parallel_loop3A_1188 = tpu.memref_squeeze %parallel_loop3A_1187 : memref<1x8x8x129xf32, #tpu.memory_space<vmem>> -> memref<8x8x129xf32, #tpu.memory_space<vmem>>
        tpu.vector_store_idx %parallel_loop3A_1188[%shift_right_arithmetic3A_13, %and3A_36, %parallel_loop3A_1166], %parallel_loop3A_1182 : memref<8x8x129xf32, #tpu.memory_space<vmem>>[vector<16xi32>, vector<16xi32>, vector<16xi32>], vector<16xf32>,
        %parallel_loop3A_1189 = arith.constant 5 : i32
        %parallel_loop3A_1190 = arith.index_cast %parallel_loop3A_1189 : i32 to index
        %parallel_loop3A_1191 = arith.index_cast %parallel_loop3A_1165 : i32 to index
        %parallel_loop3A_1192 = arith.constant 32 : index
        %parallel_loop3A_1193 = tpu.vector_load %arg6[%parallel_loop3A_1190, %parallel_loop3A_1191, %parallel_loop3A_1192] {strides = array<i32>} : memref<8x128x64xf32, #tpu.memory_space<vmem>>, vector<16xf32>,
        %parallel_loop3A_1194 = arith.constant 1 : i32
        %parallel_loop3A_1195 = arith.constant 0 : i32
        %parallel_loop3A_1196 = arith.constant 0 : i32
        %parallel_loop3A_1197 = arith.constant 0 : i32
        %parallel_loop3A_1198 = tpu.memref_slice %arg7[%parallel_loop3A_1194, %parallel_loop3A_1195, %parallel_loop3A_1196, %parallel_loop3A_1197] : memref<4x8x8x129xf32, #tpu.memory_space<vmem>> -> memref<1x8x8x129xf32, #tpu.memory_space<vmem>>
        %parallel_loop3A_1199 = tpu.memref_squeeze %parallel_loop3A_1198 : memref<1x8x8x129xf32, #tpu.memory_space<vmem>> -> memref<8x8x129xf32, #tpu.memory_space<vmem>>
        tpu.vector_store_idx %parallel_loop3A_1199[%shift_right_arithmetic3A_19, %and3A_42, %parallel_loop3A_1166], %parallel_loop3A_1193 : memref<8x8x129xf32, #tpu.memory_space<vmem>>[vector<16xi32>, vector<16xi32>, vector<16xi32>], vector<16xf32>,
        %parallel_loop3A_1200 = arith.constant 5 : i32
        %parallel_loop3A_1201 = arith.index_cast %parallel_loop3A_1200 : i32 to index
        %parallel_loop3A_1202 = arith.index_cast %parallel_loop3A_1165 : i32 to index
        %parallel_loop3A_1203 = arith.constant 48 : index
        %parallel_loop3A_1204 = tpu.vector_load %arg6[%parallel_loop3A_1201, %parallel_loop3A_1202, %parallel_loop3A_1203] {strides = array<i32>} : memref<8x128x64xf32, #tpu.memory_space<vmem>>, vector<16xf32>,
        %parallel_loop3A_1205 = arith.constant 1 : i32
        %parallel_loop3A_1206 = arith.constant 0 : i32
        %parallel_loop3A_1207 = arith.constant 0 : i32
        %parallel_loop3A_1208 = arith.constant 0 : i32
        %parallel_loop3A_1209 = tpu.memref_slice %arg7[%parallel_loop3A_1205, %parallel_loop3A_1206, %parallel_loop3A_1207, %parallel_loop3A_1208] : memref<4x8x8x129xf32, #tpu.memory_space<vmem>> -> memref<1x8x8x129xf32, #tpu.memory_space<vmem>>
        %parallel_loop3A_1210 = tpu.memref_squeeze %parallel_loop3A_1209 : memref<1x8x8x129xf32, #tpu.memory_space<vmem>> -> memref<8x8x129xf32, #tpu.memory_space<vmem>>
        tpu.vector_store_idx %parallel_loop3A_1210[%shift_right_arithmetic3A_25, %and3A_48, %parallel_loop3A_1166], %parallel_loop3A_1204 : memref<8x8x129xf32, #tpu.memory_space<vmem>>[vector<16xi32>, vector<16xi32>, vector<16xi32>], vector<16xf32>,
      } {sc.loop_unroll_factor = 8 : i64, sc.parallel_access}
      %add3A_908 = arith.addi %mul3A_2, %add3A_878 : i32
      %jit3A_909 = arith.constant 128 : i32
      %div3A_910 = arith.divsi %add3A_908, %jit3A_909 : i32
      %sign3A_911 = arith.constant 0 : i32
      %sign3A_912 = arith.cmpi sgt, %add3A_908, %sign3A_911 : i32
      %sign3A_913 = arith.extui %sign3A_912 : i1 to i32
      %sign3A_914 = arith.constant 0 : i32
      %sign3A_915 = arith.cmpi slt, %add3A_908, %sign3A_914 : i32
      %sign3A_916 = arith.extui %sign3A_915 : i1 to i32
      %sign3A_917 = arith.subi %sign3A_913, %sign3A_916 : i32
      %sign3A_918 = arith.constant 0 : i32
      %sign3A_919 = arith.cmpi sgt, %jit3A_909, %sign3A_918 : i32
      %sign3A_920 = arith.extui %sign3A_919 : i1 to i32
      %sign3A_921 = arith.constant 0 : i32
      %sign3A_922 = arith.cmpi slt, %jit3A_909, %sign3A_921 : i32
      %sign3A_923 = arith.extui %sign3A_922 : i1 to i32
      %sign3A_924 = arith.subi %sign3A_920, %sign3A_923 : i32
      %ne3A_925 = arith.cmpi ne, %sign3A_917, %sign3A_924 : i32
      %rem3A_926 = arith.remsi %add3A_908, %jit3A_909 : i32
      %ne3A_927 = arith.constant 0 : i32
      %ne3A_928 = arith.cmpi ne, %rem3A_926, %ne3A_927 : i32
      %and3A_929 = arith.andi %ne3A_925, %ne3A_928 : i1
      %sub3A_930 = arith.constant 1 : i32
      %sub3A_931 = arith.subi %div3A_910, %sub3A_930 : i32
      %select_n3A_932 = arith.select %and3A_929, %sub3A_931, %div3A_910 : i32
      %jit3A_933 = arith.constant 128 : i32
      %eq3A_934 = arith.constant 0 : i32
      %eq3A_935 = arith.cmpi eq, %jit3A_933, %eq3A_934 : i32
      %jit3A_936 = arith.constant 1 : i32
      %select_n3A_937 = arith.select %eq3A_935, %jit3A_936, %jit3A_933 : i32
      %rem3A_938 = arith.remsi %add3A_908, %select_n3A_937 : i32
      %ne3A_939 = arith.constant 0 : i32
      %ne3A_940 = arith.cmpi ne, %rem3A_938, %ne3A_939 : i32
      %lt3A_941 = arith.constant 0 : i32
      %lt3A_942 = arith.cmpi slt, %rem3A_938, %lt3A_941 : i32
      %lt3A_943 = arith.constant 0 : i32
      %lt3A_944 = arith.cmpi slt, %select_n3A_937, %lt3A_943 : i32
      %ne3A_945 = arith.xori %lt3A_942, %lt3A_944 : i1
      %and3A_946 = arith.andi %ne3A_945, %ne3A_940 : i1
      %add3A_947 = arith.addi %rem3A_938, %select_n3A_937 : i32
      %select_n3A_948 = arith.select %and3A_946, %add3A_947, %rem3A_938 : i32
      %dma_start3A_949 = arith.constant 1 : i32
      %dma_start3A_950 = arith.constant 1 : i32
      %dma_start3A_951 = arith.constant 0 : i32
      %dma_start3A_952 = arith.constant 0 : i32
      %dma_start3A_953 = arith.constant 0 : i32
      %dma_start3A_954 = tpu.memref_slice %arg7[%dma_start3A_949, %dma_start3A_951, %dma_start3A_952, %dma_start3A_953] : memref<4x8x8x129xf32, #tpu.memory_space<vmem>> -> memref<1x8x8x128xf32, #tpu.memory_space<vmem>>
      %dma_start3A_955 = tpu.memref_squeeze %dma_start3A_954 : memref<1x8x8x128xf32, #tpu.memory_space<vmem>> -> memref<8x8x128xf32, #tpu.memory_space<vmem>>
      %dma_start3A_956 = arith.constant 0 : i32
      %dma_start3A_957 = arith.constant 0 : i32
      %dma_start3A_958 = arith.constant 0 : i32
      %dma_start3A_959 = tpu.memref_slice %arg4[%select_n3A_932, %dma_start3A_956, %select_n3A_948, %dma_start3A_957, %dma_start3A_958] : memref<50x8x128x8x128xf32, #tpu.memory_space<hbm>> -> memref<1x8x1x8x128xf32, #tpu.memory_space<hbm>>
      %dma_start3A_960 = tpu.memref_squeeze %dma_start3A_959 : memref<1x8x1x8x128xf32, #tpu.memory_space<hbm>> -> memref<8x8x128xf32, #tpu.memory_space<hbm>>
      %dma_start3A_961 = tpu.memref_slice %arg9[%dma_start3A_950] : memref<4x!tpu.dma_semaphore, #tpu.memory_space<semaphore_mem>> -> memref<1x!tpu.dma_semaphore, #tpu.memory_space<semaphore_mem>>
      %dma_start3A_962 = tpu.memref_squeeze %dma_start3A_961 : memref<1x!tpu.dma_semaphore, #tpu.memory_space<semaphore_mem>> -> memref<!tpu.dma_semaphore, #tpu.memory_space<semaphore_mem>>
      %dma_start3A_963 = arith.constant 0 : i32
      %dma_start3A_964 = arith.constant 0 : i32
      %dma_start3A_965 = arith.constant 0 : i32
      %dma_start3A_966 = tpu.memref_slice %arg4[%select_n3A_932, %dma_start3A_963, %select_n3A_948, %dma_start3A_964, %dma_start3A_965] : memref<50x8x128x8x128xf32, #tpu.memory_space<hbm>> -> memref<1x8x1x8x128xf32, #tpu.memory_space<hbm>>
      %dma_start3A_967 = tpu.memref_squeeze %dma_start3A_966 : memref<1x8x1x8x128xf32, #tpu.memory_space<hbm>> -> memref<8x8x128xf32, #tpu.memory_space<hbm>>
      %dma_start3A_968 = arith.constant 0 : i32
      %dma_start3A_969 = arith.constant 0 : i32
      %dma_start3A_970 = arith.constant 0 : i32
      %dma_start3A_971 = tpu.memref_slice %arg7[%dma_start3A_949, %dma_start3A_968, %dma_start3A_969, %dma_start3A_970] : memref<4x8x8x129xf32, #tpu.memory_space<vmem>> -> memref<1x8x8x128xf32, #tpu.memory_space<vmem>>
      %dma_start3A_972 = tpu.memref_squeeze %dma_start3A_971 : memref<1x8x8x128xf32, #tpu.memory_space<vmem>> -> memref<8x8x128xf32, #tpu.memory_space<vmem>>
      tpu.enqueue_dma source(%dma_start3A_972 : memref<8x8x128xf32, #tpu.memory_space<vmem>>) target(%dma_start3A_967 : memref<8x8x128xf32, #tpu.memory_space<hbm>>) target_semaphore(%dma_start3A_962 : memref<!tpu.dma_semaphore, #tpu.memory_space<semaphore_mem>>)
      %add3A_973 = arith.constant 6 : i32
      %add3A_974 = arith.addi %add3A_400, %add3A_973 : i32
      %dma_wait3A_975 = arith.constant 6 : i32
      %dma_wait3A_976 = arith.constant 6 : i32
      %dma_wait3A_977 = arith.constant 0 : i32
      %dma_wait3A_978 = arith.constant 0 : i32
      %dma_wait3A_979 = tpu.memref_slice %arg6[%dma_wait3A_975, %dma_wait3A_977, %dma_wait3A_978] : memref<8x128x64xf32, #tpu.memory_space<vmem>> -> memref<1x128x64xf32, #tpu.memory_space<vmem>>
      %dma_wait3A_980 = tpu.memref_squeeze %dma_wait3A_979 : memref<1x128x64xf32, #tpu.memory_space<vmem>> -> memref<128x64xf32, #tpu.memory_space<vmem>>
      %dma_wait3A_981 = arith.constant 0 : i32
      %dma_wait3A_982 = tpu.memref_slice %arg5[%add3A_974, %dma_wait3A_981] : memref<200x128xi32, #tpu.memory_space<vmem>> -> memref<1x128xi32, #tpu.memory_space<vmem>>
      %dma_wait3A_983 = tpu.memref_squeeze %dma_wait3A_982 : memref<1x128xi32, #tpu.memory_space<vmem>> -> memref<128xi32, #tpu.memory_space<vmem>>
      %dma_wait3A_984 = arith.constant 0 : i32
      %dma_wait3A_985 = arith.constant 0 : i32
      %dma_wait3A_986 = tpu.memref_slice %arg3[%dma_wait3A_984, %dma_wait3A_985] : memref<1000000x64xf32, #tpu.memory_space<hbm>> -> memref<1000000x64xf32, #tpu.memory_space<hbm>>
      %dma_wait3A_987 = tpu.memref_slice %arg8[%dma_wait3A_976] : memref<8x!tpu.dma_semaphore, #tpu.memory_space<semaphore_mem>> -> memref<1x!tpu.dma_semaphore, #tpu.memory_space<semaphore_mem>>
      %dma_wait3A_988 = tpu.memref_squeeze %dma_wait3A_987 : memref<1x!tpu.dma_semaphore, #tpu.memory_space<semaphore_mem>> -> memref<!tpu.dma_semaphore, #tpu.memory_space<semaphore_mem>>
      tpu.wait_indirect_dma semaphore(%dma_wait3A_988 : memref<!tpu.dma_semaphore, #tpu.memory_space<semaphore_mem>>) src(%dma_wait3A_986 : memref<1000000x64xf32, #tpu.memory_space<hbm>>) dst(%dma_wait3A_980 : memref<128x64xf32, #tpu.memory_space<vmem>>)
      %add3A_989 = arith.constant 6 : i32
      %add3A_990 = arith.addi %add3A_974, %add3A_989 : i32
      %lt3A_991 = arith.constant 200 : i32
      %lt3A_992 = arith.cmpi slt, %add3A_990, %lt3A_991 : i32
      %convert_element_type3A_993 = arith.extui %lt3A_992 : i1 to i32
      %cond3A_994 = arith.constant 0 : i32
      %cond3A_995 = arith.cmpi ne, %convert_element_type3A_993, %cond3A_994 : i32
      scf.if %cond3A_995 {
        %add3A_1165 = arith.constant 6 : i32
        %add3A_1166 = arith.addi %add3A_974, %add3A_1165 : i32
        %dma_start3A_1167 = arith.constant 4 : i32
        %dma_start3A_1168 = arith.constant 4 : i32
        %dma_start3A_1169 = arith.constant 0 : i32
        %dma_start3A_1170 = arith.constant 0 : i32
        %dma_start3A_1171 = tpu.memref_slice %arg6[%dma_start3A_1167, %dma_start3A_1169, %dma_start3A_1170] : memref<8x128x64xf32, #tpu.memory_space<vmem>> -> memref<1x128x64xf32, #tpu.memory_space<vmem>>
        %dma_start3A_1172 = tpu.memref_squeeze %dma_start3A_1171 : memref<1x128x64xf32, #tpu.memory_space<vmem>> -> memref<128x64xf32, #tpu.memory_space<vmem>>
        %dma_start3A_1173 = arith.constant 0 : i32
        %dma_start3A_1174 = tpu.memref_slice %arg5[%add3A_1166, %dma_start3A_1173] : memref<200x128xi32, #tpu.memory_space<vmem>> -> memref<1x128xi32, #tpu.memory_space<vmem>>
        %dma_start3A_1175 = tpu.memref_squeeze %dma_start3A_1174 : memref<1x128xi32, #tpu.memory_space<vmem>> -> memref<128xi32, #tpu.memory_space<vmem>>
        %dma_start3A_1176 = arith.constant 0 : i32
        %dma_start3A_1177 = arith.constant 0 : i32
        %dma_start3A_1178 = tpu.memref_slice %arg3[%dma_start3A_1176, %dma_start3A_1177] : memref<1000000x64xf32, #tpu.memory_space<hbm>> -> memref<1000000x64xf32, #tpu.memory_space<hbm>>
        %dma_start3A_1179 = tpu.memref_slice %arg8[%dma_start3A_1168] : memref<8x!tpu.dma_semaphore, #tpu.memory_space<semaphore_mem>> -> memref<1x!tpu.dma_semaphore, #tpu.memory_space<semaphore_mem>>
        %dma_start3A_1180 = tpu.memref_squeeze %dma_start3A_1179 : memref<1x!tpu.dma_semaphore, #tpu.memory_space<semaphore_mem>> -> memref<!tpu.dma_semaphore, #tpu.memory_space<semaphore_mem>>
        tpu.enqueue_indirect_dma source(%dma_start3A_1178 : memref<1000000x64xf32, #tpu.memory_space<hbm>>) target(%dma_start3A_1172 : memref<128x64xf32, #tpu.memory_space<vmem>>) offsets(%dma_start3A_1175 : memref<128xi32, #tpu.memory_space<vmem>>) semaphore(%dma_start3A_1180 : memref<!tpu.dma_semaphore, #tpu.memory_space<semaphore_mem>>)
      } else {
      }
      %ge3A_996 = arith.constant 4 : i32
      %ge3A_997 = arith.cmpi sge, %add3A_974, %ge3A_996 : i32
      %convert_element_type3A_998 = arith.extui %ge3A_997 : i1 to i32
      %cond3A_999 = arith.constant 0 : i32
      %cond3A_1000 = arith.cmpi ne, %convert_element_type3A_998, %cond3A_999 : i32
      scf.if %cond3A_1000 {
        %sub3A_1165 = arith.constant 4 : i32
        %sub3A_1166 = arith.subi %add3A_974, %sub3A_1165 : i32
        %add3A_1167 = arith.addi %mul3A_2, %sub3A_1166 : i32
        %jit3A_1168 = arith.constant 128 : i32
        %div3A_1169 = arith.divsi %add3A_1167, %jit3A_1168 : i32
        %sign3A_1170 = arith.constant 0 : i32
        %sign3A_1171 = arith.cmpi sgt, %add3A_1167, %sign3A_1170 : i32
        %sign3A_1172 = arith.extui %sign3A_1171 : i1 to i32
        %sign3A_1173 = arith.constant 0 : i32
        %sign3A_1174 = arith.cmpi slt, %add3A_1167, %sign3A_1173 : i32
        %sign3A_1175 = arith.extui %sign3A_1174 : i1 to i32
        %sign3A_1176 = arith.subi %sign3A_1172, %sign3A_1175 : i32
        %sign3A_1177 = arith.constant 0 : i32
        %sign3A_1178 = arith.cmpi sgt, %jit3A_1168, %sign3A_1177 : i32
        %sign3A_1179 = arith.extui %sign3A_1178 : i1 to i32
        %sign3A_1180 = arith.constant 0 : i32
        %sign3A_1181 = arith.cmpi slt, %jit3A_1168, %sign3A_1180 : i32
        %sign3A_1182 = arith.extui %sign3A_1181 : i1 to i32
        %sign3A_1183 = arith.subi %sign3A_1179, %sign3A_1182 : i32
        %ne3A_1184 = arith.cmpi ne, %sign3A_1176, %sign3A_1183 : i32
        %rem3A_1185 = arith.remsi %add3A_1167, %jit3A_1168 : i32
        %ne3A_1186 = arith.constant 0 : i32
        %ne3A_1187 = arith.cmpi ne, %rem3A_1185, %ne3A_1186 : i32
        %and3A_1188 = arith.andi %ne3A_1184, %ne3A_1187 : i1
        %sub3A_1189 = arith.constant 1 : i32
        %sub3A_1190 = arith.subi %div3A_1169, %sub3A_1189 : i32
        %select_n3A_1191 = arith.select %and3A_1188, %sub3A_1190, %div3A_1169 : i32
        %jit3A_1192 = arith.constant 128 : i32
        %eq3A_1193 = arith.constant 0 : i32
        %eq3A_1194 = arith.cmpi eq, %jit3A_1192, %eq3A_1193 : i32
        %jit3A_1195 = arith.constant 1 : i32
        %select_n3A_1196 = arith.select %eq3A_1194, %jit3A_1195, %jit3A_1192 : i32
        %rem3A_1197 = arith.remsi %add3A_1167, %select_n3A_1196 : i32
        %ne3A_1198 = arith.constant 0 : i32
        %ne3A_1199 = arith.cmpi ne, %rem3A_1197, %ne3A_1198 : i32
        %lt3A_1200 = arith.constant 0 : i32
        %lt3A_1201 = arith.cmpi slt, %rem3A_1197, %lt3A_1200 : i32
        %lt3A_1202 = arith.constant 0 : i32
        %lt3A_1203 = arith.cmpi slt, %select_n3A_1196, %lt3A_1202 : i32
        %ne3A_1204 = arith.xori %lt3A_1201, %lt3A_1203 : i1
        %and3A_1205 = arith.andi %ne3A_1204, %ne3A_1199 : i1
        %add3A_1206 = arith.addi %rem3A_1197, %select_n3A_1196 : i32
        %select_n3A_1207 = arith.select %and3A_1205, %add3A_1206, %rem3A_1197 : i32
        %dma_wait3A_1208 = arith.constant 2 : i32
        %dma_wait3A_1209 = arith.constant 2 : i32
        %dma_wait3A_1210 = arith.constant 0 : i32
        %dma_wait3A_1211 = arith.constant 0 : i32
        %dma_wait3A_1212 = arith.constant 0 : i32
        %dma_wait3A_1213 = tpu.memref_slice %arg7[%dma_wait3A_1208, %dma_wait3A_1210, %dma_wait3A_1211, %dma_wait3A_1212] : memref<4x8x8x129xf32, #tpu.memory_space<vmem>> -> memref<1x8x8x128xf32, #tpu.memory_space<vmem>>
        %dma_wait3A_1214 = tpu.memref_squeeze %dma_wait3A_1213 : memref<1x8x8x128xf32, #tpu.memory_space<vmem>> -> memref<8x8x128xf32, #tpu.memory_space<vmem>>
        %dma_wait3A_1215 = arith.constant 0 : i32
        %dma_wait3A_1216 = arith.constant 0 : i32
        %dma_wait3A_1217 = arith.constant 0 : i32
        %dma_wait3A_1218 = tpu.memref_slice %arg4[%select_n3A_1191, %dma_wait3A_1215, %select_n3A_1207, %dma_wait3A_1216, %dma_wait3A_1217] : memref<50x8x128x8x128xf32, #tpu.memory_space<hbm>> -> memref<1x8x1x8x128xf32, #tpu.memory_space<hbm>>
        %dma_wait3A_1219 = tpu.memref_squeeze %dma_wait3A_1218 : memref<1x8x1x8x128xf32, #tpu.memory_space<hbm>> -> memref<8x8x128xf32, #tpu.memory_space<hbm>>
        %dma_wait3A_1220 = tpu.memref_slice %arg9[%dma_wait3A_1209] : memref<4x!tpu.dma_semaphore, #tpu.memory_space<semaphore_mem>> -> memref<1x!tpu.dma_semaphore, #tpu.memory_space<semaphore_mem>>
        %dma_wait3A_1221 = tpu.memref_squeeze %dma_wait3A_1220 : memref<1x!tpu.dma_semaphore, #tpu.memory_space<semaphore_mem>> -> memref<!tpu.dma_semaphore, #tpu.memory_space<semaphore_mem>>
        %dma_wait3A_1222 = arith.constant 0 : i32
        %dma_wait3A_1223 = arith.constant 0 : i32
        %dma_wait3A_1224 = arith.constant 0 : i32
        %dma_wait3A_1225 = tpu.memref_slice %arg4[%select_n3A_1191, %dma_wait3A_1222, %select_n3A_1207, %dma_wait3A_1223, %dma_wait3A_1224] : memref<50x8x128x8x128xf32, #tpu.memory_space<hbm>> -> memref<1x8x1x8x128xf32, #tpu.memory_space<hbm>>
        %dma_wait3A_1226 = tpu.memref_squeeze %dma_wait3A_1225 : memref<1x8x1x8x128xf32, #tpu.memory_space<hbm>> -> memref<8x8x128xf32, #tpu.memory_space<hbm>>
        %dma_wait3A_1227 = arith.constant 0 : i32
        %dma_wait3A_1228 = arith.constant 0 : i32
        %dma_wait3A_1229 = arith.constant 0 : i32
        %dma_wait3A_1230 = tpu.memref_slice %arg7[%dma_wait3A_1208, %dma_wait3A_1227, %dma_wait3A_1228, %dma_wait3A_1229] : memref<4x8x8x129xf32, #tpu.memory_space<vmem>> -> memref<1x8x8x128xf32, #tpu.memory_space<vmem>>
        %dma_wait3A_1231 = tpu.memref_squeeze %dma_wait3A_1230 : memref<1x8x8x128xf32, #tpu.memory_space<vmem>> -> memref<8x8x128xf32, #tpu.memory_space<vmem>>
        tpu.wait_dma2 semaphore(%dma_wait3A_1221 : memref<!tpu.dma_semaphore, #tpu.memory_space<semaphore_mem>>) src(%dma_wait3A_1231 : memref<8x8x128xf32, #tpu.memory_space<vmem>>) dst(%dma_wait3A_1226 : memref<8x8x128xf32, #tpu.memory_space<hbm>>)
      } else {
      }
      %parallel_loop3A_1001 = arith.constant 0 : i32
      %parallel_loop3A_1002 = arith.constant 128 : i32
      %parallel_loop3A_1003 = arith.constant 1 : i32
      scf.for %parallel_loop3A_1165 = %parallel_loop3A_1001 to %parallel_loop3A_1002 step %parallel_loop3A_1003  : i32 {
        %parallel_loop3A_1166 = vector.broadcast %parallel_loop3A_1165 : i32 to vector<16xi32>
        %parallel_loop3A_1167 = arith.constant 6 : i32
        %parallel_loop3A_1168 = arith.index_cast %parallel_loop3A_1167 : i32 to index
        %parallel_loop3A_1169 = arith.index_cast %parallel_loop3A_1165 : i32 to index
        %parallel_loop3A_1170 = arith.constant 0 : index
        %parallel_loop3A_1171 = tpu.vector_load %arg6[%parallel_loop3A_1168, %parallel_loop3A_1169, %parallel_loop3A_1170] {strides = array<i32>} : memref<8x128x64xf32, #tpu.memory_space<vmem>>, vector<16xf32>,
        %parallel_loop3A_1172 = arith.constant 2 : i32
        %parallel_loop3A_1173 = arith.constant 0 : i32
        %parallel_loop3A_1174 = arith.constant 0 : i32
        %parallel_loop3A_1175 = arith.constant 0 : i32
        %parallel_loop3A_1176 = tpu.memref_slice %arg7[%parallel_loop3A_1172, %parallel_loop3A_1173, %parallel_loop3A_1174, %parallel_loop3A_1175] : memref<4x8x8x129xf32, #tpu.memory_space<vmem>> -> memref<1x8x8x129xf32, #tpu.memory_space<vmem>>
        %parallel_loop3A_1177 = tpu.memref_squeeze %parallel_loop3A_1176 : memref<1x8x8x129xf32, #tpu.memory_space<vmem>> -> memref<8x8x129xf32, #tpu.memory_space<vmem>>
        tpu.vector_store_idx %parallel_loop3A_1177[%shift_right_arithmetic3A_7, %and3A_30, %parallel_loop3A_1166], %parallel_loop3A_1171 : memref<8x8x129xf32, #tpu.memory_space<vmem>>[vector<16xi32>, vector<16xi32>, vector<16xi32>], vector<16xf32>,
        %parallel_loop3A_1178 = arith.constant 6 : i32
        %parallel_loop3A_1179 = arith.index_cast %parallel_loop3A_1178 : i32 to index
        %parallel_loop3A_1180 = arith.index_cast %parallel_loop3A_1165 : i32 to index
        %parallel_loop3A_1181 = arith.constant 16 : index
        %parallel_loop3A_1182 = tpu.vector_load %arg6[%parallel_loop3A_1179, %parallel_loop3A_1180, %parallel_loop3A_1181] {strides = array<i32>} : memref<8x128x64xf32, #tpu.memory_space<vmem>>, vector<16xf32>,
        %parallel_loop3A_1183 = arith.constant 2 : i32
        %parallel_loop3A_1184 = arith.constant 0 : i32
        %parallel_loop3A_1185 = arith.constant 0 : i32
        %parallel_loop3A_1186 = arith.constant 0 : i32
        %parallel_loop3A_1187 = tpu.memref_slice %arg7[%parallel_loop3A_1183, %parallel_loop3A_1184, %parallel_loop3A_1185, %parallel_loop3A_1186] : memref<4x8x8x129xf32, #tpu.memory_space<vmem>> -> memref<1x8x8x129xf32, #tpu.memory_space<vmem>>
        %parallel_loop3A_1188 = tpu.memref_squeeze %parallel_loop3A_1187 : memref<1x8x8x129xf32, #tpu.memory_space<vmem>> -> memref<8x8x129xf32, #tpu.memory_space<vmem>>
        tpu.vector_store_idx %parallel_loop3A_1188[%shift_right_arithmetic3A_13, %and3A_36, %parallel_loop3A_1166], %parallel_loop3A_1182 : memref<8x8x129xf32, #tpu.memory_space<vmem>>[vector<16xi32>, vector<16xi32>, vector<16xi32>], vector<16xf32>,
        %parallel_loop3A_1189 = arith.constant 6 : i32
        %parallel_loop3A_1190 = arith.index_cast %parallel_loop3A_1189 : i32 to index
        %parallel_loop3A_1191 = arith.index_cast %parallel_loop3A_1165 : i32 to index
        %parallel_loop3A_1192 = arith.constant 32 : index
        %parallel_loop3A_1193 = tpu.vector_load %arg6[%parallel_loop3A_1190, %parallel_loop3A_1191, %parallel_loop3A_1192] {strides = array<i32>} : memref<8x128x64xf32, #tpu.memory_space<vmem>>, vector<16xf32>,
        %parallel_loop3A_1194 = arith.constant 2 : i32
        %parallel_loop3A_1195 = arith.constant 0 : i32
        %parallel_loop3A_1196 = arith.constant 0 : i32
        %parallel_loop3A_1197 = arith.constant 0 : i32
        %parallel_loop3A_1198 = tpu.memref_slice %arg7[%parallel_loop3A_1194, %parallel_loop3A_1195, %parallel_loop3A_1196, %parallel_loop3A_1197] : memref<4x8x8x129xf32, #tpu.memory_space<vmem>> -> memref<1x8x8x129xf32, #tpu.memory_space<vmem>>
        %parallel_loop3A_1199 = tpu.memref_squeeze %parallel_loop3A_1198 : memref<1x8x8x129xf32, #tpu.memory_space<vmem>> -> memref<8x8x129xf32, #tpu.memory_space<vmem>>
        tpu.vector_store_idx %parallel_loop3A_1199[%shift_right_arithmetic3A_19, %and3A_42, %parallel_loop3A_1166], %parallel_loop3A_1193 : memref<8x8x129xf32, #tpu.memory_space<vmem>>[vector<16xi32>, vector<16xi32>, vector<16xi32>], vector<16xf32>,
        %parallel_loop3A_1200 = arith.constant 6 : i32
        %parallel_loop3A_1201 = arith.index_cast %parallel_loop3A_1200 : i32 to index
        %parallel_loop3A_1202 = arith.index_cast %parallel_loop3A_1165 : i32 to index
        %parallel_loop3A_1203 = arith.constant 48 : index
        %parallel_loop3A_1204 = tpu.vector_load %arg6[%parallel_loop3A_1201, %parallel_loop3A_1202, %parallel_loop3A_1203] {strides = array<i32>} : memref<8x128x64xf32, #tpu.memory_space<vmem>>, vector<16xf32>,
        %parallel_loop3A_1205 = arith.constant 2 : i32
        %parallel_loop3A_1206 = arith.constant 0 : i32
        %parallel_loop3A_1207 = arith.constant 0 : i32
        %parallel_loop3A_1208 = arith.constant 0 : i32
        %parallel_loop3A_1209 = tpu.memref_slice %arg7[%parallel_loop3A_1205, %parallel_loop3A_1206, %parallel_loop3A_1207, %parallel_loop3A_1208] : memref<4x8x8x129xf32, #tpu.memory_space<vmem>> -> memref<1x8x8x129xf32, #tpu.memory_space<vmem>>
        %parallel_loop3A_1210 = tpu.memref_squeeze %parallel_loop3A_1209 : memref<1x8x8x129xf32, #tpu.memory_space<vmem>> -> memref<8x8x129xf32, #tpu.memory_space<vmem>>
        tpu.vector_store_idx %parallel_loop3A_1210[%shift_right_arithmetic3A_25, %and3A_48, %parallel_loop3A_1166], %parallel_loop3A_1204 : memref<8x8x129xf32, #tpu.memory_space<vmem>>[vector<16xi32>, vector<16xi32>, vector<16xi32>], vector<16xf32>,
      } {sc.loop_unroll_factor = 8 : i64, sc.parallel_access}
      %add3A_1004 = arith.addi %mul3A_2, %add3A_974 : i32
      %jit3A_1005 = arith.constant 128 : i32
      %div3A_1006 = arith.divsi %add3A_1004, %jit3A_1005 : i32
      %sign3A_1007 = arith.constant 0 : i32
      %sign3A_1008 = arith.cmpi sgt, %add3A_1004, %sign3A_1007 : i32
      %sign3A_1009 = arith.extui %sign3A_1008 : i1 to i32
      %sign3A_1010 = arith.constant 0 : i32
      %sign3A_1011 = arith.cmpi slt, %add3A_1004, %sign3A_1010 : i32
      %sign3A_1012 = arith.extui %sign3A_1011 : i1 to i32
      %sign3A_1013 = arith.subi %sign3A_1009, %sign3A_1012 : i32
      %sign3A_1014 = arith.constant 0 : i32
      %sign3A_1015 = arith.cmpi sgt, %jit3A_1005, %sign3A_1014 : i32
      %sign3A_1016 = arith.extui %sign3A_1015 : i1 to i32
      %sign3A_1017 = arith.constant 0 : i32
      %sign3A_1018 = arith.cmpi slt, %jit3A_1005, %sign3A_1017 : i32
      %sign3A_1019 = arith.extui %sign3A_1018 : i1 to i32
      %sign3A_1020 = arith.subi %sign3A_1016, %sign3A_1019 : i32
      %ne3A_1021 = arith.cmpi ne, %sign3A_1013, %sign3A_1020 : i32
      %rem3A_1022 = arith.remsi %add3A_1004, %jit3A_1005 : i32
      %ne3A_1023 = arith.constant 0 : i32
      %ne3A_1024 = arith.cmpi ne, %rem3A_1022, %ne3A_1023 : i32
      %and3A_1025 = arith.andi %ne3A_1021, %ne3A_1024 : i1
      %sub3A_1026 = arith.constant 1 : i32
      %sub3A_1027 = arith.subi %div3A_1006, %sub3A_1026 : i32
      %select_n3A_1028 = arith.select %and3A_1025, %sub3A_1027, %div3A_1006 : i32
      %jit3A_1029 = arith.constant 128 : i32
      %eq3A_1030 = arith.constant 0 : i32
      %eq3A_1031 = arith.cmpi eq, %jit3A_1029, %eq3A_1030 : i32
      %jit3A_1032 = arith.constant 1 : i32
      %select_n3A_1033 = arith.select %eq3A_1031, %jit3A_1032, %jit3A_1029 : i32
      %rem3A_1034 = arith.remsi %add3A_1004, %select_n3A_1033 : i32
      %ne3A_1035 = arith.constant 0 : i32
      %ne3A_1036 = arith.cmpi ne, %rem3A_1034, %ne3A_1035 : i32
      %lt3A_1037 = arith.constant 0 : i32
      %lt3A_1038 = arith.cmpi slt, %rem3A_1034, %lt3A_1037 : i32
      %lt3A_1039 = arith.constant 0 : i32
      %lt3A_1040 = arith.cmpi slt, %select_n3A_1033, %lt3A_1039 : i32
      %ne3A_1041 = arith.xori %lt3A_1038, %lt3A_1040 : i1
      %and3A_1042 = arith.andi %ne3A_1041, %ne3A_1036 : i1
      %add3A_1043 = arith.addi %rem3A_1034, %select_n3A_1033 : i32
      %select_n3A_1044 = arith.select %and3A_1042, %add3A_1043, %rem3A_1034 : i32
      %dma_start3A_1045 = arith.constant 2 : i32
      %dma_start3A_1046 = arith.constant 2 : i32
      %dma_start3A_1047 = arith.constant 0 : i32
      %dma_start3A_1048 = arith.constant 0 : i32
      %dma_start3A_1049 = arith.constant 0 : i32
      %dma_start3A_1050 = tpu.memref_slice %arg7[%dma_start3A_1045, %dma_start3A_1047, %dma_start3A_1048, %dma_start3A_1049] : memref<4x8x8x129xf32, #tpu.memory_space<vmem>> -> memref<1x8x8x128xf32, #tpu.memory_space<vmem>>
      %dma_start3A_1051 = tpu.memref_squeeze %dma_start3A_1050 : memref<1x8x8x128xf32, #tpu.memory_space<vmem>> -> memref<8x8x128xf32, #tpu.memory_space<vmem>>
      %dma_start3A_1052 = arith.constant 0 : i32
      %dma_start3A_1053 = arith.constant 0 : i32
      %dma_start3A_1054 = arith.constant 0 : i32
      %dma_start3A_1055 = tpu.memref_slice %arg4[%select_n3A_1028, %dma_start3A_1052, %select_n3A_1044, %dma_start3A_1053, %dma_start3A_1054] : memref<50x8x128x8x128xf32, #tpu.memory_space<hbm>> -> memref<1x8x1x8x128xf32, #tpu.memory_space<hbm>>
      %dma_start3A_1056 = tpu.memref_squeeze %dma_start3A_1055 : memref<1x8x1x8x128xf32, #tpu.memory_space<hbm>> -> memref<8x8x128xf32, #tpu.memory_space<hbm>>
      %dma_start3A_1057 = tpu.memref_slice %arg9[%dma_start3A_1046] : memref<4x!tpu.dma_semaphore, #tpu.memory_space<semaphore_mem>> -> memref<1x!tpu.dma_semaphore, #tpu.memory_space<semaphore_mem>>
      %dma_start3A_1058 = tpu.memref_squeeze %dma_start3A_1057 : memref<1x!tpu.dma_semaphore, #tpu.memory_space<semaphore_mem>> -> memref<!tpu.dma_semaphore, #tpu.memory_space<semaphore_mem>>
      %dma_start3A_1059 = arith.constant 0 : i32
      %dma_start3A_1060 = arith.constant 0 : i32
      %dma_start3A_1061 = arith.constant 0 : i32
      %dma_start3A_1062 = tpu.memref_slice %arg4[%select_n3A_1028, %dma_start3A_1059, %select_n3A_1044, %dma_start3A_1060, %dma_start3A_1061] : memref<50x8x128x8x128xf32, #tpu.memory_space<hbm>> -> memref<1x8x1x8x128xf32, #tpu.memory_space<hbm>>
      %dma_start3A_1063 = tpu.memref_squeeze %dma_start3A_1062 : memref<1x8x1x8x128xf32, #tpu.memory_space<hbm>> -> memref<8x8x128xf32, #tpu.memory_space<hbm>>
      %dma_start3A_1064 = arith.constant 0 : i32
      %dma_start3A_1065 = arith.constant 0 : i32
      %dma_start3A_1066 = arith.constant 0 : i32
      %dma_start3A_1067 = tpu.memref_slice %arg7[%dma_start3A_1045, %dma_start3A_1064, %dma_start3A_1065, %dma_start3A_1066] : memref<4x8x8x129xf32, #tpu.memory_space<vmem>> -> memref<1x8x8x128xf32, #tpu.memory_space<vmem>>
      %dma_start3A_1068 = tpu.memref_squeeze %dma_start3A_1067 : memref<1x8x8x128xf32, #tpu.memory_space<vmem>> -> memref<8x8x128xf32, #tpu.memory_space<vmem>>
      tpu.enqueue_dma source(%dma_start3A_1068 : memref<8x8x128xf32, #tpu.memory_space<vmem>>) target(%dma_start3A_1063 : memref<8x8x128xf32, #tpu.memory_space<hbm>>) target_semaphore(%dma_start3A_1058 : memref<!tpu.dma_semaphore, #tpu.memory_space<semaphore_mem>>)
      %add3A_1069 = arith.constant 7 : i32
      %add3A_1070 = arith.addi %add3A_400, %add3A_1069 : i32
      %dma_wait3A_1071 = arith.constant 7 : i32
      %dma_wait3A_1072 = arith.constant 7 : i32
      %dma_wait3A_1073 = arith.constant 0 : i32
      %dma_wait3A_1074 = arith.constant 0 : i32
      %dma_wait3A_1075 = tpu.memref_slice %arg6[%dma_wait3A_1071, %dma_wait3A_1073, %dma_wait3A_1074] : memref<8x128x64xf32, #tpu.memory_space<vmem>> -> memref<1x128x64xf32, #tpu.memory_space<vmem>>
      %dma_wait3A_1076 = tpu.memref_squeeze %dma_wait3A_1075 : memref<1x128x64xf32, #tpu.memory_space<vmem>> -> memref<128x64xf32, #tpu.memory_space<vmem>>
      %dma_wait3A_1077 = arith.constant 0 : i32
      %dma_wait3A_1078 = tpu.memref_slice %arg5[%add3A_1070, %dma_wait3A_1077] : memref<200x128xi32, #tpu.memory_space<vmem>> -> memref<1x128xi32, #tpu.memory_space<vmem>>
      %dma_wait3A_1079 = tpu.memref_squeeze %dma_wait3A_1078 : memref<1x128xi32, #tpu.memory_space<vmem>> -> memref<128xi32, #tpu.memory_space<vmem>>
      %dma_wait3A_1080 = arith.constant 0 : i32
      %dma_wait3A_1081 = arith.constant 0 : i32
      %dma_wait3A_1082 = tpu.memref_slice %arg3[%dma_wait3A_1080, %dma_wait3A_1081] : memref<1000000x64xf32, #tpu.memory_space<hbm>> -> memref<1000000x64xf32, #tpu.memory_space<hbm>>
      %dma_wait3A_1083 = tpu.memref_slice %arg8[%dma_wait3A_1072] : memref<8x!tpu.dma_semaphore, #tpu.memory_space<semaphore_mem>> -> memref<1x!tpu.dma_semaphore, #tpu.memory_space<semaphore_mem>>
      %dma_wait3A_1084 = tpu.memref_squeeze %dma_wait3A_1083 : memref<1x!tpu.dma_semaphore, #tpu.memory_space<semaphore_mem>> -> memref<!tpu.dma_semaphore, #tpu.memory_space<semaphore_mem>>
      tpu.wait_indirect_dma semaphore(%dma_wait3A_1084 : memref<!tpu.dma_semaphore, #tpu.memory_space<semaphore_mem>>) src(%dma_wait3A_1082 : memref<1000000x64xf32, #tpu.memory_space<hbm>>) dst(%dma_wait3A_1076 : memref<128x64xf32, #tpu.memory_space<vmem>>)
      %add3A_1085 = arith.constant 6 : i32
      %add3A_1086 = arith.addi %add3A_1070, %add3A_1085 : i32
      %lt3A_1087 = arith.constant 200 : i32
      %lt3A_1088 = arith.cmpi slt, %add3A_1086, %lt3A_1087 : i32
      %convert_element_type3A_1089 = arith.extui %lt3A_1088 : i1 to i32
      %cond3A_1090 = arith.constant 0 : i32
      %cond3A_1091 = arith.cmpi ne, %convert_element_type3A_1089, %cond3A_1090 : i32
      scf.if %cond3A_1091 {
        %add3A_1165 = arith.constant 6 : i32
        %add3A_1166 = arith.addi %add3A_1070, %add3A_1165 : i32
        %dma_start3A_1167 = arith.constant 5 : i32
        %dma_start3A_1168 = arith.constant 5 : i32
        %dma_start3A_1169 = arith.constant 0 : i32
        %dma_start3A_1170 = arith.constant 0 : i32
        %dma_start3A_1171 = tpu.memref_slice %arg6[%dma_start3A_1167, %dma_start3A_1169, %dma_start3A_1170] : memref<8x128x64xf32, #tpu.memory_space<vmem>> -> memref<1x128x64xf32, #tpu.memory_space<vmem>>
        %dma_start3A_1172 = tpu.memref_squeeze %dma_start3A_1171 : memref<1x128x64xf32, #tpu.memory_space<vmem>> -> memref<128x64xf32, #tpu.memory_space<vmem>>
        %dma_start3A_1173 = arith.constant 0 : i32
        %dma_start3A_1174 = tpu.memref_slice %arg5[%add3A_1166, %dma_start3A_1173] : memref<200x128xi32, #tpu.memory_space<vmem>> -> memref<1x128xi32, #tpu.memory_space<vmem>>
        %dma_start3A_1175 = tpu.memref_squeeze %dma_start3A_1174 : memref<1x128xi32, #tpu.memory_space<vmem>> -> memref<128xi32, #tpu.memory_space<vmem>>
        %dma_start3A_1176 = arith.constant 0 : i32
        %dma_start3A_1177 = arith.constant 0 : i32
        %dma_start3A_1178 = tpu.memref_slice %arg3[%dma_start3A_1176, %dma_start3A_1177] : memref<1000000x64xf32, #tpu.memory_space<hbm>> -> memref<1000000x64xf32, #tpu.memory_space<hbm>>
        %dma_start3A_1179 = tpu.memref_slice %arg8[%dma_start3A_1168] : memref<8x!tpu.dma_semaphore, #tpu.memory_space<semaphore_mem>> -> memref<1x!tpu.dma_semaphore, #tpu.memory_space<semaphore_mem>>
        %dma_start3A_1180 = tpu.memref_squeeze %dma_start3A_1179 : memref<1x!tpu.dma_semaphore, #tpu.memory_space<semaphore_mem>> -> memref<!tpu.dma_semaphore, #tpu.memory_space<semaphore_mem>>
        tpu.enqueue_indirect_dma source(%dma_start3A_1178 : memref<1000000x64xf32, #tpu.memory_space<hbm>>) target(%dma_start3A_1172 : memref<128x64xf32, #tpu.memory_space<vmem>>) offsets(%dma_start3A_1175 : memref<128xi32, #tpu.memory_space<vmem>>) semaphore(%dma_start3A_1180 : memref<!tpu.dma_semaphore, #tpu.memory_space<semaphore_mem>>)
      } else {
      }
      %ge3A_1092 = arith.constant 4 : i32
      %ge3A_1093 = arith.cmpi sge, %add3A_1070, %ge3A_1092 : i32
      %convert_element_type3A_1094 = arith.extui %ge3A_1093 : i1 to i32
      %cond3A_1095 = arith.constant 0 : i32
      %cond3A_1096 = arith.cmpi ne, %convert_element_type3A_1094, %cond3A_1095 : i32
      scf.if %cond3A_1096 {
        %sub3A_1165 = arith.constant 4 : i32
        %sub3A_1166 = arith.subi %add3A_1070, %sub3A_1165 : i32
        %add3A_1167 = arith.addi %mul3A_2, %sub3A_1166 : i32
        %jit3A_1168 = arith.constant 128 : i32
        %div3A_1169 = arith.divsi %add3A_1167, %jit3A_1168 : i32
        %sign3A_1170 = arith.constant 0 : i32
        %sign3A_1171 = arith.cmpi sgt, %add3A_1167, %sign3A_1170 : i32
        %sign3A_1172 = arith.extui %sign3A_1171 : i1 to i32
        %sign3A_1173 = arith.constant 0 : i32
        %sign3A_1174 = arith.cmpi slt, %add3A_1167, %sign3A_1173 : i32
        %sign3A_1175 = arith.extui %sign3A_1174 : i1 to i32
        %sign3A_1176 = arith.subi %sign3A_1172, %sign3A_1175 : i32
        %sign3A_1177 = arith.constant 0 : i32
        %sign3A_1178 = arith.cmpi sgt, %jit3A_1168, %sign3A_1177 : i32
        %sign3A_1179 = arith.extui %sign3A_1178 : i1 to i32
        %sign3A_1180 = arith.constant 0 : i32
        %sign3A_1181 = arith.cmpi slt, %jit3A_1168, %sign3A_1180 : i32
        %sign3A_1182 = arith.extui %sign3A_1181 : i1 to i32
        %sign3A_1183 = arith.subi %sign3A_1179, %sign3A_1182 : i32
        %ne3A_1184 = arith.cmpi ne, %sign3A_1176, %sign3A_1183 : i32
        %rem3A_1185 = arith.remsi %add3A_1167, %jit3A_1168 : i32
        %ne3A_1186 = arith.constant 0 : i32
        %ne3A_1187 = arith.cmpi ne, %rem3A_1185, %ne3A_1186 : i32
        %and3A_1188 = arith.andi %ne3A_1184, %ne3A_1187 : i1
        %sub3A_1189 = arith.constant 1 : i32
        %sub3A_1190 = arith.subi %div3A_1169, %sub3A_1189 : i32
        %select_n3A_1191 = arith.select %and3A_1188, %sub3A_1190, %div3A_1169 : i32
        %jit3A_1192 = arith.constant 128 : i32
        %eq3A_1193 = arith.constant 0 : i32
        %eq3A_1194 = arith.cmpi eq, %jit3A_1192, %eq3A_1193 : i32
        %jit3A_1195 = arith.constant 1 : i32
        %select_n3A_1196 = arith.select %eq3A_1194, %jit3A_1195, %jit3A_1192 : i32
        %rem3A_1197 = arith.remsi %add3A_1167, %select_n3A_1196 : i32
        %ne3A_1198 = arith.constant 0 : i32
        %ne3A_1199 = arith.cmpi ne, %rem3A_1197, %ne3A_1198 : i32
        %lt3A_1200 = arith.constant 0 : i32
        %lt3A_1201 = arith.cmpi slt, %rem3A_1197, %lt3A_1200 : i32
        %lt3A_1202 = arith.constant 0 : i32
        %lt3A_1203 = arith.cmpi slt, %select_n3A_1196, %lt3A_1202 : i32
        %ne3A_1204 = arith.xori %lt3A_1201, %lt3A_1203 : i1
        %and3A_1205 = arith.andi %ne3A_1204, %ne3A_1199 : i1
        %add3A_1206 = arith.addi %rem3A_1197, %select_n3A_1196 : i32
        %select_n3A_1207 = arith.select %and3A_1205, %add3A_1206, %rem3A_1197 : i32
        %dma_wait3A_1208 = arith.constant 3 : i32
        %dma_wait3A_1209 = arith.constant 3 : i32
        %dma_wait3A_1210 = arith.constant 0 : i32
        %dma_wait3A_1211 = arith.constant 0 : i32
        %dma_wait3A_1212 = arith.constant 0 : i32
        %dma_wait3A_1213 = tpu.memref_slice %arg7[%dma_wait3A_1208, %dma_wait3A_1210, %dma_wait3A_1211, %dma_wait3A_1212] : memref<4x8x8x129xf32, #tpu.memory_space<vmem>> -> memref<1x8x8x128xf32, #tpu.memory_space<vmem>>
        %dma_wait3A_1214 = tpu.memref_squeeze %dma_wait3A_1213 : memref<1x8x8x128xf32, #tpu.memory_space<vmem>> -> memref<8x8x128xf32, #tpu.memory_space<vmem>>
        %dma_wait3A_1215 = arith.constant 0 : i32
        %dma_wait3A_1216 = arith.constant 0 : i32
        %dma_wait3A_1217 = arith.constant 0 : i32
        %dma_wait3A_1218 = tpu.memref_slice %arg4[%select_n3A_1191, %dma_wait3A_1215, %select_n3A_1207, %dma_wait3A_1216, %dma_wait3A_1217] : memref<50x8x128x8x128xf32, #tpu.memory_space<hbm>> -> memref<1x8x1x8x128xf32, #tpu.memory_space<hbm>>
        %dma_wait3A_1219 = tpu.memref_squeeze %dma_wait3A_1218 : memref<1x8x1x8x128xf32, #tpu.memory_space<hbm>> -> memref<8x8x128xf32, #tpu.memory_space<hbm>>
        %dma_wait3A_1220 = tpu.memref_slice %arg9[%dma_wait3A_1209] : memref<4x!tpu.dma_semaphore, #tpu.memory_space<semaphore_mem>> -> memref<1x!tpu.dma_semaphore, #tpu.memory_space<semaphore_mem>>
        %dma_wait3A_1221 = tpu.memref_squeeze %dma_wait3A_1220 : memref<1x!tpu.dma_semaphore, #tpu.memory_space<semaphore_mem>> -> memref<!tpu.dma_semaphore, #tpu.memory_space<semaphore_mem>>
        %dma_wait3A_1222 = arith.constant 0 : i32
        %dma_wait3A_1223 = arith.constant 0 : i32
        %dma_wait3A_1224 = arith.constant 0 : i32
        %dma_wait3A_1225 = tpu.memref_slice %arg4[%select_n3A_1191, %dma_wait3A_1222, %select_n3A_1207, %dma_wait3A_1223, %dma_wait3A_1224] : memref<50x8x128x8x128xf32, #tpu.memory_space<hbm>> -> memref<1x8x1x8x128xf32, #tpu.memory_space<hbm>>
        %dma_wait3A_1226 = tpu.memref_squeeze %dma_wait3A_1225 : memref<1x8x1x8x128xf32, #tpu.memory_space<hbm>> -> memref<8x8x128xf32, #tpu.memory_space<hbm>>
        %dma_wait3A_1227 = arith.constant 0 : i32
        %dma_wait3A_1228 = arith.constant 0 : i32
        %dma_wait3A_1229 = arith.constant 0 : i32
        %dma_wait3A_1230 = tpu.memref_slice %arg7[%dma_wait3A_1208, %dma_wait3A_1227, %dma_wait3A_1228, %dma_wait3A_1229] : memref<4x8x8x129xf32, #tpu.memory_space<vmem>> -> memref<1x8x8x128xf32, #tpu.memory_space<vmem>>
        %dma_wait3A_1231 = tpu.memref_squeeze %dma_wait3A_1230 : memref<1x8x8x128xf32, #tpu.memory_space<vmem>> -> memref<8x8x128xf32, #tpu.memory_space<vmem>>
        tpu.wait_dma2 semaphore(%dma_wait3A_1221 : memref<!tpu.dma_semaphore, #tpu.memory_space<semaphore_mem>>) src(%dma_wait3A_1231 : memref<8x8x128xf32, #tpu.memory_space<vmem>>) dst(%dma_wait3A_1226 : memref<8x8x128xf32, #tpu.memory_space<hbm>>)
      } else {
      }
      %parallel_loop3A_1097 = arith.constant 0 : i32
      %parallel_loop3A_1098 = arith.constant 128 : i32
      %parallel_loop3A_1099 = arith.constant 1 : i32
      scf.for %parallel_loop3A_1165 = %parallel_loop3A_1097 to %parallel_loop3A_1098 step %parallel_loop3A_1099  : i32 {
        %parallel_loop3A_1166 = vector.broadcast %parallel_loop3A_1165 : i32 to vector<16xi32>
        %parallel_loop3A_1167 = arith.constant 7 : i32
        %parallel_loop3A_1168 = arith.index_cast %parallel_loop3A_1167 : i32 to index
        %parallel_loop3A_1169 = arith.index_cast %parallel_loop3A_1165 : i32 to index
        %parallel_loop3A_1170 = arith.constant 0 : index
        %parallel_loop3A_1171 = tpu.vector_load %arg6[%parallel_loop3A_1168, %parallel_loop3A_1169, %parallel_loop3A_1170] {strides = array<i32>} : memref<8x128x64xf32, #tpu.memory_space<vmem>>, vector<16xf32>,
        %parallel_loop3A_1172 = arith.constant 3 : i32
        %parallel_loop3A_1173 = arith.constant 0 : i32
        %parallel_loop3A_1174 = arith.constant 0 : i32
        %parallel_loop3A_1175 = arith.constant 0 : i32
        %parallel_loop3A_1176 = tpu.memref_slice %arg7[%parallel_loop3A_1172, %parallel_loop3A_1173, %parallel_loop3A_1174, %parallel_loop3A_1175] : memref<4x8x8x129xf32, #tpu.memory_space<vmem>> -> memref<1x8x8x129xf32, #tpu.memory_space<vmem>>
        %parallel_loop3A_1177 = tpu.memref_squeeze %parallel_loop3A_1176 : memref<1x8x8x129xf32, #tpu.memory_space<vmem>> -> memref<8x8x129xf32, #tpu.memory_space<vmem>>
        tpu.vector_store_idx %parallel_loop3A_1177[%shift_right_arithmetic3A_7, %and3A_30, %parallel_loop3A_1166], %parallel_loop3A_1171 : memref<8x8x129xf32, #tpu.memory_space<vmem>>[vector<16xi32>, vector<16xi32>, vector<16xi32>], vector<16xf32>,
        %parallel_loop3A_1178 = arith.constant 7 : i32
        %parallel_loop3A_1179 = arith.index_cast %parallel_loop3A_1178 : i32 to index
        %parallel_loop3A_1180 = arith.index_cast %parallel_loop3A_1165 : i32 to index
        %parallel_loop3A_1181 = arith.constant 16 : index
        %parallel_loop3A_1182 = tpu.vector_load %arg6[%parallel_loop3A_1179, %parallel_loop3A_1180, %parallel_loop3A_1181] {strides = array<i32>} : memref<8x128x64xf32, #tpu.memory_space<vmem>>, vector<16xf32>,
        %parallel_loop3A_1183 = arith.constant 3 : i32
        %parallel_loop3A_1184 = arith.constant 0 : i32
        %parallel_loop3A_1185 = arith.constant 0 : i32
        %parallel_loop3A_1186 = arith.constant 0 : i32
        %parallel_loop3A_1187 = tpu.memref_slice %arg7[%parallel_loop3A_1183, %parallel_loop3A_1184, %parallel_loop3A_1185, %parallel_loop3A_1186] : memref<4x8x8x129xf32, #tpu.memory_space<vmem>> -> memref<1x8x8x129xf32, #tpu.memory_space<vmem>>
        %parallel_loop3A_1188 = tpu.memref_squeeze %parallel_loop3A_1187 : memref<1x8x8x129xf32, #tpu.memory_space<vmem>> -> memref<8x8x129xf32, #tpu.memory_space<vmem>>
        tpu.vector_store_idx %parallel_loop3A_1188[%shift_right_arithmetic3A_13, %and3A_36, %parallel_loop3A_1166], %parallel_loop3A_1182 : memref<8x8x129xf32, #tpu.memory_space<vmem>>[vector<16xi32>, vector<16xi32>, vector<16xi32>], vector<16xf32>,
        %parallel_loop3A_1189 = arith.constant 7 : i32
        %parallel_loop3A_1190 = arith.index_cast %parallel_loop3A_1189 : i32 to index
        %parallel_loop3A_1191 = arith.index_cast %parallel_loop3A_1165 : i32 to index
        %parallel_loop3A_1192 = arith.constant 32 : index
        %parallel_loop3A_1193 = tpu.vector_load %arg6[%parallel_loop3A_1190, %parallel_loop3A_1191, %parallel_loop3A_1192] {strides = array<i32>} : memref<8x128x64xf32, #tpu.memory_space<vmem>>, vector<16xf32>,
        %parallel_loop3A_1194 = arith.constant 3 : i32
        %parallel_loop3A_1195 = arith.constant 0 : i32
        %parallel_loop3A_1196 = arith.constant 0 : i32
        %parallel_loop3A_1197 = arith.constant 0 : i32
        %parallel_loop3A_1198 = tpu.memref_slice %arg7[%parallel_loop3A_1194, %parallel_loop3A_1195, %parallel_loop3A_1196, %parallel_loop3A_1197] : memref<4x8x8x129xf32, #tpu.memory_space<vmem>> -> memref<1x8x8x129xf32, #tpu.memory_space<vmem>>
        %parallel_loop3A_1199 = tpu.memref_squeeze %parallel_loop3A_1198 : memref<1x8x8x129xf32, #tpu.memory_space<vmem>> -> memref<8x8x129xf32, #tpu.memory_space<vmem>>
        tpu.vector_store_idx %parallel_loop3A_1199[%shift_right_arithmetic3A_19, %and3A_42, %parallel_loop3A_1166], %parallel_loop3A_1193 : memref<8x8x129xf32, #tpu.memory_space<vmem>>[vector<16xi32>, vector<16xi32>, vector<16xi32>], vector<16xf32>,
        %parallel_loop3A_1200 = arith.constant 7 : i32
        %parallel_loop3A_1201 = arith.index_cast %parallel_loop3A_1200 : i32 to index
        %parallel_loop3A_1202 = arith.index_cast %parallel_loop3A_1165 : i32 to index
        %parallel_loop3A_1203 = arith.constant 48 : index
        %parallel_loop3A_1204 = tpu.vector_load %arg6[%parallel_loop3A_1201, %parallel_loop3A_1202, %parallel_loop3A_1203] {strides = array<i32>} : memref<8x128x64xf32, #tpu.memory_space<vmem>>, vector<16xf32>,
        %parallel_loop3A_1205 = arith.constant 3 : i32
        %parallel_loop3A_1206 = arith.constant 0 : i32
        %parallel_loop3A_1207 = arith.constant 0 : i32
        %parallel_loop3A_1208 = arith.constant 0 : i32
        %parallel_loop3A_1209 = tpu.memref_slice %arg7[%parallel_loop3A_1205, %parallel_loop3A_1206, %parallel_loop3A_1207, %parallel_loop3A_1208] : memref<4x8x8x129xf32, #tpu.memory_space<vmem>> -> memref<1x8x8x129xf32, #tpu.memory_space<vmem>>
        %parallel_loop3A_1210 = tpu.memref_squeeze %parallel_loop3A_1209 : memref<1x8x8x129xf32, #tpu.memory_space<vmem>> -> memref<8x8x129xf32, #tpu.memory_space<vmem>>
        tpu.vector_store_idx %parallel_loop3A_1210[%shift_right_arithmetic3A_25, %and3A_48, %parallel_loop3A_1166], %parallel_loop3A_1204 : memref<8x8x129xf32, #tpu.memory_space<vmem>>[vector<16xi32>, vector<16xi32>, vector<16xi32>], vector<16xf32>,
      } {sc.loop_unroll_factor = 8 : i64, sc.parallel_access}
      %add3A_1100 = arith.addi %mul3A_2, %add3A_1070 : i32
      %jit3A_1101 = arith.constant 128 : i32
      %div3A_1102 = arith.divsi %add3A_1100, %jit3A_1101 : i32
      %sign3A_1103 = arith.constant 0 : i32
      %sign3A_1104 = arith.cmpi sgt, %add3A_1100, %sign3A_1103 : i32
      %sign3A_1105 = arith.extui %sign3A_1104 : i1 to i32
      %sign3A_1106 = arith.constant 0 : i32
      %sign3A_1107 = arith.cmpi slt, %add3A_1100, %sign3A_1106 : i32
      %sign3A_1108 = arith.extui %sign3A_1107 : i1 to i32
      %sign3A_1109 = arith.subi %sign3A_1105, %sign3A_1108 : i32
      %sign3A_1110 = arith.constant 0 : i32
      %sign3A_1111 = arith.cmpi sgt, %jit3A_1101, %sign3A_1110 : i32
      %sign3A_1112 = arith.extui %sign3A_1111 : i1 to i32
      %sign3A_1113 = arith.constant 0 : i32
      %sign3A_1114 = arith.cmpi slt, %jit3A_1101, %sign3A_1113 : i32
      %sign3A_1115 = arith.extui %sign3A_1114 : i1 to i32
      %sign3A_1116 = arith.subi %sign3A_1112, %sign3A_1115 : i32
      %ne3A_1117 = arith.cmpi ne, %sign3A_1109, %sign3A_1116 : i32
      %rem3A_1118 = arith.remsi %add3A_1100, %jit3A_1101 : i32
      %ne3A_1119 = arith.constant 0 : i32
      %ne3A_1120 = arith.cmpi ne, %rem3A_1118, %ne3A_1119 : i32
      %and3A_1121 = arith.andi %ne3A_1117, %ne3A_1120 : i1
      %sub3A_1122 = arith.constant 1 : i32
      %sub3A_1123 = arith.subi %div3A_1102, %sub3A_1122 : i32
      %select_n3A_1124 = arith.select %and3A_1121, %sub3A_1123, %div3A_1102 : i32
      %jit3A_1125 = arith.constant 128 : i32
      %eq3A_1126 = arith.constant 0 : i32
      %eq3A_1127 = arith.cmpi eq, %jit3A_1125, %eq3A_1126 : i32
      %jit3A_1128 = arith.constant 1 : i32
      %select_n3A_1129 = arith.select %eq3A_1127, %jit3A_1128, %jit3A_1125 : i32
      %rem3A_1130 = arith.remsi %add3A_1100, %select_n3A_1129 : i32
      %ne3A_1131 = arith.constant 0 : i32
      %ne3A_1132 = arith.cmpi ne, %rem3A_1130, %ne3A_1131 : i32
      %lt3A_1133 = arith.constant 0 : i32
      %lt3A_1134 = arith.cmpi slt, %rem3A_1130, %lt3A_1133 : i32
      %lt3A_1135 = arith.constant 0 : i32
      %lt3A_1136 = arith.cmpi slt, %select_n3A_1129, %lt3A_1135 : i32
      %ne3A_1137 = arith.xori %lt3A_1134, %lt3A_1136 : i1
      %and3A_1138 = arith.andi %ne3A_1137, %ne3A_1132 : i1
      %add3A_1139 = arith.addi %rem3A_1130, %select_n3A_1129 : i32
      %select_n3A_1140 = arith.select %and3A_1138, %add3A_1139, %rem3A_1130 : i32
      %dma_start3A_1141 = arith.constant 3 : i32
      %dma_start3A_1142 = arith.constant 3 : i32
      %dma_start3A_1143 = arith.constant 0 : i32
      %dma_start3A_1144 = arith.constant 0 : i32
      %dma_start3A_1145 = arith.constant 0 : i32
      %dma_start3A_1146 = tpu.memref_slice %arg7[%dma_start3A_1141, %dma_start3A_1143, %dma_start3A_1144, %dma_start3A_1145] : memref<4x8x8x129xf32, #tpu.memory_space<vmem>> -> memref<1x8x8x128xf32, #tpu.memory_space<vmem>>
      %dma_start3A_1147 = tpu.memref_squeeze %dma_start3A_1146 : memref<1x8x8x128xf32, #tpu.memory_space<vmem>> -> memref<8x8x128xf32, #tpu.memory_space<vmem>>
      %dma_start3A_1148 = arith.constant 0 : i32
      %dma_start3A_1149 = arith.constant 0 : i32
      %dma_start3A_1150 = arith.constant 0 : i32
      %dma_start3A_1151 = tpu.memref_slice %arg4[%select_n3A_1124, %dma_start3A_1148, %select_n3A_1140, %dma_start3A_1149, %dma_start3A_1150] : memref<50x8x128x8x128xf32, #tpu.memory_space<hbm>> -> memref<1x8x1x8x128xf32, #tpu.memory_space<hbm>>
      %dma_start3A_1152 = tpu.memref_squeeze %dma_start3A_1151 : memref<1x8x1x8x128xf32, #tpu.memory_space<hbm>> -> memref<8x8x128xf32, #tpu.memory_space<hbm>>
      %dma_start3A_1153 = tpu.memref_slice %arg9[%dma_start3A_1142] : memref<4x!tpu.dma_semaphore, #tpu.memory_space<semaphore_mem>> -> memref<1x!tpu.dma_semaphore, #tpu.memory_space<semaphore_mem>>
      %dma_start3A_1154 = tpu.memref_squeeze %dma_start3A_1153 : memref<1x!tpu.dma_semaphore, #tpu.memory_space<semaphore_mem>> -> memref<!tpu.dma_semaphore, #tpu.memory_space<semaphore_mem>>
      %dma_start3A_1155 = arith.constant 0 : i32
      %dma_start3A_1156 = arith.constant 0 : i32
      %dma_start3A_1157 = arith.constant 0 : i32
      %dma_start3A_1158 = tpu.memref_slice %arg4[%select_n3A_1124, %dma_start3A_1155, %select_n3A_1140, %dma_start3A_1156, %dma_start3A_1157] : memref<50x8x128x8x128xf32, #tpu.memory_space<hbm>> -> memref<1x8x1x8x128xf32, #tpu.memory_space<hbm>>
      %dma_start3A_1159 = tpu.memref_squeeze %dma_start3A_1158 : memref<1x8x1x8x128xf32, #tpu.memory_space<hbm>> -> memref<8x8x128xf32, #tpu.memory_space<hbm>>
      %dma_start3A_1160 = arith.constant 0 : i32
      %dma_start3A_1161 = arith.constant 0 : i32
      %dma_start3A_1162 = arith.constant 0 : i32
      %dma_start3A_1163 = tpu.memref_slice %arg7[%dma_start3A_1141, %dma_start3A_1160, %dma_start3A_1161, %dma_start3A_1162] : memref<4x8x8x129xf32, #tpu.memory_space<vmem>> -> memref<1x8x8x128xf32, #tpu.memory_space<vmem>>
      %dma_start3A_1164 = tpu.memref_squeeze %dma_start3A_1163 : memref<1x8x8x128xf32, #tpu.memory_space<vmem>> -> memref<8x8x128xf32, #tpu.memory_space<vmem>>
      tpu.enqueue_dma source(%dma_start3A_1164 : memref<8x8x128xf32, #tpu.memory_space<vmem>>) target(%dma_start3A_1159 : memref<8x8x128xf32, #tpu.memory_space<hbm>>) target_semaphore(%dma_start3A_1154 : memref<!tpu.dma_semaphore, #tpu.memory_space<semaphore_mem>>)
    }
    %scan3A_141 = arith.constant 25 : i32
    %add3A_142 = arith.constant 196 : i32
    %add3A_143 = arith.addi %mul3A_2, %add3A_142 : i32
    %jit3A = arith.constant 128 : i32
    %div3A = arith.divsi %add3A_143, %jit3A : i32
    %sign3A = arith.constant 0 : i32
    %sign3A_144 = arith.cmpi sgt, %add3A_143, %sign3A : i32
    %sign3A_145 = arith.extui %sign3A_144 : i1 to i32
    %sign3A_146 = arith.constant 0 : i32
    %sign3A_147 = arith.cmpi slt, %add3A_143, %sign3A_146 : i32
    %sign3A_148 = arith.extui %sign3A_147 : i1 to i32
    %sign3A_149 = arith.subi %sign3A_145, %sign3A_148 : i32
    %sign3A_150 = arith.constant 0 : i32
    %sign3A_151 = arith.cmpi sgt, %jit3A, %sign3A_150 : i32
    %sign3A_152 = arith.extui %sign3A_151 : i1 to i32
    %sign3A_153 = arith.constant 0 : i32
    %sign3A_154 = arith.cmpi slt, %jit3A, %sign3A_153 : i32
    %sign3A_155 = arith.extui %sign3A_154 : i1 to i32
    %sign3A_156 = arith.subi %sign3A_152, %sign3A_155 : i32
    %ne3A = arith.cmpi ne, %sign3A_149, %sign3A_156 : i32
    %rem3A = arith.remsi %add3A_143, %jit3A : i32
    %ne3A_157 = arith.constant 0 : i32
    %ne3A_158 = arith.cmpi ne, %rem3A, %ne3A_157 : i32
    %and3A_159 = arith.andi %ne3A, %ne3A_158 : i1
    %sub3A = arith.constant 1 : i32
    %sub3A_160 = arith.subi %div3A, %sub3A : i32
    %select_n3A = arith.select %and3A_159, %sub3A_160, %div3A : i32
    %jit3A_161 = arith.constant 128 : i32
    %eq3A = arith.constant 0 : i32
    %eq3A_162 = arith.cmpi eq, %jit3A_161, %eq3A : i32
    %jit3A_163 = arith.constant 1 : i32
    %select_n3A_164 = arith.select %eq3A_162, %jit3A_163, %jit3A_161 : i32
    %rem3A_165 = arith.remsi %add3A_143, %select_n3A_164 : i32
    %ne3A_166 = arith.constant 0 : i32
    %ne3A_167 = arith.cmpi ne, %rem3A_165, %ne3A_166 : i32
    %lt3A = arith.constant 0 : i32
    %lt3A_168 = arith.cmpi slt, %rem3A_165, %lt3A : i32
    %lt3A_169 = arith.constant 0 : i32
    %lt3A_170 = arith.cmpi slt, %select_n3A_164, %lt3A_169 : i32
    %ne3A_171 = arith.xori %lt3A_168, %lt3A_170 : i1
    %and3A_172 = arith.andi %ne3A_171, %ne3A_167 : i1
    %add3A_173 = arith.addi %rem3A_165, %select_n3A_164 : i32
    %select_n3A_174 = arith.select %and3A_172, %add3A_173, %rem3A_165 : i32
    %dma_wait3A = arith.constant 0 : i32
    %dma_wait3A_175 = arith.constant 0 : i32
    %dma_wait3A_176 = arith.constant 0 : i32
    %dma_wait3A_177 = arith.constant 0 : i32
    %dma_wait3A_178 = arith.constant 0 : i32
    %dma_wait3A_179 = tpu.memref_slice %arg7[%dma_wait3A, %dma_wait3A_176, %dma_wait3A_177, %dma_wait3A_178] : memref<4x8x8x129xf32, #tpu.memory_space<vmem>> -> memref<1x8x8x128xf32, #tpu.memory_space<vmem>>
    %dma_wait3A_180 = tpu.memref_squeeze %dma_wait3A_179 : memref<1x8x8x128xf32, #tpu.memory_space<vmem>> -> memref<8x8x128xf32, #tpu.memory_space<vmem>>
    %dma_wait3A_181 = arith.constant 0 : i32
    %dma_wait3A_182 = arith.constant 0 : i32
    %dma_wait3A_183 = arith.constant 0 : i32
    %dma_wait3A_184 = tpu.memref_slice %arg4[%select_n3A, %dma_wait3A_181, %select_n3A_174, %dma_wait3A_182, %dma_wait3A_183] : memref<50x8x128x8x128xf32, #tpu.memory_space<hbm>> -> memref<1x8x1x8x128xf32, #tpu.memory_space<hbm>>
    %dma_wait3A_185 = tpu.memref_squeeze %dma_wait3A_184 : memref<1x8x1x8x128xf32, #tpu.memory_space<hbm>> -> memref<8x8x128xf32, #tpu.memory_space<hbm>>
    %dma_wait3A_186 = tpu.memref_slice %arg9[%dma_wait3A_175] : memref<4x!tpu.dma_semaphore, #tpu.memory_space<semaphore_mem>> -> memref<1x!tpu.dma_semaphore, #tpu.memory_space<semaphore_mem>>
    %dma_wait3A_187 = tpu.memref_squeeze %dma_wait3A_186 : memref<1x!tpu.dma_semaphore, #tpu.memory_space<semaphore_mem>> -> memref<!tpu.dma_semaphore, #tpu.memory_space<semaphore_mem>>
    %dma_wait3A_188 = arith.constant 0 : i32
    %dma_wait3A_189 = arith.constant 0 : i32
    %dma_wait3A_190 = arith.constant 0 : i32
    %dma_wait3A_191 = tpu.memref_slice %arg4[%select_n3A, %dma_wait3A_188, %select_n3A_174, %dma_wait3A_189, %dma_wait3A_190] : memref<50x8x128x8x128xf32, #tpu.memory_space<hbm>> -> memref<1x8x1x8x128xf32, #tpu.memory_space<hbm>>
    %dma_wait3A_192 = tpu.memref_squeeze %dma_wait3A_191 : memref<1x8x1x8x128xf32, #tpu.memory_space<hbm>> -> memref<8x8x128xf32, #tpu.memory_space<hbm>>
    %dma_wait3A_193 = arith.constant 0 : i32
    %dma_wait3A_194 = arith.constant 0 : i32
    %dma_wait3A_195 = arith.constant 0 : i32
    %dma_wait3A_196 = tpu.memref_slice %arg7[%dma_wait3A, %dma_wait3A_193, %dma_wait3A_194, %dma_wait3A_195] : memref<4x8x8x129xf32, #tpu.memory_space<vmem>> -> memref<1x8x8x128xf32, #tpu.memory_space<vmem>>
    %dma_wait3A_197 = tpu.memref_squeeze %dma_wait3A_196 : memref<1x8x8x128xf32, #tpu.memory_space<vmem>> -> memref<8x8x128xf32, #tpu.memory_space<vmem>>
    tpu.wait_dma2 semaphore(%dma_wait3A_187 : memref<!tpu.dma_semaphore, #tpu.memory_space<semaphore_mem>>) src(%dma_wait3A_197 : memref<8x8x128xf32, #tpu.memory_space<vmem>>) dst(%dma_wait3A_192 : memref<8x8x128xf32, #tpu.memory_space<hbm>>)
    %add3A_198 = arith.constant 197 : i32
    %add3A_199 = arith.addi %mul3A_2, %add3A_198 : i32
    %jit3A_200 = arith.constant 128 : i32
    %div3A_201 = arith.divsi %add3A_199, %jit3A_200 : i32
    %sign3A_202 = arith.constant 0 : i32
    %sign3A_203 = arith.cmpi sgt, %add3A_199, %sign3A_202 : i32
    %sign3A_204 = arith.extui %sign3A_203 : i1 to i32
    %sign3A_205 = arith.constant 0 : i32
    %sign3A_206 = arith.cmpi slt, %add3A_199, %sign3A_205 : i32
    %sign3A_207 = arith.extui %sign3A_206 : i1 to i32
    %sign3A_208 = arith.subi %sign3A_204, %sign3A_207 : i32
    %sign3A_209 = arith.constant 0 : i32
    %sign3A_210 = arith.cmpi sgt, %jit3A_200, %sign3A_209 : i32
    %sign3A_211 = arith.extui %sign3A_210 : i1 to i32
    %sign3A_212 = arith.constant 0 : i32
    %sign3A_213 = arith.cmpi slt, %jit3A_200, %sign3A_212 : i32
    %sign3A_214 = arith.extui %sign3A_213 : i1 to i32
    %sign3A_215 = arith.subi %sign3A_211, %sign3A_214 : i32
    %ne3A_216 = arith.cmpi ne, %sign3A_208, %sign3A_215 : i32
    %rem3A_217 = arith.remsi %add3A_199, %jit3A_200 : i32
    %ne3A_218 = arith.constant 0 : i32
    %ne3A_219 = arith.cmpi ne, %rem3A_217, %ne3A_218 : i32
    %and3A_220 = arith.andi %ne3A_216, %ne3A_219 : i1
    %sub3A_221 = arith.constant 1 : i32
    %sub3A_222 = arith.subi %div3A_201, %sub3A_221 : i32
    %select_n3A_223 = arith.select %and3A_220, %sub3A_222, %div3A_201 : i32
    %jit3A_224 = arith.constant 128 : i32
    %eq3A_225 = arith.constant 0 : i32
    %eq3A_226 = arith.cmpi eq, %jit3A_224, %eq3A_225 : i32
    %jit3A_227 = arith.constant 1 : i32
    %select_n3A_228 = arith.select %eq3A_226, %jit3A_227, %jit3A_224 : i32
    %rem3A_229 = arith.remsi %add3A_199, %select_n3A_228 : i32
    %ne3A_230 = arith.constant 0 : i32
    %ne3A_231 = arith.cmpi ne, %rem3A_229, %ne3A_230 : i32
    %lt3A_232 = arith.constant 0 : i32
    %lt3A_233 = arith.cmpi slt, %rem3A_229, %lt3A_232 : i32
    %lt3A_234 = arith.constant 0 : i32
    %lt3A_235 = arith.cmpi slt, %select_n3A_228, %lt3A_234 : i32
    %ne3A_236 = arith.xori %lt3A_233, %lt3A_235 : i1
    %and3A_237 = arith.andi %ne3A_236, %ne3A_231 : i1
    %add3A_238 = arith.addi %rem3A_229, %select_n3A_228 : i32
    %select_n3A_239 = arith.select %and3A_237, %add3A_238, %rem3A_229 : i32
    %dma_wait3A_240 = arith.constant 1 : i32
    %dma_wait3A_241 = arith.constant 1 : i32
    %dma_wait3A_242 = arith.constant 0 : i32
    %dma_wait3A_243 = arith.constant 0 : i32
    %dma_wait3A_244 = arith.constant 0 : i32
    %dma_wait3A_245 = tpu.memref_slice %arg7[%dma_wait3A_240, %dma_wait3A_242, %dma_wait3A_243, %dma_wait3A_244] : memref<4x8x8x129xf32, #tpu.memory_space<vmem>> -> memref<1x8x8x128xf32, #tpu.memory_space<vmem>>
    %dma_wait3A_246 = tpu.memref_squeeze %dma_wait3A_245 : memref<1x8x8x128xf32, #tpu.memory_space<vmem>> -> memref<8x8x128xf32, #tpu.memory_space<vmem>>
    %dma_wait3A_247 = arith.constant 0 : i32
    %dma_wait3A_248 = arith.constant 0 : i32
    %dma_wait3A_249 = arith.constant 0 : i32
    %dma_wait3A_250 = tpu.memref_slice %arg4[%select_n3A_223, %dma_wait3A_247, %select_n3A_239, %dma_wait3A_248, %dma_wait3A_249] : memref<50x8x128x8x128xf32, #tpu.memory_space<hbm>> -> memref<1x8x1x8x128xf32, #tpu.memory_space<hbm>>
    %dma_wait3A_251 = tpu.memref_squeeze %dma_wait3A_250 : memref<1x8x1x8x128xf32, #tpu.memory_space<hbm>> -> memref<8x8x128xf32, #tpu.memory_space<hbm>>
    %dma_wait3A_252 = tpu.memref_slice %arg9[%dma_wait3A_241] : memref<4x!tpu.dma_semaphore, #tpu.memory_space<semaphore_mem>> -> memref<1x!tpu.dma_semaphore, #tpu.memory_space<semaphore_mem>>
    %dma_wait3A_253 = tpu.memref_squeeze %dma_wait3A_252 : memref<1x!tpu.dma_semaphore, #tpu.memory_space<semaphore_mem>> -> memref<!tpu.dma_semaphore, #tpu.memory_space<semaphore_mem>>
    %dma_wait3A_254 = arith.constant 0 : i32
    %dma_wait3A_255 = arith.constant 0 : i32
    %dma_wait3A_256 = arith.constant 0 : i32
    %dma_wait3A_257 = tpu.memref_slice %arg4[%select_n3A_223, %dma_wait3A_254, %select_n3A_239, %dma_wait3A_255, %dma_wait3A_256] : memref<50x8x128x8x128xf32, #tpu.memory_space<hbm>> -> memref<1x8x1x8x128xf32, #tpu.memory_space<hbm>>
    %dma_wait3A_258 = tpu.memref_squeeze %dma_wait3A_257 : memref<1x8x1x8x128xf32, #tpu.memory_space<hbm>> -> memref<8x8x128xf32, #tpu.memory_space<hbm>>
    %dma_wait3A_259 = arith.constant 0 : i32
    %dma_wait3A_260 = arith.constant 0 : i32
    %dma_wait3A_261 = arith.constant 0 : i32
    %dma_wait3A_262 = tpu.memref_slice %arg7[%dma_wait3A_240, %dma_wait3A_259, %dma_wait3A_260, %dma_wait3A_261] : memref<4x8x8x129xf32, #tpu.memory_space<vmem>> -> memref<1x8x8x128xf32, #tpu.memory_space<vmem>>
    %dma_wait3A_263 = tpu.memref_squeeze %dma_wait3A_262 : memref<1x8x8x128xf32, #tpu.memory_space<vmem>> -> memref<8x8x128xf32, #tpu.memory_space<vmem>>
    tpu.wait_dma2 semaphore(%dma_wait3A_253 : memref<!tpu.dma_semaphore, #tpu.memory_space<semaphore_mem>>) src(%dma_wait3A_263 : memref<8x8x128xf32, #tpu.memory_space<vmem>>) dst(%dma_wait3A_258 : memref<8x8x128xf32, #tpu.memory_space<hbm>>)
    %add3A_264 = arith.constant 198 : i32
    %add3A_265 = arith.addi %mul3A_2, %add3A_264 : i32
    %jit3A_266 = arith.constant 128 : i32
    %div3A_267 = arith.divsi %add3A_265, %jit3A_266 : i32
    %sign3A_268 = arith.constant 0 : i32
    %sign3A_269 = arith.cmpi sgt, %add3A_265, %sign3A_268 : i32
    %sign3A_270 = arith.extui %sign3A_269 : i1 to i32
    %sign3A_271 = arith.constant 0 : i32
    %sign3A_272 = arith.cmpi slt, %add3A_265, %sign3A_271 : i32
    %sign3A_273 = arith.extui %sign3A_272 : i1 to i32
    %sign3A_274 = arith.subi %sign3A_270, %sign3A_273 : i32
    %sign3A_275 = arith.constant 0 : i32
    %sign3A_276 = arith.cmpi sgt, %jit3A_266, %sign3A_275 : i32
    %sign3A_277 = arith.extui %sign3A_276 : i1 to i32
    %sign3A_278 = arith.constant 0 : i32
    %sign3A_279 = arith.cmpi slt, %jit3A_266, %sign3A_278 : i32
    %sign3A_280 = arith.extui %sign3A_279 : i1 to i32
    %sign3A_281 = arith.subi %sign3A_277, %sign3A_280 : i32
    %ne3A_282 = arith.cmpi ne, %sign3A_274, %sign3A_281 : i32
    %rem3A_283 = arith.remsi %add3A_265, %jit3A_266 : i32
    %ne3A_284 = arith.constant 0 : i32
    %ne3A_285 = arith.cmpi ne, %rem3A_283, %ne3A_284 : i32
    %and3A_286 = arith.andi %ne3A_282, %ne3A_285 : i1
    %sub3A_287 = arith.constant 1 : i32
    %sub3A_288 = arith.subi %div3A_267, %sub3A_287 : i32
    %select_n3A_289 = arith.select %and3A_286, %sub3A_288, %div3A_267 : i32
    %jit3A_290 = arith.constant 128 : i32
    %eq3A_291 = arith.constant 0 : i32
    %eq3A_292 = arith.cmpi eq, %jit3A_290, %eq3A_291 : i32
    %jit3A_293 = arith.constant 1 : i32
    %select_n3A_294 = arith.select %eq3A_292, %jit3A_293, %jit3A_290 : i32
    %rem3A_295 = arith.remsi %add3A_265, %select_n3A_294 : i32
    %ne3A_296 = arith.constant 0 : i32
    %ne3A_297 = arith.cmpi ne, %rem3A_295, %ne3A_296 : i32
    %lt3A_298 = arith.constant 0 : i32
    %lt3A_299 = arith.cmpi slt, %rem3A_295, %lt3A_298 : i32
    %lt3A_300 = arith.constant 0 : i32
    %lt3A_301 = arith.cmpi slt, %select_n3A_294, %lt3A_300 : i32
    %ne3A_302 = arith.xori %lt3A_299, %lt3A_301 : i1
    %and3A_303 = arith.andi %ne3A_302, %ne3A_297 : i1
    %add3A_304 = arith.addi %rem3A_295, %select_n3A_294 : i32
    %select_n3A_305 = arith.select %and3A_303, %add3A_304, %rem3A_295 : i32
    %dma_wait3A_306 = arith.constant 2 : i32
    %dma_wait3A_307 = arith.constant 2 : i32
    %dma_wait3A_308 = arith.constant 0 : i32
    %dma_wait3A_309 = arith.constant 0 : i32
    %dma_wait3A_310 = arith.constant 0 : i32
    %dma_wait3A_311 = tpu.memref_slice %arg7[%dma_wait3A_306, %dma_wait3A_308, %dma_wait3A_309, %dma_wait3A_310] : memref<4x8x8x129xf32, #tpu.memory_space<vmem>> -> memref<1x8x8x128xf32, #tpu.memory_space<vmem>>
    %dma_wait3A_312 = tpu.memref_squeeze %dma_wait3A_311 : memref<1x8x8x128xf32, #tpu.memory_space<vmem>> -> memref<8x8x128xf32, #tpu.memory_space<vmem>>
    %dma_wait3A_313 = arith.constant 0 : i32
    %dma_wait3A_314 = arith.constant 0 : i32
    %dma_wait3A_315 = arith.constant 0 : i32
    %dma_wait3A_316 = tpu.memref_slice %arg4[%select_n3A_289, %dma_wait3A_313, %select_n3A_305, %dma_wait3A_314, %dma_wait3A_315] : memref<50x8x128x8x128xf32, #tpu.memory_space<hbm>> -> memref<1x8x1x8x128xf32, #tpu.memory_space<hbm>>
    %dma_wait3A_317 = tpu.memref_squeeze %dma_wait3A_316 : memref<1x8x1x8x128xf32, #tpu.memory_space<hbm>> -> memref<8x8x128xf32, #tpu.memory_space<hbm>>
    %dma_wait3A_318 = tpu.memref_slice %arg9[%dma_wait3A_307] : memref<4x!tpu.dma_semaphore, #tpu.memory_space<semaphore_mem>> -> memref<1x!tpu.dma_semaphore, #tpu.memory_space<semaphore_mem>>
    %dma_wait3A_319 = tpu.memref_squeeze %dma_wait3A_318 : memref<1x!tpu.dma_semaphore, #tpu.memory_space<semaphore_mem>> -> memref<!tpu.dma_semaphore, #tpu.memory_space<semaphore_mem>>
    %dma_wait3A_320 = arith.constant 0 : i32
    %dma_wait3A_321 = arith.constant 0 : i32
    %dma_wait3A_322 = arith.constant 0 : i32
    %dma_wait3A_323 = tpu.memref_slice %arg4[%select_n3A_289, %dma_wait3A_320, %select_n3A_305, %dma_wait3A_321, %dma_wait3A_322] : memref<50x8x128x8x128xf32, #tpu.memory_space<hbm>> -> memref<1x8x1x8x128xf32, #tpu.memory_space<hbm>>
    %dma_wait3A_324 = tpu.memref_squeeze %dma_wait3A_323 : memref<1x8x1x8x128xf32, #tpu.memory_space<hbm>> -> memref<8x8x128xf32, #tpu.memory_space<hbm>>
    %dma_wait3A_325 = arith.constant 0 : i32
    %dma_wait3A_326 = arith.constant 0 : i32
    %dma_wait3A_327 = arith.constant 0 : i32
    %dma_wait3A_328 = tpu.memref_slice %arg7[%dma_wait3A_306, %dma_wait3A_325, %dma_wait3A_326, %dma_wait3A_327] : memref<4x8x8x129xf32, #tpu.memory_space<vmem>> -> memref<1x8x8x128xf32, #tpu.memory_space<vmem>>
    %dma_wait3A_329 = tpu.memref_squeeze %dma_wait3A_328 : memref<1x8x8x128xf32, #tpu.memory_space<vmem>> -> memref<8x8x128xf32, #tpu.memory_space<vmem>>
    tpu.wait_dma2 semaphore(%dma_wait3A_319 : memref<!tpu.dma_semaphore, #tpu.memory_space<semaphore_mem>>) src(%dma_wait3A_329 : memref<8x8x128xf32, #tpu.memory_space<vmem>>) dst(%dma_wait3A_324 : memref<8x8x128xf32, #tpu.memory_space<hbm>>)
    %add3A_330 = arith.constant 199 : i32
    %add3A_331 = arith.addi %mul3A_2, %add3A_330 : i32
    %jit3A_332 = arith.constant 128 : i32
    %div3A_333 = arith.divsi %add3A_331, %jit3A_332 : i32
    %sign3A_334 = arith.constant 0 : i32
    %sign3A_335 = arith.cmpi sgt, %add3A_331, %sign3A_334 : i32
    %sign3A_336 = arith.extui %sign3A_335 : i1 to i32
    %sign3A_337 = arith.constant 0 : i32
    %sign3A_338 = arith.cmpi slt, %add3A_331, %sign3A_337 : i32
    %sign3A_339 = arith.extui %sign3A_338 : i1 to i32
    %sign3A_340 = arith.subi %sign3A_336, %sign3A_339 : i32
    %sign3A_341 = arith.constant 0 : i32
    %sign3A_342 = arith.cmpi sgt, %jit3A_332, %sign3A_341 : i32
    %sign3A_343 = arith.extui %sign3A_342 : i1 to i32
    %sign3A_344 = arith.constant 0 : i32
    %sign3A_345 = arith.cmpi slt, %jit3A_332, %sign3A_344 : i32
    %sign3A_346 = arith.extui %sign3A_345 : i1 to i32
    %sign3A_347 = arith.subi %sign3A_343, %sign3A_346 : i32
    %ne3A_348 = arith.cmpi ne, %sign3A_340, %sign3A_347 : i32
    %rem3A_349 = arith.remsi %add3A_331, %jit3A_332 : i32
    %ne3A_350 = arith.constant 0 : i32
    %ne3A_351 = arith.cmpi ne, %rem3A_349, %ne3A_350 : i32
    %and3A_352 = arith.andi %ne3A_348, %ne3A_351 : i1
    %sub3A_353 = arith.constant 1 : i32
    %sub3A_354 = arith.subi %div3A_333, %sub3A_353 : i32
    %select_n3A_355 = arith.select %and3A_352, %sub3A_354, %div3A_333 : i32
    %jit3A_356 = arith.constant 128 : i32
    %eq3A_357 = arith.constant 0 : i32
    %eq3A_358 = arith.cmpi eq, %jit3A_356, %eq3A_357 : i32
    %jit3A_359 = arith.constant 1 : i32
    %select_n3A_360 = arith.select %eq3A_358, %jit3A_359, %jit3A_356 : i32
    %rem3A_361 = arith.remsi %add3A_331, %select_n3A_360 : i32
    %ne3A_362 = arith.constant 0 : i32
    %ne3A_363 = arith.cmpi ne, %rem3A_361, %ne3A_362 : i32
    %lt3A_364 = arith.constant 0 : i32
    %lt3A_365 = arith.cmpi slt, %rem3A_361, %lt3A_364 : i32
    %lt3A_366 = arith.constant 0 : i32
    %lt3A_367 = arith.cmpi slt, %select_n3A_360, %lt3A_366 : i32
    %ne3A_368 = arith.xori %lt3A_365, %lt3A_367 : i1
    %and3A_369 = arith.andi %ne3A_368, %ne3A_363 : i1
    %add3A_370 = arith.addi %rem3A_361, %select_n3A_360 : i32
    %select_n3A_371 = arith.select %and3A_369, %add3A_370, %rem3A_361 : i32
    %dma_wait3A_372 = arith.constant 3 : i32
    %dma_wait3A_373 = arith.constant 3 : i32
    %dma_wait3A_374 = arith.constant 0 : i32
    %dma_wait3A_375 = arith.constant 0 : i32
    %dma_wait3A_376 = arith.constant 0 : i32
    %dma_wait3A_377 = tpu.memref_slice %arg7[%dma_wait3A_372, %dma_wait3A_374, %dma_wait3A_375, %dma_wait3A_376] : memref<4x8x8x129xf32, #tpu.memory_space<vmem>> -> memref<1x8x8x128xf32, #tpu.memory_space<vmem>>
    %dma_wait3A_378 = tpu.memref_squeeze %dma_wait3A_377 : memref<1x8x8x128xf32, #tpu.memory_space<vmem>> -> memref<8x8x128xf32, #tpu.memory_space<vmem>>
    %dma_wait3A_379 = arith.constant 0 : i32
    %dma_wait3A_380 = arith.constant 0 : i32
    %dma_wait3A_381 = arith.constant 0 : i32
    %dma_wait3A_382 = tpu.memref_slice %arg4[%select_n3A_355, %dma_wait3A_379, %select_n3A_371, %dma_wait3A_380, %dma_wait3A_381] : memref<50x8x128x8x128xf32, #tpu.memory_space<hbm>> -> memref<1x8x1x8x128xf32, #tpu.memory_space<hbm>>
    %dma_wait3A_383 = tpu.memref_squeeze %dma_wait3A_382 : memref<1x8x1x8x128xf32, #tpu.memory_space<hbm>> -> memref<8x8x128xf32, #tpu.memory_space<hbm>>
    %dma_wait3A_384 = tpu.memref_slice %arg9[%dma_wait3A_373] : memref<4x!tpu.dma_semaphore, #tpu.memory_space<semaphore_mem>> -> memref<1x!tpu.dma_semaphore, #tpu.memory_space<semaphore_mem>>
    %dma_wait3A_385 = tpu.memref_squeeze %dma_wait3A_384 : memref<1x!tpu.dma_semaphore, #tpu.memory_space<semaphore_mem>> -> memref<!tpu.dma_semaphore, #tpu.memory_space<semaphore_mem>>
    %dma_wait3A_386 = arith.constant 0 : i32
    %dma_wait3A_387 = arith.constant 0 : i32
    %dma_wait3A_388 = arith.constant 0 : i32
    %dma_wait3A_389 = tpu.memref_slice %arg4[%select_n3A_355, %dma_wait3A_386, %select_n3A_371, %dma_wait3A_387, %dma_wait3A_388] : memref<50x8x128x8x128xf32, #tpu.memory_space<hbm>> -> memref<1x8x1x8x128xf32, #tpu.memory_space<hbm>>
    %dma_wait3A_390 = tpu.memref_squeeze %dma_wait3A_389 : memref<1x8x1x8x128xf32, #tpu.memory_space<hbm>> -> memref<8x8x128xf32, #tpu.memory_space<hbm>>
    %dma_wait3A_391 = arith.constant 0 : i32
    %dma_wait3A_392 = arith.constant 0 : i32
    %dma_wait3A_393 = arith.constant 0 : i32
    %dma_wait3A_394 = tpu.memref_slice %arg7[%dma_wait3A_372, %dma_wait3A_391, %dma_wait3A_392, %dma_wait3A_393] : memref<4x8x8x129xf32, #tpu.memory_space<vmem>> -> memref<1x8x8x128xf32, #tpu.memory_space<vmem>>
    %dma_wait3A_395 = tpu.memref_squeeze %dma_wait3A_394 : memref<1x8x8x128xf32, #tpu.memory_space<vmem>> -> memref<8x8x128xf32, #tpu.memory_space<vmem>>
    tpu.wait_dma2 semaphore(%dma_wait3A_385 : memref<!tpu.dma_semaphore, #tpu.memory_space<semaphore_mem>>) src(%dma_wait3A_395 : memref<8x8x128xf32, #tpu.memory_space<vmem>>) dst(%dma_wait3A_390 : memref<8x8x128xf32, #tpu.memory_space<hbm>>)
    return
  }
}

</mosaic_0001>

<sc_bundles>
// kernel: _gather_lb.3.cloned.1.call-start
scs
__scs_entry_jumppad:
0x0: {  	(pc) =	sbr.rel $0x88, $3  }
0x1: {  	(tag) =	ssettag $0x0;
	lr =	simm.s32 $0x1  }
0x2: {  	[smem:$0x3F9F] =	sst lr;
	_ =	strace $0xD0000000  }
0x3: {  	_ = 	snop  }
0x4: {  	_ = 	snop  }
0x5: {  	_ = 	snop  }
0x6: {  	_ = 	snop  }
0x7: {  	_ = 	snop  }
__scs_overlays_trampoline_lowered:
0x8: {  	[smem:$0x3FAE] =	sst s0  }
0x9: {  	[smem:$0x3FAF] =	sst s1  }
0xa: {  	[smem:$0x3FB0] =	sst s2  }
0xb: {  	[smem:$0x3FB1] =	sst s3  }
0xc: {  	[smem:$0x3FB2] =	sst s4  }
0xd: {  	[smem:$0x3FB3] =	sst s5  }
0xe: {  	[smem:$0x3FB4] =	sst s6  }
0xf: {  	[smem:$0x3FB5] =	sst s7  }
0x10: {  	[smem:$0x3FB6] =	sst s8  }
0x11: {  	[smem:$0x3FB7] =	sst s9;
	s0 =	simm.s32 @!p0 $0x0  }
0x12: {  	s1 =	sld [smem:$0x3F9D];
	s0 =	simm.s32 @p0 $0x1  }
0x13: {  	[smem:$0x3FB8] =	sst s0;
	s0 =	simm.s32 @!p1 $0x0  }
0x14: {  	s2 =	sld [smem:$0x3F9C];
	s0 =	simm.s32 @p1 $0x1  }
0x15: {  	[smem:$0x3FB9] =	sst s0;
	s0 =	simm.s32 @!p2 $0x0  }
0x16: {  	s3 =	sld [smem:$0x3FDB];
	s0 =	simm.s32 @p2 $0x1  }
0x17: {  	s4 =	simm.s32 $0x1BF5;
	[smem:$0x3FBB] =	sst s0  }
0x18: {  	s0 =	sld [smem:$0x3F9E];
	_ =	swait.ge [sflag:s4], $0x0  }
0x19: {  	s7 =	sld [smem:$0x3F9F]  }
0x1a: {  	s8 =	sadd.s32 $0xFFFFE003, lr  }
0x1b: {  	s9 =	sadd.s32 $0xFFFFFEF7, lr;
	s5 =	simm.s32 $0xFFFFFFFF;
	p2 =	slt.u32 s8, $0xFFFFF086  }
0x1c: {  	p1 =	slt.u32 s9, $0xF7A;
	s5 =	simm.s32 @!p2 $0x0  }
0x1d: {  	s5 =	simm.s32 @p1 $0x1;
	p0 =	seq.s32 s7, s2  }
0x1e: {  	s7 =	smul.u32 @!p0 $0xF7A, s2;
	p2 =	seq.s32 @!p0 s5, $0x0  }
0x1f: {  	s9 =	smul.u32 $0xF7A, s1;
	s8 =	simm.s32 @!p0 $0x1BF5;
	p2 =	por !p2, p0  }
0x20: {  	[sflag:s8] =	ssyncset.s32 @!p0 $0xFFFFF086;
	s6 =	sadd.s32 @!p0 s3, s7;
	s7 =	simm.s32 @!p0 $0x108  }
0x21: {  	s3 =	sadd.s32 s3, s9;
	s6 =	sadd.s32 @!p0 $0x88, s6;
	s7 =	simm.s32 @p2 $0x1082  }
0x22: {  	[simem:s7], [sflag:s8] =	dma.local @!p0 [hbm:s6], $0xF7A  }
0x23: {  	s9 =	sor.u32 $0xD0000000, s2;
	s6 =	simm.s32 $0x108;
	_ =	swait.ge @!p0 [sflag:s8], $0x0  }
0x24: {  	s3 =	sadd.s32 $0x88, s3;
	s6 =	simm.s32 @!p1 $0x1082;
	[sflag:s4] =	ssyncset.s32 $0xFFFFF086  }
0x25: {  	[simem:s6], [sflag:s4] =	dma.local [hbm:s3], $0xF7A  }
0x26: {  	[smem:$0x3F9F] =	sst s1;
	(tag) =	ssettag s2;
	_ =	strace s9  }
0x27: {  	s1 =	sld [smem:$0x3FAF]  }
0x28: {  	s2 =	sld [smem:$0x3FB0]  }
0x29: {  	s4 =	sld [smem:$0x3FB2]  }
0x2a: {  	p0 =	seq.s32 s5, $0x0;
	s5 =	sld [smem:$0x3FB3]  }
0x2b: {  	s6 =	sld [smem:$0x3FB4]  }
0x2c: {  	s7 =	sld [smem:$0x3FB5]  }
0x2d: {  	s3 =	simm.s32 $0x108;
	s8 =	sld [smem:$0x3FB6]  }
0x2e: {  	s3 =	simm.s32 @!p0 $0x1082;
	s9 =	sld [smem:$0x3FB7]  }
0x2f: {  	lr =	sadd.s32 s0, s3;
	s0 =	sld [smem:$0x3FAE]  }
0x30: {  	s3 =	sld [smem:$0x3FB1]  }
0x31: {  	[smem:$0x3FBA] =	sst s10  }
0x32: {  	s10 =	sld [smem:$0x3FB8];
	_ =	sdelay $0x3  }
0x33: {  	p0 =	seq.s32 s10, $0x1;
	s10 =	sld [smem:$0x3FBA];
	_ =	sdelay $0x3  }
0x34: {  	[smem:$0x3FBA] =	sst s10  }
0x35: {  	s10 =	sld [smem:$0x3FB9];
	_ =	sdelay $0x3  }
0x36: {  	p1 =	seq.s32 s10, $0x1;
	s10 =	sld [smem:$0x3FBA];
	_ =	sdelay $0x3  }
0x37: {  	[smem:$0x3FBA] =	sst s10  }
0x38: {  	s10 =	sld [smem:$0x3FBB]  }
0x39: {  	_ = 	snop;
	(pc) =	sbr.ind lr, $3  }
0x3a: {  	_ = 	snop  }
0x3b: {  	_ = 	snop  }
0x3c: {  	p2 =	seq.s32 s10, $0x1;
	s10 =	sld [smem:$0x3FBA]  }
0x3d: {  	_ =	shalt  }
0x3e: {  	_ =	shalt  }
0x3f: {  	_ =	shalt  }
0x40: {  	_ =	shalt  }
0x41: {  	_ =	shalt  }
0x42: {  	_ =	shalt  }
0x43: {  	_ =	shalt  }
0x44: {  	_ =	shalt  }
0x45: {  	_ =	shalt  }
0x46: {  	_ =	shalt  }
0x47: {  	_ =	shalt  }
0x48: {  	_ =	shalt  }
0x49: {  	_ =	shalt  }
0x4a: {  	_ =	shalt  }
0x4b: {  	_ =	shalt  }
0x4c: {  	_ =	shalt  }
0x4d: {  	_ =	shalt  }
0x4e: {  	_ =	shalt  }
0x4f: {  	_ =	shalt  }
0x50: {  	_ =	shalt  }
0x51: {  	_ =	shalt  }
0x52: {  	_ =	shalt  }
0x53: {  	_ =	shalt  }
0x54: {  	_ =	shalt  }
0x55: {  	_ =	shalt  }
0x56: {  	_ =	shalt  }
0x57: {  	_ =	shalt  }
0x58: {  	_ =	shalt  }
0x59: {  	_ =	shalt  }
0x5a: {  	_ =	shalt  }
0x5b: {  	_ =	shalt  }
0x5c: {  	_ =	shalt  }
0x5d: {  	_ =	shalt  }
0x5e: {  	_ =	shalt  }
0x5f: {  	_ =	shalt  }
0x60: {  	_ =	shalt  }
0x61: {  	_ =	shalt  }
0x62: {  	_ =	shalt  }
0x63: {  	_ =	shalt  }
0x64: {  	_ =	shalt  }
0x65: {  	_ =	shalt  }
0x66: {  	_ =	shalt  }
0x67: {  	_ =	shalt  }
0x68: {  	_ =	shalt  }
0x69: {  	_ =	shalt  }
0x6a: {  	_ =	shalt  }
0x6b: {  	_ =	shalt  }
0x6c: {  	_ =	shalt  }
0x6d: {  	_ =	shalt  }
0x6e: {  	_ =	shalt  }
0x6f: {  	_ =	shalt  }
0x70: {  	_ =	shalt  }
0x71: {  	_ =	shalt  }
0x72: {  	_ =	shalt  }
0x73: {  	_ =	shalt  }
0x74: {  	_ =	shalt  }
0x75: {  	_ =	shalt  }
0x76: {  	_ =	shalt  }
0x77: {  	_ =	shalt  }
0x78: {  	_ =	shalt  }
0x79: {  	_ =	shalt  }
0x7a: {  	_ =	shalt  }
0x7b: {  	_ =	shalt  }
0x7c: {  	_ =	shalt  }
0x7d: {  	_ =	shalt  }
0x7e: {  	_ =	shalt  }
0x7f: {  	_ =	shalt  }
0x80: {  	_ =	shalt  }
0x81: {  	_ =	shalt  }
0x82: {  	_ =	shalt  }
0x83: {  	_ =	shalt  }
0x84: {  	_ =	shalt  }
0x85: {  	_ =	shalt  }
0x86: {  	_ =	shalt  }
0x87: {  	_ =	shalt  }
.Lfunc_end0:
.L_simem_size_0:
called_computation_lowered:
.L_overlay_start_0:
0x88: {  	s2 =	sld [smem:$0x3FD9]  }
0x89: {  	s3 =	sld [smem:$0x3FFE];
	_ =	sdelay $0x1  }
0x8a: {  	s1 =	srdreg.scid  }
0x8b: {  	s0 =	sand.u32 $0x1, s1  }
0x8c: {  	s17 =	sshll.u32 s0, $0xA;
	s2 =	sadd.s32 s3, s2  }
0x8d: {  	s2 =	sadd.s32 s2, s17  }
0x8e: {  	[smem:$0x3FC6] =	sst s2  }
0x8f: {  	_ = 	snop  }
0x90: {  	s2 =	sld [smem:$0x3FC9]  }
0x91: {  	s18 =	sld [smem:$0x3FD0];
	(tm) =	ssettm $0x1  }
0x92: {  	s4 =	sld [smem:$0x3FFB];
	_ =	sdelay $0x3  }
0x93: {  	_ =	strace s4  }
0x94: {  	s4 =	sld [smem:$0x3FFC];
	_ =	sdelay $0x3  }
0x95: {  	_ =	strace s4  }
0x96: {  	s4 =	sld [smem:$0x3FFD];
	_ =	sdelay $0x3  }
0x97: {  	_ =	strace s4  }
0x98: {  	_ =	strace $0x8FFFFFFF  }
0x99: {  	s19 =	sld [smem:$0x3FDB];
	_ =	sdelay $0x1  }
0x9a: {  	s5 =	simm.s32 $_scs_section_size  }
0x9b: {  	s6 =	simm.s32 $_size__tile_overlayer_lowered;
	s7 =	simm.s32 $_tile_overlayer_lowered  }
0x9c: {  	s22 =	simm.s32 $0x1BFF;
	s21 =	sshll.u32 s7, $0x1;
	s4 =	sadd.s32 s5, s19  }
0x9d: {  	s8 =	simm.s32 $0x0;
	s20 =	sshll.u32 s6, $0x1;
	s6 =	sadd.s32 s21, s4  }
0x9e: {  	[timem:s8], [sflag:s22] =	dma.local [hbm:s6], s20  }
0x9f: {  	_ =	swait.ge [sflag:s22], s20  }
0xa0: {  	s5 =	ssub.s32 $0x0, s20;
	[sflag:s22] =	ssyncset.done $0x0  }
0xa1: {  	[sflag:s22] =	ssyncadd.s32 s5;
	_ =	sdelay $0x1  }
0xa2: {  	s23 =	simm.s32 $0x1B8B  }
0xa3: {  	_ =	swait.ge [sflag:s23], $0x1  }
0xa4: {  	[sflag:s23] =	ssyncset.done $0x0  }
0xa5: {  	s25 =	simm.s32 $0x1B8E;
	s24 =	sld [smem:$0x3FFE];
	[sflag:s23] =	ssyncadd.s32 $0xFFFFFFFF  }
0xa6: {  	s26 =	simm.s32 $execute0_lowered;
	[smem:$0x3FD2] =	sst s25  }
0xa7: {  	s6 =	sshll.u32 s26, $0x1;
	_ =	strace $0x80000046;
	[dreg:$0x1] =	wrdreg $0xFFFFFFFF  }
0xa8: {  	s28 =	simm.s32 $_size_execute0_lowered;
	s4 =	sadd.s32 s4, s6;
	[dreg:$0x0] =	wrdreg $0x0  }
0xa9: {  	s6 =	sshll.u32 s28, $0x1;
	[dreg:$0x2] =	wrdreg s4  }
0xaa: {  	[dreg:$0x3] =	wrdreg s6  }
0xab: {  	[dreg:$0x4] =	wrdreg $0xC0  }
0xac: {  	_ =	task [dreg:s8], $0x5FFFF  }
0xad: {  	[dreg:$0x1] =	wrdreg $0xFFFFFFFF  }
0xae: {  	[dreg:$0x0] =	wrdreg $0x60  }
0xaf: {  	[dreg:$0x2] =	wrdreg s2  }
0xb0: {  	[dreg:$0x3] =	wrdreg s24  }
0xb1: {  	[dreg:$0x4] =	wrdreg s18  }
0xb2: {  	[dreg:$0x5] =	wrdreg $0x9  }
0xb3: {  	_ =	task.clear_ibuf [dreg:s8], $0x6FFFF;
	_ =	strace $0x90000046  }
0xb4: {  	s29 =	simm.s32 $0x9;
	_ =	strace $0x80000048  }
0xb5: {  	_ =	swait.ge [sflag:s29], $0x1  }
0xb6: {  	[sflag:s29] =	ssyncadd.s32 $0xFFFFFFFF  }
0xb7: {  	_ =	strace $0x90000048  }
0xb8: {  	_ =	sfence  }
0xb9: {  	s30 =	sld [smem:$0x0];
	_ =	sdelay $0x2  }
0xba: {  	s31 =	sshll.u32 s1, $0xD;
	s1 =	sshrl.u32 s1, $0x2  }
0xbb: {  	s3 =	sand.u32 $0x4000, s31;
	s1 =	sadd.s32 s1, s30  }
0xbc: {  	s0 =	sor.u32 s3, s0;
	s1 =	sshll.u32 s1, $0x11  }
0xbd: {  	s0 =	sor.u32 s1, s0  }
0xbe: {  	s0 =	sadd.s32 $0x8F2B, s0  }
0xbf: {  	[sflag:s0] =	ssyncadd.remote.s32 $0x1  }
0xc0: {  	_ =	sfence.sel $0xFFFF  }
0xc1: {  	[dreg:$0x0] =	wrdreg $0xFFFFFFFF;
	(pc) =	sbr.abs _section_cstart, $3  }
0xc2: {  	[dreg:$0x1] =	wrdreg $0xFFFFFFFF  }
0xc3: {  	_ =	task.clear_ibuf [dreg:s8], $0x2FFFF;
	_ =	strace $0x9FFFFFFF  }
0xc4: {  	(tm) =	ssettm $0x7FFFFFFF  }
0xc5: {  	_ =	shalt  }
tec
execute0_lowered:
.L_overlay_start_1:
0x0: {  	(tag) =	ssettag $0x1  }
0x1: {  	s0 =	rddreg [dreg:$0x0]  }
0x2: {  	s1 =	rddreg [dreg:$0x1];
	v0 =	vlaneseq.u32  }
0x3: {  	s2 =	rddreg [dreg:$0x2];
	v0 =	vmul.u32 $0x88, v0  }
0x4: {  	s4 =	srdreg.scid;
	s5 =	stileid.u32;
	v1 =	vimm.s32 $0x0;
	vm0 =	vcmask $0x300  }
0x5: {  	s3 =	simm.s32 $0x0;
	s9 =	simm.s32 $0x80;
	s22 =	simm.s32 $0x16400;
	v1 =	vsel vm0, $0x3, v1;
	v2 =	vadd.s32 $0x880, v0  }
0x6: {  	s23 =	simm.s32 $0x2;
	s28 =	simm.s32 $0x1A800;
	s29 =	simm.s32 $0x4;
	v3 =	vadd.s32 $0x1100, v0;
	v4 =	vadd.s32 $0x1980, v0;
	v5 =	vor.u32 $0x1, v0  }
0x7: {  	s30 =	simm.s32 $0x1CA00;
	s31 =	simm.s32 $0x5;
	s10 =	simm.s32 $0xA;
	v6 =	vadd.s32 $0x881, v0;
	v7 =	vadd.s32 $0x1101, v0;
	v8 =	vadd.s32 $0x1981, v0  }
0x8: {  	s11 =	simm.s32 $0x7;
	s12 =	simm.s32 $0xB;
	s13 =	simm.s32 $0x8;
	v9 =	vor.u32 $0x2, v0;
	v10 =	vadd.s32 $0x882, v0;
	v11 =	vadd.s32 $0x1102, v0  }
0x9: {  	s4 =	sand.u32 $0x1, s4;
	s5 =	sshll.u32 s5, $0x1;
	[smem:$0x7FF] =	sst s3;
	v12 =	vadd.s32 $0x1982, v0;
	v13 =	vor.u32 $0x3, v0;
	v14 =	vadd.s32 $0x883, v0  }
0xa: {  	s14 =	simm.s32 $0xC;
	s5 =	sor.u32 s4, s5;
	_ =	strace $0x80000047;
	v15 =	vadd.s32 $0x1103, v0;
	v16 =	vadd.s32 $0x1983, v0;
	v17 =	vor.u32 $0x4, v0  }
0xb: {  	s6 =	ssub.s32 $0x2, s4;
	s4 =	sadd.s32 $0xF42800, s1;
	s8 =	smul.u32 $0xC80, s5;
	v18 =	vadd.s32 $0x884, v0;
	v19 =	vadd.s32 $0x1104, v0;
	v20 =	vadd.s32 $0x1984, v0  }
0xc: {  	s1 =	simm.s32 $0x6;
	s7 =	sshrl.u32 s6, $0x1;
	s5 =	smul.u32 $0xC8, s5;
	v21 =	vor.u32 $0x5, v0;
	v22 =	vadd.s32 $0x885, v0;
	v23 =	vadd.s32 $0x1105, v0  }
0xd: {  	v24 =	vadd.s32 $0x1985, v0;
	v25 =	vor.u32 $0x6, v0;
	v26 =	vadd.s32 $0x886, v0;
	s25 =	ssub.s32 s6, s7;
	s7 =	simm.s32 $0x0;
	s0 =	sadd.s32 s0, s8  }
0xe: {  	v27 =	vadd.s32 $0x1106, v0;
	v28 =	vadd.s32 $0x1986, v0;
	v29 =	vor.u32 $0x7, v0;
	s26 =	smax.u32 s25, $0x1;
	s25 =	simm.s32 $0x18600;
	[dreg:$0x4] =	wrdreg s0  }
0xf: {  	v30 =	vadd.s32 $0x887, v0;
	v31 =	vadd.s32 $0x1107, v0;
	v32 =	vadd.s32 $0x1987, v0;
	[dreg:$0x5] =	wrdreg s26;
	s26 =	simm.s32 $0x3;
	s0 =	simm.s32 $0x9  }
.LBB2_1:
0x10: {  	[dreg:$0x6] =	wrdreg s7  }
0x11: {  	s6 =	rddreg [dreg:$0x4];
	s24 =	simm.s32 $0xD  }
0x12: {  	[tilespmem:s3], [sflag:$0xD] =	stream.linear.gather [hbm4b:s6+s3], $0x6400, $0x38;
	[tilespmem:$0x1EC00] =	vst v63  }
0x13: {  	_ =	swait.ge [sflag:s24], $0x6400  }
0x14: {  	[sflag:s24] =	ssyncset.done $0x0  }
0x15: {  	s7 =	simm.s32 $0x6400;
	[sflag:s24] =	ssyncadd.s32 $0xFFFF9C00  }
0x16: {  	[tilespmem:s7], [sflag:$0x1] =	stream.indirect.gather [hbm4b:s4+s9], $0x40, s3, s9, $0xb8;
	[tilespmem:$0x1EC00] =	vst v63  }
0x17: {  	s8 =	simm.s32 $0x8400  }
0x18: {  	[tilespmem:s8], [sflag:$0x2] =	stream.indirect.gather [hbm4b:s4+s9], $0x40, s9, s9, $0xb8;
	[tilespmem:$0x1EC00] =	vst v63  }
0x19: {  	s15 =	simm.s32 $0x100;
	s16 =	simm.s32 $0xA400  }
0x1a: {  	[tilespmem:s16], [sflag:$0x3] =	stream.indirect.gather [hbm4b:s4+s9], $0x40, s15, s9, $0xb8;
	[tilespmem:$0x1EC00] =	vst v63  }
0x1b: {  	s17 =	simm.s32 $0x180;
	s18 =	simm.s32 $0xC400  }
0x1c: {  	[tilespmem:s18], [sflag:$0x4] =	stream.indirect.gather [hbm4b:s4+s9], $0x40, s17, s9, $0xb8;
	[tilespmem:$0x1EC00] =	vst v63  }
0x1d: {  	s19 =	simm.s32 $0x200;
	s20 =	simm.s32 $0xE400  }
0x1e: {  	[tilespmem:s20], [sflag:$0x5] =	stream.indirect.gather [hbm4b:s4+s9], $0x40, s19, s9, $0xb8;
	[tilespmem:$0x1EC00] =	vst v63  }
0x1f: {  	s21 =	simm.s32 $0x280;
	s24 =	simm.s32 $0x10400;
	s16 =	simm.s32 $0x0  }
0x20: {  	[tilespmem:s24], [sflag:$0x6] =	stream.indirect.gather [hbm4b:s4+s9], $0x40, s21, s9, $0xb8;
	[tilespmem:$0x1EC00] =	vst v63  }
.LBB2_2:
0x21: {  	s19 =	sshll.u32 s16, $0x3;
	s7 =	simm.s32 $0x1  }
0x22: {  	s21 =	simm.s32 $0x12400;
	s24 =	simm.s32 $0x0;
	s8 =	simm.s32 $0x2  }
0x23: {  	s15 =	simm.s32 $0x3;
	s18 =	simm.s32 $0x4;
	p0 =	seq.s32 s16, $0x0  }
0x24: {  	s20 =	simm.s32 $0x5;
	_ =	swait.ge [sflag:s7], $0x2000;
	s17 =	sor.u32 $0x6, s19  }
0x25: {  	v33 =	vmov s24;
	v35 =	vmov s8;
	s8 =	simm.s32 $0x7;
	v36 =	vmov s15;
	[sflag:s7] =	ssyncset.done $0x0;
	s6 =	sshll.u32 s17, $0x7  }
0x26: {  	v37 =	vmov s18;
	v39 =	vmov s20;
	v33 =	vshrl.u32 v33, $0x3;
	[sflag:s7] =	ssyncadd.s32 $0xFFFFE000;
	s6 =	sand.u32 $0x3FFFFF00, s6;
	s7 =	simm.s32 $0x1  }
0x27: {  	v38 =	vmov s8;
	v35 =	vshrl.u32 v35, $0x3;
	v36 =	vshrl.u32 v36, $0x3;
	[tilespmem:s21], [sflag:$0x7] =	stream.indirect.gather [hbm4b:s4+s9], $0x40, s6, s9, $0xb8;
	[tilespmem:$0x1EC00] =	vst v63  }
0x28: {  	v37 =	vshrl.u32 v37, $0x3;
	v38 =	vshrl.u32 v38, $0x3;
	v34 =	vmov s7;
	s7 =	simm.s32 @!p0 $0x9  }
0x29: {  	v55 =	vshrl.u32 v39, $0x3;
	v33 =	vshll.u32 v33, v1;
	v38 =	vshll.u32 v38, v1;
	_ =	swait.ge @!p0 [sflag:s7], $0x2000  }
0x2a: {  	v52 =	vshll.u32 v35, v1;
	v53 =	vshll.u32 v36, v1;
	v38 =	vbroadcast v38, $0x0;
	[sflag:s7] =	ssyncset.done @!p0 $0x0  }
0x2b: {  	v54 =	vshll.u32 v37, v1;
	v36 =	vshll.u32 v55, v1;
	s6 =	simm.s32 $0x6500;
	v33 =	vbroadcast v33, $0x0;
	[sflag:s7] =	ssyncadd.s32 @!p0 $0xFFFFE000  }
0x2c: {  	v52 =	vbroadcast v52, $0x0;
	v35 =	vbroadcast v53, $0x0;
	v42 =	vadd.s32 v29, v38;
	v41 =	vld [tilespmem:s6+$0xC0]  }
0x2d: {  	s21 =	simm.s32 $0x6;
	v37 =	vbroadcast v36, $0x0;
	v34 =	vshrl.u32 v34, $0x3;
	v44 =	vadd.s32 v0, v33;
	v43 =	vld [tilespmem:s6+$0xFFFFFF00]  }
0x2e: {  	v40 =	vmov s21;
	v34 =	vshll.u32 v34, v1;
	v49 =	vadd.s32 v9, v52;
	v48 =	vld [tilespmem:s6+$0xFFFFFF80]  }
0x2f: {  	v50 =	vadd.s32 v13, v35;
	v40 =	vshrl.u32 v40, $0x3;
	v45 =	vbroadcast v34, $0x0;
	v39 =	vld [tilespmem:s6+$0xFFFFFFC0]  }
0x30: {  	v60 =	vadd.s32 v21, v37;
	v34 =	vbroadcast v54, $0x0;
	v56 =	vshll.u32 v40, v1;
	v59 =	vld [tilespmem:s6+$0x40]  }
0x31: {  	v46 =	vld [tilespmem:s6+$0xFFFFFF40];
	v36 =	vbroadcast v56, $0x0;
	v47 =	vadd.s32 v5, v45;
	[tilespmem:v42+s22+$0x0] =	vst.idx.msk $0xffff, v41  }
0x32: {  	v51 =	vld [tilespmem:s6+$0x0];
	v53 =	vadd.s32 v17, v34;
	[tilespmem:v44+s22+$0x0] =	vst.idx.msk $0xffff, v43  }
0x33: {  	v61 =	vld [tilespmem:s6+$0x80];
	v62 =	vadd.s32 v25, v36;
	[tilespmem:v49+s22+$0x0] =	vst.idx.msk $0xffff, v48  }
0x34: {  	v58 =	vadd.s32 v30, v38;
	[tilespmem:v50+s22+$0x0] =	vst.idx.msk $0xffff, v39;
	v57 =	vld [tilespmem:s6+$0xD0]  }
0x35: {  	v55 =	vadd.s32 v10, v52;
	[tilespmem:v60+s22+$0x0] =	vst.idx.msk $0xffff, v59;
	v54 =	vld [tilespmem:s6+$0xFFFFFF90]  }
0x36: {  	v56 =	vadd.s32 v14, v35;
	[tilespmem:v47+s22+$0x0] =	vst.idx.msk $0xffff, v46;
	v50 =	vld [tilespmem:s6+$0xFFFFFFD0]  }
0x37: {  	v63 =	vadd.s32 v6, v45;
	[tilespmem:v53+s22+$0x0] =	vst.idx.msk $0xffff, v51;
	v47 =	vld [tilespmem:s6+$0xFFFFFF50]  }
0x38: {  	v44 =	vld [tilespmem:s6+$0x50];
	v46 =	vadd.s32 v22, v37;
	[tilespmem:v62+s22+$0x0] =	vst.idx.msk $0xffff, v61  }
0x39: {  	v61 =	vld [tilespmem:s6+$0xFFFFFF10];
	v62 =	vadd.s32 v2, v33;
	[tilespmem:v58+s22+$0x0] =	vst.idx.msk $0xffff, v57  }
0x3a: {  	v59 =	vadd.s32 v18, v34;
	v58 =	vld [tilespmem:s6+$0x10];
	[tilespmem:v55+s22+$0x0] =	vst.idx.msk $0xffff, v54  }
0x3b: {  	v57 =	vadd.s32 v31, v38;
	[tilespmem:v56+s22+$0x0] =	vst.idx.msk $0xffff, v50;
	v40 =	vld [tilespmem:s6+$0xE0]  }
0x3c: {  	v60 =	vadd.s32 v26, v36;
	[tilespmem:v63+s22+$0x0] =	vst.idx.msk $0xffff, v47;
	v63 =	vld [tilespmem:s6+$0x90]  }
0x3d: {  	[tilespmem:v46+s22+$0x0] =	vst.idx.msk $0xffff, v44;
	v55 =	vld [tilespmem:s6+$0xFFFFFFA0]  }
0x3e: {  	v56 =	vadd.s32 v11, v52;
	[tilespmem:v62+s22+$0x0] =	vst.idx.msk $0xffff, v61;
	v50 =	vld [tilespmem:s6+$0xFFFFFF60]  }
0x3f: {  	v51 =	vadd.s32 v7, v45;
	v46 =	vld [tilespmem:s6+$0xFFFFFF20];
	[tilespmem:v59+s22+$0x0] =	vst.idx.msk $0xffff, v58  }
0x40: {  	v58 =	vadd.s32 v15, v35;
	[tilespmem:v57+s22+$0x0] =	vst.idx.msk $0xffff, v40;
	v57 =	vld [tilespmem:s6+$0xFFFFFFE0]  }
0x41: {  	[tilespmem:v60+s22+$0x0] =	vst.idx.msk $0xffff, v63;
	v59 =	vld [tilespmem:s6+$0x20];
	v60 =	vadd.s32 v19, v34  }
0x42: {  	v38 =	vadd.s32 v32, v38;
	v54 =	vld [tilespmem:s6+$0xF0]  }
0x43: {  	s24 =	simm.s32 $0x8;
	s8 =	simm.s32 $0x9;
	v41 =	vadd.s32 v23, v37;
	v43 =	vadd.s32 v27, v36;
	v40 =	vld [tilespmem:s6+$0x60];
	[tilespmem:v56+s22+$0x0] =	vst.idx.msk $0xffff, v55  }
0x44: {  	s18 =	simm.s32 $0xB;
	v48 =	vadd.s32 v3, v33;
	v53 =	vmov s8;
	v63 =	vmov s24;
	[tilespmem:v51+s22+$0x0] =	vst.idx.msk $0xffff, v50;
	v42 =	vld [tilespmem:s6+$0xA0]  }
0x45: {  	s20 =	simm.s32 $0xC;
	v44 =	vmov s18;
	v52 =	vadd.s32 v12, v52;
	v39 =	vshrl.u32 v63, $0x3;
	v50 =	vld [tilespmem:s6+$0xFFFFFFB0];
	[tilespmem:v58+s22+$0x0] =	vst.idx.msk $0xffff, v57  }
0x46: {  	s15 =	simm.s32 $0xA;
	s21 =	simm.s32 $0xD;
	v47 =	vmov s20;
	s24 =	simm.s32 $0xE;
	v51 =	vadd.s32 v8, v45;
	v49 =	vld [tilespmem:s6+$0xFFFFFF70];
	v45 =	vshll.u32 v39, v1;
	[tilespmem:v60+s22+$0x0] =	vst.idx.msk $0xffff, v59  }
0x47: {  	s7 =	simm.s32 $0x10;
	s8 =	simm.s32 $0xF;
	v39 =	vmov s24;
	[tilespmem:v38+s22+$0x0] =	vst.idx.msk $0xffff, v54;
	v54 =	vmov s15;
	v38 =	vmov s21  }
.LBB2_3:
0x48: {  	p1 =	slt.u32 s7, $0x78;
	v53 =	vshrl.u32 v53, $0x3;
	v55 =	vmov s8;
	v56 =	vld [tilespmem:s6+$0xFFFFFFF0];
	v35 =	vadd.s32 v16, v35;
	[tilespmem:v41+s22+$0x0] =	vst.idx.msk $0xffff, v40  }
0x49: {  	v40 =	vshrl.u32 v54, $0x3;
	v34 =	vadd.s32 v20, v34;
	v41 =	vshrl.u32 v55, $0x3;
	v54 =	vld [tilespmem:s6+$0x30];
	[tilespmem:v43+s22+$0x0] =	vst.idx.msk $0xffff, v42  }
0x4a: {  	v37 =	vadd.s32 v24, v37;
	v42 =	vshrl.u32 v44, $0x3;
	v41 =	vshll.u32 v41, v1;
	[tilespmem:v48+s22+$0x0] =	vst.idx.msk $0xffff, v46;
	v43 =	vld [tilespmem:s6+$0x70]  }
0x4b: {  	v36 =	vadd.s32 v28, v36;
	v44 =	vshrl.u32 v47, $0x3;
	v41 =	vbroadcast v41, $0x0;
	[tilespmem:v51+s22+$0x0] =	vst.idx.msk $0xffff, v49;
	v46 =	vld [tilespmem:s6+$0xB0]  }
0x4c: {  	v47 =	vshll.u32 v53, v1;
	v49 =	vadd.s32 v4, v33;
	v33 =	vbroadcast v45, $0x0;
	v48 =	vld [tilespmem:s6+$0xFFFFFF30];
	[tilespmem:v52+s22+$0x0] =	vst.idx.msk $0xffff, v50;
	s6 =	sadd.s32 $0x200, s6  }
0x4d: {  	v40 =	vshll.u32 v40, v1;
	v45 =	vbroadcast v47, $0x0;
	v47 =	vld [tilespmem:s6+$0xC0];
	v50 =	vadd.s32 v29, v41;
	[tilespmem:v35+s22+$0x0] =	vst.idx.msk $0xffff, v56  }
0x4e: {  	v55 =	vbroadcast v40, $0x0;
	v52 =	vadd.s32 v0, v33;
	v35 =	vshll.u32 v42, v1;
	v51 =	vld [tilespmem:s6+$0xFFFFFF00];
	[tilespmem:v34+s22+$0x0] =	vst.idx.msk $0xffff, v54  }
0x4f: {  	v42 =	vadd.s32 v5, v45;
	v35 =	vbroadcast v35, $0x0;
	v34 =	vshll.u32 v44, v1;
	v40 =	vld [tilespmem:s6+$0xFFFFFF40];
	[tilespmem:v37+s22+$0x0] =	vst.idx.msk $0xffff, v43  }
0x50: {  	v44 =	vadd.s32 v9, v55;
	v34 =	vbroadcast v34, $0x0;
	v37 =	vshrl.u32 v38, $0x3;
	v43 =	vld [tilespmem:s6+$0xFFFFFF80];
	[tilespmem:v36+s22+$0x0] =	vst.idx.msk $0xffff, v46  }
0x51: {  	v39 =	vshrl.u32 v39, $0x3;
	v46 =	vadd.s32 v13, v35;
	v36 =	vshll.u32 v37, v1;
	v38 =	vld [tilespmem:s6+$0xFFFFFFC0];
	[tilespmem:v49+s22+$0x0] =	vst.idx.msk $0xffff, v48  }
0x52: {  	v49 =	vadd.s32 v17, v34;
	v37 =	vbroadcast v36, $0x0;
	v36 =	vshll.u32 v39, v1;
	v48 =	vld [tilespmem:s6+$0x0];
	[tilespmem:v50+s22+$0x0] =	vst.idx.msk $0xffff, v47  }
0x53: {  	v36 =	vbroadcast v36, $0x0;
	v47 =	vadd.s32 v30, v41;
	[tilespmem:v52+s22+$0x0] =	vst.idx.msk $0xffff, v51;
	v39 =	vld [tilespmem:s6+$0xD0]  }
0x54: {  	[tilespmem:v42+s22+$0x0] =	vst.idx.msk $0xffff, v40;
	v40 =	vld [tilespmem:s6+$0x40];
	v42 =	vadd.s32 v21, v37  }
0x55: {  	[tilespmem:v44+s22+$0x0] =	vst.idx.msk $0xffff, v43;
	v43 =	vld [tilespmem:s6+$0x80];
	v44 =	vadd.s32 v25, v36  }
0x56: {  	v51 =	vadd.s32 v6, v45;
	v50 =	vld [tilespmem:s6+$0xFFFFFF50];
	[tilespmem:v46+s22+$0x0] =	vst.idx.msk $0xffff, v38  }
0x57: {  	v46 =	vadd.s32 v10, v55;
	v38 =	vld [tilespmem:s6+$0xFFFFFF90];
	[tilespmem:v49+s22+$0x0] =	vst.idx.msk $0xffff, v48  }
0x58: {  	v49 =	vadd.s32 v14, v35;
	v48 =	vld [tilespmem:s6+$0xFFFFFFD0];
	[tilespmem:v47+s22+$0x0] =	vst.idx.msk $0xffff, v39  }
0x59: {  	[tilespmem:v42+s22+$0x0] =	vst.idx.msk $0xffff, v40;
	v39 =	vld [tilespmem:s6+$0xE0];
	v40 =	vadd.s32 v31, v41  }
0x5a: {  	v47 =	vadd.s32 v18, v34;
	v42 =	vld [tilespmem:s6+$0x10];
	[tilespmem:v44+s22+$0x0] =	vst.idx.msk $0xffff, v43  }
0x5b: {  	v44 =	vadd.s32 v22, v37;
	[tilespmem:v51+s22+$0x0] =	vst.idx.msk $0xffff, v50;
	v43 =	vld [tilespmem:s6+$0x50]  }
0x5c: {  	[tilespmem:v46+s22+$0x0] =	vst.idx.msk $0xffff, v38;
	v38 =	vld [tilespmem:s6+$0x90];
	v46 =	vadd.s32 v26, v36  }
0x5d: {  	v51 =	vadd.s32 v2, v33;
	v50 =	vld [tilespmem:s6+$0xFFFFFF10];
	[tilespmem:v49+s22+$0x0] =	vst.idx.msk $0xffff, v48  }
0x5e: {  	v49 =	vadd.s32 v7, v45;
	v48 =	vld [tilespmem:s6+$0xFFFFFF60];
	[tilespmem:v40+s22+$0x0] =	vst.idx.msk $0xffff, v39  }
0x5f: {  	[tilespmem:v47+s22+$0x0] =	vst.idx.msk $0xffff, v42;
	v39 =	vld [tilespmem:s6+$0xF0];
	v47 =	vadd.s32 v32, v41  }
0x60: {  	v56 =	vadd.s32 v11, v55;
	v52 =	vld [tilespmem:s6+$0xFFFFFFA0];
	[tilespmem:v44+s22+$0x0] =	vst.idx.msk $0xffff, v43  }
0x61: {  	v58 =	vadd.s32 v15, v35;
	v57 =	vld [tilespmem:s6+$0xFFFFFFE0];
	[tilespmem:v46+s22+$0x0] =	vst.idx.msk $0xffff, v38  }
0x62: {  	v60 =	vadd.s32 v19, v34;
	[tilespmem:v51+s22+$0x0] =	vst.idx.msk $0xffff, v50;
	v59 =	vld [tilespmem:s6+$0x20]  }
.Ltmp0:
0x63: {  	s8 =	sadd.s32 $0x1, s7;
	v41 =	vadd.s32 v23, v37;
	v38 =	vmov s7;
	[tilespmem:v49+s22+$0x0] =	vst.idx.msk $0xffff, v48;
	v40 =	vld [tilespmem:s6+$0x60];
	(pc) =	sbr.rel @p1 .LBB2_3-.Ltmp0, $4  }
0x64: {  	s15 =	sadd.s32 $0x3, s7;
	v53 =	vmov s8;
	s8 =	sadd.s32 $0x2, s7;
	v43 =	vadd.s32 v27, v36;
	v50 =	vshrl.u32 v38, $0x3;
	v42 =	vld [tilespmem:s6+$0xA0];
	[tilespmem:v47+s22+$0x0] =	vst.idx.msk $0xffff, v39  }
0x65: {  	v54 =	vmov s8;
	s8 =	sadd.s32 $0x4, s7;
	v44 =	vmov s15;
	s15 =	sadd.s32 $0x5, s7;
	v48 =	vadd.s32 v3, v33;
	v46 =	vld [tilespmem:s6+$0xFFFFFF20];
	[tilespmem:v56+s22+$0x0] =	vst.idx.msk $0xffff, v52  }
0x66: {  	v38 =	vmov s15;
	v51 =	vadd.s32 v8, v45;
	v47 =	vmov s8;
	s8 =	sadd.s32 $0x6, s7;
	v49 =	vld [tilespmem:s6+$0xFFFFFF70];
	[tilespmem:v58+s22+$0x0] =	vst.idx.msk $0xffff, v57  }
0x67: {  	v45 =	vshll.u32 v50, v1;
	v39 =	vmov s8;
	s8 =	sadd.s32 $0x7, s7;
	s7 =	sadd.s32 $0x8, s7;
	v52 =	vadd.s32 v12, v55;
	v50 =	vld [tilespmem:s6+$0xFFFFFFB0];
	[tilespmem:v60+s22+$0x0] =	vst.idx.msk $0xffff, v59  }
0x68: {  	_ =	sdelay $0x2  }
0x69: {  	v53 =	vshrl.u32 v53, $0x3  }
0x6a: {  	v55 =	vmov s8;
	v56 =	vld [tilespmem:s6+$0xFFFFFFF0];
	v35 =	vadd.s32 v16, v35;
	[tilespmem:v41+s22+$0x0] =	vst.idx.msk $0xffff, v40;
	v57 =	vshrl.u32 v54, $0x3  }
0x6b: {  	v59 =	vld [tilespmem:s6+$0x30];
	v34 =	vadd.s32 v20, v34;
	v60 =	vshrl.u32 v44, $0x3;
	v58 =	vshrl.u32 v55, $0x3;
	[tilespmem:v43+s22+$0x0] =	vst.idx.msk $0xffff, v42  }
0x6c: {  	v37 =	vadd.s32 v24, v37;
	v62 =	vshrl.u32 v47, $0x3;
	v61 =	vld [tilespmem:s6+$0x70];
	v41 =	vshll.u32 v58, v1;
	[tilespmem:v48+s22+$0x0] =	vst.idx.msk $0xffff, v46  }
0x6d: {  	v36 =	vadd.s32 v28, v36;
	v45 =	vbroadcast v45, $0x0;
	v63 =	vld [tilespmem:s6+$0xB0];
	v41 =	vbroadcast v41, $0x0;
	[tilespmem:v51+s22+$0x0] =	vst.idx.msk $0xffff, v49  }
0x6e: {  	v33 =	vadd.s32 v4, v33;
	s20 =	sadd.s32 $0x200, s6;
	v38 =	vshrl.u32 v38, $0x3;
	v55 =	vshll.u32 v53, v1;
	v48 =	vld [tilespmem:s6+$0xFFFFFF30];
	[tilespmem:v52+s22+$0x0] =	vst.idx.msk $0xffff, v50  }
0x6f: {  	v40 =	vshll.u32 v57, v1;
	v47 =	vbroadcast v55, $0x0;
	v49 =	vld [tilespmem:s20+$0xC0];
	v50 =	vadd.s32 v29, v41;
	[tilespmem:v35+s22+$0x0] =	vst.idx.msk $0xffff, v56  }
0x70: {  	v42 =	vshll.u32 v60, v1;
	v40 =	vbroadcast v40, $0x0;
	v35 =	vld [tilespmem:s20+$0xFFFFFF00];
	v56 =	vadd.s32 v0, v45;
	[tilespmem:v34+s22+$0x0] =	vst.idx.msk $0xffff, v59  }
0x71: {  	v57 =	vld [tilespmem:s20+$0xFFFFFF40];
	v44 =	vshll.u32 v62, v1;
	v42 =	vbroadcast v42, $0x0;
	v58 =	vadd.s32 v5, v47;
	[tilespmem:v37+s22+$0x0] =	vst.idx.msk $0xffff, v61  }
0x72: {  	v38 =	vshll.u32 v38, v1;
	v44 =	vbroadcast v44, $0x0;
	v60 =	vadd.s32 v9, v40;
	v59 =	vld [tilespmem:s20+$0xFFFFFF80];
	[tilespmem:v36+s22+$0x0] =	vst.idx.msk $0xffff, v63  }
0x73: {  	v38 =	vbroadcast v38, $0x0;
	v62 =	vadd.s32 v13, v42;
	v61 =	vld [tilespmem:s20+$0xFFFFFFC0];
	[tilespmem:v33+s22+$0x0] =	vst.idx.msk $0xffff, v48  }
0x74: {  	v39 =	vshrl.u32 v39, $0x3;
	v63 =	vadd.s32 v17, v44;
	v33 =	vld [tilespmem:s20+$0x0];
	[tilespmem:v50+s22+$0x0] =	vst.idx.msk $0xffff, v49  }
0x75: {  	v39 =	vshll.u32 v39, v1;
	v34 =	vld [tilespmem:s20+$0x40];
	[tilespmem:v56+s22+$0x0] =	vst.idx.msk $0xffff, v35;
	v56 =	vadd.s32 v21, v38  }
0x76: {  	[tilespmem:v58+s22+$0x0] =	vst.idx.msk $0xffff, v57;
	v35 =	vbroadcast v39, $0x0;
	v49 =	vadd.s32 v30, v41;
	v39 =	vld [tilespmem:s20+$0xD0]  }
0x77: {  	[tilespmem:v60+s22+$0x0] =	vst.idx.msk $0xffff, v59;
	v59 =	vld [tilespmem:s20+$0xFFFFFF50];
	v60 =	vadd.s32 v6, v47  }
0x78: {  	v57 =	vld [tilespmem:s20+$0x80];
	[tilespmem:v62+s22+$0x0] =	vst.idx.msk $0xffff, v61;
	v58 =	vadd.s32 v25, v35  }
0x79: {  	v61 =	vld [tilespmem:s20+$0xFFFFFF90];
	v62 =	vadd.s32 v10, v40;
	[tilespmem:v63+s22+$0x0] =	vst.idx.msk $0xffff, v33  }
0x7a: {  	v33 =	vld [tilespmem:s20+$0xFFFFFFD0];
	v63 =	vadd.s32 v14, v42;
	[tilespmem:v56+s22+$0x0] =	vst.idx.msk $0xffff, v34  }
0x7b: {  	v56 =	vadd.s32 v18, v44;
	[tilespmem:v49+s22+$0x0] =	vst.idx.msk $0xffff, v39;
	v49 =	vld [tilespmem:s20+$0x10]  }
0x7c: {  	[tilespmem:v60+s22+$0x0] =	vst.idx.msk $0xffff, v59;
	v39 =	vadd.s32 v31, v41;
	v34 =	vld [tilespmem:s20+$0xE0]  }
0x7d: {  	[tilespmem:v58+s22+$0x0] =	vst.idx.msk $0xffff, v57;
	v57 =	vld [tilespmem:s20+$0x50];
	v58 =	vadd.s32 v22, v38  }
0x7e: {  	[tilespmem:v62+s22+$0x0] =	vst.idx.msk $0xffff, v61;
	v61 =	vld [tilespmem:s20+$0xFFFFFF10];
	v62 =	vadd.s32 v2, v45  }
0x7f: {  	v60 =	vadd.s32 v26, v35;
	v59 =	vld [tilespmem:s20+$0x90];
	[tilespmem:v63+s22+$0x0] =	vst.idx.msk $0xffff, v33  }
0x80: {  	v55 =	vadd.s32 v11, v40;
	v54 =	vadd.s32 v32, v41;
	v41 =	vld [tilespmem:s20+$0xFFFFFFA0];
	[tilespmem:v56+s22+$0x0] =	vst.idx.msk $0xffff, v49  }
0x81: {  	v53 =	vadd.s32 v7, v47;
	v63 =	vld [tilespmem:s20+$0xFFFFFF60];
	[tilespmem:v39+s22+$0x0] =	vst.idx.msk $0xffff, v34  }
0x82: {  	v56 =	vld [tilespmem:s20+$0xFFFFFFE0];
	[tilespmem:v58+s22+$0x0] =	vst.idx.msk $0xffff, v57;
	v57 =	vadd.s32 v15, v42  }
0x83: {  	[tilespmem:v62+s22+$0x0] =	vst.idx.msk $0xffff, v61;
	v34 =	vld [tilespmem:s20+$0xF0]  }
0x84: {  	v58 =	vld [tilespmem:s20+$0x20];
	[tilespmem:v60+s22+$0x0] =	vst.idx.msk $0xffff, v59;
	v59 =	vadd.s32 v19, v44  }
0x85: {  	v61 =	vadd.s32 v23, v38;
	[tilespmem:v55+s22+$0x0] =	vst.idx.msk $0xffff, v41;
	v60 =	vld [tilespmem:s20+$0x60]  }
0x86: {  	[tilespmem:v53+s22+$0x0] =	vst.idx.msk $0xffff, v63;
	v63 =	vadd.s32 v27, v35;
	v62 =	vld [tilespmem:s20+$0xA0]  }
0x87: {  	v47 =	vadd.s32 v8, v47;
	v55 =	vld [tilespmem:s20+$0xFFFFFF70];
	[tilespmem:v57+s22+$0x0] =	vst.idx.msk $0xffff, v56  }
0x88: {  	v53 =	vld [tilespmem:s20+$0xFFFFFF20];
	[tilespmem:v54+s22+$0x0] =	vst.idx.msk $0xffff, v34;
	v54 =	vadd.s32 v3, v45  }
0x89: {  	v40 =	vadd.s32 v12, v40;
	v56 =	vld [tilespmem:s20+$0xFFFFFFB0];
	[tilespmem:v59+s22+$0x0] =	vst.idx.msk $0xffff, v58  }
0x8a: {  	v42 =	vadd.s32 v16, v42;
	v57 =	vld [tilespmem:s20+$0xFFFFFFF0];
	[tilespmem:v61+s22+$0x0] =	vst.idx.msk $0xffff, v60  }
0x8b: {  	v59 =	vadd.s32 v20, v44;
	v58 =	vld [tilespmem:s20+$0x30];
	[tilespmem:v63+s22+$0x0] =	vst.idx.msk $0xffff, v62  }
0x8c: {  	v38 =	vadd.s32 v24, v38;
	v60 =	vld [tilespmem:s20+$0x70];
	[tilespmem:v47+s22+$0x0] =	vst.idx.msk $0xffff, v55  }
0x8d: {  	v35 =	vadd.s32 v28, v35;
	v61 =	vld [tilespmem:s20+$0xB0];
	[tilespmem:v54+s22+$0x0] =	vst.idx.msk $0xffff, v53  }
0x8e: {  	v63 =	vadd.s32 v4, v45;
	[tilespmem:v40+s22+$0x0] =	vst.idx.msk $0xffff, v56;
	v62 =	vld [tilespmem:s20+$0xFFFFFF30]  }
0x8f: {  	s21 =	sadd.s32 s5, s19;
	[tilespmem:v42+s22+$0x0] =	vst.idx.msk $0xffff, v57  }
0x90: {  	s7 =	sshll.u32 s21, $0x7;
	[tilespmem:v59+s22+$0x0] =	vst.idx.msk $0xffff, v58  }
0x91: {  	s7 =	sand.u32 $0x3C00, s7;
	s6 =	sshll.u32 s21, $0xA;
	[tilespmem:v38+s22+$0x0] =	vst.idx.msk $0xffff, v60  }
0x92: {  	s7 =	sadd.s32 s2, s7;
	s6 =	sand.u32 $0xFFE0000, s6;
	[tilespmem:v35+s22+$0x0] =	vst.idx.msk $0xffff, v61  }
0x93: {  	s24 =	simm.s32 $0x16400;
	s7 =	sadd.s32 s6, s7;
	[tilespmem:v63+s22+$0x0] =	vst.idx.msk $0xffff, v62  }
0x94: {  	[hbm4b:s7+s3] =	stream.linear.scatter [tilespmem:s24], [sflag:$0x9], $0x80, $0x38;
	[tilespmem:$0x1EC00] =	vst v63  }
0x95: {  	s8 =	simm.s32 $0x16488;
	s15 =	sadd.s32 $0x10, s7  }
0x96: {  	[hbm4b:s15+s3] =	stream.linear.scatter [tilespmem:s8], [sflag:$0x9], $0x80, $0x38;
	[tilespmem:$0x1EC00] =	vst v63  }
0x97: {  	s18 =	simm.s32 $0x16510;
	s21 =	simm.s32 $0x16598;
	s20 =	sadd.s32 $0x20, s7  }
0x98: {  	[hbm4b:s20+s3] =	stream.linear.scatter [tilespmem:s18], [sflag:$0x9], $0x80, $0x38;
	[tilespmem:$0x1EC00] =	vst v63  }
0x99: {  	s6 =	simm.s32 $0x440;
	s24 =	sadd.s32 $0x30, s7;
	s8 =	simm.s32 $0x16620  }
0x9a: {  	[hbm4b:s24+s3] =	stream.linear.scatter [tilespmem:s21], [sflag:$0x9], $0x80, $0x38;
	[tilespmem:$0x1EC00] =	vst v63  }
0x9b: {  	s15 =	sadd.s32 $0x40, s7;
	s18 =	simm.s32 $0x166A8;
	s20 =	sadd.s32 $0x50, s7  }
0x9c: {  	[hbm4b:s15+s3] =	stream.linear.scatter [tilespmem:s8], [sflag:$0x9], $0x80, $0x38;
	[tilespmem:$0x1EC00] =	vst v63  }
0x9d: {  	s21 =	simm.s32 $0x16730;
	s24 =	sadd.s32 $0x60, s7;
	s8 =	simm.s32 $0x2200  }
0x9e: {  	[hbm4b:s20+s3] =	stream.linear.scatter [tilespmem:s18], [sflag:$0x9], $0x80, $0x38;
	[tilespmem:$0x1EC00] =	vst v63  }
0x9f: {  	s15 =	simm.s32 $0x167B8;
	s18 =	sadd.s32 $0x70, s7;
	s7 =	sadd.s32 $0x4000, s7  }
0xa0: {  	[hbm4b:s24+s3] =	stream.linear.scatter [tilespmem:s21], [sflag:$0x9], $0x80, $0x38;
	[tilespmem:$0x1EC00] =	vst v63  }
.LBB2_5:
0xa1: {  	[hbm4b:s18+s3] =	stream.linear.scatter [tilespmem:s15], [sflag:$0x9], $0x80, $0x38;
	[tilespmem:$0x1EC00] =	vst v63  }
0xa2: {  	s15 =	smov.u32 s6;
	s6 =	smov.u32 s8  }
0xa3: {  	s21 =	sadd.s32 $0x1100, s8;
	s6 =	sshra.s32 s6, $0x2;
	s18 =	sadd.s32 $0x16400, s15  }
0xa4: {  	[hbm4b:s7+s3] =	stream.linear.scatter [tilespmem:s18], [sflag:$0x9], $0x80, $0x38;
	[tilespmem:$0x1EC00] =	vst v63  }
0xa5: {  	p1 =	sne.s32 s8, $0x7700;
	s8 =	sadd.s32 $0x16488, s15;
	s18 =	sadd.s32 $0x10, s7  }
0xa6: {  	[hbm4b:s18+s3] =	stream.linear.scatter [tilespmem:s8], [sflag:$0x9], $0x80, $0x38;
	[tilespmem:$0x1EC00] =	vst v63  }
0xa7: {  	s8 =	sadd.s32 $0x16510, s15;
	s18 =	sadd.s32 $0x20, s7  }
0xa8: {  	[hbm4b:s18+s3] =	stream.linear.scatter [tilespmem:s8], [sflag:$0x9], $0x80, $0x38;
	[tilespmem:$0x1EC00] =	vst v63  }
0xa9: {  	s8 =	sadd.s32 $0x16598, s15;
	s18 =	sadd.s32 $0x30, s7  }
0xaa: {  	[hbm4b:s18+s3] =	stream.linear.scatter [tilespmem:s8], [sflag:$0x9], $0x80, $0x38;
	[tilespmem:$0x1EC00] =	vst v63  }
0xab: {  	s8 =	sadd.s32 $0x16620, s15;
	s18 =	sadd.s32 $0x40, s7  }
0xac: {  	[hbm4b:s18+s3] =	stream.linear.scatter [tilespmem:s8], [sflag:$0x9], $0x80, $0x38;
	[tilespmem:$0x1EC00] =	vst v63  }
.Ltmp1:
0xad: {  	s8 =	sadd.s32 $0x166A8, s15;
	s18 =	sadd.s32 $0x50, s7;
	(pc) =	sbr.rel @p1 .LBB2_5-.Ltmp1, $4  }
0xae: {  	[hbm4b:s18+s3] =	stream.linear.scatter [tilespmem:s8], [sflag:$0x9], $0x80, $0x38;
	[tilespmem:$0x1EC00] =	vst v63  }
0xaf: {  	s8 =	sadd.s32 $0x16730, s15;
	s18 =	sadd.s32 $0x60, s7;
	s15 =	sadd.s32 $0x167B8, s15  }
0xb0: {  	[hbm4b:s18+s3] =	stream.linear.scatter [tilespmem:s8], [sflag:$0x9], $0x80, $0x38;
	[tilespmem:$0x1EC00] =	vst v63  }
0xb1: {  	s18 =	sadd.s32 $0x70, s7;
	s7 =	sadd.s32 $0x4000, s7;
	s8 =	smov.u32 s21  }
0xb2: {  	[hbm4b:s18+s3] =	stream.linear.scatter [tilespmem:s15], [sflag:$0x9], $0x80, $0x38;
	[tilespmem:$0x1EC00] =	vst v63  }
0xb3: {  	s8 =	sadd.s32 $0x16400, s6  }
0xb4: {  	[hbm4b:s7+s3] =	stream.linear.scatter [tilespmem:s8], [sflag:$0x9], $0x80, $0x38;
	[tilespmem:$0x1EC00] =	vst v63  }
0xb5: {  	s21 =	sadd.s32 $0x16488, s6;
	s24 =	sadd.s32 $0x10, s7  }
0xb6: {  	[hbm4b:s24+s3] =	stream.linear.scatter [tilespmem:s21], [sflag:$0x9], $0x80, $0x38;
	[tilespmem:$0x1EC00] =	vst v63  }
0xb7: {  	s18 =	sadd.s32 $0x16510, s6;
	s20 =	sadd.s32 $0x20, s7  }
0xb8: {  	[hbm4b:s20+s3] =	stream.linear.scatter [tilespmem:s18], [sflag:$0x9], $0x80, $0x38;
	[tilespmem:$0x1EC00] =	vst v63  }
0xb9: {  	s21 =	sadd.s32 $0x16598, s6;
	s24 =	sadd.s32 $0x30, s7  }
0xba: {  	[hbm4b:s24+s3] =	stream.linear.scatter [tilespmem:s21], [sflag:$0x9], $0x80, $0x38;
	[tilespmem:$0x1EC00] =	vst v63  }
0xbb: {  	s18 =	sadd.s32 $0x16620, s6;
	s20 =	sadd.s32 $0x40, s7  }
0xbc: {  	[hbm4b:s20+s3] =	stream.linear.scatter [tilespmem:s18], [sflag:$0x9], $0x80, $0x38;
	[tilespmem:$0x1EC00] =	vst v63  }
0xbd: {  	s21 =	sadd.s32 $0x166A8, s6;
	s24 =	sadd.s32 $0x50, s7  }
0xbe: {  	[hbm4b:s24+s3] =	stream.linear.scatter [tilespmem:s21], [sflag:$0x9], $0x80, $0x38;
	[tilespmem:$0x1EC00] =	vst v63  }
0xbf: {  	s18 =	sadd.s32 $0x16730, s6;
	s20 =	sadd.s32 $0x60, s7  }
0xc0: {  	[hbm4b:s20+s3] =	stream.linear.scatter [tilespmem:s18], [sflag:$0x9], $0x80, $0x38;
	[tilespmem:$0x1EC00] =	vst v63  }
0xc1: {  	s21 =	sadd.s32 $0x167B8, s6;
	s18 =	sor.u32 $0x7, s19;
	s20 =	simm.s32 $0x0  }
0xc2: {  	s24 =	sadd.s32 $0x70, s7;
	s8 =	sshll.u32 s18, $0x7;
	v33 =	vmov s20;
	s20 =	simm.s32 $0x5  }
0xc3: {  	[hbm4b:s24+s3] =	stream.linear.scatter [tilespmem:s21], [sflag:$0x9], $0x80, $0x38;
	[tilespmem:$0x1EC00] =	vst v63  }
0xc4: {  	s6 =	sand.u32 $0x3FFFFF80, s8;
	s21 =	simm.s32 $0x1;
	_ =	swait.ge [sflag:s23], $0x2000  }
0xc5: {  	s24 =	simm.s32 $0x2;
	v33 =	vshrl.u32 v33, $0x3;
	s8 =	simm.s32 $0x3;
	v39 =	vmov s20;
	v34 =	vmov s21;
	[sflag:s23] =	ssyncset.done $0x0  }
0xc6: {  	s15 =	simm.s32 $0x14400;
	v35 =	vmov s24;
	v36 =	vmov s8;
	s21 =	simm.s32 $0x6;
	v33 =	vshll.u32 v33, v1;
	[sflag:s23] =	ssyncadd.s32 $0xFFFFE000  }
0xc7: {  	v55 =	vshrl.u32 v39, $0x3;
	v40 =	vmov s21;
	v34 =	vshrl.u32 v34, $0x3;
	[tilespmem:s15], [sflag:$0x8] =	stream.indirect.gather [hbm4b:s4+s9], $0x40, s6, s9, $0xb8;
	[tilespmem:$0x1EC00] =	vst v63  }
0xc8: {  	s7 =	simm.s32 @!p0 $0xA;
	v35 =	vshrl.u32 v35, $0x3;
	v36 =	vshrl.u32 v36, $0x3;
	v33 =	vbroadcast v33, $0x0;
	s15 =	simm.s32 $0x7  }
0xc9: {  	v34 =	vshll.u32 v34, v1;
	v51 =	vshll.u32 v35, v1;
	v38 =	vmov s15;
	_ =	swait.ge @!p0 [sflag:s7], $0x2000  }
0xca: {  	v52 =	vshll.u32 v36, v1;
	v36 =	vshll.u32 v55, v1;
	v38 =	vshrl.u32 v38, $0x3;
	[sflag:s7] =	ssyncset.done @!p0 $0x0  }
0xcb: {  	v40 =	vshrl.u32 v40, $0x3;
	v47 =	vbroadcast v34, $0x0;
	v38 =	vshll.u32 v38, v1;
	[sflag:s7] =	ssyncadd.s32 @!p0 $0xFFFFE000;
	s7 =	simm.s32 $0x85F0  }
0xcc: {  	s9 =	simm.s32 $0x4;
	v44 =	vadd.s32 v0, v33;
	v53 =	vbroadcast v51, $0x0;
	v38 =	vbroadcast v38, $0x0;
	v43 =	vld [tilespmem:s7+$0xFFFFFE10]  }
0xcd: {  	v35 =	vbroadcast v52, $0x0;
	v37 =	vmov s9;
	v46 =	vadd.s32 v5, v47;
	v45 =	vld [tilespmem:s7+$0xFFFFFE50]  }
0xce: {  	v56 =	vshll.u32 v40, v1;
	v37 =	vshrl.u32 v37, $0x3;
	v41 =	vld [tilespmem:s7+$0xFFFFFFD0];
	v42 =	vadd.s32 v29, v38  }
0xcf: {  	v49 =	vadd.s32 v9, v53;
	v54 =	vshll.u32 v37, v1;
	v37 =	vbroadcast v36, $0x0;
	v48 =	vld [tilespmem:s7+$0xFFFFFE90]  }
0xd0: {  	v50 =	vadd.s32 v13, v35;
	v36 =	vbroadcast v56, $0x0;
	v39 =	vld [tilespmem:s7+$0xFFFFFED0]  }
0xd1: {  	v34 =	vbroadcast v54, $0x0;
	v59 =	vld [tilespmem:s7+$0xFFFFFF50];
	v60 =	vadd.s32 v21, v37;
	[tilespmem:v44+s25+$0x0] =	vst.idx.msk $0xffff, v43  }
0xd2: {  	v61 =	vld [tilespmem:s7+$0xFFFFFF90];
	v62 =	vadd.s32 v25, v36;
	[tilespmem:v46+s25+$0x0] =	vst.idx.msk $0xffff, v45  }
0xd3: {  	v51 =	vld [tilespmem:s7+$0xFFFFFF10];
	v52 =	vadd.s32 v17, v34;
	[tilespmem:v42+s25+$0x0] =	vst.idx.msk $0xffff, v41  }
0xd4: {  	v58 =	vadd.s32 v30, v38;
	[tilespmem:v49+s25+$0x0] =	vst.idx.msk $0xffff, v48;
	v57 =	vld [tilespmem:s7+$0xFFFFFFE0]  }
0xd5: {  	v63 =	vadd.s32 v6, v47;
	[tilespmem:v50+s25+$0x0] =	vst.idx.msk $0xffff, v39;
	v46 =	vld [tilespmem:s7+$0xFFFFFE60]  }
0xd6: {  	v55 =	vadd.s32 v10, v53;
	v54 =	vld [tilespmem:s7+$0xFFFFFEA0];
	[tilespmem:v60+s25+$0x0] =	vst.idx.msk $0xffff, v59  }
0xd7: {  	v56 =	vadd.s32 v14, v35;
	v50 =	vld [tilespmem:s7+$0xFFFFFEE0];
	[tilespmem:v62+s25+$0x0] =	vst.idx.msk $0xffff, v61  }
0xd8: {  	v61 =	vld [tilespmem:s7+$0xFFFFFE20];
	v62 =	vadd.s32 v2, v33;
	[tilespmem:v52+s25+$0x0] =	vst.idx.msk $0xffff, v51  }
0xd9: {  	v59 =	vadd.s32 v18, v34;
	[tilespmem:v58+s25+$0x0] =	vst.idx.msk $0xffff, v57;
	v58 =	vld [tilespmem:s7+$0xFFFFFF20]  }
0xda: {  	[tilespmem:v63+s25+$0x0] =	vst.idx.msk $0xffff, v46;
	v57 =	vadd.s32 v31, v38;
	v40 =	vld [tilespmem:s7+$0xFFFFFFF0]  }
0xdb: {  	v60 =	vadd.s32 v26, v36;
	[tilespmem:v55+s25+$0x0] =	vst.idx.msk $0xffff, v54;
	v63 =	vld [tilespmem:s7+$0xFFFFFFA0]  }
0xdc: {  	v45 =	vadd.s32 v22, v37;
	v44 =	vld [tilespmem:s7+$0xFFFFFF60];
	[tilespmem:v56+s25+$0x0] =	vst.idx.msk $0xffff, v50  }
0xdd: {  	v51 =	vadd.s32 v7, v47;
	[tilespmem:v62+s25+$0x0] =	vst.idx.msk $0xffff, v61;
	v50 =	vld [tilespmem:s7+$0xFFFFFE70]  }
0xde: {  	v56 =	vadd.s32 v11, v53;
	v55 =	vld [tilespmem:s7+$0xFFFFFEB0];
	[tilespmem:v59+s25+$0x0] =	vst.idx.msk $0xffff, v58  }
0xdf: {  	v58 =	vadd.s32 v15, v35;
	[tilespmem:v57+s25+$0x0] =	vst.idx.msk $0xffff, v40;
	v57 =	vld [tilespmem:s7+$0xFFFFFEF0]  }
0xe0: {  	[tilespmem:v60+s25+$0x0] =	vst.idx.msk $0xffff, v63;
	v60 =	vadd.s32 v19, v34;
	v59 =	vld [tilespmem:s7+$0xFFFFFF30]  }
0xe1: {  	[tilespmem:v45+s25+$0x0] =	vst.idx.msk $0xffff, v44;
	v38 =	vadd.s32 v32, v38;
	v54 =	vld [tilespmem:s7+$0x0]  }
0xe2: {  	s24 =	simm.s32 $0x8;
	s8 =	simm.s32 $0x9;
	v43 =	vadd.s32 v27, v36;
	v41 =	vadd.s32 v23, v37;
	[tilespmem:v51+s25+$0x0] =	vst.idx.msk $0xffff, v50;
	v40 =	vld [tilespmem:s7+$0xFFFFFF70]  }
0xe3: {  	s20 =	simm.s32 $0xC;
	s15 =	simm.s32 $0xB;
	v48 =	vadd.s32 v3, v33;
	v52 =	vmov s8;
	v63 =	vmov s24;
	v42 =	vld [tilespmem:s7+$0xFFFFFFB0];
	[tilespmem:v56+s25+$0x0] =	vst.idx.msk $0xffff, v55  }
0xe4: {  	v46 =	vmov s20;
	v44 =	vmov s15;
	v45 =	vld [tilespmem:s7+$0xFFFFFE30];
	s24 =	simm.s32 $0xE;
	v39 =	vshrl.u32 v63, $0x3;
	[tilespmem:v58+s25+$0x0] =	vst.idx.msk $0xffff, v57  }
0xe5: {  	s21 =	simm.s32 $0xD;
	s9 =	simm.s32 $0xA;
	v51 =	vadd.s32 v8, v47;
	v49 =	vld [tilespmem:s7+$0xFFFFFE80];
	v47 =	vshll.u32 v39, v1;
	v39 =	vmov s24;
	[tilespmem:v60+s25+$0x0] =	vst.idx.msk $0xffff, v59  }
0xe6: {  	s6 =	sor.u32 $0x1, s19;
	s8 =	simm.s32 $0x10;
	v53 =	vadd.s32 v12, v53;
	s15 =	simm.s32 $0xF;
	v50 =	vld [tilespmem:s7+$0xFFFFFEC0];
	[tilespmem:v38+s25+$0x0] =	vst.idx.msk $0xffff, v54;
	v54 =	vmov s9;
	v38 =	vmov s21  }
.LBB2_7:
0xe7: {  	p0 =	slt.u32 s8, $0x78;
	v52 =	vshrl.u32 v52, $0x3;
	v55 =	vmov s15;
	v56 =	vld [tilespmem:s7+$0xFFFFFF00];
	v35 =	vadd.s32 v16, v35;
	[tilespmem:v41+s25+$0x0] =	vst.idx.msk $0xffff, v40  }
0xe8: {  	v40 =	vshrl.u32 v54, $0x3;
	v34 =	vadd.s32 v20, v34;
	v41 =	vshrl.u32 v55, $0x3;
	v54 =	vld [tilespmem:s7+$0xFFFFFF40];
	[tilespmem:v43+s25+$0x0] =	vst.idx.msk $0xffff, v42  }
0xe9: {  	v37 =	vadd.s32 v24, v37;
	v42 =	vshrl.u32 v44, $0x3;
	v41 =	vshll.u32 v41, v1;
	[tilespmem:v48+s25+$0x0] =	vst.idx.msk $0xffff, v45;
	v43 =	vld [tilespmem:s7+$0xFFFFFF80]  }
0xea: {  	v36 =	vadd.s32 v28, v36;
	v44 =	vshrl.u32 v46, $0x3;
	v41 =	vbroadcast v41, $0x0;
	[tilespmem:v51+s25+$0x0] =	vst.idx.msk $0xffff, v49;
	v45 =	vld [tilespmem:s7+$0xFFFFFFC0]  }
0xeb: {  	v46 =	vshll.u32 v52, v1;
	v49 =	vadd.s32 v4, v33;
	v33 =	vbroadcast v47, $0x0;
	v48 =	vld [tilespmem:s7+$0xFFFFFE40];
	[tilespmem:v53+s25+$0x0] =	vst.idx.msk $0xffff, v50;
	s7 =	sadd.s32 $0x200, s7  }
0xec: {  	v40 =	vshll.u32 v40, v1;
	v47 =	vbroadcast v46, $0x0;
	v46 =	vld [tilespmem:s7+$0xFFFFFFD0];
	v50 =	vadd.s32 v29, v41;
	[tilespmem:v35+s25+$0x0] =	vst.idx.msk $0xffff, v56  }
0xed: {  	v53 =	vbroadcast v40, $0x0;
	v52 =	vadd.s32 v0, v33;
	v35 =	vshll.u32 v42, v1;
	v51 =	vld [tilespmem:s7+$0xFFFFFE10];
	[tilespmem:v34+s25+$0x0] =	vst.idx.msk $0xffff, v54  }
0xee: {  	v42 =	vadd.s32 v5, v47;
	v35 =	vbroadcast v35, $0x0;
	v34 =	vshll.u32 v44, v1;
	v40 =	vld [tilespmem:s7+$0xFFFFFE50];
	[tilespmem:v37+s25+$0x0] =	vst.idx.msk $0xffff, v43  }
0xef: {  	v44 =	vadd.s32 v9, v53;
	v34 =	vbroadcast v34, $0x0;
	v37 =	vshrl.u32 v38, $0x3;
	v43 =	vld [tilespmem:s7+$0xFFFFFE90];
	[tilespmem:v36+s25+$0x0] =	vst.idx.msk $0xffff, v45  }
0xf0: {  	v39 =	vshrl.u32 v39, $0x3;
	v45 =	vadd.s32 v13, v35;
	v36 =	vshll.u32 v37, v1;
	v38 =	vld [tilespmem:s7+$0xFFFFFED0];
	[tilespmem:v49+s25+$0x0] =	vst.idx.msk $0xffff, v48  }
0xf1: {  	v49 =	vadd.s32 v17, v34;
	v37 =	vbroadcast v36, $0x0;
	v36 =	vshll.u32 v39, v1;
	v48 =	vld [tilespmem:s7+$0xFFFFFF10];
	[tilespmem:v50+s25+$0x0] =	vst.idx.msk $0xffff, v46  }
0xf2: {  	v36 =	vbroadcast v36, $0x0;
	v46 =	vadd.s32 v30, v41;
	[tilespmem:v52+s25+$0x0] =	vst.idx.msk $0xffff, v51;
	v39 =	vld [tilespmem:s7+$0xFFFFFFE0]  }
0xf3: {  	[tilespmem:v42+s25+$0x0] =	vst.idx.msk $0xffff, v40;
	v40 =	vld [tilespmem:s7+$0xFFFFFF50];
	v42 =	vadd.s32 v21, v37  }
0xf4: {  	[tilespmem:v44+s25+$0x0] =	vst.idx.msk $0xffff, v43;
	v43 =	vld [tilespmem:s7+$0xFFFFFF90];
	v44 =	vadd.s32 v25, v36  }
0xf5: {  	v51 =	vadd.s32 v6, v47;
	v50 =	vld [tilespmem:s7+$0xFFFFFE60];
	[tilespmem:v45+s25+$0x0] =	vst.idx.msk $0xffff, v38  }
0xf6: {  	v45 =	vadd.s32 v10, v53;
	v38 =	vld [tilespmem:s7+$0xFFFFFEA0];
	[tilespmem:v49+s25+$0x0] =	vst.idx.msk $0xffff, v48  }
0xf7: {  	v49 =	vadd.s32 v14, v35;
	v48 =	vld [tilespmem:s7+$0xFFFFFEE0];
	[tilespmem:v46+s25+$0x0] =	vst.idx.msk $0xffff, v39  }
0xf8: {  	[tilespmem:v42+s25+$0x0] =	vst.idx.msk $0xffff, v40;
	v39 =	vld [tilespmem:s7+$0xFFFFFFF0];
	v40 =	vadd.s32 v31, v41  }
0xf9: {  	v46 =	vadd.s32 v18, v34;
	v42 =	vld [tilespmem:s7+$0xFFFFFF20];
	[tilespmem:v44+s25+$0x0] =	vst.idx.msk $0xffff, v43  }
0xfa: {  	v44 =	vadd.s32 v22, v37;
	[tilespmem:v51+s25+$0x0] =	vst.idx.msk $0xffff, v50;
	v43 =	vld [tilespmem:s7+$0xFFFFFF60]  }
0xfb: {  	[tilespmem:v45+s25+$0x0] =	vst.idx.msk $0xffff, v38;
	v38 =	vld [tilespmem:s7+$0xFFFFFFA0];
	v45 =	vadd.s32 v26, v36  }
0xfc: {  	v51 =	vadd.s32 v2, v33;
	v50 =	vld [tilespmem:s7+$0xFFFFFE20];
	[tilespmem:v49+s25+$0x0] =	vst.idx.msk $0xffff, v48  }
0xfd: {  	v49 =	vadd.s32 v7, v47;
	v48 =	vld [tilespmem:s7+$0xFFFFFE70];
	[tilespmem:v40+s25+$0x0] =	vst.idx.msk $0xffff, v39  }
0xfe: {  	[tilespmem:v46+s25+$0x0] =	vst.idx.msk $0xffff, v42;
	v39 =	vld [tilespmem:s7+$0x0];
	v46 =	vadd.s32 v32, v41  }
0xff: {  	v56 =	vadd.s32 v11, v53;
	v55 =	vld [tilespmem:s7+$0xFFFFFEB0];
	[tilespmem:v44+s25+$0x0] =	vst.idx.msk $0xffff, v43  }
0x100: {  	v58 =	vadd.s32 v15, v35;
	v57 =	vld [tilespmem:s7+$0xFFFFFEF0];
	[tilespmem:v45+s25+$0x0] =	vst.idx.msk $0xffff, v38  }
0x101: {  	v60 =	vadd.s32 v19, v34;
	[tilespmem:v51+s25+$0x0] =	vst.idx.msk $0xffff, v50;
	v59 =	vld [tilespmem:s7+$0xFFFFFF30]  }
.Ltmp2:
0x102: {  	s15 =	sadd.s32 $0x1, s8;
	v41 =	vadd.s32 v23, v37;
	v38 =	vmov s8;
	[tilespmem:v49+s25+$0x0] =	vst.idx.msk $0xffff, v48;
	v40 =	vld [tilespmem:s7+$0xFFFFFF70];
	(pc) =	sbr.rel @p0 .LBB2_7-.Ltmp2, $4  }
0x103: {  	s21 =	sadd.s32 $0x3, s8;
	v52 =	vmov s15;
	s15 =	sadd.s32 $0x2, s8;
	v43 =	vadd.s32 v27, v36;
	v50 =	vshrl.u32 v38, $0x3;
	v42 =	vld [tilespmem:s7+$0xFFFFFFB0];
	[tilespmem:v46+s25+$0x0] =	vst.idx.msk $0xffff, v39  }
0x104: {  	v54 =	vmov s15;
	s15 =	sadd.s32 $0x4, s8;
	v44 =	vmov s21;
	s21 =	sadd.s32 $0x5, s8;
	v48 =	vadd.s32 v3, v33;
	v45 =	vld [tilespmem:s7+$0xFFFFFE30];
	[tilespmem:v56+s25+$0x0] =	vst.idx.msk $0xffff, v55  }
0x105: {  	v38 =	vmov s21;
	v51 =	vadd.s32 v8, v47;
	v46 =	vmov s15;
	s15 =	sadd.s32 $0x6, s8;
	v49 =	vld [tilespmem:s7+$0xFFFFFE80];
	[tilespmem:v58+s25+$0x0] =	vst.idx.msk $0xffff, v57  }
0x106: {  	v53 =	vadd.s32 v12, v53;
	v47 =	vshll.u32 v50, v1;
	v39 =	vmov s15;
	s15 =	sadd.s32 $0x7, s8;
	s8 =	sadd.s32 $0x8, s8;
	v50 =	vld [tilespmem:s7+$0xFFFFFEC0];
	[tilespmem:v60+s25+$0x0] =	vst.idx.msk $0xffff, v59  }
0x107: {  	_ =	sdelay $0x2  }
0x108: {  	v52 =	vshrl.u32 v52, $0x3  }
0x109: {  	v55 =	vmov s15;
	v56 =	vld [tilespmem:s7+$0xFFFFFF00];
	v35 =	vadd.s32 v16, v35;
	[tilespmem:v41+s25+$0x0] =	vst.idx.msk $0xffff, v40;
	v57 =	vshrl.u32 v54, $0x3  }
0x10a: {  	v59 =	vld [tilespmem:s7+$0xFFFFFF40];
	v34 =	vadd.s32 v20, v34;
	v60 =	vshrl.u32 v44, $0x3;
	v58 =	vshrl.u32 v55, $0x3;
	[tilespmem:v43+s25+$0x0] =	vst.idx.msk $0xffff, v42  }
0x10b: {  	v37 =	vadd.s32 v24, v37;
	v62 =	vshrl.u32 v46, $0x3;
	v61 =	vld [tilespmem:s7+$0xFFFFFF80];
	v41 =	vshll.u32 v58, v1;
	[tilespmem:v48+s25+$0x0] =	vst.idx.msk $0xffff, v45  }
0x10c: {  	v36 =	vadd.s32 v28, v36;
	v46 =	vbroadcast v47, $0x0;
	v63 =	vld [tilespmem:s7+$0xFFFFFFC0];
	v41 =	vbroadcast v41, $0x0;
	[tilespmem:v51+s25+$0x0] =	vst.idx.msk $0xffff, v49  }
0x10d: {  	v33 =	vadd.s32 v4, v33;
	s21 =	sadd.s32 $0x200, s7;
	v38 =	vshrl.u32 v38, $0x3;
	v55 =	vshll.u32 v52, v1;
	v48 =	vld [tilespmem:s7+$0xFFFFFE40];
	[tilespmem:v53+s25+$0x0] =	vst.idx.msk $0xffff, v50  }
0x10e: {  	v40 =	vshll.u32 v57, v1;
	v47 =	vbroadcast v55, $0x0;
	v49 =	vld [tilespmem:s21+$0xFFFFFFD0];
	v50 =	vadd.s32 v29, v41;
	[tilespmem:v35+s25+$0x0] =	vst.idx.msk $0xffff, v56  }
0x10f: {  	v42 =	vshll.u32 v60, v1;
	v40 =	vbroadcast v40, $0x0;
	v35 =	vld [tilespmem:s21+$0xFFFFFE10];
	v56 =	vadd.s32 v0, v46;
	[tilespmem:v34+s25+$0x0] =	vst.idx.msk $0xffff, v59  }
0x110: {  	v57 =	vld [tilespmem:s21+$0xFFFFFE50];
	v44 =	vshll.u32 v62, v1;
	v42 =	vbroadcast v42, $0x0;
	v58 =	vadd.s32 v5, v47;
	[tilespmem:v37+s25+$0x0] =	vst.idx.msk $0xffff, v61  }
0x111: {  	v38 =	vshll.u32 v38, v1;
	v44 =	vbroadcast v44, $0x0;
	v60 =	vadd.s32 v9, v40;
	v59 =	vld [tilespmem:s21+$0xFFFFFE90];
	[tilespmem:v36+s25+$0x0] =	vst.idx.msk $0xffff, v63  }
0x112: {  	v38 =	vbroadcast v38, $0x0;
	v62 =	vadd.s32 v13, v42;
	v61 =	vld [tilespmem:s21+$0xFFFFFED0];
	[tilespmem:v33+s25+$0x0] =	vst.idx.msk $0xffff, v48  }
0x113: {  	v39 =	vshrl.u32 v39, $0x3;
	v63 =	vadd.s32 v17, v44;
	v33 =	vld [tilespmem:s21+$0xFFFFFF10];
	[tilespmem:v50+s25+$0x0] =	vst.idx.msk $0xffff, v49  }
0x114: {  	v39 =	vshll.u32 v39, v1;
	v34 =	vld [tilespmem:s21+$0xFFFFFF50];
	[tilespmem:v56+s25+$0x0] =	vst.idx.msk $0xffff, v35;
	v56 =	vadd.s32 v21, v38  }
0x115: {  	[tilespmem:v58+s25+$0x0] =	vst.idx.msk $0xffff, v57;
	v35 =	vbroadcast v39, $0x0;
	v49 =	vadd.s32 v30, v41;
	v39 =	vld [tilespmem:s21+$0xFFFFFFE0]  }
0x116: {  	[tilespmem:v60+s25+$0x0] =	vst.idx.msk $0xffff, v59;
	v59 =	vld [tilespmem:s21+$0xFFFFFE60];
	v60 =	vadd.s32 v6, v47  }
0x117: {  	v57 =	vld [tilespmem:s21+$0xFFFFFF90];
	[tilespmem:v62+s25+$0x0] =	vst.idx.msk $0xffff, v61;
	v58 =	vadd.s32 v25, v35  }
0x118: {  	v61 =	vld [tilespmem:s21+$0xFFFFFEA0];
	v62 =	vadd.s32 v10, v40;
	[tilespmem:v63+s25+$0x0] =	vst.idx.msk $0xffff, v33  }
0x119: {  	v33 =	vld [tilespmem:s21+$0xFFFFFEE0];
	v63 =	vadd.s32 v14, v42;
	[tilespmem:v56+s25+$0x0] =	vst.idx.msk $0xffff, v34  }
0x11a: {  	v56 =	vadd.s32 v18, v44;
	[tilespmem:v49+s25+$0x0] =	vst.idx.msk $0xffff, v39;
	v49 =	vld [tilespmem:s21+$0xFFFFFF20]  }
0x11b: {  	[tilespmem:v60+s25+$0x0] =	vst.idx.msk $0xffff, v59;
	v39 =	vadd.s32 v31, v41;
	v34 =	vld [tilespmem:s21+$0xFFFFFFF0]  }
0x11c: {  	[tilespmem:v58+s25+$0x0] =	vst.idx.msk $0xffff, v57;
	v57 =	vld [tilespmem:s21+$0xFFFFFF60];
	v58 =	vadd.s32 v22, v38  }
0x11d: {  	[tilespmem:v62+s25+$0x0] =	vst.idx.msk $0xffff, v61;
	v61 =	vld [tilespmem:s21+$0xFFFFFE20];
	v62 =	vadd.s32 v2, v46  }
0x11e: {  	v60 =	vadd.s32 v26, v35;
	v59 =	vld [tilespmem:s21+$0xFFFFFFA0];
	[tilespmem:v63+s25+$0x0] =	vst.idx.msk $0xffff, v33  }
0x11f: {  	v55 =	vadd.s32 v11, v40;
	v54 =	vadd.s32 v32, v41;
	v41 =	vld [tilespmem:s21+$0xFFFFFEB0];
	[tilespmem:v56+s25+$0x0] =	vst.idx.msk $0xffff, v49  }
0x120: {  	v53 =	vadd.s32 v7, v47;
	v63 =	vld [tilespmem:s21+$0xFFFFFE70];
	[tilespmem:v39+s25+$0x0] =	vst.idx.msk $0xffff, v34  }
0x121: {  	v56 =	vld [tilespmem:s21+$0xFFFFFEF0];
	[tilespmem:v58+s25+$0x0] =	vst.idx.msk $0xffff, v57;
	v57 =	vadd.s32 v15, v42  }
0x122: {  	[tilespmem:v62+s25+$0x0] =	vst.idx.msk $0xffff, v61;
	v34 =	vld [tilespmem:s21+$0x0]  }
0x123: {  	v58 =	vld [tilespmem:s21+$0xFFFFFF30];
	[tilespmem:v60+s25+$0x0] =	vst.idx.msk $0xffff, v59;
	v59 =	vadd.s32 v19, v44  }
0x124: {  	v61 =	vadd.s32 v23, v38;
	[tilespmem:v55+s25+$0x0] =	vst.idx.msk $0xffff, v41;
	v60 =	vld [tilespmem:s21+$0xFFFFFF70]  }
0x125: {  	[tilespmem:v53+s25+$0x0] =	vst.idx.msk $0xffff, v63;
	v63 =	vadd.s32 v27, v35;
	v62 =	vld [tilespmem:s21+$0xFFFFFFB0]  }
0x126: {  	v47 =	vadd.s32 v8, v47;
	v55 =	vld [tilespmem:s21+$0xFFFFFE80];
	[tilespmem:v57+s25+$0x0] =	vst.idx.msk $0xffff, v56  }
0x127: {  	v53 =	vld [tilespmem:s21+$0xFFFFFE30];
	[tilespmem:v54+s25+$0x0] =	vst.idx.msk $0xffff, v34;
	v54 =	vadd.s32 v3, v46  }
0x128: {  	v40 =	vadd.s32 v12, v40;
	v56 =	vld [tilespmem:s21+$0xFFFFFEC0];
	[tilespmem:v59+s25+$0x0] =	vst.idx.msk $0xffff, v58  }
0x129: {  	v42 =	vadd.s32 v16, v42;
	v57 =	vld [tilespmem:s21+$0xFFFFFF00];
	[tilespmem:v61+s25+$0x0] =	vst.idx.msk $0xffff, v60  }
0x12a: {  	v59 =	vadd.s32 v20, v44;
	v58 =	vld [tilespmem:s21+$0xFFFFFF40];
	[tilespmem:v63+s25+$0x0] =	vst.idx.msk $0xffff, v62  }
0x12b: {  	v38 =	vadd.s32 v24, v38;
	v60 =	vld [tilespmem:s21+$0xFFFFFF80];
	[tilespmem:v47+s25+$0x0] =	vst.idx.msk $0xffff, v55  }
0x12c: {  	v35 =	vadd.s32 v28, v35;
	v61 =	vld [tilespmem:s21+$0xFFFFFFC0];
	[tilespmem:v54+s25+$0x0] =	vst.idx.msk $0xffff, v53  }
0x12d: {  	v63 =	vadd.s32 v4, v46;
	[tilespmem:v40+s25+$0x0] =	vst.idx.msk $0xffff, v56;
	v62 =	vld [tilespmem:s21+$0xFFFFFE40]  }
0x12e: {  	s6 =	sadd.s32 s5, s6;
	[tilespmem:v42+s25+$0x0] =	vst.idx.msk $0xffff, v57  }
0x12f: {  	s24 =	sshll.u32 s6, $0x7;
	[tilespmem:v59+s25+$0x0] =	vst.idx.msk $0xffff, v58  }
0x130: {  	s6 =	sshll.u32 s6, $0xA;
	s7 =	sand.u32 $0x3C80, s24;
	[tilespmem:v38+s25+$0x0] =	vst.idx.msk $0xffff, v60  }
0x131: {  	s6 =	sand.u32 $0xFFE0000, s6;
	s7 =	sadd.s32 s2, s7;
	[tilespmem:v35+s25+$0x0] =	vst.idx.msk $0xffff, v61  }
0x132: {  	s8 =	simm.s32 $0x18600;
	s7 =	sadd.s32 s6, s7;
	[tilespmem:v63+s25+$0x0] =	vst.idx.msk $0xffff, v62  }
0x133: {  	[hbm4b:s7+s3] =	stream.linear.scatter [tilespmem:s8], [sflag:$0xA], $0x80, $0x38;
	[tilespmem:$0x1EC00] =	vst v63  }
0x134: {  	s9 =	simm.s32 $0x18688;
	s8 =	sadd.s32 $0x10, s7  }
0x135: {  	[hbm4b:s8+s3] =	stream.linear.scatter [tilespmem:s9], [sflag:$0xA], $0x80, $0x38;
	[tilespmem:$0x1EC00] =	vst v63  }
0x136: {  	s15 =	simm.s32 $0x18710;
	s20 =	sadd.s32 $0x20, s7  }
0x137: {  	[hbm4b:s20+s3] =	stream.linear.scatter [tilespmem:s15], [sflag:$0xA], $0x80, $0x38;
	[tilespmem:$0x1EC00] =	vst v63  }
0x138: {  	s24 =	sadd.s32 $0x30, s7;
	s21 =	simm.s32 $0x18798  }
0x139: {  	[hbm4b:s24+s3] =	stream.linear.scatter [tilespmem:s21], [sflag:$0xA], $0x80, $0x38;
	[tilespmem:$0x1EC00] =	vst v63  }
0x13a: {  	s8 =	simm.s32 $0x18820;
	s9 =	sadd.s32 $0x40, s7  }
0x13b: {  	[hbm4b:s9+s3] =	stream.linear.scatter [tilespmem:s8], [sflag:$0xA], $0x80, $0x38;
	[tilespmem:$0x1EC00] =	vst v63  }
0x13c: {  	s6 =	simm.s32 $0x440;
	s15 =	simm.s32 $0x188A8;
	s20 =	sadd.s32 $0x50, s7  }
0x13d: {  	[hbm4b:s20+s3] =	stream.linear.scatter [tilespmem:s15], [sflag:$0xA], $0x80, $0x38;
	[tilespmem:$0x1EC00] =	vst v63  }
0x13e: {  	s21 =	simm.s32 $0x18930;
	s24 =	sadd.s32 $0x60, s7;
	s8 =	simm.s32 $0x2200  }
0x13f: {  	[hbm4b:s24+s3] =	stream.linear.scatter [tilespmem:s21], [sflag:$0xA], $0x80, $0x38;
	[tilespmem:$0x1EC00] =	vst v63  }
0x140: {  	s15 =	simm.s32 $0x189B8;
	s21 =	sadd.s32 $0x70, s7;
	s7 =	sadd.s32 $0x4000, s7  }
.LBB2_9:
0x141: {  	[hbm4b:s21+s3] =	stream.linear.scatter [tilespmem:s15], [sflag:$0xA], $0x80, $0x38;
	[tilespmem:$0x1EC00] =	vst v63  }
0x142: {  	s15 =	smov.u32 s6;
	s6 =	smov.u32 s8  }
0x143: {  	s24 =	sadd.s32 $0x1100, s8;
	s6 =	sshra.s32 s6, $0x2;
	s21 =	sadd.s32 $0x18600, s15  }
0x144: {  	[hbm4b:s7+s3] =	stream.linear.scatter [tilespmem:s21], [sflag:$0xA], $0x80, $0x38;
	[tilespmem:$0x1EC00] =	vst v63  }
0x145: {  	p0 =	sne.s32 s8, $0x7700;
	s8 =	sadd.s32 $0x18688, s15;
	s21 =	sadd.s32 $0x10, s7  }
0x146: {  	[hbm4b:s21+s3] =	stream.linear.scatter [tilespmem:s8], [sflag:$0xA], $0x80, $0x38;
	[tilespmem:$0x1EC00] =	vst v63  }
0x147: {  	s8 =	sadd.s32 $0x18710, s15;
	s21 =	sadd.s32 $0x20, s7  }
0x148: {  	[hbm4b:s21+s3] =	stream.linear.scatter [tilespmem:s8], [sflag:$0xA], $0x80, $0x38;
	[tilespmem:$0x1EC00] =	vst v63  }
0x149: {  	s8 =	sadd.s32 $0x18798, s15;
	s21 =	sadd.s32 $0x30, s7  }
0x14a: {  	[hbm4b:s21+s3] =	stream.linear.scatter [tilespmem:s8], [sflag:$0xA], $0x80, $0x38;
	[tilespmem:$0x1EC00] =	vst v63  }
0x14b: {  	s8 =	sadd.s32 $0x18820, s15;
	s21 =	sadd.s32 $0x40, s7  }
0x14c: {  	[hbm4b:s21+s3] =	stream.linear.scatter [tilespmem:s8], [sflag:$0xA], $0x80, $0x38;
	[tilespmem:$0x1EC00] =	vst v63  }
.Ltmp3:
0x14d: {  	s8 =	sadd.s32 $0x188A8, s15;
	s21 =	sadd.s32 $0x50, s7;
	(pc) =	sbr.rel @p0 .LBB2_9-.Ltmp3, $4  }
0x14e: {  	[hbm4b:s21+s3] =	stream.linear.scatter [tilespmem:s8], [sflag:$0xA], $0x80, $0x38;
	[tilespmem:$0x1EC00] =	vst v63  }
0x14f: {  	s8 =	sadd.s32 $0x18930, s15;
	s21 =	sadd.s32 $0x60, s7;
	s15 =	sadd.s32 $0x189B8, s15  }
0x150: {  	[hbm4b:s21+s3] =	stream.linear.scatter [tilespmem:s8], [sflag:$0xA], $0x80, $0x38;
	[tilespmem:$0x1EC00] =	vst v63  }
0x151: {  	s21 =	sadd.s32 $0x70, s7;
	s7 =	sadd.s32 $0x4000, s7;
	s8 =	smov.u32 s24  }
0x152: {  	[hbm4b:s21+s3] =	stream.linear.scatter [tilespmem:s15], [sflag:$0xA], $0x80, $0x38;
	[tilespmem:$0x1EC00] =	vst v63  }
0x153: {  	s8 =	sadd.s32 $0x18600, s6  }
0x154: {  	[hbm4b:s7+s3] =	stream.linear.scatter [tilespmem:s8], [sflag:$0xA], $0x80, $0x38;
	[tilespmem:$0x1EC00] =	vst v63  }
0x155: {  	s24 =	sadd.s32 $0x18688, s6;
	s9 =	sadd.s32 $0x10, s7;
	s20 =	sadd.s32 $0x18710, s6  }
0x156: {  	[hbm4b:s9+s3] =	stream.linear.scatter [tilespmem:s24], [sflag:$0xA], $0x80, $0x38;
	[tilespmem:$0x1EC00] =	vst v63  }
0x157: {  	s21 =	sadd.s32 $0x20, s7;
	s15 =	sadd.s32 $0x18930, s6;
	p0 =	seq.s32 s16, $0x18  }
0x158: {  	[hbm4b:s21+s3] =	stream.linear.scatter [tilespmem:s20], [sflag:$0xA], $0x80, $0x38;
	[tilespmem:$0x1EC00] =	vst v63  }
0x159: {  	p1 =	seq.s32 @!p0 s16, $0x0;
	s24 =	sadd.s32 $0x18798, s6;
	s9 =	sadd.s32 $0x30, s7  }
0x15a: {  	[hbm4b:s9+s3] =	stream.linear.scatter [tilespmem:s24], [sflag:$0xA], $0x80, $0x38;
	[tilespmem:$0x1EC00] =	vst v63  }
0x15b: {  	s8 =	simm.s32 @!p0 $0x80;
	s20 =	sadd.s32 $0x18820, s6;
	s21 =	sadd.s32 $0x40, s7  }
0x15c: {  	[hbm4b:s21+s3] =	stream.linear.scatter [tilespmem:s20], [sflag:$0xA], $0x80, $0x38;
	[tilespmem:$0x1EC00] =	vst v63  }
0x15d: {  	s24 =	sadd.s32 $0x188A8, s6;
	s9 =	sadd.s32 $0x50, s7;
	s20 =	sadd.s32 $0x60, s7  }
0x15e: {  	[hbm4b:s9+s3] =	stream.linear.scatter [tilespmem:s24], [sflag:$0xA], $0x80, $0x38;
	[tilespmem:$0x1EC00] =	vst v63  }
0x15f: {  	s21 =	sadd.s32 $0x189B8, s6;
	s6 =	sshll.u32 @!p0 s16, $0xA;
	s9 =	simm.s32 $0x1  }
0x160: {  	[hbm4b:s20+s3] =	stream.linear.scatter [tilespmem:s15], [sflag:$0xA], $0x80, $0x38;
	[tilespmem:$0x1EC00] =	vst v63  }
0x161: {  	s24 =	sadd.s32 $0x70, s7;
	v34 =	vmov s9;
	s9 =	simm.s32 $0x5;
	s20 =	simm.s32 $0x3  }
0x162: {  	[hbm4b:s24+s3] =	stream.linear.scatter [tilespmem:s21], [sflag:$0xA], $0x80, $0x38;
	[tilespmem:$0x1EC00] =	vst v63  }
0x163: {  	p1 =	por p0, !p1;
	s6 =	sand.u32 @!p0 $0x3FFFFC00, s6;
	v39 =	vmov s9;
	v34 =	vshrl.u32 v34, $0x3;
	v36 =	vmov s20;
	_ =	swait.ge [sflag:s26], $0x2000  }
0x164: {  	v34 =	vshll.u32 v34, v1;
	v55 =	vshrl.u32 v39, $0x3;
	s21 =	simm.s32 $0x4;
	s24 =	simm.s32 $0x7;
	v36 =	vshrl.u32 v36, $0x3;
	[sflag:s26] =	ssyncset.done $0x0  }
0x165: {  	s7 =	sadd.s32 @!p0 $0x400, s6;
	s15 =	simm.s32 @!p0 $0x6400;
	v47 =	vbroadcast v34, $0x0;
	v37 =	vmov s21;
	v38 =	vmov s24;
	[sflag:s26] =	ssyncadd.s32 $0xFFFFE000  }
0x166: {  	v52 =	vshll.u32 v36, v1;
	v36 =	vshll.u32 v55, v1;
	v38 =	vshrl.u32 v38, $0x3;
	[tilespmem:s15], [sflag:$0x1] =	stream.indirect.gather @!p0 [hbm4b:s4+s8], $0x40, s7, s8, $0xb8;
	[tilespmem:$0x1EC00] =	vst v63  }
0x167: {  	v37 =	vshrl.u32 v37, $0x3;
	v46 =	vadd.s32 v5, v47;
	v38 =	vshll.u32 v38, v1;
	_ =	swait.ge @p1 [sflag:s12], $0x2000  }
0x168: {  	v54 =	vshll.u32 v37, v1;
	v37 =	vbroadcast v36, $0x0;
	s8 =	simm.s32 $0x0;
	s15 =	simm.s32 $0x2;
	v38 =	vbroadcast v38, $0x0;
	[sflag:s12] =	ssyncset.done @p1 $0x0  }
0x169: {  	v34 =	vbroadcast v54, $0x0;
	v33 =	vmov s8;
	v35 =	vmov s15;
	s8 =	simm.s32 $0xA5F0;
	[sflag:s12] =	ssyncadd.s32 @p1 $0xFFFFE000  }
0x16a: {  	s15 =	simm.s32 $0x6;
	v33 =	vshrl.u32 v33, $0x3;
	v35 =	vshrl.u32 v35, $0x3;
	v42 =	vadd.s32 v29, v38;
	v41 =	vld [tilespmem:s8+$0xFFFFFFD0]  }
0x16b: {  	v40 =	vmov s15;
	v33 =	vshll.u32 v33, v1;
	v51 =	vshll.u32 v35, v1;
	v45 =	vld [tilespmem:s8+$0xFFFFFE50]  }
0x16c: {  	v35 =	vbroadcast v52, $0x0;
	v52 =	vadd.s32 v17, v34;
	v53 =	vbroadcast v51, $0x0;
	v51 =	vld [tilespmem:s8+$0xFFFFFF10]  }
0x16d: {  	v60 =	vadd.s32 v21, v37;
	v40 =	vshrl.u32 v40, $0x3;
	v33 =	vbroadcast v33, $0x0;
	v59 =	vld [tilespmem:s8+$0xFFFFFF50]  }
0x16e: {  	v39 =	vld [tilespmem:s8+$0xFFFFFED0];
	v56 =	vshll.u32 v40, v1;
	v50 =	vadd.s32 v13, v35  }
0x16f: {  	v43 =	vld [tilespmem:s8+$0xFFFFFE10];
	v36 =	vbroadcast v56, $0x0;
	v44 =	vadd.s32 v0, v33;
	[tilespmem:v42+s28+$0x0] =	vst.idx.msk $0xffff, v41  }
0x170: {  	v48 =	vld [tilespmem:s8+$0xFFFFFE90];
	v49 =	vadd.s32 v9, v53;
	[tilespmem:v46+s28+$0x0] =	vst.idx.msk $0xffff, v45  }
0x171: {  	v61 =	vld [tilespmem:s8+$0xFFFFFF90];
	v62 =	vadd.s32 v25, v36;
	[tilespmem:v52+s28+$0x0] =	vst.idx.msk $0xffff, v51  }
0x172: {  	v58 =	vadd.s32 v30, v38;
	[tilespmem:v60+s28+$0x0] =	vst.idx.msk $0xffff, v59;
	v57 =	vld [tilespmem:s8+$0xFFFFFFE0]  }
0x173: {  	v63 =	vadd.s32 v6, v47;
	v46 =	vld [tilespmem:s8+$0xFFFFFE60];
	[tilespmem:v50+s28+$0x0] =	vst.idx.msk $0xffff, v39  }
0x174: {  	v56 =	vadd.s32 v14, v35;
	[tilespmem:v44+s28+$0x0] =	vst.idx.msk $0xffff, v43;
	v50 =	vld [tilespmem:s8+$0xFFFFFEE0]  }
0x175: {  	v45 =	vadd.s32 v22, v37;
	[tilespmem:v49+s28+$0x0] =	vst.idx.msk $0xffff, v48;
	v44 =	vld [tilespmem:s8+$0xFFFFFF60]  }
0x176: {  	v55 =	vadd.s32 v10, v53;
	v54 =	vld [tilespmem:s8+$0xFFFFFEA0];
	[tilespmem:v62+s28+$0x0] =	vst.idx.msk $0xffff, v61  }
0x177: {  	v59 =	vadd.s32 v18, v34;
	[tilespmem:v58+s28+$0x0] =	vst.idx.msk $0xffff, v57;
	v58 =	vld [tilespmem:s8+$0xFFFFFF20]  }
0x178: {  	v57 =	vadd.s32 v31, v38;
	[tilespmem:v63+s28+$0x0] =	vst.idx.msk $0xffff, v46;
	v40 =	vld [tilespmem:s8+$0xFFFFFFF0]  }
0x179: {  	v61 =	vld [tilespmem:s8+$0xFFFFFE20];
	v62 =	vadd.s32 v2, v33;
	[tilespmem:v56+s28+$0x0] =	vst.idx.msk $0xffff, v50  }
0x17a: {  	v60 =	vadd.s32 v26, v36;
	v63 =	vld [tilespmem:s8+$0xFFFFFFA0];
	[tilespmem:v45+s28+$0x0] =	vst.idx.msk $0xffff, v44  }
0x17b: {  	v51 =	vadd.s32 v7, v47;
	v50 =	vld [tilespmem:s8+$0xFFFFFE70];
	[tilespmem:v55+s28+$0x0] =	vst.idx.msk $0xffff, v54  }
0x17c: {  	v56 =	vadd.s32 v11, v53;
	v55 =	vld [tilespmem:s8+$0xFFFFFEB0];
	[tilespmem:v59+s28+$0x0] =	vst.idx.msk $0xffff, v58  }
0x17d: {  	v58 =	vadd.s32 v15, v35;
	[tilespmem:v57+s28+$0x0] =	vst.idx.msk $0xffff, v40;
	v57 =	vld [tilespmem:s8+$0xFFFFFEF0]  }
0x17e: {  	v38 =	vadd.s32 v32, v38;
	[tilespmem:v62+s28+$0x0] =	vst.idx.msk $0xffff, v61;
	v54 =	vld [tilespmem:s8+$0x0]  }
0x17f: {  	s21 =	simm.s32 $0x9;
	[tilespmem:v60+s28+$0x0] =	vst.idx.msk $0xffff, v63;
	v60 =	vadd.s32 v19, v34;
	v59 =	vld [tilespmem:s8+$0xFFFFFF30]  }
0x180: {  	s20 =	simm.s32 $0x8;
	v41 =	vadd.s32 v23, v37;
	v52 =	vmov s21;
	[tilespmem:v51+s28+$0x0] =	vst.idx.msk $0xffff, v50;
	v40 =	vld [tilespmem:s8+$0xFFFFFF70]  }
0x181: {  	s9 =	simm.s32 $0xB;
	v43 =	vadd.s32 v27, v36;
	v48 =	vadd.s32 v3, v33;
	v63 =	vmov s20;
	v42 =	vld [tilespmem:s8+$0xFFFFFFB0];
	[tilespmem:v56+s28+$0x0] =	vst.idx.msk $0xffff, v55  }
0x182: {  	s24 =	simm.s32 $0xA;
	v44 =	vmov s9;
	v53 =	vadd.s32 v12, v53;
	v45 =	vld [tilespmem:s8+$0xFFFFFE30];
	s20 =	simm.s32 $0xC;
	v39 =	vshrl.u32 v63, $0x3;
	[tilespmem:v58+s28+$0x0] =	vst.idx.msk $0xffff, v57  }
0x183: {  	s21 =	simm.s32 $0xD;
	v46 =	vmov s20;
	v51 =	vadd.s32 v8, v47;
	v49 =	vld [tilespmem:s8+$0xFFFFFE80];
	[tilespmem:v38+s28+$0x0] =	vst.idx.msk $0xffff, v54;
	v54 =	vmov s24;
	s24 =	simm.s32 $0xE  }
0x184: {  	s7 =	sor.u32 $0x2, s19;
	s15 =	simm.s32 $0x10;
	v47 =	vshll.u32 v39, v1;
	v50 =	vld [tilespmem:s8+$0xFFFFFEC0];
	[tilespmem:v60+s28+$0x0] =	vst.idx.msk $0xffff, v59;
	v38 =	vmov s21;
	s21 =	simm.s32 $0xF;
	v39 =	vmov s24  }
.LBB2_11:
0x185: {  	p2 =	slt.u32 s15, $0x78;
	v52 =	vshrl.u32 v52, $0x3;
	v55 =	vmov s21;
	v56 =	vld [tilespmem:s8+$0xFFFFFF00];
	v35 =	vadd.s32 v16, v35;
	[tilespmem:v41+s28+$0x0] =	vst.idx.msk $0xffff, v40  }
0x186: {  	v40 =	vshrl.u32 v54, $0x3;
	v34 =	vadd.s32 v20, v34;
	v41 =	vshrl.u32 v55, $0x3;
	v54 =	vld [tilespmem:s8+$0xFFFFFF40];
	[tilespmem:v43+s28+$0x0] =	vst.idx.msk $0xffff, v42  }
0x187: {  	v37 =	vadd.s32 v24, v37;
	v42 =	vshrl.u32 v44, $0x3;
	v41 =	vshll.u32 v41, v1;
	[tilespmem:v48+s28+$0x0] =	vst.idx.msk $0xffff, v45;
	v43 =	vld [tilespmem:s8+$0xFFFFFF80]  }
0x188: {  	v36 =	vadd.s32 v28, v36;
	v44 =	vshrl.u32 v46, $0x3;
	v41 =	vbroadcast v41, $0x0;
	[tilespmem:v51+s28+$0x0] =	vst.idx.msk $0xffff, v49;
	v45 =	vld [tilespmem:s8+$0xFFFFFFC0]  }
0x189: {  	v46 =	vshll.u32 v52, v1;
	v49 =	vadd.s32 v4, v33;
	v33 =	vbroadcast v47, $0x0;
	v48 =	vld [tilespmem:s8+$0xFFFFFE40];
	[tilespmem:v53+s28+$0x0] =	vst.idx.msk $0xffff, v50;
	s8 =	sadd.s32 $0x200, s8  }
0x18a: {  	v40 =	vshll.u32 v40, v1;
	v47 =	vbroadcast v46, $0x0;
	v46 =	vld [tilespmem:s8+$0xFFFFFFD0];
	v50 =	vadd.s32 v29, v41;
	[tilespmem:v35+s28+$0x0] =	vst.idx.msk $0xffff, v56  }
0x18b: {  	v53 =	vbroadcast v40, $0x0;
	v52 =	vadd.s32 v0, v33;
	v35 =	vshll.u32 v42, v1;
	v51 =	vld [tilespmem:s8+$0xFFFFFE10];
	[tilespmem:v34+s28+$0x0] =	vst.idx.msk $0xffff, v54  }
0x18c: {  	v42 =	vadd.s32 v5, v47;
	v35 =	vbroadcast v35, $0x0;
	v34 =	vshll.u32 v44, v1;
	v40 =	vld [tilespmem:s8+$0xFFFFFE50];
	[tilespmem:v37+s28+$0x0] =	vst.idx.msk $0xffff, v43  }
0x18d: {  	v44 =	vadd.s32 v9, v53;
	v34 =	vbroadcast v34, $0x0;
	v37 =	vshrl.u32 v38, $0x3;
	v43 =	vld [tilespmem:s8+$0xFFFFFE90];
	[tilespmem:v36+s28+$0x0] =	vst.idx.msk $0xffff, v45  }
0x18e: {  	v39 =	vshrl.u32 v39, $0x3;
	v45 =	vadd.s32 v13, v35;
	v36 =	vshll.u32 v37, v1;
	v38 =	vld [tilespmem:s8+$0xFFFFFED0];
	[tilespmem:v49+s28+$0x0] =	vst.idx.msk $0xffff, v48  }
0x18f: {  	v49 =	vadd.s32 v17, v34;
	v37 =	vbroadcast v36, $0x0;
	v36 =	vshll.u32 v39, v1;
	v48 =	vld [tilespmem:s8+$0xFFFFFF10];
	[tilespmem:v50+s28+$0x0] =	vst.idx.msk $0xffff, v46  }
0x190: {  	v36 =	vbroadcast v36, $0x0;
	v46 =	vadd.s32 v30, v41;
	[tilespmem:v52+s28+$0x0] =	vst.idx.msk $0xffff, v51;
	v39 =	vld [tilespmem:s8+$0xFFFFFFE0]  }
0x191: {  	[tilespmem:v42+s28+$0x0] =	vst.idx.msk $0xffff, v40;
	v40 =	vld [tilespmem:s8+$0xFFFFFF50];
	v42 =	vadd.s32 v21, v37  }
0x192: {  	[tilespmem:v44+s28+$0x0] =	vst.idx.msk $0xffff, v43;
	v43 =	vld [tilespmem:s8+$0xFFFFFF90];
	v44 =	vadd.s32 v25, v36  }
0x193: {  	v51 =	vadd.s32 v6, v47;
	v50 =	vld [tilespmem:s8+$0xFFFFFE60];
	[tilespmem:v45+s28+$0x0] =	vst.idx.msk $0xffff, v38  }
0x194: {  	v45 =	vadd.s32 v10, v53;
	v38 =	vld [tilespmem:s8+$0xFFFFFEA0];
	[tilespmem:v49+s28+$0x0] =	vst.idx.msk $0xffff, v48  }
0x195: {  	v49 =	vadd.s32 v14, v35;
	v48 =	vld [tilespmem:s8+$0xFFFFFEE0];
	[tilespmem:v46+s28+$0x0] =	vst.idx.msk $0xffff, v39  }
0x196: {  	[tilespmem:v42+s28+$0x0] =	vst.idx.msk $0xffff, v40;
	v39 =	vld [tilespmem:s8+$0xFFFFFFF0];
	v40 =	vadd.s32 v31, v41  }
0x197: {  	v46 =	vadd.s32 v18, v34;
	v42 =	vld [tilespmem:s8+$0xFFFFFF20];
	[tilespmem:v44+s28+$0x0] =	vst.idx.msk $0xffff, v43  }
0x198: {  	v44 =	vadd.s32 v22, v37;
	[tilespmem:v51+s28+$0x0] =	vst.idx.msk $0xffff, v50;
	v43 =	vld [tilespmem:s8+$0xFFFFFF60]  }
0x199: {  	[tilespmem:v45+s28+$0x0] =	vst.idx.msk $0xffff, v38;
	v38 =	vld [tilespmem:s8+$0xFFFFFFA0];
	v45 =	vadd.s32 v26, v36  }
0x19a: {  	v51 =	vadd.s32 v2, v33;
	v50 =	vld [tilespmem:s8+$0xFFFFFE20];
	[tilespmem:v49+s28+$0x0] =	vst.idx.msk $0xffff, v48  }
0x19b: {  	v49 =	vadd.s32 v7, v47;
	v48 =	vld [tilespmem:s8+$0xFFFFFE70];
	[tilespmem:v40+s28+$0x0] =	vst.idx.msk $0xffff, v39  }
0x19c: {  	[tilespmem:v46+s28+$0x0] =	vst.idx.msk $0xffff, v42;
	v39 =	vld [tilespmem:s8+$0x0];
	v46 =	vadd.s32 v32, v41  }
0x19d: {  	v56 =	vadd.s32 v11, v53;
	v55 =	vld [tilespmem:s8+$0xFFFFFEB0];
	[tilespmem:v44+s28+$0x0] =	vst.idx.msk $0xffff, v43  }
0x19e: {  	v58 =	vadd.s32 v15, v35;
	v57 =	vld [tilespmem:s8+$0xFFFFFEF0];
	[tilespmem:v45+s28+$0x0] =	vst.idx.msk $0xffff, v38  }
0x19f: {  	v60 =	vadd.s32 v19, v34;
	[tilespmem:v51+s28+$0x0] =	vst.idx.msk $0xffff, v50;
	v59 =	vld [tilespmem:s8+$0xFFFFFF30]  }
.Ltmp4:
0x1a0: {  	s21 =	sadd.s32 $0x1, s15;
	v41 =	vadd.s32 v23, v37;
	v38 =	vmov s15;
	[tilespmem:v49+s28+$0x0] =	vst.idx.msk $0xffff, v48;
	v40 =	vld [tilespmem:s8+$0xFFFFFF70];
	(pc) =	sbr.rel @p2 .LBB2_11-.Ltmp4, $4  }
0x1a1: {  	s24 =	sadd.s32 $0x3, s15;
	v52 =	vmov s21;
	s21 =	sadd.s32 $0x2, s15;
	v43 =	vadd.s32 v27, v36;
	v50 =	vshrl.u32 v38, $0x3;
	v42 =	vld [tilespmem:s8+$0xFFFFFFB0];
	[tilespmem:v46+s28+$0x0] =	vst.idx.msk $0xffff, v39  }
0x1a2: {  	v54 =	vmov s21;
	s21 =	sadd.s32 $0x4, s15;
	v44 =	vmov s24;
	s24 =	sadd.s32 $0x5, s15;
	v48 =	vadd.s32 v3, v33;
	v45 =	vld [tilespmem:s8+$0xFFFFFE30];
	[tilespmem:v56+s28+$0x0] =	vst.idx.msk $0xffff, v55  }
0x1a3: {  	v38 =	vmov s24;
	v51 =	vadd.s32 v8, v47;
	v46 =	vmov s21;
	s21 =	sadd.s32 $0x6, s15;
	v49 =	vld [tilespmem:s8+$0xFFFFFE80];
	[tilespmem:v58+s28+$0x0] =	vst.idx.msk $0xffff, v57  }
0x1a4: {  	v53 =	vadd.s32 v12, v53;
	v47 =	vshll.u32 v50, v1;
	v39 =	vmov s21;
	s21 =	sadd.s32 $0x7, s15;
	s15 =	sadd.s32 $0x8, s15;
	v50 =	vld [tilespmem:s8+$0xFFFFFEC0];
	[tilespmem:v60+s28+$0x0] =	vst.idx.msk $0xffff, v59  }
0x1a5: {  	_ =	sdelay $0x2  }
0x1a6: {  	v52 =	vshrl.u32 v52, $0x3  }
0x1a7: {  	v55 =	vmov s21;
	v56 =	vld [tilespmem:s8+$0xFFFFFF00];
	v35 =	vadd.s32 v16, v35;
	[tilespmem:v41+s28+$0x0] =	vst.idx.msk $0xffff, v40;
	v57 =	vshrl.u32 v54, $0x3  }
0x1a8: {  	v59 =	vld [tilespmem:s8+$0xFFFFFF40];
	v34 =	vadd.s32 v20, v34;
	v60 =	vshrl.u32 v44, $0x3;
	v58 =	vshrl.u32 v55, $0x3;
	[tilespmem:v43+s28+$0x0] =	vst.idx.msk $0xffff, v42  }
0x1a9: {  	v37 =	vadd.s32 v24, v37;
	v62 =	vshrl.u32 v46, $0x3;
	v61 =	vld [tilespmem:s8+$0xFFFFFF80];
	v41 =	vshll.u32 v58, v1;
	[tilespmem:v48+s28+$0x0] =	vst.idx.msk $0xffff, v45  }
0x1aa: {  	v36 =	vadd.s32 v28, v36;
	v46 =	vbroadcast v47, $0x0;
	v63 =	vld [tilespmem:s8+$0xFFFFFFC0];
	v41 =	vbroadcast v41, $0x0;
	[tilespmem:v51+s28+$0x0] =	vst.idx.msk $0xffff, v49  }
0x1ab: {  	v33 =	vadd.s32 v4, v33;
	s9 =	sadd.s32 $0x200, s8;
	v38 =	vshrl.u32 v38, $0x3;
	v55 =	vshll.u32 v52, v1;
	v48 =	vld [tilespmem:s8+$0xFFFFFE40];
	[tilespmem:v53+s28+$0x0] =	vst.idx.msk $0xffff, v50  }
0x1ac: {  	v40 =	vshll.u32 v57, v1;
	v47 =	vbroadcast v55, $0x0;
	v49 =	vld [tilespmem:s9+$0xFFFFFFD0];
	v50 =	vadd.s32 v29, v41;
	[tilespmem:v35+s28+$0x0] =	vst.idx.msk $0xffff, v56  }
0x1ad: {  	v42 =	vshll.u32 v60, v1;
	v40 =	vbroadcast v40, $0x0;
	v35 =	vld [tilespmem:s9+$0xFFFFFE10];
	v56 =	vadd.s32 v0, v46;
	[tilespmem:v34+s28+$0x0] =	vst.idx.msk $0xffff, v59  }
0x1ae: {  	v57 =	vld [tilespmem:s9+$0xFFFFFE50];
	v44 =	vshll.u32 v62, v1;
	v42 =	vbroadcast v42, $0x0;
	v58 =	vadd.s32 v5, v47;
	[tilespmem:v37+s28+$0x0] =	vst.idx.msk $0xffff, v61  }
0x1af: {  	v38 =	vshll.u32 v38, v1;
	v44 =	vbroadcast v44, $0x0;
	v60 =	vadd.s32 v9, v40;
	v59 =	vld [tilespmem:s9+$0xFFFFFE90];
	[tilespmem:v36+s28+$0x0] =	vst.idx.msk $0xffff, v63  }
0x1b0: {  	v38 =	vbroadcast v38, $0x0;
	v62 =	vadd.s32 v13, v42;
	v61 =	vld [tilespmem:s9+$0xFFFFFED0];
	[tilespmem:v33+s28+$0x0] =	vst.idx.msk $0xffff, v48  }
0x1b1: {  	v39 =	vshrl.u32 v39, $0x3;
	v63 =	vadd.s32 v17, v44;
	v33 =	vld [tilespmem:s9+$0xFFFFFF10];
	[tilespmem:v50+s28+$0x0] =	vst.idx.msk $0xffff, v49  }
0x1b2: {  	v39 =	vshll.u32 v39, v1;
	v34 =	vld [tilespmem:s9+$0xFFFFFF50];
	[tilespmem:v56+s28+$0x0] =	vst.idx.msk $0xffff, v35;
	v56 =	vadd.s32 v21, v38  }
0x1b3: {  	[tilespmem:v58+s28+$0x0] =	vst.idx.msk $0xffff, v57;
	v35 =	vbroadcast v39, $0x0;
	v49 =	vadd.s32 v30, v41;
	v39 =	vld [tilespmem:s9+$0xFFFFFFE0]  }
0x1b4: {  	[tilespmem:v60+s28+$0x0] =	vst.idx.msk $0xffff, v59;
	v59 =	vld [tilespmem:s9+$0xFFFFFE60];
	v60 =	vadd.s32 v6, v47  }
0x1b5: {  	v57 =	vld [tilespmem:s9+$0xFFFFFF90];
	[tilespmem:v62+s28+$0x0] =	vst.idx.msk $0xffff, v61;
	v58 =	vadd.s32 v25, v35  }
0x1b6: {  	v61 =	vld [tilespmem:s9+$0xFFFFFEA0];
	v62 =	vadd.s32 v10, v40;
	[tilespmem:v63+s28+$0x0] =	vst.idx.msk $0xffff, v33  }
0x1b7: {  	v33 =	vld [tilespmem:s9+$0xFFFFFEE0];
	v63 =	vadd.s32 v14, v42;
	[tilespmem:v56+s28+$0x0] =	vst.idx.msk $0xffff, v34  }
0x1b8: {  	v56 =	vadd.s32 v18, v44;
	[tilespmem:v49+s28+$0x0] =	vst.idx.msk $0xffff, v39;
	v49 =	vld [tilespmem:s9+$0xFFFFFF20]  }
0x1b9: {  	[tilespmem:v60+s28+$0x0] =	vst.idx.msk $0xffff, v59;
	v39 =	vadd.s32 v31, v41;
	v34 =	vld [tilespmem:s9+$0xFFFFFFF0]  }
0x1ba: {  	[tilespmem:v58+s28+$0x0] =	vst.idx.msk $0xffff, v57;
	v57 =	vld [tilespmem:s9+$0xFFFFFF60];
	v58 =	vadd.s32 v22, v38  }
0x1bb: {  	[tilespmem:v62+s28+$0x0] =	vst.idx.msk $0xffff, v61;
	v61 =	vld [tilespmem:s9+$0xFFFFFE20];
	v62 =	vadd.s32 v2, v46  }
0x1bc: {  	v60 =	vadd.s32 v26, v35;
	v59 =	vld [tilespmem:s9+$0xFFFFFFA0];
	[tilespmem:v63+s28+$0x0] =	vst.idx.msk $0xffff, v33  }
0x1bd: {  	v55 =	vadd.s32 v11, v40;
	v54 =	vadd.s32 v32, v41;
	v41 =	vld [tilespmem:s9+$0xFFFFFEB0];
	[tilespmem:v56+s28+$0x0] =	vst.idx.msk $0xffff, v49  }
0x1be: {  	v53 =	vadd.s32 v7, v47;
	v63 =	vld [tilespmem:s9+$0xFFFFFE70];
	[tilespmem:v39+s28+$0x0] =	vst.idx.msk $0xffff, v34  }
0x1bf: {  	v56 =	vld [tilespmem:s9+$0xFFFFFEF0];
	[tilespmem:v58+s28+$0x0] =	vst.idx.msk $0xffff, v57;
	v57 =	vadd.s32 v15, v42  }
0x1c0: {  	[tilespmem:v62+s28+$0x0] =	vst.idx.msk $0xffff, v61;
	v34 =	vld [tilespmem:s9+$0x0]  }
0x1c1: {  	v58 =	vld [tilespmem:s9+$0xFFFFFF30];
	[tilespmem:v60+s28+$0x0] =	vst.idx.msk $0xffff, v59;
	v59 =	vadd.s32 v19, v44  }
0x1c2: {  	v61 =	vadd.s32 v23, v38;
	[tilespmem:v55+s28+$0x0] =	vst.idx.msk $0xffff, v41;
	v60 =	vld [tilespmem:s9+$0xFFFFFF70]  }
0x1c3: {  	[tilespmem:v53+s28+$0x0] =	vst.idx.msk $0xffff, v63;
	v63 =	vadd.s32 v27, v35;
	v62 =	vld [tilespmem:s9+$0xFFFFFFB0]  }
0x1c4: {  	v47 =	vadd.s32 v8, v47;
	v55 =	vld [tilespmem:s9+$0xFFFFFE80];
	[tilespmem:v57+s28+$0x0] =	vst.idx.msk $0xffff, v56  }
0x1c5: {  	v53 =	vld [tilespmem:s9+$0xFFFFFE30];
	[tilespmem:v54+s28+$0x0] =	vst.idx.msk $0xffff, v34;
	v54 =	vadd.s32 v3, v46  }
0x1c6: {  	v40 =	vadd.s32 v12, v40;
	v56 =	vld [tilespmem:s9+$0xFFFFFEC0];
	[tilespmem:v59+s28+$0x0] =	vst.idx.msk $0xffff, v58  }
0x1c7: {  	v42 =	vadd.s32 v16, v42;
	v57 =	vld [tilespmem:s9+$0xFFFFFF00];
	[tilespmem:v61+s28+$0x0] =	vst.idx.msk $0xffff, v60  }
0x1c8: {  	v59 =	vadd.s32 v20, v44;
	v58 =	vld [tilespmem:s9+$0xFFFFFF40];
	[tilespmem:v63+s28+$0x0] =	vst.idx.msk $0xffff, v62  }
0x1c9: {  	v38 =	vadd.s32 v24, v38;
	v60 =	vld [tilespmem:s9+$0xFFFFFF80];
	[tilespmem:v47+s28+$0x0] =	vst.idx.msk $0xffff, v55  }
0x1ca: {  	v35 =	vadd.s32 v28, v35;
	v61 =	vld [tilespmem:s9+$0xFFFFFFC0];
	[tilespmem:v54+s28+$0x0] =	vst.idx.msk $0xffff, v53  }
0x1cb: {  	v63 =	vadd.s32 v4, v46;
	[tilespmem:v40+s28+$0x0] =	vst.idx.msk $0xffff, v56;
	v62 =	vld [tilespmem:s9+$0xFFFFFE40]  }
0x1cc: {  	s7 =	sadd.s32 s5, s7;
	[tilespmem:v42+s28+$0x0] =	vst.idx.msk $0xffff, v57  }
0x1cd: {  	s15 =	sshll.u32 s7, $0x7;
	[tilespmem:v59+s28+$0x0] =	vst.idx.msk $0xffff, v58  }
0x1ce: {  	s7 =	sshll.u32 s7, $0xA;
	s8 =	sand.u32 $0x3D00, s15;
	[tilespmem:v38+s28+$0x0] =	vst.idx.msk $0xffff, v60  }
0x1cf: {  	s7 =	sand.u32 $0xFFE0000, s7;
	s8 =	sadd.s32 s2, s8;
	[tilespmem:v35+s28+$0x0] =	vst.idx.msk $0xffff, v61  }
0x1d0: {  	s20 =	simm.s32 $0x1A800;
	s8 =	sadd.s32 s7, s8;
	[tilespmem:v63+s28+$0x0] =	vst.idx.msk $0xffff, v62  }
0x1d1: {  	[hbm4b:s8+s3] =	stream.linear.scatter [tilespmem:s20], [sflag:$0xB], $0x80, $0x38;
	[tilespmem:$0x1EC00] =	vst v63  }
0x1d2: {  	s21 =	simm.s32 $0x1A888;
	s15 =	sadd.s32 $0x10, s8  }
0x1d3: {  	[hbm4b:s15+s3] =	stream.linear.scatter [tilespmem:s21], [sflag:$0xB], $0x80, $0x38;
	[tilespmem:$0x1EC00] =	vst v63  }
0x1d4: {  	s24 =	simm.s32 $0x1A910;
	s9 =	sadd.s32 $0x20, s8  }
0x1d5: {  	[hbm4b:s9+s3] =	stream.linear.scatter [tilespmem:s24], [sflag:$0xB], $0x80, $0x38;
	[tilespmem:$0x1EC00] =	vst v63  }
0x1d6: {  	s20 =	simm.s32 $0x1A998;
	s21 =	sadd.s32 $0x30, s8  }
0x1d7: {  	[hbm4b:s21+s3] =	stream.linear.scatter [tilespmem:s20], [sflag:$0xB], $0x80, $0x38;
	[tilespmem:$0x1EC00] =	vst v63  }
0x1d8: {  	s24 =	simm.s32 $0x1AA20;
	s9 =	sadd.s32 $0x40, s8  }
0x1d9: {  	[hbm4b:s9+s3] =	stream.linear.scatter [tilespmem:s24], [sflag:$0xB], $0x80, $0x38;
	[tilespmem:$0x1EC00] =	vst v63  }
0x1da: {  	s7 =	simm.s32 $0x440;
	s15 =	simm.s32 $0x1AAA8;
	s20 =	sadd.s32 $0x50, s8  }
0x1db: {  	[hbm4b:s20+s3] =	stream.linear.scatter [tilespmem:s15], [sflag:$0xB], $0x80, $0x38;
	[tilespmem:$0x1EC00] =	vst v63  }
0x1dc: {  	s21 =	simm.s32 $0x1AB30;
	s24 =	sadd.s32 $0x60, s8;
	s15 =	simm.s32 $0x2200  }
0x1dd: {  	[hbm4b:s24+s3] =	stream.linear.scatter [tilespmem:s21], [sflag:$0xB], $0x80, $0x38;
	[tilespmem:$0x1EC00] =	vst v63  }
0x1de: {  	s21 =	simm.s32 $0x1ABB8;
	s24 =	sadd.s32 $0x70, s8;
	s8 =	sadd.s32 $0x4000, s8  }
.LBB2_13:
0x1df: {  	[hbm4b:s24+s3] =	stream.linear.scatter [tilespmem:s21], [sflag:$0xB], $0x80, $0x38;
	[tilespmem:$0x1EC00] =	vst v63  }
0x1e0: {  	s21 =	smov.u32 s7;
	s7 =	smov.u32 s15  }
0x1e1: {  	s9 =	sadd.s32 $0x1100, s15;
	s7 =	sshra.s32 s7, $0x2;
	s24 =	sadd.s32 $0x1A800, s21  }
0x1e2: {  	[hbm4b:s8+s3] =	stream.linear.scatter [tilespmem:s24], [sflag:$0xB], $0x80, $0x38;
	[tilespmem:$0x1EC00] =	vst v63  }
0x1e3: {  	p2 =	sne.s32 s15, $0x7700;
	s15 =	sadd.s32 $0x1A888, s21;
	s24 =	sadd.s32 $0x10, s8  }
0x1e4: {  	[hbm4b:s24+s3] =	stream.linear.scatter [tilespmem:s15], [sflag:$0xB], $0x80, $0x38;
	[tilespmem:$0x1EC00] =	vst v63  }
0x1e5: {  	s15 =	sadd.s32 $0x1A910, s21;
	s24 =	sadd.s32 $0x20, s8  }
0x1e6: {  	[hbm4b:s24+s3] =	stream.linear.scatter [tilespmem:s15], [sflag:$0xB], $0x80, $0x38;
	[tilespmem:$0x1EC00] =	vst v63  }
0x1e7: {  	s15 =	sadd.s32 $0x1A998, s21;
	s24 =	sadd.s32 $0x30, s8  }
0x1e8: {  	[hbm4b:s24+s3] =	stream.linear.scatter [tilespmem:s15], [sflag:$0xB], $0x80, $0x38;
	[tilespmem:$0x1EC00] =	vst v63  }
0x1e9: {  	s15 =	sadd.s32 $0x1AA20, s21;
	s24 =	sadd.s32 $0x40, s8  }
0x1ea: {  	[hbm4b:s24+s3] =	stream.linear.scatter [tilespmem:s15], [sflag:$0xB], $0x80, $0x38;
	[tilespmem:$0x1EC00] =	vst v63  }
.Ltmp5:
0x1eb: {  	s15 =	sadd.s32 $0x1AAA8, s21;
	s24 =	sadd.s32 $0x50, s8;
	(pc) =	sbr.rel @p2 .LBB2_13-.Ltmp5, $4  }
0x1ec: {  	[hbm4b:s24+s3] =	stream.linear.scatter [tilespmem:s15], [sflag:$0xB], $0x80, $0x38;
	[tilespmem:$0x1EC00] =	vst v63  }
0x1ed: {  	s15 =	sadd.s32 $0x1AB30, s21;
	s24 =	sadd.s32 $0x60, s8;
	s21 =	sadd.s32 $0x1ABB8, s21  }
0x1ee: {  	[hbm4b:s24+s3] =	stream.linear.scatter [tilespmem:s15], [sflag:$0xB], $0x80, $0x38;
	[tilespmem:$0x1EC00] =	vst v63  }
0x1ef: {  	s24 =	sadd.s32 $0x70, s8;
	s8 =	sadd.s32 $0x4000, s8;
	s15 =	smov.u32 s9  }
0x1f0: {  	[hbm4b:s24+s3] =	stream.linear.scatter [tilespmem:s21], [sflag:$0xB], $0x80, $0x38;
	[tilespmem:$0x1EC00] =	vst v63  }
0x1f1: {  	s9 =	sadd.s32 $0x1A800, s7  }
0x1f2: {  	[hbm4b:s8+s3] =	stream.linear.scatter [tilespmem:s9], [sflag:$0xB], $0x80, $0x38;
	[tilespmem:$0x1EC00] =	vst v63  }
0x1f3: {  	s24 =	sadd.s32 $0x1A888, s7;
	s15 =	sadd.s32 $0x10, s8  }
0x1f4: {  	[hbm4b:s15+s3] =	stream.linear.scatter [tilespmem:s24], [sflag:$0xB], $0x80, $0x38;
	[tilespmem:$0x1EC00] =	vst v63  }
0x1f5: {  	s20 =	sadd.s32 $0x20, s8;
	s15 =	sadd.s32 $0x1A910, s7  }
0x1f6: {  	[hbm4b:s20+s3] =	stream.linear.scatter [tilespmem:s15], [sflag:$0xB], $0x80, $0x38;
	[tilespmem:$0x1EC00] =	vst v63  }
0x1f7: {  	s21 =	sadd.s32 $0x1A998, s7;
	s24 =	sadd.s32 $0x30, s8  }
0x1f8: {  	[hbm4b:s24+s3] =	stream.linear.scatter [tilespmem:s21], [sflag:$0xB], $0x80, $0x38;
	[tilespmem:$0x1EC00] =	vst v63  }
0x1f9: {  	s15 =	sadd.s32 $0x1AA20, s7;
	s20 =	sadd.s32 $0x40, s8  }
0x1fa: {  	[hbm4b:s20+s3] =	stream.linear.scatter [tilespmem:s15], [sflag:$0xB], $0x80, $0x38;
	[tilespmem:$0x1EC00] =	vst v63  }
0x1fb: {  	s21 =	sadd.s32 $0x1AAA8, s7;
	s24 =	sadd.s32 $0x50, s8  }
0x1fc: {  	[hbm4b:s24+s3] =	stream.linear.scatter [tilespmem:s21], [sflag:$0xB], $0x80, $0x38;
	[tilespmem:$0x1EC00] =	vst v63  }
0x1fd: {  	s15 =	sadd.s32 $0x1AB30, s7;
	s20 =	sadd.s32 $0x60, s8  }
0x1fe: {  	[hbm4b:s20+s3] =	stream.linear.scatter [tilespmem:s15], [sflag:$0xB], $0x80, $0x38;
	[tilespmem:$0x1EC00] =	vst v63  }
0x1ff: {  	s21 =	sadd.s32 $0x1ABB8, s7;
	s15 =	simm.s32 $0x2;
	s20 =	simm.s32 $0x3  }
0x200: {  	s24 =	sadd.s32 $0x70, s8;
	v35 =	vmov s15;
	v36 =	vmov s20;
	s15 =	simm.s32 $0x5;
	s20 =	simm.s32 $0x6  }
0x201: {  	[hbm4b:s24+s3] =	stream.linear.scatter [tilespmem:s21], [sflag:$0xB], $0x80, $0x38;
	[tilespmem:$0x1EC00] =	vst v63  }
0x202: {  	s21 =	simm.s32 $0x4;
	v39 =	vmov s15;
	v40 =	vmov s20;
	_ =	swait.ge [sflag:s29], $0x2000  }
0x203: {  	s9 =	simm.s32 @!p0 $0x8400;
	s24 =	simm.s32 $0x7;
	v35 =	vshrl.u32 v35, $0x3;
	v36 =	vshrl.u32 v36, $0x3;
	v37 =	vmov s21;
	[sflag:s29] =	ssyncset.done $0x0  }
0x204: {  	s7 =	sadd.s32 @!p0 $0x480, s6;
	s8 =	simm.s32 @!p0 $0x80;
	v38 =	vmov s24;
	v51 =	vshll.u32 v35, v1;
	v52 =	vshll.u32 v36, v1;
	[sflag:s29] =	ssyncadd.s32 $0xFFFFE000  }
0x205: {  	v55 =	vshrl.u32 v39, $0x3;
	v40 =	vshrl.u32 v40, $0x3;
	v38 =	vshrl.u32 v38, $0x3;
	[tilespmem:s9], [sflag:$0x2] =	stream.indirect.gather @!p0 [hbm4b:s4+s8], $0x40, s7, s8, $0xb8;
	[tilespmem:$0x1EC00] =	vst v63  }
0x206: {  	v37 =	vshrl.u32 v37, $0x3;
	v53 =	vbroadcast v51, $0x0;
	v38 =	vshll.u32 v38, v1;
	_ =	swait.ge @p1 [sflag:s14], $0x2000  }
0x207: {  	v35 =	vbroadcast v52, $0x0;
	v36 =	vshll.u32 v55, v1;
	s8 =	simm.s32 $0x0;
	v38 =	vbroadcast v38, $0x0;
	[sflag:s14] =	ssyncset.done @p1 $0x0  }
0x208: {  	v56 =	vshll.u32 v40, v1;
	v54 =	vshll.u32 v37, v1;
	v33 =	vmov s8;
	s8 =	simm.s32 $0xC5F0;
	[sflag:s14] =	ssyncadd.s32 @p1 $0xFFFFE000  }
0x209: {  	v37 =	vbroadcast v36, $0x0;
	v36 =	vbroadcast v56, $0x0;
	s9 =	simm.s32 $0x1;
	v42 =	vadd.s32 v29, v38;
	v41 =	vld [tilespmem:s8+$0xFFFFFFD0]  }
0x20a: {  	v49 =	vadd.s32 v9, v53;
	v34 =	vmov s9;
	v33 =	vshrl.u32 v33, $0x3;
	v48 =	vld [tilespmem:s8+$0xFFFFFE90]  }
0x20b: {  	v50 =	vadd.s32 v13, v35;
	v34 =	vshrl.u32 v34, $0x3;
	v33 =	vshll.u32 v33, v1;
	v39 =	vld [tilespmem:s8+$0xFFFFFED0]  }
0x20c: {  	v60 =	vadd.s32 v21, v37;
	v34 =	vshll.u32 v34, v1;
	v33 =	vbroadcast v33, $0x0;
	v59 =	vld [tilespmem:s8+$0xFFFFFF50]  }
0x20d: {  	v62 =	vadd.s32 v25, v36;
	v47 =	vbroadcast v34, $0x0;
	v61 =	vld [tilespmem:s8+$0xFFFFFF90]  }
0x20e: {  	v43 =	vld [tilespmem:s8+$0xFFFFFE10];
	v34 =	vbroadcast v54, $0x0;
	v44 =	vadd.s32 v0, v33;
	[tilespmem:v42+s30+$0x0] =	vst.idx.msk $0xffff, v41  }
0x20f: {  	v45 =	vld [tilespmem:s8+$0xFFFFFE50];
	v46 =	vadd.s32 v5, v47;
	[tilespmem:v49+s30+$0x0] =	vst.idx.msk $0xffff, v48  }
0x210: {  	v51 =	vld [tilespmem:s8+$0xFFFFFF10];
	v52 =	vadd.s32 v17, v34;
	[tilespmem:v50+s30+$0x0] =	vst.idx.msk $0xffff, v39  }
0x211: {  	v58 =	vadd.s32 v30, v38;
	[tilespmem:v60+s30+$0x0] =	vst.idx.msk $0xffff, v59;
	v57 =	vld [tilespmem:s8+$0xFFFFFFE0]  }
0x212: {  	v55 =	vadd.s32 v10, v53;
	[tilespmem:v62+s30+$0x0] =	vst.idx.msk $0xffff, v61;
	v54 =	vld [tilespmem:s8+$0xFFFFFEA0]  }
0x213: {  	v56 =	vadd.s32 v14, v35;
	v50 =	vld [tilespmem:s8+$0xFFFFFEE0];
	[tilespmem:v44+s30+$0x0] =	vst.idx.msk $0xffff, v43  }
0x214: {  	[tilespmem:v46+s30+$0x0] =	vst.idx.msk $0xffff, v45;
	v44 =	vld [tilespmem:s8+$0xFFFFFF60];
	v45 =	vadd.s32 v22, v37  }
0x215: {  	v63 =	vadd.s32 v6, v47;
	[tilespmem:v52+s30+$0x0] =	vst.idx.msk $0xffff, v51;
	v46 =	vld [tilespmem:s8+$0xFFFFFE60]  }
0x216: {  	v62 =	vadd.s32 v2, v33;
	v61 =	vld [tilespmem:s8+$0xFFFFFE20];
	[tilespmem:v58+s30+$0x0] =	vst.idx.msk $0xffff, v57  }
0x217: {  	v59 =	vadd.s32 v18, v34;
	v58 =	vld [tilespmem:s8+$0xFFFFFF20];
	[tilespmem:v55+s30+$0x0] =	vst.idx.msk $0xffff, v54  }
0x218: {  	v57 =	vadd.s32 v31, v38;
	[tilespmem:v56+s30+$0x0] =	vst.idx.msk $0xffff, v50;
	v40 =	vld [tilespmem:s8+$0xFFFFFFF0]  }
0x219: {  	v55 =	vld [tilespmem:s8+$0xFFFFFEB0];
	[tilespmem:v45+s30+$0x0] =	vst.idx.msk $0xffff, v44  }
0x21a: {  	v60 =	vadd.s32 v26, v36;
	[tilespmem:v63+s30+$0x0] =	vst.idx.msk $0xffff, v46;
	v63 =	vld [tilespmem:s8+$0xFFFFFFA0]  }
0x21b: {  	v56 =	vadd.s32 v11, v53;
	[tilespmem:v62+s30+$0x0] =	vst.idx.msk $0xffff, v61;
	v50 =	vld [tilespmem:s8+$0xFFFFFE70]  }
0x21c: {  	v51 =	vadd.s32 v7, v47;
	v45 =	vld [tilespmem:s8+$0xFFFFFE30];
	[tilespmem:v59+s30+$0x0] =	vst.idx.msk $0xffff, v58  }
0x21d: {  	v58 =	vadd.s32 v15, v35;
	[tilespmem:v57+s30+$0x0] =	vst.idx.msk $0xffff, v40;
	v57 =	vld [tilespmem:s8+$0xFFFFFEF0]  }
0x21e: {  	v38 =	vadd.s32 v32, v38;
	v54 =	vld [tilespmem:s8+$0x0]  }
0x21f: {  	v59 =	vld [tilespmem:s8+$0xFFFFFF30];
	[tilespmem:v60+s30+$0x0] =	vst.idx.msk $0xffff, v63;
	v60 =	vadd.s32 v19, v34  }
0x220: {  	s21 =	simm.s32 $0x8;
	s24 =	simm.s32 $0x9;
	v41 =	vadd.s32 v23, v37;
	v48 =	vadd.s32 v3, v33;
	v40 =	vld [tilespmem:s8+$0xFFFFFF70];
	[tilespmem:v56+s30+$0x0] =	vst.idx.msk $0xffff, v55  }
0x221: {  	s15 =	simm.s32 $0xB;
	v52 =	vmov s24;
	v43 =	vadd.s32 v27, v36;
	v63 =	vmov s21;
	[tilespmem:v51+s30+$0x0] =	vst.idx.msk $0xffff, v50;
	v42 =	vld [tilespmem:s8+$0xFFFFFFB0]  }
0x222: {  	s20 =	simm.s32 $0xC;
	v53 =	vadd.s32 v12, v53;
	v44 =	vmov s15;
	v39 =	vshrl.u32 v63, $0x3;
	v50 =	vld [tilespmem:s8+$0xFFFFFEC0];
	[tilespmem:v58+s30+$0x0] =	vst.idx.msk $0xffff, v57  }
0x223: {  	s9 =	simm.s32 $0xA;
	s24 =	simm.s32 $0xE;
	v46 =	vmov s20;
	s21 =	simm.s32 $0xD;
	v51 =	vadd.s32 v8, v47;
	v49 =	vld [tilespmem:s8+$0xFFFFFE80];
	v47 =	vshll.u32 v39, v1;
	[tilespmem:v38+s30+$0x0] =	vst.idx.msk $0xffff, v54  }
0x224: {  	s7 =	sor.u32 $0x3, s19;
	s15 =	simm.s32 $0x10;
	v39 =	vmov s24;
	v54 =	vmov s9;
	v38 =	vmov s21;
	s21 =	simm.s32 $0xF;
	[tilespmem:v60+s30+$0x0] =	vst.idx.msk $0xffff, v59  }
.LBB2_15:
0x225: {  	p1 =	slt.u32 s15, $0x78;
	v52 =	vshrl.u32 v52, $0x3;
	v55 =	vmov s21;
	v56 =	vld [tilespmem:s8+$0xFFFFFF00];
	v35 =	vadd.s32 v16, v35;
	[tilespmem:v41+s30+$0x0] =	vst.idx.msk $0xffff, v40  }
0x226: {  	v40 =	vshrl.u32 v54, $0x3;
	v34 =	vadd.s32 v20, v34;
	v41 =	vshrl.u32 v55, $0x3;
	v54 =	vld [tilespmem:s8+$0xFFFFFF40];
	[tilespmem:v43+s30+$0x0] =	vst.idx.msk $0xffff, v42  }
0x227: {  	v37 =	vadd.s32 v24, v37;
	v42 =	vshrl.u32 v44, $0x3;
	v41 =	vshll.u32 v41, v1;
	[tilespmem:v48+s30+$0x0] =	vst.idx.msk $0xffff, v45;
	v43 =	vld [tilespmem:s8+$0xFFFFFF80]  }
0x228: {  	v36 =	vadd.s32 v28, v36;
	v44 =	vshrl.u32 v46, $0x3;
	v41 =	vbroadcast v41, $0x0;
	[tilespmem:v51+s30+$0x0] =	vst.idx.msk $0xffff, v49;
	v45 =	vld [tilespmem:s8+$0xFFFFFFC0]  }
0x229: {  	v46 =	vshll.u32 v52, v1;
	v49 =	vadd.s32 v4, v33;
	v33 =	vbroadcast v47, $0x0;
	v48 =	vld [tilespmem:s8+$0xFFFFFE40];
	[tilespmem:v53+s30+$0x0] =	vst.idx.msk $0xffff, v50;
	s8 =	sadd.s32 $0x200, s8  }
0x22a: {  	v40 =	vshll.u32 v40, v1;
	v47 =	vbroadcast v46, $0x0;
	v46 =	vld [tilespmem:s8+$0xFFFFFFD0];
	v50 =	vadd.s32 v29, v41;
	[tilespmem:v35+s30+$0x0] =	vst.idx.msk $0xffff, v56  }
0x22b: {  	v53 =	vbroadcast v40, $0x0;
	v52 =	vadd.s32 v0, v33;
	v35 =	vshll.u32 v42, v1;
	v51 =	vld [tilespmem:s8+$0xFFFFFE10];
	[tilespmem:v34+s30+$0x0] =	vst.idx.msk $0xffff, v54  }
0x22c: {  	v42 =	vadd.s32 v5, v47;
	v35 =	vbroadcast v35, $0x0;
	v34 =	vshll.u32 v44, v1;
	v40 =	vld [tilespmem:s8+$0xFFFFFE50];
	[tilespmem:v37+s30+$0x0] =	vst.idx.msk $0xffff, v43  }
0x22d: {  	v44 =	vadd.s32 v9, v53;
	v34 =	vbroadcast v34, $0x0;
	v37 =	vshrl.u32 v38, $0x3;
	v43 =	vld [tilespmem:s8+$0xFFFFFE90];
	[tilespmem:v36+s30+$0x0] =	vst.idx.msk $0xffff, v45  }
0x22e: {  	v39 =	vshrl.u32 v39, $0x3;
	v45 =	vadd.s32 v13, v35;
	v36 =	vshll.u32 v37, v1;
	v38 =	vld [tilespmem:s8+$0xFFFFFED0];
	[tilespmem:v49+s30+$0x0] =	vst.idx.msk $0xffff, v48  }
0x22f: {  	v49 =	vadd.s32 v17, v34;
	v37 =	vbroadcast v36, $0x0;
	v36 =	vshll.u32 v39, v1;
	v48 =	vld [tilespmem:s8+$0xFFFFFF10];
	[tilespmem:v50+s30+$0x0] =	vst.idx.msk $0xffff, v46  }
0x230: {  	v36 =	vbroadcast v36, $0x0;
	v46 =	vadd.s32 v30, v41;
	[tilespmem:v52+s30+$0x0] =	vst.idx.msk $0xffff, v51;
	v39 =	vld [tilespmem:s8+$0xFFFFFFE0]  }
0x231: {  	[tilespmem:v42+s30+$0x0] =	vst.idx.msk $0xffff, v40;
	v40 =	vld [tilespmem:s8+$0xFFFFFF50];
	v42 =	vadd.s32 v21, v37  }
0x232: {  	[tilespmem:v44+s30+$0x0] =	vst.idx.msk $0xffff, v43;
	v43 =	vld [tilespmem:s8+$0xFFFFFF90];
	v44 =	vadd.s32 v25, v36  }
0x233: {  	v51 =	vadd.s32 v6, v47;
	v50 =	vld [tilespmem:s8+$0xFFFFFE60];
	[tilespmem:v45+s30+$0x0] =	vst.idx.msk $0xffff, v38  }
0x234: {  	v45 =	vadd.s32 v10, v53;
	v38 =	vld [tilespmem:s8+$0xFFFFFEA0];
	[tilespmem:v49+s30+$0x0] =	vst.idx.msk $0xffff, v48  }
0x235: {  	v49 =	vadd.s32 v14, v35;
	v48 =	vld [tilespmem:s8+$0xFFFFFEE0];
	[tilespmem:v46+s30+$0x0] =	vst.idx.msk $0xffff, v39  }
0x236: {  	[tilespmem:v42+s30+$0x0] =	vst.idx.msk $0xffff, v40;
	v39 =	vld [tilespmem:s8+$0xFFFFFFF0];
	v40 =	vadd.s32 v31, v41  }
0x237: {  	v46 =	vadd.s32 v18, v34;
	v42 =	vld [tilespmem:s8+$0xFFFFFF20];
	[tilespmem:v44+s30+$0x0] =	vst.idx.msk $0xffff, v43  }
0x238: {  	v44 =	vadd.s32 v22, v37;
	[tilespmem:v51+s30+$0x0] =	vst.idx.msk $0xffff, v50;
	v43 =	vld [tilespmem:s8+$0xFFFFFF60]  }
0x239: {  	[tilespmem:v45+s30+$0x0] =	vst.idx.msk $0xffff, v38;
	v38 =	vld [tilespmem:s8+$0xFFFFFFA0];
	v45 =	vadd.s32 v26, v36  }
0x23a: {  	v51 =	vadd.s32 v2, v33;
	v50 =	vld [tilespmem:s8+$0xFFFFFE20];
	[tilespmem:v49+s30+$0x0] =	vst.idx.msk $0xffff, v48  }
0x23b: {  	v49 =	vadd.s32 v7, v47;
	v48 =	vld [tilespmem:s8+$0xFFFFFE70];
	[tilespmem:v40+s30+$0x0] =	vst.idx.msk $0xffff, v39  }
0x23c: {  	[tilespmem:v46+s30+$0x0] =	vst.idx.msk $0xffff, v42;
	v39 =	vld [tilespmem:s8+$0x0];
	v46 =	vadd.s32 v32, v41  }
0x23d: {  	v56 =	vadd.s32 v11, v53;
	v55 =	vld [tilespmem:s8+$0xFFFFFEB0];
	[tilespmem:v44+s30+$0x0] =	vst.idx.msk $0xffff, v43  }
0x23e: {  	v58 =	vadd.s32 v15, v35;
	v57 =	vld [tilespmem:s8+$0xFFFFFEF0];
	[tilespmem:v45+s30+$0x0] =	vst.idx.msk $0xffff, v38  }
0x23f: {  	v60 =	vadd.s32 v19, v34;
	[tilespmem:v51+s30+$0x0] =	vst.idx.msk $0xffff, v50;
	v59 =	vld [tilespmem:s8+$0xFFFFFF30]  }
.Ltmp6:
0x240: {  	s9 =	sadd.s32 $0x1, s15;
	v41 =	vadd.s32 v23, v37;
	v38 =	vmov s15;
	[tilespmem:v49+s30+$0x0] =	vst.idx.msk $0xffff, v48;
	v40 =	vld [tilespmem:s8+$0xFFFFFF70];
	(pc) =	sbr.rel @p1 .LBB2_15-.Ltmp6, $4  }
0x241: {  	s21 =	sadd.s32 $0x3, s15;
	v52 =	vmov s9;
	s9 =	sadd.s32 $0x2, s15;
	v43 =	vadd.s32 v27, v36;
	v50 =	vshrl.u32 v38, $0x3;
	v42 =	vld [tilespmem:s8+$0xFFFFFFB0];
	[tilespmem:v46+s30+$0x0] =	vst.idx.msk $0xffff, v39  }
0x242: {  	v54 =	vmov s9;
	s9 =	sadd.s32 $0x4, s15;
	v44 =	vmov s21;
	s21 =	sadd.s32 $0x5, s15;
	v48 =	vadd.s32 v3, v33;
	v45 =	vld [tilespmem:s8+$0xFFFFFE30];
	[tilespmem:v56+s30+$0x0] =	vst.idx.msk $0xffff, v55  }
0x243: {  	v38 =	vmov s21;
	v51 =	vadd.s32 v8, v47;
	v46 =	vmov s9;
	s9 =	sadd.s32 $0x6, s15;
	v49 =	vld [tilespmem:s8+$0xFFFFFE80];
	[tilespmem:v58+s30+$0x0] =	vst.idx.msk $0xffff, v57  }
0x244: {  	v53 =	vadd.s32 v12, v53;
	s21 =	sadd.s32 $0x7, s15;
	v47 =	vshll.u32 v50, v1;
	s15 =	sadd.s32 $0x8, s15;
	v39 =	vmov s9;
	v50 =	vld [tilespmem:s8+$0xFFFFFEC0];
	[tilespmem:v60+s30+$0x0] =	vst.idx.msk $0xffff, v59  }
0x245: {  	_ =	sdelay $0x2  }
0x246: {  	v52 =	vshrl.u32 v52, $0x3  }
0x247: {  	v55 =	vmov s21;
	v56 =	vld [tilespmem:s8+$0xFFFFFF00];
	v35 =	vadd.s32 v16, v35;
	[tilespmem:v41+s30+$0x0] =	vst.idx.msk $0xffff, v40;
	v57 =	vshrl.u32 v54, $0x3  }
0x248: {  	v59 =	vld [tilespmem:s8+$0xFFFFFF40];
	v34 =	vadd.s32 v20, v34;
	v60 =	vshrl.u32 v44, $0x3;
	v58 =	vshrl.u32 v55, $0x3;
	[tilespmem:v43+s30+$0x0] =	vst.idx.msk $0xffff, v42  }
0x249: {  	v37 =	vadd.s32 v24, v37;
	v62 =	vshrl.u32 v46, $0x3;
	v61 =	vld [tilespmem:s8+$0xFFFFFF80];
	v41 =	vshll.u32 v58, v1;
	[tilespmem:v48+s30+$0x0] =	vst.idx.msk $0xffff, v45  }
0x24a: {  	v36 =	vadd.s32 v28, v36;
	v46 =	vbroadcast v47, $0x0;
	v63 =	vld [tilespmem:s8+$0xFFFFFFC0];
	v41 =	vbroadcast v41, $0x0;
	[tilespmem:v51+s30+$0x0] =	vst.idx.msk $0xffff, v49  }
0x24b: {  	v33 =	vadd.s32 v4, v33;
	s24 =	sadd.s32 $0x200, s8;
	v38 =	vshrl.u32 v38, $0x3;
	v55 =	vshll.u32 v52, v1;
	v48 =	vld [tilespmem:s8+$0xFFFFFE40];
	[tilespmem:v53+s30+$0x0] =	vst.idx.msk $0xffff, v50  }
0x24c: {  	v40 =	vshll.u32 v57, v1;
	v47 =	vbroadcast v55, $0x0;
	v49 =	vld [tilespmem:s24+$0xFFFFFFD0];
	v50 =	vadd.s32 v29, v41;
	[tilespmem:v35+s30+$0x0] =	vst.idx.msk $0xffff, v56  }
0x24d: {  	v42 =	vshll.u32 v60, v1;
	v40 =	vbroadcast v40, $0x0;
	v35 =	vld [tilespmem:s24+$0xFFFFFE10];
	v56 =	vadd.s32 v0, v46;
	[tilespmem:v34+s30+$0x0] =	vst.idx.msk $0xffff, v59  }
0x24e: {  	v57 =	vld [tilespmem:s24+$0xFFFFFE50];
	v44 =	vshll.u32 v62, v1;
	v42 =	vbroadcast v42, $0x0;
	v58 =	vadd.s32 v5, v47;
	[tilespmem:v37+s30+$0x0] =	vst.idx.msk $0xffff, v61  }
0x24f: {  	v38 =	vshll.u32 v38, v1;
	v44 =	vbroadcast v44, $0x0;
	v60 =	vadd.s32 v9, v40;
	v59 =	vld [tilespmem:s24+$0xFFFFFE90];
	[tilespmem:v36+s30+$0x0] =	vst.idx.msk $0xffff, v63  }
0x250: {  	v38 =	vbroadcast v38, $0x0;
	v62 =	vadd.s32 v13, v42;
	v61 =	vld [tilespmem:s24+$0xFFFFFED0];
	[tilespmem:v33+s30+$0x0] =	vst.idx.msk $0xffff, v48  }
0x251: {  	v39 =	vshrl.u32 v39, $0x3;
	v63 =	vadd.s32 v17, v44;
	v33 =	vld [tilespmem:s24+$0xFFFFFF10];
	[tilespmem:v50+s30+$0x0] =	vst.idx.msk $0xffff, v49  }
0x252: {  	v39 =	vshll.u32 v39, v1;
	v34 =	vld [tilespmem:s24+$0xFFFFFF50];
	[tilespmem:v56+s30+$0x0] =	vst.idx.msk $0xffff, v35;
	v56 =	vadd.s32 v21, v38  }
0x253: {  	[tilespmem:v58+s30+$0x0] =	vst.idx.msk $0xffff, v57;
	v35 =	vbroadcast v39, $0x0;
	v49 =	vadd.s32 v30, v41;
	v39 =	vld [tilespmem:s24+$0xFFFFFFE0]  }
0x254: {  	[tilespmem:v60+s30+$0x0] =	vst.idx.msk $0xffff, v59;
	v59 =	vld [tilespmem:s24+$0xFFFFFE60];
	v60 =	vadd.s32 v6, v47  }
0x255: {  	v57 =	vld [tilespmem:s24+$0xFFFFFF90];
	[tilespmem:v62+s30+$0x0] =	vst.idx.msk $0xffff, v61;
	v58 =	vadd.s32 v25, v35  }
0x256: {  	v61 =	vld [tilespmem:s24+$0xFFFFFEA0];
	v62 =	vadd.s32 v10, v40;
	[tilespmem:v63+s30+$0x0] =	vst.idx.msk $0xffff, v33  }
0x257: {  	v33 =	vld [tilespmem:s24+$0xFFFFFEE0];
	v63 =	vadd.s32 v14, v42;
	[tilespmem:v56+s30+$0x0] =	vst.idx.msk $0xffff, v34  }
0x258: {  	v56 =	vadd.s32 v18, v44;
	[tilespmem:v49+s30+$0x0] =	vst.idx.msk $0xffff, v39;
	v49 =	vld [tilespmem:s24+$0xFFFFFF20]  }
0x259: {  	[tilespmem:v60+s30+$0x0] =	vst.idx.msk $0xffff, v59;
	v39 =	vadd.s32 v31, v41;
	v34 =	vld [tilespmem:s24+$0xFFFFFFF0]  }
0x25a: {  	[tilespmem:v58+s30+$0x0] =	vst.idx.msk $0xffff, v57;
	v57 =	vld [tilespmem:s24+$0xFFFFFF60];
	v58 =	vadd.s32 v22, v38  }
0x25b: {  	[tilespmem:v62+s30+$0x0] =	vst.idx.msk $0xffff, v61;
	v61 =	vld [tilespmem:s24+$0xFFFFFE20];
	v62 =	vadd.s32 v2, v46  }
0x25c: {  	v60 =	vadd.s32 v26, v35;
	v59 =	vld [tilespmem:s24+$0xFFFFFFA0];
	[tilespmem:v63+s30+$0x0] =	vst.idx.msk $0xffff, v33  }
0x25d: {  	v55 =	vadd.s32 v11, v40;
	v54 =	vadd.s32 v32, v41;
	v41 =	vld [tilespmem:s24+$0xFFFFFEB0];
	[tilespmem:v56+s30+$0x0] =	vst.idx.msk $0xffff, v49  }
0x25e: {  	v53 =	vadd.s32 v7, v47;
	v63 =	vld [tilespmem:s24+$0xFFFFFE70];
	[tilespmem:v39+s30+$0x0] =	vst.idx.msk $0xffff, v34  }
0x25f: {  	v56 =	vld [tilespmem:s24+$0xFFFFFEF0];
	[tilespmem:v58+s30+$0x0] =	vst.idx.msk $0xffff, v57;
	v57 =	vadd.s32 v15, v42  }
0x260: {  	[tilespmem:v62+s30+$0x0] =	vst.idx.msk $0xffff, v61;
	v34 =	vld [tilespmem:s24+$0x0]  }
0x261: {  	v58 =	vld [tilespmem:s24+$0xFFFFFF30];
	[tilespmem:v60+s30+$0x0] =	vst.idx.msk $0xffff, v59;
	v59 =	vadd.s32 v19, v44  }
0x262: {  	v61 =	vadd.s32 v23, v38;
	[tilespmem:v55+s30+$0x0] =	vst.idx.msk $0xffff, v41;
	v60 =	vld [tilespmem:s24+$0xFFFFFF70]  }
0x263: {  	[tilespmem:v53+s30+$0x0] =	vst.idx.msk $0xffff, v63;
	v63 =	vadd.s32 v27, v35;
	v62 =	vld [tilespmem:s24+$0xFFFFFFB0]  }
0x264: {  	v47 =	vadd.s32 v8, v47;
	v55 =	vld [tilespmem:s24+$0xFFFFFE80];
	[tilespmem:v57+s30+$0x0] =	vst.idx.msk $0xffff, v56  }
0x265: {  	v53 =	vld [tilespmem:s24+$0xFFFFFE30];
	[tilespmem:v54+s30+$0x0] =	vst.idx.msk $0xffff, v34;
	v54 =	vadd.s32 v3, v46  }
0x266: {  	v40 =	vadd.s32 v12, v40;
	v56 =	vld [tilespmem:s24+$0xFFFFFEC0];
	[tilespmem:v59+s30+$0x0] =	vst.idx.msk $0xffff, v58  }
0x267: {  	v42 =	vadd.s32 v16, v42;
	v57 =	vld [tilespmem:s24+$0xFFFFFF00];
	[tilespmem:v61+s30+$0x0] =	vst.idx.msk $0xffff, v60  }
0x268: {  	v59 =	vadd.s32 v20, v44;
	v58 =	vld [tilespmem:s24+$0xFFFFFF40];
	[tilespmem:v63+s30+$0x0] =	vst.idx.msk $0xffff, v62  }
0x269: {  	v38 =	vadd.s32 v24, v38;
	v60 =	vld [tilespmem:s24+$0xFFFFFF80];
	[tilespmem:v47+s30+$0x0] =	vst.idx.msk $0xffff, v55  }
0x26a: {  	v35 =	vadd.s32 v28, v35;
	v61 =	vld [tilespmem:s24+$0xFFFFFFC0];
	[tilespmem:v54+s30+$0x0] =	vst.idx.msk $0xffff, v53  }
0x26b: {  	v63 =	vadd.s32 v4, v46;
	[tilespmem:v40+s30+$0x0] =	vst.idx.msk $0xffff, v56;
	v62 =	vld [tilespmem:s24+$0xFFFFFE40]  }
0x26c: {  	s7 =	sadd.s32 s5, s7;
	[tilespmem:v42+s30+$0x0] =	vst.idx.msk $0xffff, v57  }
0x26d: {  	s9 =	sshll.u32 s7, $0x7;
	[tilespmem:v59+s30+$0x0] =	vst.idx.msk $0xffff, v58  }
0x26e: {  	s7 =	sshll.u32 s7, $0xA;
	s8 =	sand.u32 $0x3D80, s9;
	[tilespmem:v38+s30+$0x0] =	vst.idx.msk $0xffff, v60  }
0x26f: {  	s7 =	sand.u32 $0xFFE0000, s7;
	s8 =	sadd.s32 s2, s8;
	[tilespmem:v35+s30+$0x0] =	vst.idx.msk $0xffff, v61  }
0x270: {  	s15 =	simm.s32 $0x1CA00;
	s8 =	sadd.s32 s7, s8;
	[tilespmem:v63+s30+$0x0] =	vst.idx.msk $0xffff, v62  }
0x271: {  	[hbm4b:s8+s3] =	stream.linear.scatter [tilespmem:s15], [sflag:$0xC], $0x80, $0x38;
	[tilespmem:$0x1EC00] =	vst v63  }
0x272: {  	s20 =	simm.s32 $0x1CA88;
	s9 =	sadd.s32 $0x10, s8  }
0x273: {  	[hbm4b:s9+s3] =	stream.linear.scatter [tilespmem:s20], [sflag:$0xC], $0x80, $0x38;
	[tilespmem:$0x1EC00] =	vst v63  }
0x274: {  	s21 =	simm.s32 $0x1CB10;
	s24 =	sadd.s32 $0x20, s8  }
0x275: {  	[hbm4b:s24+s3] =	stream.linear.scatter [tilespmem:s21], [sflag:$0xC], $0x80, $0x38;
	[tilespmem:$0x1EC00] =	vst v63  }
0x276: {  	s15 =	simm.s32 $0x1CB98;
	s20 =	sadd.s32 $0x30, s8  }
0x277: {  	[hbm4b:s20+s3] =	stream.linear.scatter [tilespmem:s15], [sflag:$0xC], $0x80, $0x38;
	[tilespmem:$0x1EC00] =	vst v63  }
0x278: {  	s21 =	simm.s32 $0x1CC20;
	s24 =	sadd.s32 $0x40, s8  }
0x279: {  	[hbm4b:s24+s3] =	stream.linear.scatter [tilespmem:s21], [sflag:$0xC], $0x80, $0x38;
	[tilespmem:$0x1EC00] =	vst v63  }
0x27a: {  	s7 =	simm.s32 $0x440;
	s15 =	simm.s32 $0x1CCA8;
	s20 =	sadd.s32 $0x50, s8  }
0x27b: {  	[hbm4b:s20+s3] =	stream.linear.scatter [tilespmem:s15], [sflag:$0xC], $0x80, $0x38;
	[tilespmem:$0x1EC00] =	vst v63  }
0x27c: {  	s21 =	simm.s32 $0x1CD30;
	s24 =	sadd.s32 $0x60, s8;
	s15 =	simm.s32 $0x2200  }
0x27d: {  	[hbm4b:s24+s3] =	stream.linear.scatter [tilespmem:s21], [sflag:$0xC], $0x80, $0x38;
	[tilespmem:$0x1EC00] =	vst v63  }
0x27e: {  	s21 =	simm.s32 $0x1CDB8;
	s24 =	sadd.s32 $0x70, s8;
	s8 =	sadd.s32 $0x4000, s8  }
.LBB2_17:
0x27f: {  	[hbm4b:s24+s3] =	stream.linear.scatter [tilespmem:s21], [sflag:$0xC], $0x80, $0x38;
	[tilespmem:$0x1EC00] =	vst v63  }
0x280: {  	s9 =	smov.u32 s7;
	s7 =	smov.u32 s15  }
0x281: {  	s20 =	sadd.s32 $0x1100, s15;
	s7 =	sshra.s32 s7, $0x2;
	s21 =	sadd.s32 $0x1CA00, s9  }
0x282: {  	[hbm4b:s8+s3] =	stream.linear.scatter [tilespmem:s21], [sflag:$0xC], $0x80, $0x38;
	[tilespmem:$0x1EC00] =	vst v63  }
0x283: {  	p1 =	sne.s32 s15, $0x7700;
	s15 =	sadd.s32 $0x1CA88, s9;
	s21 =	sadd.s32 $0x10, s8  }
0x284: {  	[hbm4b:s21+s3] =	stream.linear.scatter [tilespmem:s15], [sflag:$0xC], $0x80, $0x38;
	[tilespmem:$0x1EC00] =	vst v63  }
0x285: {  	s15 =	sadd.s32 $0x1CB10, s9;
	s21 =	sadd.s32 $0x20, s8  }
0x286: {  	[hbm4b:s21+s3] =	stream.linear.scatter [tilespmem:s15], [sflag:$0xC], $0x80, $0x38;
	[tilespmem:$0x1EC00] =	vst v63  }
0x287: {  	s15 =	sadd.s32 $0x1CB98, s9;
	s21 =	sadd.s32 $0x30, s8  }
0x288: {  	[hbm4b:s21+s3] =	stream.linear.scatter [tilespmem:s15], [sflag:$0xC], $0x80, $0x38;
	[tilespmem:$0x1EC00] =	vst v63  }
0x289: {  	s15 =	sadd.s32 $0x1CC20, s9;
	s21 =	sadd.s32 $0x40, s8  }
0x28a: {  	[hbm4b:s21+s3] =	stream.linear.scatter [tilespmem:s15], [sflag:$0xC], $0x80, $0x38;
	[tilespmem:$0x1EC00] =	vst v63  }
.Ltmp7:
0x28b: {  	s15 =	sadd.s32 $0x1CCA8, s9;
	s21 =	sadd.s32 $0x50, s8;
	(pc) =	sbr.rel @p1 .LBB2_17-.Ltmp7, $4  }
0x28c: {  	[hbm4b:s21+s3] =	stream.linear.scatter [tilespmem:s15], [sflag:$0xC], $0x80, $0x38;
	[tilespmem:$0x1EC00] =	vst v63  }
0x28d: {  	s24 =	sadd.s32 $0x70, s8;
	s15 =	sadd.s32 $0x1CD30, s9;
	s21 =	sadd.s32 $0x60, s8  }
0x28e: {  	[hbm4b:s21+s3] =	stream.linear.scatter [tilespmem:s15], [sflag:$0xC], $0x80, $0x38;
	[tilespmem:$0x1EC00] =	vst v63  }
0x28f: {  	s8 =	sadd.s32 $0x4000, s8;
	s21 =	sadd.s32 $0x1CDB8, s9;
	s15 =	smov.u32 s20  }
0x290: {  	[hbm4b:s24+s3] =	stream.linear.scatter [tilespmem:s21], [sflag:$0xC], $0x80, $0x38;
	[tilespmem:$0x1EC00] =	vst v63  }
0x291: {  	s9 =	sadd.s32 $0x1CA00, s7  }
0x292: {  	[hbm4b:s8+s3] =	stream.linear.scatter [tilespmem:s9], [sflag:$0xC], $0x80, $0x38;
	[tilespmem:$0x1EC00] =	vst v63  }
0x293: {  	s24 =	sadd.s32 $0x1CA88, s7;
	s15 =	sadd.s32 $0x10, s8  }
0x294: {  	[hbm4b:s15+s3] =	stream.linear.scatter [tilespmem:s24], [sflag:$0xC], $0x80, $0x38;
	[tilespmem:$0x1EC00] =	vst v63  }
0x295: {  	s20 =	sadd.s32 $0x20, s8;
	s15 =	sadd.s32 $0x1CB10, s7  }
0x296: {  	[hbm4b:s20+s3] =	stream.linear.scatter [tilespmem:s15], [sflag:$0xC], $0x80, $0x38;
	[tilespmem:$0x1EC00] =	vst v63  }
0x297: {  	s21 =	sadd.s32 $0x1CB98, s7;
	s24 =	sadd.s32 $0x30, s8  }
0x298: {  	[hbm4b:s24+s3] =	stream.linear.scatter [tilespmem:s21], [sflag:$0xC], $0x80, $0x38;
	[tilespmem:$0x1EC00] =	vst v63  }
0x299: {  	s15 =	sadd.s32 $0x1CC20, s7;
	s20 =	sadd.s32 $0x40, s8  }
0x29a: {  	[hbm4b:s20+s3] =	stream.linear.scatter [tilespmem:s15], [sflag:$0xC], $0x80, $0x38;
	[tilespmem:$0x1EC00] =	vst v63  }
0x29b: {  	s21 =	sadd.s32 $0x1CCA8, s7;
	s24 =	sadd.s32 $0x50, s8  }
0x29c: {  	[hbm4b:s24+s3] =	stream.linear.scatter [tilespmem:s21], [sflag:$0xC], $0x80, $0x38;
	[tilespmem:$0x1EC00] =	vst v63  }
0x29d: {  	s15 =	sadd.s32 $0x1CD30, s7;
	s20 =	sadd.s32 $0x60, s8  }
0x29e: {  	[hbm4b:s20+s3] =	stream.linear.scatter [tilespmem:s15], [sflag:$0xC], $0x80, $0x38;
	[tilespmem:$0x1EC00] =	vst v63  }
0x29f: {  	s21 =	sadd.s32 $0x1CDB8, s7;
	s15 =	simm.s32 $0x2;
	s20 =	simm.s32 $0x3  }
0x2a0: {  	s24 =	sadd.s32 $0x70, s8;
	v35 =	vmov s15;
	v36 =	vmov s20;
	s15 =	simm.s32 $0x5;
	s20 =	simm.s32 $0x6  }
0x2a1: {  	[hbm4b:s24+s3] =	stream.linear.scatter [tilespmem:s21], [sflag:$0xC], $0x80, $0x38;
	[tilespmem:$0x1EC00] =	vst v63  }
0x2a2: {  	s21 =	simm.s32 $0x4;
	v39 =	vmov s15;
	v40 =	vmov s20;
	_ =	swait.ge [sflag:s31], $0x2000  }
0x2a3: {  	s9 =	simm.s32 @!p0 $0xA400;
	s24 =	simm.s32 $0x7;
	v35 =	vshrl.u32 v35, $0x3;
	v36 =	vshrl.u32 v36, $0x3;
	v37 =	vmov s21;
	[sflag:s31] =	ssyncset.done $0x0  }
0x2a4: {  	s7 =	sadd.s32 @!p0 $0x500, s6;
	s8 =	simm.s32 @!p0 $0x80;
	v38 =	vmov s24;
	v51 =	vshll.u32 v35, v1;
	v52 =	vshll.u32 v36, v1;
	[sflag:s31] =	ssyncadd.s32 $0xFFFFE000  }
0x2a5: {  	v55 =	vshrl.u32 v39, $0x3;
	v40 =	vshrl.u32 v40, $0x3;
	v38 =	vshrl.u32 v38, $0x3;
	[tilespmem:s9], [sflag:$0x3] =	stream.indirect.gather @!p0 [hbm4b:s4+s8], $0x40, s7, s8, $0xb8;
	[tilespmem:$0x1EC00] =	vst v63  }
0x2a6: {  	v37 =	vshrl.u32 v37, $0x3;
	v53 =	vbroadcast v51, $0x0;
	v38 =	vshll.u32 v38, v1;
	_ =	swait.ge [sflag:s0], $0x2000  }
0x2a7: {  	v35 =	vbroadcast v52, $0x0;
	v36 =	vshll.u32 v55, v1;
	s8 =	simm.s32 $0x0;
	v38 =	vbroadcast v38, $0x0;
	[sflag:s0] =	ssyncset.done $0x0  }
0x2a8: {  	v56 =	vshll.u32 v40, v1;
	v54 =	vshll.u32 v37, v1;
	v33 =	vmov s8;
	s8 =	simm.s32 $0xE5F0;
	[sflag:s0] =	ssyncadd.s32 $0xFFFFE000  }
0x2a9: {  	v37 =	vbroadcast v36, $0x0;
	v36 =	vbroadcast v56, $0x0;
	s9 =	simm.s32 $0x1;
	v42 =	vadd.s32 v29, v38;
	v41 =	vld [tilespmem:s8+$0xFFFFFFD0]  }
0x2aa: {  	v49 =	vadd.s32 v9, v53;
	v34 =	vmov s9;
	v33 =	vshrl.u32 v33, $0x3;
	v48 =	vld [tilespmem:s8+$0xFFFFFE90]  }
0x2ab: {  	v50 =	vadd.s32 v13, v35;
	v34 =	vshrl.u32 v34, $0x3;
	v33 =	vshll.u32 v33, v1;
	v39 =	vld [tilespmem:s8+$0xFFFFFED0]  }
0x2ac: {  	v60 =	vadd.s32 v21, v37;
	v34 =	vshll.u32 v34, v1;
	v33 =	vbroadcast v33, $0x0;
	v59 =	vld [tilespmem:s8+$0xFFFFFF50]  }
0x2ad: {  	v62 =	vadd.s32 v25, v36;
	v47 =	vbroadcast v34, $0x0;
	v61 =	vld [tilespmem:s8+$0xFFFFFF90]  }
0x2ae: {  	v43 =	vld [tilespmem:s8+$0xFFFFFE10];
	v34 =	vbroadcast v54, $0x0;
	v44 =	vadd.s32 v0, v33;
	[tilespmem:v42+s22+$0x0] =	vst.idx.msk $0xffff, v41  }
0x2af: {  	v45 =	vld [tilespmem:s8+$0xFFFFFE50];
	v46 =	vadd.s32 v5, v47;
	[tilespmem:v49+s22+$0x0] =	vst.idx.msk $0xffff, v48  }
0x2b0: {  	v51 =	vld [tilespmem:s8+$0xFFFFFF10];
	v52 =	vadd.s32 v17, v34;
	[tilespmem:v50+s22+$0x0] =	vst.idx.msk $0xffff, v39  }
0x2b1: {  	v58 =	vadd.s32 v30, v38;
	[tilespmem:v60+s22+$0x0] =	vst.idx.msk $0xffff, v59;
	v57 =	vld [tilespmem:s8+$0xFFFFFFE0]  }
0x2b2: {  	v55 =	vadd.s32 v10, v53;
	[tilespmem:v62+s22+$0x0] =	vst.idx.msk $0xffff, v61;
	v54 =	vld [tilespmem:s8+$0xFFFFFEA0]  }
0x2b3: {  	v56 =	vadd.s32 v14, v35;
	v50 =	vld [tilespmem:s8+$0xFFFFFEE0];
	[tilespmem:v44+s22+$0x0] =	vst.idx.msk $0xffff, v43  }
0x2b4: {  	[tilespmem:v46+s22+$0x0] =	vst.idx.msk $0xffff, v45;
	v44 =	vld [tilespmem:s8+$0xFFFFFF60];
	v45 =	vadd.s32 v22, v37  }
0x2b5: {  	v63 =	vadd.s32 v6, v47;
	[tilespmem:v52+s22+$0x0] =	vst.idx.msk $0xffff, v51;
	v46 =	vld [tilespmem:s8+$0xFFFFFE60]  }
0x2b6: {  	v62 =	vadd.s32 v2, v33;
	v61 =	vld [tilespmem:s8+$0xFFFFFE20];
	[tilespmem:v58+s22+$0x0] =	vst.idx.msk $0xffff, v57  }
0x2b7: {  	v59 =	vadd.s32 v18, v34;
	v58 =	vld [tilespmem:s8+$0xFFFFFF20];
	[tilespmem:v55+s22+$0x0] =	vst.idx.msk $0xffff, v54  }
0x2b8: {  	v57 =	vadd.s32 v31, v38;
	[tilespmem:v56+s22+$0x0] =	vst.idx.msk $0xffff, v50;
	v40 =	vld [tilespmem:s8+$0xFFFFFFF0]  }
0x2b9: {  	v55 =	vld [tilespmem:s8+$0xFFFFFEB0];
	[tilespmem:v45+s22+$0x0] =	vst.idx.msk $0xffff, v44  }
0x2ba: {  	v60 =	vadd.s32 v26, v36;
	[tilespmem:v63+s22+$0x0] =	vst.idx.msk $0xffff, v46;
	v63 =	vld [tilespmem:s8+$0xFFFFFFA0]  }
0x2bb: {  	v56 =	vadd.s32 v11, v53;
	[tilespmem:v62+s22+$0x0] =	vst.idx.msk $0xffff, v61;
	v50 =	vld [tilespmem:s8+$0xFFFFFE70]  }
0x2bc: {  	v51 =	vadd.s32 v7, v47;
	v45 =	vld [tilespmem:s8+$0xFFFFFE30];
	[tilespmem:v59+s22+$0x0] =	vst.idx.msk $0xffff, v58  }
0x2bd: {  	v58 =	vadd.s32 v15, v35;
	[tilespmem:v57+s22+$0x0] =	vst.idx.msk $0xffff, v40;
	v57 =	vld [tilespmem:s8+$0xFFFFFEF0]  }
0x2be: {  	v38 =	vadd.s32 v32, v38;
	v54 =	vld [tilespmem:s8+$0x0]  }
0x2bf: {  	v59 =	vld [tilespmem:s8+$0xFFFFFF30];
	[tilespmem:v60+s22+$0x0] =	vst.idx.msk $0xffff, v63;
	v60 =	vadd.s32 v19, v34  }
0x2c0: {  	s21 =	simm.s32 $0x8;
	s24 =	simm.s32 $0x9;
	v41 =	vadd.s32 v23, v37;
	v48 =	vadd.s32 v3, v33;
	v40 =	vld [tilespmem:s8+$0xFFFFFF70];
	[tilespmem:v56+s22+$0x0] =	vst.idx.msk $0xffff, v55  }
0x2c1: {  	s15 =	simm.s32 $0xB;
	v52 =	vmov s24;
	v43 =	vadd.s32 v27, v36;
	v63 =	vmov s21;
	[tilespmem:v51+s22+$0x0] =	vst.idx.msk $0xffff, v50;
	v42 =	vld [tilespmem:s8+$0xFFFFFFB0]  }
0x2c2: {  	s20 =	simm.s32 $0xC;
	v53 =	vadd.s32 v12, v53;
	v44 =	vmov s15;
	v39 =	vshrl.u32 v63, $0x3;
	v50 =	vld [tilespmem:s8+$0xFFFFFEC0];
	[tilespmem:v58+s22+$0x0] =	vst.idx.msk $0xffff, v57  }
0x2c3: {  	s9 =	simm.s32 $0xA;
	s24 =	simm.s32 $0xE;
	v46 =	vmov s20;
	s21 =	simm.s32 $0xD;
	v51 =	vadd.s32 v8, v47;
	v49 =	vld [tilespmem:s8+$0xFFFFFE80];
	v47 =	vshll.u32 v39, v1;
	[tilespmem:v38+s22+$0x0] =	vst.idx.msk $0xffff, v54  }
0x2c4: {  	s7 =	sor.u32 $0x4, s19;
	s15 =	simm.s32 $0x10;
	v39 =	vmov s24;
	v54 =	vmov s9;
	v38 =	vmov s21;
	s21 =	simm.s32 $0xF;
	[tilespmem:v60+s22+$0x0] =	vst.idx.msk $0xffff, v59  }
.LBB2_19:
0x2c5: {  	p1 =	slt.u32 s15, $0x78;
	v52 =	vshrl.u32 v52, $0x3;
	v55 =	vmov s21;
	v56 =	vld [tilespmem:s8+$0xFFFFFF00];
	v35 =	vadd.s32 v16, v35;
	[tilespmem:v41+s22+$0x0] =	vst.idx.msk $0xffff, v40  }
0x2c6: {  	v40 =	vshrl.u32 v54, $0x3;
	v34 =	vadd.s32 v20, v34;
	v41 =	vshrl.u32 v55, $0x3;
	v54 =	vld [tilespmem:s8+$0xFFFFFF40];
	[tilespmem:v43+s22+$0x0] =	vst.idx.msk $0xffff, v42  }
0x2c7: {  	v37 =	vadd.s32 v24, v37;
	v42 =	vshrl.u32 v44, $0x3;
	v41 =	vshll.u32 v41, v1;
	[tilespmem:v48+s22+$0x0] =	vst.idx.msk $0xffff, v45;
	v43 =	vld [tilespmem:s8+$0xFFFFFF80]  }
0x2c8: {  	v36 =	vadd.s32 v28, v36;
	v44 =	vshrl.u32 v46, $0x3;
	v41 =	vbroadcast v41, $0x0;
	[tilespmem:v51+s22+$0x0] =	vst.idx.msk $0xffff, v49;
	v45 =	vld [tilespmem:s8+$0xFFFFFFC0]  }
0x2c9: {  	v46 =	vshll.u32 v52, v1;
	v49 =	vadd.s32 v4, v33;
	v33 =	vbroadcast v47, $0x0;
	v48 =	vld [tilespmem:s8+$0xFFFFFE40];
	[tilespmem:v53+s22+$0x0] =	vst.idx.msk $0xffff, v50;
	s8 =	sadd.s32 $0x200, s8  }
0x2ca: {  	v40 =	vshll.u32 v40, v1;
	v47 =	vbroadcast v46, $0x0;
	v46 =	vld [tilespmem:s8+$0xFFFFFFD0];
	v50 =	vadd.s32 v29, v41;
	[tilespmem:v35+s22+$0x0] =	vst.idx.msk $0xffff, v56  }
0x2cb: {  	v53 =	vbroadcast v40, $0x0;
	v52 =	vadd.s32 v0, v33;
	v35 =	vshll.u32 v42, v1;
	v51 =	vld [tilespmem:s8+$0xFFFFFE10];
	[tilespmem:v34+s22+$0x0] =	vst.idx.msk $0xffff, v54  }
0x2cc: {  	v42 =	vadd.s32 v5, v47;
	v35 =	vbroadcast v35, $0x0;
	v34 =	vshll.u32 v44, v1;
	v40 =	vld [tilespmem:s8+$0xFFFFFE50];
	[tilespmem:v37+s22+$0x0] =	vst.idx.msk $0xffff, v43  }
0x2cd: {  	v44 =	vadd.s32 v9, v53;
	v34 =	vbroadcast v34, $0x0;
	v37 =	vshrl.u32 v38, $0x3;
	v43 =	vld [tilespmem:s8+$0xFFFFFE90];
	[tilespmem:v36+s22+$0x0] =	vst.idx.msk $0xffff, v45  }
0x2ce: {  	v39 =	vshrl.u32 v39, $0x3;
	v45 =	vadd.s32 v13, v35;
	v36 =	vshll.u32 v37, v1;
	v38 =	vld [tilespmem:s8+$0xFFFFFED0];
	[tilespmem:v49+s22+$0x0] =	vst.idx.msk $0xffff, v48  }
0x2cf: {  	v49 =	vadd.s32 v17, v34;
	v37 =	vbroadcast v36, $0x0;
	v36 =	vshll.u32 v39, v1;
	v48 =	vld [tilespmem:s8+$0xFFFFFF10];
	[tilespmem:v50+s22+$0x0] =	vst.idx.msk $0xffff, v46  }
0x2d0: {  	v36 =	vbroadcast v36, $0x0;
	v46 =	vadd.s32 v30, v41;
	[tilespmem:v52+s22+$0x0] =	vst.idx.msk $0xffff, v51;
	v39 =	vld [tilespmem:s8+$0xFFFFFFE0]  }
0x2d1: {  	[tilespmem:v42+s22+$0x0] =	vst.idx.msk $0xffff, v40;
	v40 =	vld [tilespmem:s8+$0xFFFFFF50];
	v42 =	vadd.s32 v21, v37  }
0x2d2: {  	[tilespmem:v44+s22+$0x0] =	vst.idx.msk $0xffff, v43;
	v43 =	vld [tilespmem:s8+$0xFFFFFF90];
	v44 =	vadd.s32 v25, v36  }
0x2d3: {  	v51 =	vadd.s32 v6, v47;
	v50 =	vld [tilespmem:s8+$0xFFFFFE60];
	[tilespmem:v45+s22+$0x0] =	vst.idx.msk $0xffff, v38  }
0x2d4: {  	v45 =	vadd.s32 v10, v53;
	v38 =	vld [tilespmem:s8+$0xFFFFFEA0];
	[tilespmem:v49+s22+$0x0] =	vst.idx.msk $0xffff, v48  }
0x2d5: {  	v49 =	vadd.s32 v14, v35;
	v48 =	vld [tilespmem:s8+$0xFFFFFEE0];
	[tilespmem:v46+s22+$0x0] =	vst.idx.msk $0xffff, v39  }
0x2d6: {  	[tilespmem:v42+s22+$0x0] =	vst.idx.msk $0xffff, v40;
	v39 =	vld [tilespmem:s8+$0xFFFFFFF0];
	v40 =	vadd.s32 v31, v41  }
0x2d7: {  	v46 =	vadd.s32 v18, v34;
	v42 =	vld [tilespmem:s8+$0xFFFFFF20];
	[tilespmem:v44+s22+$0x0] =	vst.idx.msk $0xffff, v43  }
0x2d8: {  	v44 =	vadd.s32 v22, v37;
	[tilespmem:v51+s22+$0x0] =	vst.idx.msk $0xffff, v50;
	v43 =	vld [tilespmem:s8+$0xFFFFFF60]  }
0x2d9: {  	[tilespmem:v45+s22+$0x0] =	vst.idx.msk $0xffff, v38;
	v38 =	vld [tilespmem:s8+$0xFFFFFFA0];
	v45 =	vadd.s32 v26, v36  }
0x2da: {  	v51 =	vadd.s32 v2, v33;
	v50 =	vld [tilespmem:s8+$0xFFFFFE20];
	[tilespmem:v49+s22+$0x0] =	vst.idx.msk $0xffff, v48  }
0x2db: {  	v49 =	vadd.s32 v7, v47;
	v48 =	vld [tilespmem:s8+$0xFFFFFE70];
	[tilespmem:v40+s22+$0x0] =	vst.idx.msk $0xffff, v39  }
0x2dc: {  	[tilespmem:v46+s22+$0x0] =	vst.idx.msk $0xffff, v42;
	v39 =	vld [tilespmem:s8+$0x0];
	v46 =	vadd.s32 v32, v41  }
0x2dd: {  	v56 =	vadd.s32 v11, v53;
	v55 =	vld [tilespmem:s8+$0xFFFFFEB0];
	[tilespmem:v44+s22+$0x0] =	vst.idx.msk $0xffff, v43  }
0x2de: {  	v58 =	vadd.s32 v15, v35;
	v57 =	vld [tilespmem:s8+$0xFFFFFEF0];
	[tilespmem:v45+s22+$0x0] =	vst.idx.msk $0xffff, v38  }
0x2df: {  	v60 =	vadd.s32 v19, v34;
	[tilespmem:v51+s22+$0x0] =	vst.idx.msk $0xffff, v50;
	v59 =	vld [tilespmem:s8+$0xFFFFFF30]  }
.Ltmp8:
0x2e0: {  	s9 =	sadd.s32 $0x1, s15;
	v41 =	vadd.s32 v23, v37;
	v38 =	vmov s15;
	[tilespmem:v49+s22+$0x0] =	vst.idx.msk $0xffff, v48;
	v40 =	vld [tilespmem:s8+$0xFFFFFF70];
	(pc) =	sbr.rel @p1 .LBB2_19-.Ltmp8, $4  }
0x2e1: {  	s20 =	sadd.s32 $0x3, s15;
	v52 =	vmov s9;
	s9 =	sadd.s32 $0x2, s15;
	v43 =	vadd.s32 v27, v36;
	v50 =	vshrl.u32 v38, $0x3;
	v42 =	vld [tilespmem:s8+$0xFFFFFFB0];
	[tilespmem:v46+s22+$0x0] =	vst.idx.msk $0xffff, v39  }
0x2e2: {  	v54 =	vmov s9;
	s9 =	sadd.s32 $0x4, s15;
	v44 =	vmov s20;
	s20 =	sadd.s32 $0x5, s15;
	v48 =	vadd.s32 v3, v33;
	v45 =	vld [tilespmem:s8+$0xFFFFFE30];
	[tilespmem:v56+s22+$0x0] =	vst.idx.msk $0xffff, v55  }
0x2e3: {  	v38 =	vmov s20;
	v51 =	vadd.s32 v8, v47;
	v46 =	vmov s9;
	s9 =	sadd.s32 $0x6, s15;
	v49 =	vld [tilespmem:s8+$0xFFFFFE80];
	[tilespmem:v58+s22+$0x0] =	vst.idx.msk $0xffff, v57  }
0x2e4: {  	s21 =	sadd.s32 $0x7, s15;
	v53 =	vadd.s32 v12, v53;
	v47 =	vshll.u32 v50, v1;
	s15 =	sadd.s32 $0x8, s15;
	v39 =	vmov s9;
	v50 =	vld [tilespmem:s8+$0xFFFFFEC0];
	[tilespmem:v60+s22+$0x0] =	vst.idx.msk $0xffff, v59  }
0x2e5: {  	_ =	sdelay $0x2  }
0x2e6: {  	v52 =	vshrl.u32 v52, $0x3  }
0x2e7: {  	v55 =	vmov s21;
	v56 =	vld [tilespmem:s8+$0xFFFFFF00];
	v35 =	vadd.s32 v16, v35;
	[tilespmem:v41+s22+$0x0] =	vst.idx.msk $0xffff, v40;
	v57 =	vshrl.u32 v54, $0x3  }
0x2e8: {  	v59 =	vld [tilespmem:s8+$0xFFFFFF40];
	v34 =	vadd.s32 v20, v34;
	v60 =	vshrl.u32 v44, $0x3;
	v58 =	vshrl.u32 v55, $0x3;
	[tilespmem:v43+s22+$0x0] =	vst.idx.msk $0xffff, v42  }
0x2e9: {  	v37 =	vadd.s32 v24, v37;
	v62 =	vshrl.u32 v46, $0x3;
	v61 =	vld [tilespmem:s8+$0xFFFFFF80];
	v41 =	vshll.u32 v58, v1;
	[tilespmem:v48+s22+$0x0] =	vst.idx.msk $0xffff, v45  }
0x2ea: {  	v36 =	vadd.s32 v28, v36;
	v46 =	vbroadcast v47, $0x0;
	v63 =	vld [tilespmem:s8+$0xFFFFFFC0];
	v41 =	vbroadcast v41, $0x0;
	[tilespmem:v51+s22+$0x0] =	vst.idx.msk $0xffff, v49  }
0x2eb: {  	v33 =	vadd.s32 v4, v33;
	s24 =	sadd.s32 $0x200, s8;
	v38 =	vshrl.u32 v38, $0x3;
	v55 =	vshll.u32 v52, v1;
	v48 =	vld [tilespmem:s8+$0xFFFFFE40];
	[tilespmem:v53+s22+$0x0] =	vst.idx.msk $0xffff, v50  }
0x2ec: {  	v40 =	vshll.u32 v57, v1;
	v47 =	vbroadcast v55, $0x0;
	v49 =	vld [tilespmem:s24+$0xFFFFFFD0];
	v50 =	vadd.s32 v29, v41;
	[tilespmem:v35+s22+$0x0] =	vst.idx.msk $0xffff, v56  }
0x2ed: {  	v42 =	vshll.u32 v60, v1;
	v40 =	vbroadcast v40, $0x0;
	v35 =	vld [tilespmem:s24+$0xFFFFFE10];
	v56 =	vadd.s32 v0, v46;
	[tilespmem:v34+s22+$0x0] =	vst.idx.msk $0xffff, v59  }
0x2ee: {  	v57 =	vld [tilespmem:s24+$0xFFFFFE50];
	v44 =	vshll.u32 v62, v1;
	v42 =	vbroadcast v42, $0x0;
	v58 =	vadd.s32 v5, v47;
	[tilespmem:v37+s22+$0x0] =	vst.idx.msk $0xffff, v61  }
0x2ef: {  	v38 =	vshll.u32 v38, v1;
	v44 =	vbroadcast v44, $0x0;
	v60 =	vadd.s32 v9, v40;
	v59 =	vld [tilespmem:s24+$0xFFFFFE90];
	[tilespmem:v36+s22+$0x0] =	vst.idx.msk $0xffff, v63  }
0x2f0: {  	v38 =	vbroadcast v38, $0x0;
	v62 =	vadd.s32 v13, v42;
	v61 =	vld [tilespmem:s24+$0xFFFFFED0];
	[tilespmem:v33+s22+$0x0] =	vst.idx.msk $0xffff, v48  }
0x2f1: {  	v39 =	vshrl.u32 v39, $0x3;
	v63 =	vadd.s32 v17, v44;
	v33 =	vld [tilespmem:s24+$0xFFFFFF10];
	[tilespmem:v50+s22+$0x0] =	vst.idx.msk $0xffff, v49  }
0x2f2: {  	v39 =	vshll.u32 v39, v1;
	v34 =	vld [tilespmem:s24+$0xFFFFFF50];
	[tilespmem:v56+s22+$0x0] =	vst.idx.msk $0xffff, v35;
	v56 =	vadd.s32 v21, v38  }
0x2f3: {  	[tilespmem:v58+s22+$0x0] =	vst.idx.msk $0xffff, v57;
	v35 =	vbroadcast v39, $0x0;
	v49 =	vadd.s32 v30, v41;
	v39 =	vld [tilespmem:s24+$0xFFFFFFE0]  }
0x2f4: {  	[tilespmem:v60+s22+$0x0] =	vst.idx.msk $0xffff, v59;
	v59 =	vld [tilespmem:s24+$0xFFFFFE60];
	v60 =	vadd.s32 v6, v47  }
0x2f5: {  	v57 =	vld [tilespmem:s24+$0xFFFFFF90];
	[tilespmem:v62+s22+$0x0] =	vst.idx.msk $0xffff, v61;
	v58 =	vadd.s32 v25, v35  }
0x2f6: {  	v61 =	vld [tilespmem:s24+$0xFFFFFEA0];
	v62 =	vadd.s32 v10, v40;
	[tilespmem:v63+s22+$0x0] =	vst.idx.msk $0xffff, v33  }
0x2f7: {  	v33 =	vld [tilespmem:s24+$0xFFFFFEE0];
	v63 =	vadd.s32 v14, v42;
	[tilespmem:v56+s22+$0x0] =	vst.idx.msk $0xffff, v34  }
0x2f8: {  	v56 =	vadd.s32 v18, v44;
	[tilespmem:v49+s22+$0x0] =	vst.idx.msk $0xffff, v39;
	v49 =	vld [tilespmem:s24+$0xFFFFFF20]  }
0x2f9: {  	[tilespmem:v60+s22+$0x0] =	vst.idx.msk $0xffff, v59;
	v39 =	vadd.s32 v31, v41;
	v34 =	vld [tilespmem:s24+$0xFFFFFFF0]  }
0x2fa: {  	[tilespmem:v58+s22+$0x0] =	vst.idx.msk $0xffff, v57;
	v57 =	vld [tilespmem:s24+$0xFFFFFF60];
	v58 =	vadd.s32 v22, v38  }
0x2fb: {  	[tilespmem:v62+s22+$0x0] =	vst.idx.msk $0xffff, v61;
	v61 =	vld [tilespmem:s24+$0xFFFFFE20];
	v62 =	vadd.s32 v2, v46  }
0x2fc: {  	v60 =	vadd.s32 v26, v35;
	v59 =	vld [tilespmem:s24+$0xFFFFFFA0];
	[tilespmem:v63+s22+$0x0] =	vst.idx.msk $0xffff, v33  }
0x2fd: {  	v55 =	vadd.s32 v11, v40;
	v54 =	vadd.s32 v32, v41;
	v41 =	vld [tilespmem:s24+$0xFFFFFEB0];
	[tilespmem:v56+s22+$0x0] =	vst.idx.msk $0xffff, v49  }
0x2fe: {  	v53 =	vadd.s32 v7, v47;
	v63 =	vld [tilespmem:s24+$0xFFFFFE70];
	[tilespmem:v39+s22+$0x0] =	vst.idx.msk $0xffff, v34  }
0x2ff: {  	v56 =	vld [tilespmem:s24+$0xFFFFFEF0];
	[tilespmem:v58+s22+$0x0] =	vst.idx.msk $0xffff, v57;
	v57 =	vadd.s32 v15, v42  }
0x300: {  	[tilespmem:v62+s22+$0x0] =	vst.idx.msk $0xffff, v61;
	v34 =	vld [tilespmem:s24+$0x0]  }
0x301: {  	v58 =	vld [tilespmem:s24+$0xFFFFFF30];
	[tilespmem:v60+s22+$0x0] =	vst.idx.msk $0xffff, v59;
	v59 =	vadd.s32 v19, v44  }
0x302: {  	v61 =	vadd.s32 v23, v38;
	[tilespmem:v55+s22+$0x0] =	vst.idx.msk $0xffff, v41;
	v60 =	vld [tilespmem:s24+$0xFFFFFF70]  }
0x303: {  	[tilespmem:v53+s22+$0x0] =	vst.idx.msk $0xffff, v63;
	v63 =	vadd.s32 v27, v35;
	v62 =	vld [tilespmem:s24+$0xFFFFFFB0]  }
0x304: {  	v47 =	vadd.s32 v8, v47;
	v55 =	vld [tilespmem:s24+$0xFFFFFE80];
	[tilespmem:v57+s22+$0x0] =	vst.idx.msk $0xffff, v56  }
0x305: {  	v53 =	vld [tilespmem:s24+$0xFFFFFE30];
	[tilespmem:v54+s22+$0x0] =	vst.idx.msk $0xffff, v34;
	v54 =	vadd.s32 v3, v46  }
0x306: {  	v40 =	vadd.s32 v12, v40;
	v56 =	vld [tilespmem:s24+$0xFFFFFEC0];
	[tilespmem:v59+s22+$0x0] =	vst.idx.msk $0xffff, v58  }
0x307: {  	v42 =	vadd.s32 v16, v42;
	v57 =	vld [tilespmem:s24+$0xFFFFFF00];
	[tilespmem:v61+s22+$0x0] =	vst.idx.msk $0xffff, v60  }
0x308: {  	v59 =	vadd.s32 v20, v44;
	v58 =	vld [tilespmem:s24+$0xFFFFFF40];
	[tilespmem:v63+s22+$0x0] =	vst.idx.msk $0xffff, v62  }
0x309: {  	v38 =	vadd.s32 v24, v38;
	v60 =	vld [tilespmem:s24+$0xFFFFFF80];
	[tilespmem:v47+s22+$0x0] =	vst.idx.msk $0xffff, v55  }
0x30a: {  	v35 =	vadd.s32 v28, v35;
	v61 =	vld [tilespmem:s24+$0xFFFFFFC0];
	[tilespmem:v54+s22+$0x0] =	vst.idx.msk $0xffff, v53  }
0x30b: {  	v63 =	vadd.s32 v4, v46;
	[tilespmem:v40+s22+$0x0] =	vst.idx.msk $0xffff, v56;
	v62 =	vld [tilespmem:s24+$0xFFFFFE40]  }
0x30c: {  	s7 =	sadd.s32 s5, s7;
	[tilespmem:v42+s22+$0x0] =	vst.idx.msk $0xffff, v57  }
0x30d: {  	s9 =	sshll.u32 s7, $0x7;
	[tilespmem:v59+s22+$0x0] =	vst.idx.msk $0xffff, v58  }
0x30e: {  	s7 =	sshll.u32 s7, $0xA;
	s8 =	sand.u32 $0x3E00, s9;
	[tilespmem:v38+s22+$0x0] =	vst.idx.msk $0xffff, v60  }
0x30f: {  	s7 =	sand.u32 $0xFFE0000, s7;
	s8 =	sadd.s32 s2, s8;
	[tilespmem:v35+s22+$0x0] =	vst.idx.msk $0xffff, v61  }
0x310: {  	s15 =	simm.s32 $0x16400;
	s8 =	sadd.s32 s7, s8;
	[tilespmem:v63+s22+$0x0] =	vst.idx.msk $0xffff, v62  }
0x311: {  	[hbm4b:s8+s3] =	stream.linear.scatter [tilespmem:s15], [sflag:$0x9], $0x80, $0x38;
	[tilespmem:$0x1EC00] =	vst v63  }
0x312: {  	s20 =	simm.s32 $0x16488;
	s9 =	sadd.s32 $0x10, s8  }
0x313: {  	[hbm4b:s9+s3] =	stream.linear.scatter [tilespmem:s20], [sflag:$0x9], $0x80, $0x38;
	[tilespmem:$0x1EC00] =	vst v63  }
0x314: {  	s21 =	simm.s32 $0x16510;
	s24 =	sadd.s32 $0x20, s8  }
0x315: {  	[hbm4b:s24+s3] =	stream.linear.scatter [tilespmem:s21], [sflag:$0x9], $0x80, $0x38;
	[tilespmem:$0x1EC00] =	vst v63  }
0x316: {  	s15 =	simm.s32 $0x16598;
	s20 =	sadd.s32 $0x30, s8  }
0x317: {  	[hbm4b:s20+s3] =	stream.linear.scatter [tilespmem:s15], [sflag:$0x9], $0x80, $0x38;
	[tilespmem:$0x1EC00] =	vst v63  }
0x318: {  	s21 =	simm.s32 $0x16620;
	s24 =	sadd.s32 $0x40, s8  }
0x319: {  	[hbm4b:s24+s3] =	stream.linear.scatter [tilespmem:s21], [sflag:$0x9], $0x80, $0x38;
	[tilespmem:$0x1EC00] =	vst v63  }
0x31a: {  	s7 =	simm.s32 $0x440;
	s15 =	simm.s32 $0x166A8;
	s20 =	sadd.s32 $0x50, s8  }
0x31b: {  	[hbm4b:s20+s3] =	stream.linear.scatter [tilespmem:s15], [sflag:$0x9], $0x80, $0x38;
	[tilespmem:$0x1EC00] =	vst v63  }
0x31c: {  	s21 =	simm.s32 $0x16730;
	s24 =	sadd.s32 $0x60, s8;
	s15 =	simm.s32 $0x2200  }
0x31d: {  	[hbm4b:s24+s3] =	stream.linear.scatter [tilespmem:s21], [sflag:$0x9], $0x80, $0x38;
	[tilespmem:$0x1EC00] =	vst v63  }
0x31e: {  	s21 =	simm.s32 $0x167B8;
	s24 =	sadd.s32 $0x70, s8;
	s8 =	sadd.s32 $0x4000, s8  }
.LBB2_21:
0x31f: {  	[hbm4b:s24+s3] =	stream.linear.scatter [tilespmem:s21], [sflag:$0x9], $0x80, $0x38;
	[tilespmem:$0x1EC00] =	vst v63  }
0x320: {  	s9 =	smov.u32 s7;
	s7 =	smov.u32 s15  }
0x321: {  	s20 =	sadd.s32 $0x1100, s15;
	s7 =	sshra.s32 s7, $0x2;
	s21 =	sadd.s32 $0x16400, s9  }
0x322: {  	[hbm4b:s8+s3] =	stream.linear.scatter [tilespmem:s21], [sflag:$0x9], $0x80, $0x38;
	[tilespmem:$0x1EC00] =	vst v63  }
0x323: {  	p1 =	sne.s32 s15, $0x7700;
	s15 =	sadd.s32 $0x16488, s9;
	s21 =	sadd.s32 $0x10, s8  }
0x324: {  	[hbm4b:s21+s3] =	stream.linear.scatter [tilespmem:s15], [sflag:$0x9], $0x80, $0x38;
	[tilespmem:$0x1EC00] =	vst v63  }
0x325: {  	s15 =	sadd.s32 $0x16510, s9;
	s21 =	sadd.s32 $0x20, s8  }
0x326: {  	[hbm4b:s21+s3] =	stream.linear.scatter [tilespmem:s15], [sflag:$0x9], $0x80, $0x38;
	[tilespmem:$0x1EC00] =	vst v63  }
0x327: {  	s15 =	sadd.s32 $0x16598, s9;
	s21 =	sadd.s32 $0x30, s8  }
0x328: {  	[hbm4b:s21+s3] =	stream.linear.scatter [tilespmem:s15], [sflag:$0x9], $0x80, $0x38;
	[tilespmem:$0x1EC00] =	vst v63  }
0x329: {  	s15 =	sadd.s32 $0x16620, s9;
	s21 =	sadd.s32 $0x40, s8  }
0x32a: {  	[hbm4b:s21+s3] =	stream.linear.scatter [tilespmem:s15], [sflag:$0x9], $0x80, $0x38;
	[tilespmem:$0x1EC00] =	vst v63  }
.Ltmp9:
0x32b: {  	s15 =	sadd.s32 $0x166A8, s9;
	s21 =	sadd.s32 $0x50, s8;
	(pc) =	sbr.rel @p1 .LBB2_21-.Ltmp9, $4  }
0x32c: {  	[hbm4b:s21+s3] =	stream.linear.scatter [tilespmem:s15], [sflag:$0x9], $0x80, $0x38;
	[tilespmem:$0x1EC00] =	vst v63  }
0x32d: {  	s24 =	sadd.s32 $0x70, s8;
	s15 =	sadd.s32 $0x16730, s9;
	s21 =	sadd.s32 $0x60, s8  }
0x32e: {  	[hbm4b:s21+s3] =	stream.linear.scatter [tilespmem:s15], [sflag:$0x9], $0x80, $0x38;
	[tilespmem:$0x1EC00] =	vst v63  }
0x32f: {  	s8 =	sadd.s32 $0x4000, s8;
	s21 =	sadd.s32 $0x167B8, s9;
	s15 =	smov.u32 s20  }
0x330: {  	[hbm4b:s24+s3] =	stream.linear.scatter [tilespmem:s21], [sflag:$0x9], $0x80, $0x38;
	[tilespmem:$0x1EC00] =	vst v63  }
0x331: {  	s9 =	sadd.s32 $0x16400, s7  }
0x332: {  	[hbm4b:s8+s3] =	stream.linear.scatter [tilespmem:s9], [sflag:$0x9], $0x80, $0x38;
	[tilespmem:$0x1EC00] =	vst v63  }
0x333: {  	s24 =	sadd.s32 $0x16488, s7;
	s15 =	sadd.s32 $0x10, s8  }
0x334: {  	[hbm4b:s15+s3] =	stream.linear.scatter [tilespmem:s24], [sflag:$0x9], $0x80, $0x38;
	[tilespmem:$0x1EC00] =	vst v63  }
0x335: {  	s20 =	sadd.s32 $0x20, s8;
	s15 =	sadd.s32 $0x16510, s7  }
0x336: {  	[hbm4b:s20+s3] =	stream.linear.scatter [tilespmem:s15], [sflag:$0x9], $0x80, $0x38;
	[tilespmem:$0x1EC00] =	vst v63  }
0x337: {  	s21 =	sadd.s32 $0x16598, s7;
	s24 =	sadd.s32 $0x30, s8  }
0x338: {  	[hbm4b:s24+s3] =	stream.linear.scatter [tilespmem:s21], [sflag:$0x9], $0x80, $0x38;
	[tilespmem:$0x1EC00] =	vst v63  }
0x339: {  	s15 =	sadd.s32 $0x16620, s7;
	s20 =	sadd.s32 $0x40, s8  }
0x33a: {  	[hbm4b:s20+s3] =	stream.linear.scatter [tilespmem:s15], [sflag:$0x9], $0x80, $0x38;
	[tilespmem:$0x1EC00] =	vst v63  }
0x33b: {  	s21 =	sadd.s32 $0x166A8, s7;
	s24 =	sadd.s32 $0x50, s8  }
0x33c: {  	[hbm4b:s24+s3] =	stream.linear.scatter [tilespmem:s21], [sflag:$0x9], $0x80, $0x38;
	[tilespmem:$0x1EC00] =	vst v63  }
0x33d: {  	s15 =	sadd.s32 $0x16730, s7;
	s20 =	sadd.s32 $0x60, s8  }
0x33e: {  	[hbm4b:s20+s3] =	stream.linear.scatter [tilespmem:s15], [sflag:$0x9], $0x80, $0x38;
	[tilespmem:$0x1EC00] =	vst v63  }
0x33f: {  	s21 =	sadd.s32 $0x167B8, s7;
	s15 =	simm.s32 $0x2;
	s20 =	simm.s32 $0x3  }
0x340: {  	s24 =	sadd.s32 $0x70, s8;
	v35 =	vmov s15;
	v36 =	vmov s20;
	s15 =	simm.s32 $0x5;
	s20 =	simm.s32 $0x6  }
0x341: {  	[hbm4b:s24+s3] =	stream.linear.scatter [tilespmem:s21], [sflag:$0x9], $0x80, $0x38;
	[tilespmem:$0x1EC00] =	vst v63  }
0x342: {  	s21 =	simm.s32 $0x4;
	v39 =	vmov s15;
	v40 =	vmov s20;
	_ =	swait.ge [sflag:s1], $0x2000  }
0x343: {  	s9 =	simm.s32 @!p0 $0xC400;
	s24 =	simm.s32 $0x7;
	v35 =	vshrl.u32 v35, $0x3;
	v36 =	vshrl.u32 v36, $0x3;
	v37 =	vmov s21;
	[sflag:s1] =	ssyncset.done $0x0  }
0x344: {  	s7 =	sadd.s32 @!p0 $0x580, s6;
	s8 =	simm.s32 @!p0 $0x80;
	v38 =	vmov s24;
	v51 =	vshll.u32 v35, v1;
	v52 =	vshll.u32 v36, v1;
	[sflag:s1] =	ssyncadd.s32 $0xFFFFE000  }
0x345: {  	v55 =	vshrl.u32 v39, $0x3;
	v40 =	vshrl.u32 v40, $0x3;
	v38 =	vshrl.u32 v38, $0x3;
	[tilespmem:s9], [sflag:$0x4] =	stream.indirect.gather @!p0 [hbm4b:s4+s8], $0x40, s7, s8, $0xb8;
	[tilespmem:$0x1EC00] =	vst v63  }
0x346: {  	v37 =	vshrl.u32 v37, $0x3;
	v53 =	vbroadcast v51, $0x0;
	v38 =	vshll.u32 v38, v1;
	_ =	swait.ge [sflag:s10], $0x2000  }
0x347: {  	v35 =	vbroadcast v52, $0x0;
	v36 =	vshll.u32 v55, v1;
	s8 =	simm.s32 $0x0;
	v38 =	vbroadcast v38, $0x0;
	[sflag:s10] =	ssyncset.done $0x0  }
0x348: {  	v56 =	vshll.u32 v40, v1;
	v54 =	vshll.u32 v37, v1;
	v33 =	vmov s8;
	s8 =	simm.s32 $0x105F0;
	[sflag:s10] =	ssyncadd.s32 $0xFFFFE000  }
0x349: {  	v37 =	vbroadcast v36, $0x0;
	v36 =	vbroadcast v56, $0x0;
	s9 =	simm.s32 $0x1;
	v42 =	vadd.s32 v29, v38;
	v41 =	vld [tilespmem:s8+$0xFFFFFFD0]  }
0x34a: {  	v49 =	vadd.s32 v9, v53;
	v34 =	vmov s9;
	v33 =	vshrl.u32 v33, $0x3;
	v48 =	vld [tilespmem:s8+$0xFFFFFE90]  }
0x34b: {  	v50 =	vadd.s32 v13, v35;
	v34 =	vshrl.u32 v34, $0x3;
	v33 =	vshll.u32 v33, v1;
	v39 =	vld [tilespmem:s8+$0xFFFFFED0]  }
0x34c: {  	v60 =	vadd.s32 v21, v37;
	v34 =	vshll.u32 v34, v1;
	v33 =	vbroadcast v33, $0x0;
	v59 =	vld [tilespmem:s8+$0xFFFFFF50]  }
0x34d: {  	v62 =	vadd.s32 v25, v36;
	v47 =	vbroadcast v34, $0x0;
	v61 =	vld [tilespmem:s8+$0xFFFFFF90]  }
0x34e: {  	v43 =	vld [tilespmem:s8+$0xFFFFFE10];
	v34 =	vbroadcast v54, $0x0;
	v44 =	vadd.s32 v0, v33;
	[tilespmem:v42+s25+$0x0] =	vst.idx.msk $0xffff, v41  }
0x34f: {  	v45 =	vld [tilespmem:s8+$0xFFFFFE50];
	v46 =	vadd.s32 v5, v47;
	[tilespmem:v49+s25+$0x0] =	vst.idx.msk $0xffff, v48  }
0x350: {  	v51 =	vld [tilespmem:s8+$0xFFFFFF10];
	v52 =	vadd.s32 v17, v34;
	[tilespmem:v50+s25+$0x0] =	vst.idx.msk $0xffff, v39  }
0x351: {  	v58 =	vadd.s32 v30, v38;
	[tilespmem:v60+s25+$0x0] =	vst.idx.msk $0xffff, v59;
	v57 =	vld [tilespmem:s8+$0xFFFFFFE0]  }
0x352: {  	v55 =	vadd.s32 v10, v53;
	[tilespmem:v62+s25+$0x0] =	vst.idx.msk $0xffff, v61;
	v54 =	vld [tilespmem:s8+$0xFFFFFEA0]  }
0x353: {  	v56 =	vadd.s32 v14, v35;
	v50 =	vld [tilespmem:s8+$0xFFFFFEE0];
	[tilespmem:v44+s25+$0x0] =	vst.idx.msk $0xffff, v43  }
0x354: {  	[tilespmem:v46+s25+$0x0] =	vst.idx.msk $0xffff, v45;
	v44 =	vld [tilespmem:s8+$0xFFFFFF60];
	v45 =	vadd.s32 v22, v37  }
0x355: {  	v63 =	vadd.s32 v6, v47;
	[tilespmem:v52+s25+$0x0] =	vst.idx.msk $0xffff, v51;
	v46 =	vld [tilespmem:s8+$0xFFFFFE60]  }
0x356: {  	v62 =	vadd.s32 v2, v33;
	v61 =	vld [tilespmem:s8+$0xFFFFFE20];
	[tilespmem:v58+s25+$0x0] =	vst.idx.msk $0xffff, v57  }
0x357: {  	v59 =	vadd.s32 v18, v34;
	v58 =	vld [tilespmem:s8+$0xFFFFFF20];
	[tilespmem:v55+s25+$0x0] =	vst.idx.msk $0xffff, v54  }
0x358: {  	v57 =	vadd.s32 v31, v38;
	[tilespmem:v56+s25+$0x0] =	vst.idx.msk $0xffff, v50;
	v40 =	vld [tilespmem:s8+$0xFFFFFFF0]  }
0x359: {  	v55 =	vld [tilespmem:s8+$0xFFFFFEB0];
	[tilespmem:v45+s25+$0x0] =	vst.idx.msk $0xffff, v44  }
0x35a: {  	v60 =	vadd.s32 v26, v36;
	[tilespmem:v63+s25+$0x0] =	vst.idx.msk $0xffff, v46;
	v63 =	vld [tilespmem:s8+$0xFFFFFFA0]  }
0x35b: {  	v56 =	vadd.s32 v11, v53;
	[tilespmem:v62+s25+$0x0] =	vst.idx.msk $0xffff, v61;
	v50 =	vld [tilespmem:s8+$0xFFFFFE70]  }
0x35c: {  	v51 =	vadd.s32 v7, v47;
	v45 =	vld [tilespmem:s8+$0xFFFFFE30];
	[tilespmem:v59+s25+$0x0] =	vst.idx.msk $0xffff, v58  }
0x35d: {  	v58 =	vadd.s32 v15, v35;
	[tilespmem:v57+s25+$0x0] =	vst.idx.msk $0xffff, v40;
	v57 =	vld [tilespmem:s8+$0xFFFFFEF0]  }
0x35e: {  	v38 =	vadd.s32 v32, v38;
	v54 =	vld [tilespmem:s8+$0x0]  }
0x35f: {  	v59 =	vld [tilespmem:s8+$0xFFFFFF30];
	[tilespmem:v60+s25+$0x0] =	vst.idx.msk $0xffff, v63;
	v60 =	vadd.s32 v19, v34  }
0x360: {  	s21 =	simm.s32 $0x8;
	s24 =	simm.s32 $0x9;
	v41 =	vadd.s32 v23, v37;
	v48 =	vadd.s32 v3, v33;
	v40 =	vld [tilespmem:s8+$0xFFFFFF70];
	[tilespmem:v56+s25+$0x0] =	vst.idx.msk $0xffff, v55  }
0x361: {  	s15 =	simm.s32 $0xB;
	v52 =	vmov s24;
	v43 =	vadd.s32 v27, v36;
	v63 =	vmov s21;
	[tilespmem:v51+s25+$0x0] =	vst.idx.msk $0xffff, v50;
	v42 =	vld [tilespmem:s8+$0xFFFFFFB0]  }
0x362: {  	s20 =	simm.s32 $0xC;
	v53 =	vadd.s32 v12, v53;
	v44 =	vmov s15;
	v39 =	vshrl.u32 v63, $0x3;
	v50 =	vld [tilespmem:s8+$0xFFFFFEC0];
	[tilespmem:v58+s25+$0x0] =	vst.idx.msk $0xffff, v57  }
0x363: {  	s9 =	simm.s32 $0xA;
	s24 =	simm.s32 $0xE;
	v46 =	vmov s20;
	s21 =	simm.s32 $0xD;
	v51 =	vadd.s32 v8, v47;
	v49 =	vld [tilespmem:s8+$0xFFFFFE80];
	v47 =	vshll.u32 v39, v1;
	[tilespmem:v38+s25+$0x0] =	vst.idx.msk $0xffff, v54  }
0x364: {  	s7 =	sor.u32 $0x5, s19;
	s19 =	simm.s32 $0xF;
	s15 =	simm.s32 $0x10;
	v39 =	vmov s24;
	v54 =	vmov s9;
	v38 =	vmov s21;
	[tilespmem:v60+s25+$0x0] =	vst.idx.msk $0xffff, v59  }
.LBB2_23:
0x365: {  	p1 =	slt.u32 s15, $0x78;
	v52 =	vshrl.u32 v52, $0x3;
	v55 =	vmov s19;
	v56 =	vld [tilespmem:s8+$0xFFFFFF00];
	v35 =	vadd.s32 v16, v35;
	[tilespmem:v41+s25+$0x0] =	vst.idx.msk $0xffff, v40  }
0x366: {  	v40 =	vshrl.u32 v54, $0x3;
	v34 =	vadd.s32 v20, v34;
	v41 =	vshrl.u32 v55, $0x3;
	v54 =	vld [tilespmem:s8+$0xFFFFFF40];
	[tilespmem:v43+s25+$0x0] =	vst.idx.msk $0xffff, v42  }
0x367: {  	v37 =	vadd.s32 v24, v37;
	v42 =	vshrl.u32 v44, $0x3;
	v41 =	vshll.u32 v41, v1;
	[tilespmem:v48+s25+$0x0] =	vst.idx.msk $0xffff, v45;
	v43 =	vld [tilespmem:s8+$0xFFFFFF80]  }
0x368: {  	v36 =	vadd.s32 v28, v36;
	v44 =	vshrl.u32 v46, $0x3;
	v41 =	vbroadcast v41, $0x0;
	[tilespmem:v51+s25+$0x0] =	vst.idx.msk $0xffff, v49;
	v45 =	vld [tilespmem:s8+$0xFFFFFFC0]  }
0x369: {  	v46 =	vshll.u32 v52, v1;
	v49 =	vadd.s32 v4, v33;
	v33 =	vbroadcast v47, $0x0;
	v48 =	vld [tilespmem:s8+$0xFFFFFE40];
	[tilespmem:v53+s25+$0x0] =	vst.idx.msk $0xffff, v50;
	s8 =	sadd.s32 $0x200, s8  }
0x36a: {  	v40 =	vshll.u32 v40, v1;
	v47 =	vbroadcast v46, $0x0;
	v46 =	vld [tilespmem:s8+$0xFFFFFFD0];
	v50 =	vadd.s32 v29, v41;
	[tilespmem:v35+s25+$0x0] =	vst.idx.msk $0xffff, v56  }
0x36b: {  	v53 =	vbroadcast v40, $0x0;
	v52 =	vadd.s32 v0, v33;
	v35 =	vshll.u32 v42, v1;
	v51 =	vld [tilespmem:s8+$0xFFFFFE10];
	[tilespmem:v34+s25+$0x0] =	vst.idx.msk $0xffff, v54  }
0x36c: {  	v42 =	vadd.s32 v5, v47;
	v35 =	vbroadcast v35, $0x0;
	v34 =	vshll.u32 v44, v1;
	v40 =	vld [tilespmem:s8+$0xFFFFFE50];
	[tilespmem:v37+s25+$0x0] =	vst.idx.msk $0xffff, v43  }
0x36d: {  	v44 =	vadd.s32 v9, v53;
	v34 =	vbroadcast v34, $0x0;
	v37 =	vshrl.u32 v38, $0x3;
	v43 =	vld [tilespmem:s8+$0xFFFFFE90];
	[tilespmem:v36+s25+$0x0] =	vst.idx.msk $0xffff, v45  }
0x36e: {  	v39 =	vshrl.u32 v39, $0x3;
	v45 =	vadd.s32 v13, v35;
	v36 =	vshll.u32 v37, v1;
	v38 =	vld [tilespmem:s8+$0xFFFFFED0];
	[tilespmem:v49+s25+$0x0] =	vst.idx.msk $0xffff, v48  }
0x36f: {  	v49 =	vadd.s32 v17, v34;
	v37 =	vbroadcast v36, $0x0;
	v36 =	vshll.u32 v39, v1;
	v48 =	vld [tilespmem:s8+$0xFFFFFF10];
	[tilespmem:v50+s25+$0x0] =	vst.idx.msk $0xffff, v46  }
0x370: {  	v36 =	vbroadcast v36, $0x0;
	v46 =	vadd.s32 v30, v41;
	[tilespmem:v52+s25+$0x0] =	vst.idx.msk $0xffff, v51;
	v39 =	vld [tilespmem:s8+$0xFFFFFFE0]  }
0x371: {  	[tilespmem:v42+s25+$0x0] =	vst.idx.msk $0xffff, v40;
	v40 =	vld [tilespmem:s8+$0xFFFFFF50];
	v42 =	vadd.s32 v21, v37  }
0x372: {  	[tilespmem:v44+s25+$0x0] =	vst.idx.msk $0xffff, v43;
	v43 =	vld [tilespmem:s8+$0xFFFFFF90];
	v44 =	vadd.s32 v25, v36  }
0x373: {  	v51 =	vadd.s32 v6, v47;
	v50 =	vld [tilespmem:s8+$0xFFFFFE60];
	[tilespmem:v45+s25+$0x0] =	vst.idx.msk $0xffff, v38  }
0x374: {  	v45 =	vadd.s32 v10, v53;
	v38 =	vld [tilespmem:s8+$0xFFFFFEA0];
	[tilespmem:v49+s25+$0x0] =	vst.idx.msk $0xffff, v48  }
0x375: {  	v49 =	vadd.s32 v14, v35;
	v48 =	vld [tilespmem:s8+$0xFFFFFEE0];
	[tilespmem:v46+s25+$0x0] =	vst.idx.msk $0xffff, v39  }
0x376: {  	[tilespmem:v42+s25+$0x0] =	vst.idx.msk $0xffff, v40;
	v39 =	vld [tilespmem:s8+$0xFFFFFFF0];
	v40 =	vadd.s32 v31, v41  }
0x377: {  	v46 =	vadd.s32 v18, v34;
	v42 =	vld [tilespmem:s8+$0xFFFFFF20];
	[tilespmem:v44+s25+$0x0] =	vst.idx.msk $0xffff, v43  }
0x378: {  	v44 =	vadd.s32 v22, v37;
	[tilespmem:v51+s25+$0x0] =	vst.idx.msk $0xffff, v50;
	v43 =	vld [tilespmem:s8+$0xFFFFFF60]  }
0x379: {  	[tilespmem:v45+s25+$0x0] =	vst.idx.msk $0xffff, v38;
	v38 =	vld [tilespmem:s8+$0xFFFFFFA0];
	v45 =	vadd.s32 v26, v36  }
0x37a: {  	v51 =	vadd.s32 v2, v33;
	v50 =	vld [tilespmem:s8+$0xFFFFFE20];
	[tilespmem:v49+s25+$0x0] =	vst.idx.msk $0xffff, v48  }
0x37b: {  	v49 =	vadd.s32 v7, v47;
	v48 =	vld [tilespmem:s8+$0xFFFFFE70];
	[tilespmem:v40+s25+$0x0] =	vst.idx.msk $0xffff, v39  }
0x37c: {  	[tilespmem:v46+s25+$0x0] =	vst.idx.msk $0xffff, v42;
	v39 =	vld [tilespmem:s8+$0x0];
	v46 =	vadd.s32 v32, v41  }
0x37d: {  	v56 =	vadd.s32 v11, v53;
	v55 =	vld [tilespmem:s8+$0xFFFFFEB0];
	[tilespmem:v44+s25+$0x0] =	vst.idx.msk $0xffff, v43  }
0x37e: {  	v58 =	vadd.s32 v15, v35;
	v57 =	vld [tilespmem:s8+$0xFFFFFEF0];
	[tilespmem:v45+s25+$0x0] =	vst.idx.msk $0xffff, v38  }
0x37f: {  	v60 =	vadd.s32 v19, v34;
	[tilespmem:v51+s25+$0x0] =	vst.idx.msk $0xffff, v50;
	v59 =	vld [tilespmem:s8+$0xFFFFFF30]  }
.Ltmp10:
0x380: {  	s9 =	sadd.s32 $0x1, s15;
	v41 =	vadd.s32 v23, v37;
	v38 =	vmov s15;
	[tilespmem:v49+s25+$0x0] =	vst.idx.msk $0xffff, v48;
	v40 =	vld [tilespmem:s8+$0xFFFFFF70];
	(pc) =	sbr.rel @p1 .LBB2_23-.Ltmp10, $4  }
0x381: {  	s19 =	sadd.s32 $0x3, s15;
	v52 =	vmov s9;
	s9 =	sadd.s32 $0x2, s15;
	v43 =	vadd.s32 v27, v36;
	v50 =	vshrl.u32 v38, $0x3;
	v42 =	vld [tilespmem:s8+$0xFFFFFFB0];
	[tilespmem:v46+s25+$0x0] =	vst.idx.msk $0xffff, v39  }
0x382: {  	v54 =	vmov s9;
	s9 =	sadd.s32 $0x4, s15;
	v44 =	vmov s19;
	s19 =	sadd.s32 $0x5, s15;
	v48 =	vadd.s32 v3, v33;
	v45 =	vld [tilespmem:s8+$0xFFFFFE30];
	[tilespmem:v56+s25+$0x0] =	vst.idx.msk $0xffff, v55  }
0x383: {  	v38 =	vmov s19;
	v51 =	vadd.s32 v8, v47;
	v46 =	vmov s9;
	s9 =	sadd.s32 $0x6, s15;
	v49 =	vld [tilespmem:s8+$0xFFFFFE80];
	[tilespmem:v58+s25+$0x0] =	vst.idx.msk $0xffff, v57  }
0x384: {  	v53 =	vadd.s32 v12, v53;
	s19 =	sadd.s32 $0x7, s15;
	v47 =	vshll.u32 v50, v1;
	s15 =	sadd.s32 $0x8, s15;
	v39 =	vmov s9;
	v50 =	vld [tilespmem:s8+$0xFFFFFEC0];
	[tilespmem:v60+s25+$0x0] =	vst.idx.msk $0xffff, v59  }
0x385: {  	_ =	sdelay $0x2  }
0x386: {  	v52 =	vshrl.u32 v52, $0x3  }
0x387: {  	v55 =	vmov s19;
	v56 =	vld [tilespmem:s8+$0xFFFFFF00];
	v35 =	vadd.s32 v16, v35;
	[tilespmem:v41+s25+$0x0] =	vst.idx.msk $0xffff, v40;
	v57 =	vshrl.u32 v54, $0x3  }
0x388: {  	v59 =	vld [tilespmem:s8+$0xFFFFFF40];
	v34 =	vadd.s32 v20, v34;
	v60 =	vshrl.u32 v44, $0x3;
	v58 =	vshrl.u32 v55, $0x3;
	[tilespmem:v43+s25+$0x0] =	vst.idx.msk $0xffff, v42  }
0x389: {  	v37 =	vadd.s32 v24, v37;
	v62 =	vshrl.u32 v46, $0x3;
	v61 =	vld [tilespmem:s8+$0xFFFFFF80];
	v41 =	vshll.u32 v58, v1;
	[tilespmem:v48+s25+$0x0] =	vst.idx.msk $0xffff, v45  }
0x38a: {  	v36 =	vadd.s32 v28, v36;
	v46 =	vbroadcast v47, $0x0;
	v63 =	vld [tilespmem:s8+$0xFFFFFFC0];
	v41 =	vbroadcast v41, $0x0;
	[tilespmem:v51+s25+$0x0] =	vst.idx.msk $0xffff, v49  }
0x38b: {  	v33 =	vadd.s32 v4, v33;
	s21 =	sadd.s32 $0x200, s8;
	v38 =	vshrl.u32 v38, $0x3;
	v55 =	vshll.u32 v52, v1;
	v48 =	vld [tilespmem:s8+$0xFFFFFE40];
	[tilespmem:v53+s25+$0x0] =	vst.idx.msk $0xffff, v50  }
0x38c: {  	v40 =	vshll.u32 v57, v1;
	v47 =	vbroadcast v55, $0x0;
	v49 =	vld [tilespmem:s21+$0xFFFFFFD0];
	v50 =	vadd.s32 v29, v41;
	[tilespmem:v35+s25+$0x0] =	vst.idx.msk $0xffff, v56  }
0x38d: {  	v42 =	vshll.u32 v60, v1;
	v40 =	vbroadcast v40, $0x0;
	v35 =	vld [tilespmem:s21+$0xFFFFFE10];
	v56 =	vadd.s32 v0, v46;
	[tilespmem:v34+s25+$0x0] =	vst.idx.msk $0xffff, v59  }
0x38e: {  	v57 =	vld [tilespmem:s21+$0xFFFFFE50];
	v44 =	vshll.u32 v62, v1;
	v42 =	vbroadcast v42, $0x0;
	v58 =	vadd.s32 v5, v47;
	[tilespmem:v37+s25+$0x0] =	vst.idx.msk $0xffff, v61  }
0x38f: {  	v38 =	vshll.u32 v38, v1;
	v44 =	vbroadcast v44, $0x0;
	v60 =	vadd.s32 v9, v40;
	v59 =	vld [tilespmem:s21+$0xFFFFFE90];
	[tilespmem:v36+s25+$0x0] =	vst.idx.msk $0xffff, v63  }
0x390: {  	v38 =	vbroadcast v38, $0x0;
	v62 =	vadd.s32 v13, v42;
	v61 =	vld [tilespmem:s21+$0xFFFFFED0];
	[tilespmem:v33+s25+$0x0] =	vst.idx.msk $0xffff, v48  }
0x391: {  	v39 =	vshrl.u32 v39, $0x3;
	v63 =	vadd.s32 v17, v44;
	v33 =	vld [tilespmem:s21+$0xFFFFFF10];
	[tilespmem:v50+s25+$0x0] =	vst.idx.msk $0xffff, v49  }
0x392: {  	v39 =	vshll.u32 v39, v1;
	v34 =	vld [tilespmem:s21+$0xFFFFFF50];
	[tilespmem:v56+s25+$0x0] =	vst.idx.msk $0xffff, v35;
	v56 =	vadd.s32 v21, v38  }
0x393: {  	[tilespmem:v58+s25+$0x0] =	vst.idx.msk $0xffff, v57;
	v35 =	vbroadcast v39, $0x0;
	v49 =	vadd.s32 v30, v41;
	v39 =	vld [tilespmem:s21+$0xFFFFFFE0]  }
0x394: {  	[tilespmem:v60+s25+$0x0] =	vst.idx.msk $0xffff, v59;
	v59 =	vld [tilespmem:s21+$0xFFFFFE60];
	v60 =	vadd.s32 v6, v47  }
0x395: {  	v57 =	vld [tilespmem:s21+$0xFFFFFF90];
	[tilespmem:v62+s25+$0x0] =	vst.idx.msk $0xffff, v61;
	v58 =	vadd.s32 v25, v35  }
0x396: {  	v61 =	vld [tilespmem:s21+$0xFFFFFEA0];
	v62 =	vadd.s32 v10, v40;
	[tilespmem:v63+s25+$0x0] =	vst.idx.msk $0xffff, v33  }
0x397: {  	v33 =	vld [tilespmem:s21+$0xFFFFFEE0];
	v63 =	vadd.s32 v14, v42;
	[tilespmem:v56+s25+$0x0] =	vst.idx.msk $0xffff, v34  }
0x398: {  	v56 =	vadd.s32 v18, v44;
	[tilespmem:v49+s25+$0x0] =	vst.idx.msk $0xffff, v39;
	v49 =	vld [tilespmem:s21+$0xFFFFFF20]  }
0x399: {  	[tilespmem:v60+s25+$0x0] =	vst.idx.msk $0xffff, v59;
	v39 =	vadd.s32 v31, v41;
	v34 =	vld [tilespmem:s21+$0xFFFFFFF0]  }
0x39a: {  	[tilespmem:v58+s25+$0x0] =	vst.idx.msk $0xffff, v57;
	v57 =	vld [tilespmem:s21+$0xFFFFFF60];
	v58 =	vadd.s32 v22, v38  }
0x39b: {  	[tilespmem:v62+s25+$0x0] =	vst.idx.msk $0xffff, v61;
	v61 =	vld [tilespmem:s21+$0xFFFFFE20];
	v62 =	vadd.s32 v2, v46  }
0x39c: {  	v60 =	vadd.s32 v26, v35;
	v59 =	vld [tilespmem:s21+$0xFFFFFFA0];
	[tilespmem:v63+s25+$0x0] =	vst.idx.msk $0xffff, v33  }
0x39d: {  	v55 =	vadd.s32 v11, v40;
	v54 =	vadd.s32 v32, v41;
	v41 =	vld [tilespmem:s21+$0xFFFFFEB0];
	[tilespmem:v56+s25+$0x0] =	vst.idx.msk $0xffff, v49  }
0x39e: {  	v53 =	vadd.s32 v7, v47;
	v63 =	vld [tilespmem:s21+$0xFFFFFE70];
	[tilespmem:v39+s25+$0x0] =	vst.idx.msk $0xffff, v34  }
0x39f: {  	v56 =	vld [tilespmem:s21+$0xFFFFFEF0];
	[tilespmem:v58+s25+$0x0] =	vst.idx.msk $0xffff, v57;
	v57 =	vadd.s32 v15, v42  }
0x3a0: {  	[tilespmem:v62+s25+$0x0] =	vst.idx.msk $0xffff, v61;
	v34 =	vld [tilespmem:s21+$0x0]  }
0x3a1: {  	v58 =	vld [tilespmem:s21+$0xFFFFFF30];
	[tilespmem:v60+s25+$0x0] =	vst.idx.msk $0xffff, v59;
	v59 =	vadd.s32 v19, v44  }
0x3a2: {  	v61 =	vadd.s32 v23, v38;
	[tilespmem:v55+s25+$0x0] =	vst.idx.msk $0xffff, v41;
	v60 =	vld [tilespmem:s21+$0xFFFFFF70]  }
0x3a3: {  	[tilespmem:v53+s25+$0x0] =	vst.idx.msk $0xffff, v63;
	v63 =	vadd.s32 v27, v35;
	v62 =	vld [tilespmem:s21+$0xFFFFFFB0]  }
0x3a4: {  	v47 =	vadd.s32 v8, v47;
	v55 =	vld [tilespmem:s21+$0xFFFFFE80];
	[tilespmem:v57+s25+$0x0] =	vst.idx.msk $0xffff, v56  }
0x3a5: {  	v53 =	vld [tilespmem:s21+$0xFFFFFE30];
	[tilespmem:v54+s25+$0x0] =	vst.idx.msk $0xffff, v34;
	v54 =	vadd.s32 v3, v46  }
0x3a6: {  	v40 =	vadd.s32 v12, v40;
	v56 =	vld [tilespmem:s21+$0xFFFFFEC0];
	[tilespmem:v59+s25+$0x0] =	vst.idx.msk $0xffff, v58  }
0x3a7: {  	v42 =	vadd.s32 v16, v42;
	v57 =	vld [tilespmem:s21+$0xFFFFFF00];
	[tilespmem:v61+s25+$0x0] =	vst.idx.msk $0xffff, v60  }
0x3a8: {  	v59 =	vadd.s32 v20, v44;
	v58 =	vld [tilespmem:s21+$0xFFFFFF40];
	[tilespmem:v63+s25+$0x0] =	vst.idx.msk $0xffff, v62  }
0x3a9: {  	v38 =	vadd.s32 v24, v38;
	v60 =	vld [tilespmem:s21+$0xFFFFFF80];
	[tilespmem:v47+s25+$0x0] =	vst.idx.msk $0xffff, v55  }
0x3aa: {  	v35 =	vadd.s32 v28, v35;
	v61 =	vld [tilespmem:s21+$0xFFFFFFC0];
	[tilespmem:v54+s25+$0x0] =	vst.idx.msk $0xffff, v53  }
0x3ab: {  	v63 =	vadd.s32 v4, v46;
	[tilespmem:v40+s25+$0x0] =	vst.idx.msk $0xffff, v56;
	v62 =	vld [tilespmem:s21+$0xFFFFFE40]  }
0x3ac: {  	s7 =	sadd.s32 s5, s7;
	[tilespmem:v42+s25+$0x0] =	vst.idx.msk $0xffff, v57  }
0x3ad: {  	s24 =	sshll.u32 s7, $0x7;
	[tilespmem:v59+s25+$0x0] =	vst.idx.msk $0xffff, v58  }
0x3ae: {  	s7 =	sshll.u32 s7, $0xA;
	s8 =	sand.u32 $0x3E80, s24;
	[tilespmem:v38+s25+$0x0] =	vst.idx.msk $0xffff, v60  }
0x3af: {  	s7 =	sand.u32 $0xFFE0000, s7;
	s8 =	sadd.s32 s2, s8;
	[tilespmem:v35+s25+$0x0] =	vst.idx.msk $0xffff, v61  }
0x3b0: {  	s9 =	simm.s32 $0x18600;
	s8 =	sadd.s32 s7, s8;
	[tilespmem:v63+s25+$0x0] =	vst.idx.msk $0xffff, v62  }
0x3b1: {  	[hbm4b:s8+s3] =	stream.linear.scatter [tilespmem:s9], [sflag:$0xA], $0x80, $0x38;
	[tilespmem:$0x1EC00] =	vst v63  }
0x3b2: {  	s15 =	simm.s32 $0x18688;
	s9 =	sadd.s32 $0x10, s8  }
0x3b3: {  	[hbm4b:s9+s3] =	stream.linear.scatter [tilespmem:s15], [sflag:$0xA], $0x80, $0x38;
	[tilespmem:$0x1EC00] =	vst v63  }
0x3b4: {  	s19 =	simm.s32 $0x18710;
	s20 =	sadd.s32 $0x20, s8  }
0x3b5: {  	[hbm4b:s20+s3] =	stream.linear.scatter [tilespmem:s19], [sflag:$0xA], $0x80, $0x38;
	[tilespmem:$0x1EC00] =	vst v63  }
0x3b6: {  	s24 =	sadd.s32 $0x30, s8;
	s21 =	simm.s32 $0x18798  }
0x3b7: {  	[hbm4b:s24+s3] =	stream.linear.scatter [tilespmem:s21], [sflag:$0xA], $0x80, $0x38;
	[tilespmem:$0x1EC00] =	vst v63  }
0x3b8: {  	s9 =	simm.s32 $0x18820;
	s15 =	sadd.s32 $0x40, s8  }
0x3b9: {  	[hbm4b:s15+s3] =	stream.linear.scatter [tilespmem:s9], [sflag:$0xA], $0x80, $0x38;
	[tilespmem:$0x1EC00] =	vst v63  }
0x3ba: {  	s7 =	simm.s32 $0x440;
	s19 =	simm.s32 $0x188A8;
	s20 =	sadd.s32 $0x50, s8  }
0x3bb: {  	[hbm4b:s20+s3] =	stream.linear.scatter [tilespmem:s19], [sflag:$0xA], $0x80, $0x38;
	[tilespmem:$0x1EC00] =	vst v63  }
0x3bc: {  	s21 =	simm.s32 $0x18930;
	s24 =	sadd.s32 $0x60, s8;
	s15 =	simm.s32 $0x2200  }
0x3bd: {  	[hbm4b:s24+s3] =	stream.linear.scatter [tilespmem:s21], [sflag:$0xA], $0x80, $0x38;
	[tilespmem:$0x1EC00] =	vst v63  }
0x3be: {  	s19 =	simm.s32 $0x189B8;
	s21 =	sadd.s32 $0x70, s8;
	s8 =	sadd.s32 $0x4000, s8  }
.LBB2_25:
0x3bf: {  	[hbm4b:s21+s3] =	stream.linear.scatter [tilespmem:s19], [sflag:$0xA], $0x80, $0x38;
	[tilespmem:$0x1EC00] =	vst v63  }
0x3c0: {  	s9 =	smov.u32 s7;
	s7 =	smov.u32 s15  }
0x3c1: {  	s20 =	sadd.s32 $0x1100, s15;
	s7 =	sshra.s32 s7, $0x2;
	s19 =	sadd.s32 $0x18600, s9  }
0x3c2: {  	[hbm4b:s8+s3] =	stream.linear.scatter [tilespmem:s19], [sflag:$0xA], $0x80, $0x38;
	[tilespmem:$0x1EC00] =	vst v63  }
0x3c3: {  	p1 =	sne.s32 s15, $0x7700;
	s15 =	sadd.s32 $0x18688, s9;
	s19 =	sadd.s32 $0x10, s8  }
0x3c4: {  	[hbm4b:s19+s3] =	stream.linear.scatter [tilespmem:s15], [sflag:$0xA], $0x80, $0x38;
	[tilespmem:$0x1EC00] =	vst v63  }
0x3c5: {  	s15 =	sadd.s32 $0x18710, s9;
	s19 =	sadd.s32 $0x20, s8  }
0x3c6: {  	[hbm4b:s19+s3] =	stream.linear.scatter [tilespmem:s15], [sflag:$0xA], $0x80, $0x38;
	[tilespmem:$0x1EC00] =	vst v63  }
0x3c7: {  	s15 =	sadd.s32 $0x18798, s9;
	s19 =	sadd.s32 $0x30, s8  }
0x3c8: {  	[hbm4b:s19+s3] =	stream.linear.scatter [tilespmem:s15], [sflag:$0xA], $0x80, $0x38;
	[tilespmem:$0x1EC00] =	vst v63  }
0x3c9: {  	s15 =	sadd.s32 $0x18820, s9;
	s19 =	sadd.s32 $0x40, s8  }
0x3ca: {  	[hbm4b:s19+s3] =	stream.linear.scatter [tilespmem:s15], [sflag:$0xA], $0x80, $0x38;
	[tilespmem:$0x1EC00] =	vst v63  }
.Ltmp11:
0x3cb: {  	s15 =	sadd.s32 $0x188A8, s9;
	s19 =	sadd.s32 $0x50, s8;
	(pc) =	sbr.rel @p1 .LBB2_25-.Ltmp11, $4  }
0x3cc: {  	[hbm4b:s19+s3] =	stream.linear.scatter [tilespmem:s15], [sflag:$0xA], $0x80, $0x38;
	[tilespmem:$0x1EC00] =	vst v63  }
0x3cd: {  	s21 =	sadd.s32 $0x70, s8;
	s15 =	sadd.s32 $0x18930, s9;
	s19 =	sadd.s32 $0x60, s8  }
0x3ce: {  	[hbm4b:s19+s3] =	stream.linear.scatter [tilespmem:s15], [sflag:$0xA], $0x80, $0x38;
	[tilespmem:$0x1EC00] =	vst v63  }
0x3cf: {  	s8 =	sadd.s32 $0x4000, s8;
	s19 =	sadd.s32 $0x189B8, s9;
	s15 =	smov.u32 s20  }
0x3d0: {  	[hbm4b:s21+s3] =	stream.linear.scatter [tilespmem:s19], [sflag:$0xA], $0x80, $0x38;
	[tilespmem:$0x1EC00] =	vst v63  }
0x3d1: {  	s9 =	sadd.s32 $0x18600, s7  }
0x3d2: {  	[hbm4b:s8+s3] =	stream.linear.scatter [tilespmem:s9], [sflag:$0xA], $0x80, $0x38;
	[tilespmem:$0x1EC00] =	vst v63  }
0x3d3: {  	s20 =	sadd.s32 $0x18688, s7;
	s15 =	sadd.s32 $0x10, s8  }
0x3d4: {  	[hbm4b:s15+s3] =	stream.linear.scatter [tilespmem:s20], [sflag:$0xA], $0x80, $0x38;
	[tilespmem:$0x1EC00] =	vst v63  }
0x3d5: {  	s21 =	sadd.s32 $0x18710, s7;
	s24 =	sadd.s32 $0x20, s8  }
0x3d6: {  	[hbm4b:s24+s3] =	stream.linear.scatter [tilespmem:s21], [sflag:$0xA], $0x80, $0x38;
	[tilespmem:$0x1EC00] =	vst v63  }
0x3d7: {  	s19 =	sadd.s32 $0x18798, s7;
	s20 =	sadd.s32 $0x30, s8  }
0x3d8: {  	[hbm4b:s20+s3] =	stream.linear.scatter [tilespmem:s19], [sflag:$0xA], $0x80, $0x38;
	[tilespmem:$0x1EC00] =	vst v63  }
0x3d9: {  	s9 =	simm.s32 @!p0 $0xE400;
	s21 =	sadd.s32 $0x18820, s7;
	s24 =	sadd.s32 $0x40, s8  }
0x3da: {  	[hbm4b:s24+s3] =	stream.linear.scatter [tilespmem:s21], [sflag:$0xA], $0x80, $0x38;
	[tilespmem:$0x1EC00] =	vst v63  }
0x3db: {  	s15 =	sadd.s32 $0x189B8, s7;
	s19 =	sadd.s32 $0x188A8, s7;
	s20 =	sadd.s32 $0x50, s8  }
0x3dc: {  	[hbm4b:s20+s3] =	stream.linear.scatter [tilespmem:s19], [sflag:$0xA], $0x80, $0x38;
	[tilespmem:$0x1EC00] =	vst v63  }
0x3dd: {  	s21 =	sadd.s32 $0x18930, s7;
	s24 =	sadd.s32 $0x60, s8;
	s20 =	simm.s32 $0x0  }
0x3de: {  	[hbm4b:s24+s3] =	stream.linear.scatter [tilespmem:s21], [sflag:$0xA], $0x80, $0x38;
	[tilespmem:$0x1EC00] =	vst v63  }
0x3df: {  	s19 =	sadd.s32 $0x70, s8;
	v33 =	vmov s20;
	s20 =	simm.s32 $0x5;
	s21 =	simm.s32 $0x1  }
0x3e0: {  	[hbm4b:s19+s3] =	stream.linear.scatter [tilespmem:s15], [sflag:$0xA], $0x80, $0x38;
	[tilespmem:$0x1EC00] =	vst v63  }
0x3e1: {  	s7 =	sadd.s32 @!p0 $0x600, s6;
	s24 =	simm.s32 $0x2;
	v33 =	vshrl.u32 v33, $0x3;
	v39 =	vmov s20;
	v34 =	vmov s21;
	_ =	swait.ge [sflag:s11], $0x2000  }
0x3e2: {  	v35 =	vmov s24;
	s21 =	simm.s32 $0x6;
	v33 =	vshll.u32 v33, v1;
	v55 =	vshrl.u32 v39, $0x3;
	s19 =	simm.s32 $0x7;
	[sflag:s11] =	ssyncset.done $0x0  }
0x3e3: {  	s8 =	simm.s32 @!p0 $0x80;
	s15 =	simm.s32 $0x4;
	v40 =	vmov s21;
	v34 =	vshrl.u32 v34, $0x3;
	v38 =	vmov s19;
	[sflag:s11] =	ssyncadd.s32 $0xFFFFE000  }
0x3e4: {  	v35 =	vshrl.u32 v35, $0x3;
	v33 =	vbroadcast v33, $0x0;
	v38 =	vshrl.u32 v38, $0x3;
	[tilespmem:s9], [sflag:$0x5] =	stream.indirect.gather @!p0 [hbm4b:s4+s8], $0x40, s7, s8, $0xb8;
	[tilespmem:$0x1EC00] =	vst v63  }
0x3e5: {  	v37 =	vmov s15;
	v34 =	vshll.u32 v34, v1;
	v38 =	vshll.u32 v38, v1;
	_ =	swait.ge [sflag:s12], $0x2000  }
0x3e6: {  	v52 =	vshll.u32 v35, v1;
	v40 =	vshrl.u32 v40, $0x3;
	v38 =	vbroadcast v38, $0x0;
	[sflag:s12] =	ssyncset.done $0x0  }
0x3e7: {  	v37 =	vshrl.u32 v37, $0x3;
	v45 =	vbroadcast v34, $0x0;
	v44 =	vadd.s32 v0, v33;
	s9 =	simm.s32 $0x3;
	s7 =	simm.s32 $0x125F0;
	[sflag:s12] =	ssyncadd.s32 $0xFFFFE000  }
0x3e8: {  	v52 =	vbroadcast v52, $0x0;
	v36 =	vmov s9;
	v42 =	vadd.s32 v29, v38;
	v41 =	vld [tilespmem:s7+$0xFFFFFFD0]  }
0x3e9: {  	v56 =	vshll.u32 v40, v1;
	v54 =	vshll.u32 v37, v1;
	v36 =	vshrl.u32 v36, $0x3;
	v43 =	vld [tilespmem:s7+$0xFFFFFE10]  }
0x3ea: {  	v47 =	vadd.s32 v5, v45;
	v34 =	vbroadcast v54, $0x0;
	v53 =	vshll.u32 v36, v1;
	v46 =	vld [tilespmem:s7+$0xFFFFFE50]  }
0x3eb: {  	v49 =	vadd.s32 v9, v52;
	v36 =	vshll.u32 v55, v1;
	v35 =	vbroadcast v53, $0x0;
	v48 =	vld [tilespmem:s7+$0xFFFFFE90]  }
0x3ec: {  	v51 =	vld [tilespmem:s7+$0xFFFFFF10];
	v53 =	vadd.s32 v17, v34;
	v37 =	vbroadcast v36, $0x0;
	v36 =	vbroadcast v56, $0x0  }
0x3ed: {  	v39 =	vld [tilespmem:s7+$0xFFFFFED0];
	v50 =	vadd.s32 v13, v35;
	[tilespmem:v42+s28+$0x0] =	vst.idx.msk $0xffff, v41  }
0x3ee: {  	v61 =	vld [tilespmem:s7+$0xFFFFFF90];
	v62 =	vadd.s32 v25, v36;
	[tilespmem:v44+s28+$0x0] =	vst.idx.msk $0xffff, v43  }
0x3ef: {  	v59 =	vld [tilespmem:s7+$0xFFFFFF50];
	v60 =	vadd.s32 v21, v37;
	[tilespmem:v47+s28+$0x0] =	vst.idx.msk $0xffff, v46  }
0x3f0: {  	v58 =	vadd.s32 v30, v38;
	[tilespmem:v49+s28+$0x0] =	vst.idx.msk $0xffff, v48;
	v57 =	vld [tilespmem:s7+$0xFFFFFFE0]  }
0x3f1: {  	v63 =	vadd.s32 v6, v45;
	[tilespmem:v53+s28+$0x0] =	vst.idx.msk $0xffff, v51;
	v47 =	vld [tilespmem:s7+$0xFFFFFE60]  }
0x3f2: {  	v55 =	vadd.s32 v10, v52;
	v54 =	vld [tilespmem:s7+$0xFFFFFEA0];
	[tilespmem:v50+s28+$0x0] =	vst.idx.msk $0xffff, v39  }
0x3f3: {  	[tilespmem:v62+s28+$0x0] =	vst.idx.msk $0xffff, v61;
	v61 =	vld [tilespmem:s7+$0xFFFFFE20];
	v62 =	vadd.s32 v2, v33  }
0x3f4: {  	v56 =	vadd.s32 v14, v35;
	[tilespmem:v60+s28+$0x0] =	vst.idx.msk $0xffff, v59;
	v50 =	vld [tilespmem:s7+$0xFFFFFEE0]  }
0x3f5: {  	v59 =	vadd.s32 v18, v34;
	[tilespmem:v58+s28+$0x0] =	vst.idx.msk $0xffff, v57;
	v58 =	vld [tilespmem:s7+$0xFFFFFF20]  }
0x3f6: {  	v57 =	vadd.s32 v31, v38;
	[tilespmem:v63+s28+$0x0] =	vst.idx.msk $0xffff, v47;
	v40 =	vld [tilespmem:s7+$0xFFFFFFF0]  }
0x3f7: {  	v60 =	vadd.s32 v26, v36;
	[tilespmem:v55+s28+$0x0] =	vst.idx.msk $0xffff, v54;
	v63 =	vld [tilespmem:s7+$0xFFFFFFA0]  }
0x3f8: {  	v46 =	vadd.s32 v22, v37;
	v44 =	vld [tilespmem:s7+$0xFFFFFF60];
	[tilespmem:v62+s28+$0x0] =	vst.idx.msk $0xffff, v61  }
0x3f9: {  	v51 =	vadd.s32 v7, v45;
	[tilespmem:v56+s28+$0x0] =	vst.idx.msk $0xffff, v50;
	v50 =	vld [tilespmem:s7+$0xFFFFFE70]  }
0x3fa: {  	v55 =	vld [tilespmem:s7+$0xFFFFFEB0];
	v56 =	vadd.s32 v11, v52;
	[tilespmem:v59+s28+$0x0] =	vst.idx.msk $0xffff, v58  }
0x3fb: {  	v58 =	vadd.s32 v15, v35;
	[tilespmem:v57+s28+$0x0] =	vst.idx.msk $0xffff, v40;
	v57 =	vld [tilespmem:s7+$0xFFFFFEF0]  }
0x3fc: {  	[tilespmem:v60+s28+$0x0] =	vst.idx.msk $0xffff, v63;
	v60 =	vadd.s32 v19, v34;
	v59 =	vld [tilespmem:s7+$0xFFFFFF30]  }
0x3fd: {  	s9 =	simm.s32 $0x9;
	v38 =	vadd.s32 v32, v38;
	[tilespmem:v46+s28+$0x0] =	vst.idx.msk $0xffff, v44;
	v54 =	vld [tilespmem:s7+$0x0]  }
0x3fe: {  	s24 =	simm.s32 $0x8;
	v41 =	vadd.s32 v23, v37;
	v53 =	vmov s9;
	v40 =	vld [tilespmem:s7+$0xFFFFFF70];
	[tilespmem:v51+s28+$0x0] =	vst.idx.msk $0xffff, v50  }
0x3ff: {  	s20 =	simm.s32 $0xC;
	s19 =	simm.s32 $0xB;
	v43 =	vadd.s32 v27, v36;
	v48 =	vadd.s32 v3, v33;
	v63 =	vmov s24;
	v42 =	vld [tilespmem:s7+$0xFFFFFFB0];
	[tilespmem:v56+s28+$0x0] =	vst.idx.msk $0xffff, v55  }
0x400: {  	v47 =	vmov s20;
	v44 =	vmov s19;
	v46 =	vld [tilespmem:s7+$0xFFFFFE30];
	s24 =	simm.s32 $0xE;
	v39 =	vshrl.u32 v63, $0x3;
	[tilespmem:v58+s28+$0x0] =	vst.idx.msk $0xffff, v57  }
0x401: {  	s21 =	simm.s32 $0xD;
	s15 =	simm.s32 $0xA;
	v51 =	vadd.s32 v8, v45;
	v45 =	vshll.u32 v39, v1;
	v39 =	vmov s24;
	v49 =	vld [tilespmem:s7+$0xFFFFFE80];
	[tilespmem:v60+s28+$0x0] =	vst.idx.msk $0xffff, v59  }
0x402: {  	s8 =	simm.s32 $0x10;
	v52 =	vadd.s32 v12, v52;
	v50 =	vld [tilespmem:s7+$0xFFFFFEC0];
	[tilespmem:v38+s28+$0x0] =	vst.idx.msk $0xffff, v54;
	v54 =	vmov s15;
	v38 =	vmov s21;
	s15 =	simm.s32 $0xF  }
.LBB2_27:
0x403: {  	p1 =	slt.u32 s8, $0x78;
	v53 =	vshrl.u32 v53, $0x3;
	v55 =	vmov s15;
	v56 =	vld [tilespmem:s7+$0xFFFFFF00];
	v35 =	vadd.s32 v16, v35;
	[tilespmem:v41+s28+$0x0] =	vst.idx.msk $0xffff, v40  }
0x404: {  	v40 =	vshrl.u32 v54, $0x3;
	v34 =	vadd.s32 v20, v34;
	v41 =	vshrl.u32 v55, $0x3;
	v54 =	vld [tilespmem:s7+$0xFFFFFF40];
	[tilespmem:v43+s28+$0x0] =	vst.idx.msk $0xffff, v42  }
0x405: {  	v37 =	vadd.s32 v24, v37;
	v42 =	vshrl.u32 v44, $0x3;
	v41 =	vshll.u32 v41, v1;
	[tilespmem:v48+s28+$0x0] =	vst.idx.msk $0xffff, v46;
	v43 =	vld [tilespmem:s7+$0xFFFFFF80]  }
0x406: {  	v36 =	vadd.s32 v28, v36;
	v44 =	vshrl.u32 v47, $0x3;
	v41 =	vbroadcast v41, $0x0;
	[tilespmem:v51+s28+$0x0] =	vst.idx.msk $0xffff, v49;
	v46 =	vld [tilespmem:s7+$0xFFFFFFC0]  }
0x407: {  	v47 =	vshll.u32 v53, v1;
	v49 =	vadd.s32 v4, v33;
	v33 =	vbroadcast v45, $0x0;
	v48 =	vld [tilespmem:s7+$0xFFFFFE40];
	[tilespmem:v52+s28+$0x0] =	vst.idx.msk $0xffff, v50;
	s7 =	sadd.s32 $0x200, s7  }
0x408: {  	v40 =	vshll.u32 v40, v1;
	v45 =	vbroadcast v47, $0x0;
	v47 =	vld [tilespmem:s7+$0xFFFFFFD0];
	v50 =	vadd.s32 v29, v41;
	[tilespmem:v35+s28+$0x0] =	vst.idx.msk $0xffff, v56  }
0x409: {  	v55 =	vbroadcast v40, $0x0;
	v52 =	vadd.s32 v0, v33;
	v35 =	vshll.u32 v42, v1;
	v51 =	vld [tilespmem:s7+$0xFFFFFE10];
	[tilespmem:v34+s28+$0x0] =	vst.idx.msk $0xffff, v54  }
0x40a: {  	v42 =	vadd.s32 v5, v45;
	v35 =	vbroadcast v35, $0x0;
	v34 =	vshll.u32 v44, v1;
	v40 =	vld [tilespmem:s7+$0xFFFFFE50];
	[tilespmem:v37+s28+$0x0] =	vst.idx.msk $0xffff, v43  }
0x40b: {  	v44 =	vadd.s32 v9, v55;
	v34 =	vbroadcast v34, $0x0;
	v37 =	vshrl.u32 v38, $0x3;
	v43 =	vld [tilespmem:s7+$0xFFFFFE90];
	[tilespmem:v36+s28+$0x0] =	vst.idx.msk $0xffff, v46  }
0x40c: {  	v39 =	vshrl.u32 v39, $0x3;
	v46 =	vadd.s32 v13, v35;
	v36 =	vshll.u32 v37, v1;
	v38 =	vld [tilespmem:s7+$0xFFFFFED0];
	[tilespmem:v49+s28+$0x0] =	vst.idx.msk $0xffff, v48  }
0x40d: {  	v49 =	vadd.s32 v17, v34;
	v37 =	vbroadcast v36, $0x0;
	v36 =	vshll.u32 v39, v1;
	v48 =	vld [tilespmem:s7+$0xFFFFFF10];
	[tilespmem:v50+s28+$0x0] =	vst.idx.msk $0xffff, v47  }
0x40e: {  	v36 =	vbroadcast v36, $0x0;
	v47 =	vadd.s32 v30, v41;
	[tilespmem:v52+s28+$0x0] =	vst.idx.msk $0xffff, v51;
	v39 =	vld [tilespmem:s7+$0xFFFFFFE0]  }
0x40f: {  	[tilespmem:v42+s28+$0x0] =	vst.idx.msk $0xffff, v40;
	v40 =	vld [tilespmem:s7+$0xFFFFFF50];
	v42 =	vadd.s32 v21, v37  }
0x410: {  	[tilespmem:v44+s28+$0x0] =	vst.idx.msk $0xffff, v43;
	v43 =	vld [tilespmem:s7+$0xFFFFFF90];
	v44 =	vadd.s32 v25, v36  }
0x411: {  	v51 =	vadd.s32 v6, v45;
	v50 =	vld [tilespmem:s7+$0xFFFFFE60];
	[tilespmem:v46+s28+$0x0] =	vst.idx.msk $0xffff, v38  }
0x412: {  	v46 =	vadd.s32 v10, v55;
	v38 =	vld [tilespmem:s7+$0xFFFFFEA0];
	[tilespmem:v49+s28+$0x0] =	vst.idx.msk $0xffff, v48  }
0x413: {  	v49 =	vadd.s32 v14, v35;
	v48 =	vld [tilespmem:s7+$0xFFFFFEE0];
	[tilespmem:v47+s28+$0x0] =	vst.idx.msk $0xffff, v39  }
0x414: {  	[tilespmem:v42+s28+$0x0] =	vst.idx.msk $0xffff, v40;
	v39 =	vld [tilespmem:s7+$0xFFFFFFF0];
	v40 =	vadd.s32 v31, v41  }
0x415: {  	v47 =	vadd.s32 v18, v34;
	v42 =	vld [tilespmem:s7+$0xFFFFFF20];
	[tilespmem:v44+s28+$0x0] =	vst.idx.msk $0xffff, v43  }
0x416: {  	v44 =	vadd.s32 v22, v37;
	[tilespmem:v51+s28+$0x0] =	vst.idx.msk $0xffff, v50;
	v43 =	vld [tilespmem:s7+$0xFFFFFF60]  }
0x417: {  	[tilespmem:v46+s28+$0x0] =	vst.idx.msk $0xffff, v38;
	v38 =	vld [tilespmem:s7+$0xFFFFFFA0];
	v46 =	vadd.s32 v26, v36  }
0x418: {  	v51 =	vadd.s32 v2, v33;
	v50 =	vld [tilespmem:s7+$0xFFFFFE20];
	[tilespmem:v49+s28+$0x0] =	vst.idx.msk $0xffff, v48  }
0x419: {  	v49 =	vadd.s32 v7, v45;
	v48 =	vld [tilespmem:s7+$0xFFFFFE70];
	[tilespmem:v40+s28+$0x0] =	vst.idx.msk $0xffff, v39  }
0x41a: {  	[tilespmem:v47+s28+$0x0] =	vst.idx.msk $0xffff, v42;
	v39 =	vld [tilespmem:s7+$0x0];
	v47 =	vadd.s32 v32, v41  }
0x41b: {  	v56 =	vadd.s32 v11, v55;
	v52 =	vld [tilespmem:s7+$0xFFFFFEB0];
	[tilespmem:v44+s28+$0x0] =	vst.idx.msk $0xffff, v43  }
0x41c: {  	v58 =	vadd.s32 v15, v35;
	v57 =	vld [tilespmem:s7+$0xFFFFFEF0];
	[tilespmem:v46+s28+$0x0] =	vst.idx.msk $0xffff, v38  }
0x41d: {  	v60 =	vadd.s32 v19, v34;
	[tilespmem:v51+s28+$0x0] =	vst.idx.msk $0xffff, v50;
	v59 =	vld [tilespmem:s7+$0xFFFFFF30]  }
.Ltmp12:
0x41e: {  	s9 =	sadd.s32 $0x1, s8;
	v41 =	vadd.s32 v23, v37;
	v38 =	vmov s8;
	[tilespmem:v49+s28+$0x0] =	vst.idx.msk $0xffff, v48;
	v40 =	vld [tilespmem:s7+$0xFFFFFF70];
	(pc) =	sbr.rel @p1 .LBB2_27-.Ltmp12, $4  }
0x41f: {  	s15 =	sadd.s32 $0x3, s8;
	v53 =	vmov s9;
	s9 =	sadd.s32 $0x2, s8;
	v43 =	vadd.s32 v27, v36;
	v50 =	vshrl.u32 v38, $0x3;
	v42 =	vld [tilespmem:s7+$0xFFFFFFB0];
	[tilespmem:v47+s28+$0x0] =	vst.idx.msk $0xffff, v39  }
0x420: {  	v54 =	vmov s9;
	s9 =	sadd.s32 $0x4, s8;
	v44 =	vmov s15;
	s15 =	sadd.s32 $0x5, s8;
	v48 =	vadd.s32 v3, v33;
	v46 =	vld [tilespmem:s7+$0xFFFFFE30];
	[tilespmem:v56+s28+$0x0] =	vst.idx.msk $0xffff, v52  }
0x421: {  	v38 =	vmov s15;
	v51 =	vadd.s32 v8, v45;
	v47 =	vmov s9;
	s9 =	sadd.s32 $0x6, s8;
	v49 =	vld [tilespmem:s7+$0xFFFFFE80];
	[tilespmem:v58+s28+$0x0] =	vst.idx.msk $0xffff, v57  }
0x422: {  	s15 =	sadd.s32 $0x7, s8;
	v45 =	vshll.u32 v50, v1;
	s8 =	sadd.s32 $0x8, s8;
	v39 =	vmov s9;
	v52 =	vadd.s32 v12, v55;
	v50 =	vld [tilespmem:s7+$0xFFFFFEC0];
	[tilespmem:v60+s28+$0x0] =	vst.idx.msk $0xffff, v59  }
0x423: {  	_ =	sdelay $0x2  }
0x424: {  	v53 =	vshrl.u32 v53, $0x3  }
0x425: {  	v55 =	vmov s15;
	v56 =	vld [tilespmem:s7+$0xFFFFFF00];
	v35 =	vadd.s32 v16, v35;
	[tilespmem:v41+s28+$0x0] =	vst.idx.msk $0xffff, v40;
	v57 =	vshrl.u32 v54, $0x3  }
0x426: {  	v59 =	vld [tilespmem:s7+$0xFFFFFF40];
	v34 =	vadd.s32 v20, v34;
	v60 =	vshrl.u32 v44, $0x3;
	v58 =	vshrl.u32 v55, $0x3;
	[tilespmem:v43+s28+$0x0] =	vst.idx.msk $0xffff, v42  }
0x427: {  	v37 =	vadd.s32 v24, v37;
	v62 =	vshrl.u32 v47, $0x3;
	v61 =	vld [tilespmem:s7+$0xFFFFFF80];
	v41 =	vshll.u32 v58, v1;
	[tilespmem:v48+s28+$0x0] =	vst.idx.msk $0xffff, v46  }
0x428: {  	v36 =	vadd.s32 v28, v36;
	v45 =	vbroadcast v45, $0x0;
	v63 =	vld [tilespmem:s7+$0xFFFFFFC0];
	v41 =	vbroadcast v41, $0x0;
	[tilespmem:v51+s28+$0x0] =	vst.idx.msk $0xffff, v49  }
0x429: {  	v33 =	vadd.s32 v4, v33;
	s8 =	sadd.s32 $0x200, s7;
	v38 =	vshrl.u32 v38, $0x3;
	v55 =	vshll.u32 v53, v1;
	v48 =	vld [tilespmem:s7+$0xFFFFFE40];
	[tilespmem:v52+s28+$0x0] =	vst.idx.msk $0xffff, v50  }
0x42a: {  	v40 =	vshll.u32 v57, v1;
	v47 =	vbroadcast v55, $0x0;
	v49 =	vld [tilespmem:s8+$0xFFFFFFD0];
	v50 =	vadd.s32 v29, v41;
	[tilespmem:v35+s28+$0x0] =	vst.idx.msk $0xffff, v56  }
0x42b: {  	v42 =	vshll.u32 v60, v1;
	v40 =	vbroadcast v40, $0x0;
	v35 =	vld [tilespmem:s8+$0xFFFFFE10];
	v56 =	vadd.s32 v0, v45;
	[tilespmem:v34+s28+$0x0] =	vst.idx.msk $0xffff, v59  }
0x42c: {  	v57 =	vld [tilespmem:s8+$0xFFFFFE50];
	v44 =	vshll.u32 v62, v1;
	v42 =	vbroadcast v42, $0x0;
	v58 =	vadd.s32 v5, v47;
	[tilespmem:v37+s28+$0x0] =	vst.idx.msk $0xffff, v61  }
0x42d: {  	v38 =	vshll.u32 v38, v1;
	v44 =	vbroadcast v44, $0x0;
	v60 =	vadd.s32 v9, v40;
	v59 =	vld [tilespmem:s8+$0xFFFFFE90];
	[tilespmem:v36+s28+$0x0] =	vst.idx.msk $0xffff, v63  }
0x42e: {  	v38 =	vbroadcast v38, $0x0;
	v62 =	vadd.s32 v13, v42;
	v61 =	vld [tilespmem:s8+$0xFFFFFED0];
	[tilespmem:v33+s28+$0x0] =	vst.idx.msk $0xffff, v48  }
0x42f: {  	v39 =	vshrl.u32 v39, $0x3;
	v63 =	vadd.s32 v17, v44;
	v33 =	vld [tilespmem:s8+$0xFFFFFF10];
	[tilespmem:v50+s28+$0x0] =	vst.idx.msk $0xffff, v49  }
0x430: {  	v39 =	vshll.u32 v39, v1;
	v34 =	vld [tilespmem:s8+$0xFFFFFF50];
	[tilespmem:v56+s28+$0x0] =	vst.idx.msk $0xffff, v35;
	v56 =	vadd.s32 v21, v38  }
0x431: {  	[tilespmem:v58+s28+$0x0] =	vst.idx.msk $0xffff, v57;
	v35 =	vbroadcast v39, $0x0;
	v49 =	vadd.s32 v30, v41;
	v39 =	vld [tilespmem:s8+$0xFFFFFFE0]  }
0x432: {  	[tilespmem:v60+s28+$0x0] =	vst.idx.msk $0xffff, v59;
	v59 =	vld [tilespmem:s8+$0xFFFFFE60];
	v60 =	vadd.s32 v6, v47  }
0x433: {  	v57 =	vld [tilespmem:s8+$0xFFFFFF90];
	[tilespmem:v62+s28+$0x0] =	vst.idx.msk $0xffff, v61;
	v58 =	vadd.s32 v25, v35  }
0x434: {  	v61 =	vld [tilespmem:s8+$0xFFFFFEA0];
	v62 =	vadd.s32 v10, v40;
	[tilespmem:v63+s28+$0x0] =	vst.idx.msk $0xffff, v33  }
0x435: {  	v33 =	vld [tilespmem:s8+$0xFFFFFEE0];
	v63 =	vadd.s32 v14, v42;
	[tilespmem:v56+s28+$0x0] =	vst.idx.msk $0xffff, v34  }
0x436: {  	v56 =	vadd.s32 v18, v44;
	[tilespmem:v49+s28+$0x0] =	vst.idx.msk $0xffff, v39;
	v49 =	vld [tilespmem:s8+$0xFFFFFF20]  }
0x437: {  	[tilespmem:v60+s28+$0x0] =	vst.idx.msk $0xffff, v59;
	v39 =	vadd.s32 v31, v41;
	v34 =	vld [tilespmem:s8+$0xFFFFFFF0]  }
0x438: {  	[tilespmem:v58+s28+$0x0] =	vst.idx.msk $0xffff, v57;
	v57 =	vld [tilespmem:s8+$0xFFFFFF60];
	v58 =	vadd.s32 v22, v38  }
0x439: {  	[tilespmem:v62+s28+$0x0] =	vst.idx.msk $0xffff, v61;
	v61 =	vld [tilespmem:s8+$0xFFFFFE20];
	v62 =	vadd.s32 v2, v45  }
0x43a: {  	v60 =	vadd.s32 v26, v35;
	v59 =	vld [tilespmem:s8+$0xFFFFFFA0];
	[tilespmem:v63+s28+$0x0] =	vst.idx.msk $0xffff, v33  }
0x43b: {  	v55 =	vadd.s32 v11, v40;
	v54 =	vadd.s32 v32, v41;
	v41 =	vld [tilespmem:s8+$0xFFFFFEB0];
	[tilespmem:v56+s28+$0x0] =	vst.idx.msk $0xffff, v49  }
0x43c: {  	v53 =	vadd.s32 v7, v47;
	v63 =	vld [tilespmem:s8+$0xFFFFFE70];
	[tilespmem:v39+s28+$0x0] =	vst.idx.msk $0xffff, v34  }
0x43d: {  	v56 =	vld [tilespmem:s8+$0xFFFFFEF0];
	[tilespmem:v58+s28+$0x0] =	vst.idx.msk $0xffff, v57;
	v57 =	vadd.s32 v15, v42  }
0x43e: {  	[tilespmem:v62+s28+$0x0] =	vst.idx.msk $0xffff, v61;
	v34 =	vld [tilespmem:s8+$0x0]  }
0x43f: {  	v58 =	vld [tilespmem:s8+$0xFFFFFF30];
	[tilespmem:v60+s28+$0x0] =	vst.idx.msk $0xffff, v59;
	v59 =	vadd.s32 v19, v44  }
0x440: {  	v61 =	vadd.s32 v23, v38;
	[tilespmem:v55+s28+$0x0] =	vst.idx.msk $0xffff, v41;
	v60 =	vld [tilespmem:s8+$0xFFFFFF70]  }
0x441: {  	[tilespmem:v53+s28+$0x0] =	vst.idx.msk $0xffff, v63;
	v63 =	vadd.s32 v27, v35;
	v62 =	vld [tilespmem:s8+$0xFFFFFFB0]  }
0x442: {  	v47 =	vadd.s32 v8, v47;
	v55 =	vld [tilespmem:s8+$0xFFFFFE80];
	[tilespmem:v57+s28+$0x0] =	vst.idx.msk $0xffff, v56  }
0x443: {  	v53 =	vld [tilespmem:s8+$0xFFFFFE30];
	[tilespmem:v54+s28+$0x0] =	vst.idx.msk $0xffff, v34;
	v54 =	vadd.s32 v3, v45  }
0x444: {  	v40 =	vadd.s32 v12, v40;
	v56 =	vld [tilespmem:s8+$0xFFFFFEC0];
	[tilespmem:v59+s28+$0x0] =	vst.idx.msk $0xffff, v58  }
0x445: {  	v42 =	vadd.s32 v16, v42;
	v57 =	vld [tilespmem:s8+$0xFFFFFF00];
	[tilespmem:v61+s28+$0x0] =	vst.idx.msk $0xffff, v60  }
0x446: {  	v59 =	vadd.s32 v20, v44;
	v58 =	vld [tilespmem:s8+$0xFFFFFF40];
	[tilespmem:v63+s28+$0x0] =	vst.idx.msk $0xffff, v62  }
0x447: {  	v38 =	vadd.s32 v24, v38;
	v60 =	vld [tilespmem:s8+$0xFFFFFF80];
	[tilespmem:v47+s28+$0x0] =	vst.idx.msk $0xffff, v55  }
0x448: {  	v35 =	vadd.s32 v28, v35;
	v61 =	vld [tilespmem:s8+$0xFFFFFFC0];
	[tilespmem:v54+s28+$0x0] =	vst.idx.msk $0xffff, v53  }
0x449: {  	v63 =	vadd.s32 v4, v45;
	[tilespmem:v40+s28+$0x0] =	vst.idx.msk $0xffff, v56;
	v62 =	vld [tilespmem:s8+$0xFFFFFE40]  }
0x44a: {  	s9 =	sadd.s32 s5, s17;
	[tilespmem:v42+s28+$0x0] =	vst.idx.msk $0xffff, v57  }
0x44b: {  	[tilespmem:v59+s28+$0x0] =	vst.idx.msk $0xffff, v58;
	s8 =	sshll.u32 s9, $0x7  }
0x44c: {  	s7 =	sshll.u32 s9, $0xA;
	[tilespmem:v38+s28+$0x0] =	vst.idx.msk $0xffff, v60;
	s8 =	sand.u32 $0x3F00, s8  }
0x44d: {  	s7 =	sand.u32 $0xFFE0000, s7;
	[tilespmem:v35+s28+$0x0] =	vst.idx.msk $0xffff, v61;
	s8 =	sadd.s32 s2, s8  }
0x44e: {  	s15 =	simm.s32 $0x1A800;
	s8 =	sadd.s32 s7, s8;
	[tilespmem:v63+s28+$0x0] =	vst.idx.msk $0xffff, v62  }
0x44f: {  	[hbm4b:s8+s3] =	stream.linear.scatter [tilespmem:s15], [sflag:$0xB], $0x80, $0x38;
	[tilespmem:$0x1EC00] =	vst v63  }
0x450: {  	s17 =	simm.s32 $0x1A888;
	s9 =	sadd.s32 $0x10, s8  }
0x451: {  	[hbm4b:s9+s3] =	stream.linear.scatter [tilespmem:s17], [sflag:$0xB], $0x80, $0x38;
	[tilespmem:$0x1EC00] =	vst v63  }
0x452: {  	s19 =	simm.s32 $0x1A910;
	s21 =	simm.s32 $0x1A998;
	s20 =	sadd.s32 $0x20, s8  }
0x453: {  	[hbm4b:s20+s3] =	stream.linear.scatter [tilespmem:s19], [sflag:$0xB], $0x80, $0x38;
	[tilespmem:$0x1EC00] =	vst v63  }
0x454: {  	s7 =	simm.s32 $0x440;
	s24 =	sadd.s32 $0x30, s8;
	s15 =	simm.s32 $0x1AA20  }
0x455: {  	[hbm4b:s24+s3] =	stream.linear.scatter [tilespmem:s21], [sflag:$0xB], $0x80, $0x38;
	[tilespmem:$0x1EC00] =	vst v63  }
0x456: {  	s17 =	sadd.s32 $0x40, s8;
	s19 =	simm.s32 $0x1AAA8;
	s20 =	sadd.s32 $0x50, s8  }
0x457: {  	[hbm4b:s17+s3] =	stream.linear.scatter [tilespmem:s15], [sflag:$0xB], $0x80, $0x38;
	[tilespmem:$0x1EC00] =	vst v63  }
0x458: {  	s21 =	simm.s32 $0x1AB30;
	s24 =	sadd.s32 $0x60, s8;
	s15 =	simm.s32 $0x2200  }
0x459: {  	[hbm4b:s20+s3] =	stream.linear.scatter [tilespmem:s19], [sflag:$0xB], $0x80, $0x38;
	[tilespmem:$0x1EC00] =	vst v63  }
0x45a: {  	s17 =	simm.s32 $0x1ABB8;
	s19 =	sadd.s32 $0x70, s8;
	s8 =	sadd.s32 $0x4000, s8  }
0x45b: {  	[hbm4b:s24+s3] =	stream.linear.scatter [tilespmem:s21], [sflag:$0xB], $0x80, $0x38;
	[tilespmem:$0x1EC00] =	vst v63  }
.LBB2_29:
0x45c: {  	[hbm4b:s19+s3] =	stream.linear.scatter [tilespmem:s17], [sflag:$0xB], $0x80, $0x38;
	[tilespmem:$0x1EC00] =	vst v63  }
0x45d: {  	s9 =	smov.u32 s7;
	s7 =	smov.u32 s15  }
0x45e: {  	s20 =	sadd.s32 $0x1100, s15;
	s7 =	sshra.s32 s7, $0x2;
	s17 =	sadd.s32 $0x1A800, s9  }
0x45f: {  	[hbm4b:s8+s3] =	stream.linear.scatter [tilespmem:s17], [sflag:$0xB], $0x80, $0x38;
	[tilespmem:$0x1EC00] =	vst v63  }
0x460: {  	p1 =	sne.s32 s15, $0x7700;
	s15 =	sadd.s32 $0x1A888, s9;
	s17 =	sadd.s32 $0x10, s8  }
0x461: {  	[hbm4b:s17+s3] =	stream.linear.scatter [tilespmem:s15], [sflag:$0xB], $0x80, $0x38;
	[tilespmem:$0x1EC00] =	vst v63  }
0x462: {  	s15 =	sadd.s32 $0x1A910, s9;
	s17 =	sadd.s32 $0x20, s8  }
0x463: {  	[hbm4b:s17+s3] =	stream.linear.scatter [tilespmem:s15], [sflag:$0xB], $0x80, $0x38;
	[tilespmem:$0x1EC00] =	vst v63  }
0x464: {  	s15 =	sadd.s32 $0x1A998, s9;
	s17 =	sadd.s32 $0x30, s8  }
0x465: {  	[hbm4b:s17+s3] =	stream.linear.scatter [tilespmem:s15], [sflag:$0xB], $0x80, $0x38;
	[tilespmem:$0x1EC00] =	vst v63  }
0x466: {  	s15 =	sadd.s32 $0x1AA20, s9;
	s17 =	sadd.s32 $0x40, s8  }
0x467: {  	[hbm4b:s17+s3] =	stream.linear.scatter [tilespmem:s15], [sflag:$0xB], $0x80, $0x38;
	[tilespmem:$0x1EC00] =	vst v63  }
.Ltmp13:
0x468: {  	s15 =	sadd.s32 $0x1AAA8, s9;
	s17 =	sadd.s32 $0x50, s8;
	(pc) =	sbr.rel @p1 .LBB2_29-.Ltmp13, $4  }
0x469: {  	[hbm4b:s17+s3] =	stream.linear.scatter [tilespmem:s15], [sflag:$0xB], $0x80, $0x38;
	[tilespmem:$0x1EC00] =	vst v63  }
0x46a: {  	s19 =	sadd.s32 $0x70, s8;
	s15 =	sadd.s32 $0x1AB30, s9;
	s17 =	sadd.s32 $0x60, s8  }
0x46b: {  	[hbm4b:s17+s3] =	stream.linear.scatter [tilespmem:s15], [sflag:$0xB], $0x80, $0x38;
	[tilespmem:$0x1EC00] =	vst v63  }
0x46c: {  	s8 =	sadd.s32 $0x4000, s8;
	s17 =	sadd.s32 $0x1ABB8, s9;
	s15 =	smov.u32 s20  }
0x46d: {  	[hbm4b:s19+s3] =	stream.linear.scatter [tilespmem:s17], [sflag:$0xB], $0x80, $0x38;
	[tilespmem:$0x1EC00] =	vst v63  }
0x46e: {  	s9 =	sadd.s32 $0x1A800, s7  }
0x46f: {  	[hbm4b:s8+s3] =	stream.linear.scatter [tilespmem:s9], [sflag:$0xB], $0x80, $0x38;
	[tilespmem:$0x1EC00] =	vst v63  }
0x470: {  	s24 =	sadd.s32 $0x1A888, s7;
	s15 =	sadd.s32 $0x10, s8  }
0x471: {  	[hbm4b:s15+s3] =	stream.linear.scatter [tilespmem:s24], [sflag:$0xB], $0x80, $0x38;
	[tilespmem:$0x1EC00] =	vst v63  }
0x472: {  	s17 =	sadd.s32 $0x20, s8;
	s15 =	sadd.s32 $0x1A910, s7  }
0x473: {  	[hbm4b:s17+s3] =	stream.linear.scatter [tilespmem:s15], [sflag:$0xB], $0x80, $0x38;
	[tilespmem:$0x1EC00] =	vst v63  }
0x474: {  	s19 =	sadd.s32 $0x1A998, s7;
	s20 =	sadd.s32 $0x30, s8  }
0x475: {  	[hbm4b:s20+s3] =	stream.linear.scatter [tilespmem:s19], [sflag:$0xB], $0x80, $0x38;
	[tilespmem:$0x1EC00] =	vst v63  }
0x476: {  	s21 =	sadd.s32 $0x1AA20, s7;
	s24 =	sadd.s32 $0x40, s8  }
0x477: {  	[hbm4b:s24+s3] =	stream.linear.scatter [tilespmem:s21], [sflag:$0xB], $0x80, $0x38;
	[tilespmem:$0x1EC00] =	vst v63  }
0x478: {  	s9 =	simm.s32 $0x0;
	s15 =	sadd.s32 $0x1AAA8, s7;
	s17 =	sadd.s32 $0x50, s8  }
0x479: {  	[hbm4b:s17+s3] =	stream.linear.scatter [tilespmem:s15], [sflag:$0xB], $0x80, $0x38;
	[tilespmem:$0x1EC00] =	vst v63  }
0x47a: {  	s6 =	sadd.s32 @!p0 $0x680, s6;
	v33 =	vmov s9;
	s19 =	sadd.s32 $0x1AB30, s7;
	s20 =	sadd.s32 $0x60, s8  }
0x47b: {  	v33 =	vshrl.u32 v33, $0x3;
	[hbm4b:s20+s3] =	stream.linear.scatter [tilespmem:s19], [sflag:$0xB], $0x80, $0x38;
	[tilespmem:$0x1EC00] =	vst v63  }
0x47c: {  	v33 =	vshll.u32 v33, v1;
	s21 =	sadd.s32 $0x1ABB8, s7;
	s24 =	sadd.s32 $0x70, s8;
	s7 =	simm.s32 @!p0 $0x80  }
0x47d: {  	v33 =	vbroadcast v33, $0x0;
	[hbm4b:s24+s3] =	stream.linear.scatter [tilespmem:s21], [sflag:$0xB], $0x80, $0x38;
	[tilespmem:$0x1EC00] =	vst v63  }
0x47e: {  	s8 =	simm.s32 @!p0 $0x10400;
	s15 =	simm.s32 $0x1;
	_ =	swait.ge [sflag:s13], $0x2000  }
0x47f: {  	v44 =	vadd.s32 v0, v33;
	s17 =	simm.s32 $0x2;
	v34 =	vmov s15;
	s21 =	simm.s32 $0x7;
	[sflag:s13] =	ssyncset.done $0x0  }
0x480: {  	v35 =	vmov s17;
	s19 =	simm.s32 $0x3;
	s20 =	simm.s32 $0x4;
	v34 =	vshrl.u32 v34, $0x3;
	v38 =	vmov s21;
	[sflag:s13] =	ssyncadd.s32 $0xFFFFE000  }
0x481: {  	v35 =	vshrl.u32 v35, $0x3;
	v36 =	vmov s19;
	v38 =	vshrl.u32 v38, $0x3;
	[tilespmem:s8], [sflag:$0x6] =	stream.indirect.gather @!p0 [hbm4b:s4+s7], $0x40, s6, s7, $0xb8;
	[tilespmem:$0x1EC00] =	vst v63  }
0x482: {  	v37 =	vmov s20;
	v34 =	vshll.u32 v34, v1;
	v38 =	vshll.u32 v38, v1;
	_ =	swait.ge [sflag:s14], $0x2000  }
0x483: {  	v52 =	vshll.u32 v35, v1;
	v36 =	vshrl.u32 v36, $0x3;
	v38 =	vbroadcast v38, $0x0;
	[sflag:s14] =	ssyncset.done $0x0  }
0x484: {  	s24 =	simm.s32 $0x5;
	v37 =	vshrl.u32 v37, $0x3;
	v45 =	vbroadcast v34, $0x0;
	v52 =	vbroadcast v52, $0x0;
	s6 =	simm.s32 $0x145F0;
	[sflag:s14] =	ssyncadd.s32 $0xFFFFE000  }
0x485: {  	v39 =	vmov s24;
	v53 =	vshll.u32 v36, v1;
	v42 =	vadd.s32 v29, v38;
	v41 =	vld [tilespmem:s6+$0xFFFFFFD0]  }
0x486: {  	v54 =	vshll.u32 v37, v1;
	v47 =	vadd.s32 v5, v45;
	v35 =	vbroadcast v53, $0x0;
	s8 =	simm.s32 $0x6;
	v43 =	vld [tilespmem:s6+$0xFFFFFE10]  }
0x487: {  	v49 =	vadd.s32 v9, v52;
	v55 =	vshrl.u32 v39, $0x3;
	v40 =	vmov s8;
	v46 =	vld [tilespmem:s6+$0xFFFFFE50]  }
0x488: {  	v34 =	vbroadcast v54, $0x0;
	v36 =	vshll.u32 v55, v1;
	v40 =	vshrl.u32 v40, $0x3;
	v48 =	vld [tilespmem:s6+$0xFFFFFE90]  }
0x489: {  	v50 =	vadd.s32 v13, v35;
	v37 =	vbroadcast v36, $0x0;
	v56 =	vshll.u32 v40, v1;
	v39 =	vld [tilespmem:s6+$0xFFFFFED0]  }
0x48a: {  	v53 =	vadd.s32 v17, v34;
	v51 =	vld [tilespmem:s6+$0xFFFFFF10];
	v36 =	vbroadcast v56, $0x0;
	[tilespmem:v42+s30+$0x0] =	vst.idx.msk $0xffff, v41  }
0x48b: {  	v60 =	vadd.s32 v21, v37;
	v59 =	vld [tilespmem:s6+$0xFFFFFF50];
	[tilespmem:v44+s30+$0x0] =	vst.idx.msk $0xffff, v43  }
0x48c: {  	v61 =	vld [tilespmem:s6+$0xFFFFFF90];
	v62 =	vadd.s32 v25, v36;
	[tilespmem:v47+s30+$0x0] =	vst.idx.msk $0xffff, v46  }
0x48d: {  	v58 =	vadd.s32 v30, v38;
	[tilespmem:v49+s30+$0x0] =	vst.idx.msk $0xffff, v48;
	v57 =	vld [tilespmem:s6+$0xFFFFFFE0]  }
0x48e: {  	v63 =	vadd.s32 v6, v45;
	[tilespmem:v50+s30+$0x0] =	vst.idx.msk $0xffff, v39;
	v47 =	vld [tilespmem:s6+$0xFFFFFE60]  }
0x48f: {  	v55 =	vadd.s32 v10, v52;
	[tilespmem:v53+s30+$0x0] =	vst.idx.msk $0xffff, v51;
	v54 =	vld [tilespmem:s6+$0xFFFFFEA0]  }
0x490: {  	v56 =	vadd.s32 v14, v35;
	[tilespmem:v60+s30+$0x0] =	vst.idx.msk $0xffff, v59;
	v50 =	vld [tilespmem:s6+$0xFFFFFEE0]  }
0x491: {  	v46 =	vadd.s32 v22, v37;
	v44 =	vld [tilespmem:s6+$0xFFFFFF60];
	[tilespmem:v62+s30+$0x0] =	vst.idx.msk $0xffff, v61  }
0x492: {  	v59 =	vadd.s32 v18, v34;
	[tilespmem:v58+s30+$0x0] =	vst.idx.msk $0xffff, v57;
	v58 =	vld [tilespmem:s6+$0xFFFFFF20]  }
0x493: {  	v57 =	vadd.s32 v31, v38;
	[tilespmem:v63+s30+$0x0] =	vst.idx.msk $0xffff, v47;
	v40 =	vld [tilespmem:s6+$0xFFFFFFF0]  }
0x494: {  	v60 =	vadd.s32 v26, v36;
	[tilespmem:v55+s30+$0x0] =	vst.idx.msk $0xffff, v54;
	v63 =	vld [tilespmem:s6+$0xFFFFFFA0]  }
0x495: {  	v61 =	vld [tilespmem:s6+$0xFFFFFE20];
	v62 =	vadd.s32 v2, v33;
	[tilespmem:v56+s30+$0x0] =	vst.idx.msk $0xffff, v50  }
0x496: {  	v51 =	vadd.s32 v7, v45;
	[tilespmem:v46+s30+$0x0] =	vst.idx.msk $0xffff, v44;
	v50 =	vld [tilespmem:s6+$0xFFFFFE70]  }
0x497: {  	v56 =	vadd.s32 v11, v52;
	v55 =	vld [tilespmem:s6+$0xFFFFFEB0];
	[tilespmem:v59+s30+$0x0] =	vst.idx.msk $0xffff, v58  }
0x498: {  	v58 =	vadd.s32 v15, v35;
	[tilespmem:v57+s30+$0x0] =	vst.idx.msk $0xffff, v40;
	v57 =	vld [tilespmem:s6+$0xFFFFFEF0]  }
0x499: {  	[tilespmem:v60+s30+$0x0] =	vst.idx.msk $0xffff, v63;
	v60 =	vadd.s32 v19, v34;
	v59 =	vld [tilespmem:s6+$0xFFFFFF30]  }
0x49a: {  	s15 =	simm.s32 $0x9;
	v38 =	vadd.s32 v32, v38;
	[tilespmem:v62+s30+$0x0] =	vst.idx.msk $0xffff, v61;
	v54 =	vld [tilespmem:s6+$0x0]  }
0x49b: {  	s9 =	simm.s32 $0x8;
	v41 =	vadd.s32 v23, v37;
	v53 =	vmov s15;
	[tilespmem:v51+s30+$0x0] =	vst.idx.msk $0xffff, v50;
	v40 =	vld [tilespmem:s6+$0xFFFFFF70]  }
0x49c: {  	s19 =	simm.s32 $0xB;
	s20 =	simm.s32 $0xC;
	v43 =	vadd.s32 v27, v36;
	v48 =	vadd.s32 v3, v33;
	v63 =	vmov s9;
	v42 =	vld [tilespmem:s6+$0xFFFFFFB0];
	[tilespmem:v56+s30+$0x0] =	vst.idx.msk $0xffff, v55  }
0x49d: {  	s24 =	simm.s32 $0xE;
	v44 =	vmov s19;
	v47 =	vmov s20;
	v46 =	vld [tilespmem:s6+$0xFFFFFE30];
	v39 =	vshrl.u32 v63, $0x3;
	[tilespmem:v58+s30+$0x0] =	vst.idx.msk $0xffff, v57  }
0x49e: {  	s17 =	simm.s32 $0xA;
	s21 =	simm.s32 $0xD;
	v51 =	vadd.s32 v8, v45;
	v49 =	vld [tilespmem:s6+$0xFFFFFE80];
	v45 =	vshll.u32 v39, v1;
	v39 =	vmov s24;
	[tilespmem:v60+s30+$0x0] =	vst.idx.msk $0xffff, v59  }
0x49f: {  	s7 =	simm.s32 $0x10;
	s8 =	simm.s32 $0xF;
	v52 =	vadd.s32 v12, v52;
	v50 =	vld [tilespmem:s6+$0xFFFFFEC0];
	[tilespmem:v38+s30+$0x0] =	vst.idx.msk $0xffff, v54;
	v54 =	vmov s17;
	v38 =	vmov s21  }
.LBB2_31:
0x4a0: {  	p0 =	slt.u32 s7, $0x78;
	v53 =	vshrl.u32 v53, $0x3;
	v55 =	vmov s8;
	v56 =	vld [tilespmem:s6+$0xFFFFFF00];
	v35 =	vadd.s32 v16, v35;
	[tilespmem:v41+s30+$0x0] =	vst.idx.msk $0xffff, v40  }
0x4a1: {  	v40 =	vshrl.u32 v54, $0x3;
	v34 =	vadd.s32 v20, v34;
	v41 =	vshrl.u32 v55, $0x3;
	v54 =	vld [tilespmem:s6+$0xFFFFFF40];
	[tilespmem:v43+s30+$0x0] =	vst.idx.msk $0xffff, v42  }
0x4a2: {  	v37 =	vadd.s32 v24, v37;
	v42 =	vshrl.u32 v44, $0x3;
	v41 =	vshll.u32 v41, v1;
	[tilespmem:v48+s30+$0x0] =	vst.idx.msk $0xffff, v46;
	v43 =	vld [tilespmem:s6+$0xFFFFFF80]  }
0x4a3: {  	v36 =	vadd.s32 v28, v36;
	v44 =	vshrl.u32 v47, $0x3;
	v41 =	vbroadcast v41, $0x0;
	[tilespmem:v51+s30+$0x0] =	vst.idx.msk $0xffff, v49;
	v46 =	vld [tilespmem:s6+$0xFFFFFFC0]  }
0x4a4: {  	v47 =	vshll.u32 v53, v1;
	v49 =	vadd.s32 v4, v33;
	v33 =	vbroadcast v45, $0x0;
	v48 =	vld [tilespmem:s6+$0xFFFFFE40];
	[tilespmem:v52+s30+$0x0] =	vst.idx.msk $0xffff, v50;
	s6 =	sadd.s32 $0x200, s6  }
0x4a5: {  	v40 =	vshll.u32 v40, v1;
	v45 =	vbroadcast v47, $0x0;
	v47 =	vld [tilespmem:s6+$0xFFFFFFD0];
	v50 =	vadd.s32 v29, v41;
	[tilespmem:v35+s30+$0x0] =	vst.idx.msk $0xffff, v56  }
0x4a6: {  	v55 =	vbroadcast v40, $0x0;
	v52 =	vadd.s32 v0, v33;
	v35 =	vshll.u32 v42, v1;
	v51 =	vld [tilespmem:s6+$0xFFFFFE10];
	[tilespmem:v34+s30+$0x0] =	vst.idx.msk $0xffff, v54  }
0x4a7: {  	v42 =	vadd.s32 v5, v45;
	v35 =	vbroadcast v35, $0x0;
	v34 =	vshll.u32 v44, v1;
	v40 =	vld [tilespmem:s6+$0xFFFFFE50];
	[tilespmem:v37+s30+$0x0] =	vst.idx.msk $0xffff, v43  }
0x4a8: {  	v44 =	vadd.s32 v9, v55;
	v34 =	vbroadcast v34, $0x0;
	v37 =	vshrl.u32 v38, $0x3;
	v43 =	vld [tilespmem:s6+$0xFFFFFE90];
	[tilespmem:v36+s30+$0x0] =	vst.idx.msk $0xffff, v46  }
0x4a9: {  	v39 =	vshrl.u32 v39, $0x3;
	v46 =	vadd.s32 v13, v35;
	v36 =	vshll.u32 v37, v1;
	v38 =	vld [tilespmem:s6+$0xFFFFFED0];
	[tilespmem:v49+s30+$0x0] =	vst.idx.msk $0xffff, v48  }
0x4aa: {  	v49 =	vadd.s32 v17, v34;
	v37 =	vbroadcast v36, $0x0;
	v36 =	vshll.u32 v39, v1;
	v48 =	vld [tilespmem:s6+$0xFFFFFF10];
	[tilespmem:v50+s30+$0x0] =	vst.idx.msk $0xffff, v47  }
0x4ab: {  	v36 =	vbroadcast v36, $0x0;
	v47 =	vadd.s32 v30, v41;
	[tilespmem:v52+s30+$0x0] =	vst.idx.msk $0xffff, v51;
	v39 =	vld [tilespmem:s6+$0xFFFFFFE0]  }
0x4ac: {  	[tilespmem:v42+s30+$0x0] =	vst.idx.msk $0xffff, v40;
	v40 =	vld [tilespmem:s6+$0xFFFFFF50];
	v42 =	vadd.s32 v21, v37  }
0x4ad: {  	[tilespmem:v44+s30+$0x0] =	vst.idx.msk $0xffff, v43;
	v43 =	vld [tilespmem:s6+$0xFFFFFF90];
	v44 =	vadd.s32 v25, v36  }
0x4ae: {  	v51 =	vadd.s32 v6, v45;
	v50 =	vld [tilespmem:s6+$0xFFFFFE60];
	[tilespmem:v46+s30+$0x0] =	vst.idx.msk $0xffff, v38  }
0x4af: {  	v46 =	vadd.s32 v10, v55;
	v38 =	vld [tilespmem:s6+$0xFFFFFEA0];
	[tilespmem:v49+s30+$0x0] =	vst.idx.msk $0xffff, v48  }
0x4b0: {  	v49 =	vadd.s32 v14, v35;
	v48 =	vld [tilespmem:s6+$0xFFFFFEE0];
	[tilespmem:v47+s30+$0x0] =	vst.idx.msk $0xffff, v39  }
0x4b1: {  	[tilespmem:v42+s30+$0x0] =	vst.idx.msk $0xffff, v40;
	v39 =	vld [tilespmem:s6+$0xFFFFFFF0];
	v40 =	vadd.s32 v31, v41  }
0x4b2: {  	v47 =	vadd.s32 v18, v34;
	v42 =	vld [tilespmem:s6+$0xFFFFFF20];
	[tilespmem:v44+s30+$0x0] =	vst.idx.msk $0xffff, v43  }
0x4b3: {  	v44 =	vadd.s32 v22, v37;
	[tilespmem:v51+s30+$0x0] =	vst.idx.msk $0xffff, v50;
	v43 =	vld [tilespmem:s6+$0xFFFFFF60]  }
0x4b4: {  	[tilespmem:v46+s30+$0x0] =	vst.idx.msk $0xffff, v38;
	v38 =	vld [tilespmem:s6+$0xFFFFFFA0];
	v46 =	vadd.s32 v26, v36  }
0x4b5: {  	v51 =	vadd.s32 v2, v33;
	v50 =	vld [tilespmem:s6+$0xFFFFFE20];
	[tilespmem:v49+s30+$0x0] =	vst.idx.msk $0xffff, v48  }
0x4b6: {  	v49 =	vadd.s32 v7, v45;
	v48 =	vld [tilespmem:s6+$0xFFFFFE70];
	[tilespmem:v40+s30+$0x0] =	vst.idx.msk $0xffff, v39  }
0x4b7: {  	[tilespmem:v47+s30+$0x0] =	vst.idx.msk $0xffff, v42;
	v39 =	vld [tilespmem:s6+$0x0];
	v47 =	vadd.s32 v32, v41  }
0x4b8: {  	v56 =	vadd.s32 v11, v55;
	v52 =	vld [tilespmem:s6+$0xFFFFFEB0];
	[tilespmem:v44+s30+$0x0] =	vst.idx.msk $0xffff, v43  }
0x4b9: {  	v58 =	vadd.s32 v15, v35;
	v57 =	vld [tilespmem:s6+$0xFFFFFEF0];
	[tilespmem:v46+s30+$0x0] =	vst.idx.msk $0xffff, v38  }
0x4ba: {  	v60 =	vadd.s32 v19, v34;
	[tilespmem:v51+s30+$0x0] =	vst.idx.msk $0xffff, v50;
	v59 =	vld [tilespmem:s6+$0xFFFFFF30]  }
.Ltmp14:
0x4bb: {  	s8 =	sadd.s32 $0x1, s7;
	v41 =	vadd.s32 v23, v37;
	v38 =	vmov s7;
	[tilespmem:v49+s30+$0x0] =	vst.idx.msk $0xffff, v48;
	v40 =	vld [tilespmem:s6+$0xFFFFFF70];
	(pc) =	sbr.rel @p0 .LBB2_31-.Ltmp14, $4  }
0x4bc: {  	s9 =	sadd.s32 $0x3, s7;
	v53 =	vmov s8;
	s8 =	sadd.s32 $0x2, s7;
	v43 =	vadd.s32 v27, v36;
	v50 =	vshrl.u32 v38, $0x3;
	v42 =	vld [tilespmem:s6+$0xFFFFFFB0];
	[tilespmem:v47+s30+$0x0] =	vst.idx.msk $0xffff, v39  }
0x4bd: {  	v54 =	vmov s8;
	s8 =	sadd.s32 $0x4, s7;
	v44 =	vmov s9;
	s9 =	sadd.s32 $0x5, s7;
	v48 =	vadd.s32 v3, v33;
	v46 =	vld [tilespmem:s6+$0xFFFFFE30];
	[tilespmem:v56+s30+$0x0] =	vst.idx.msk $0xffff, v52  }
0x4be: {  	v38 =	vmov s9;
	v51 =	vadd.s32 v8, v45;
	v47 =	vmov s8;
	s8 =	sadd.s32 $0x6, s7;
	v49 =	vld [tilespmem:s6+$0xFFFFFE80];
	[tilespmem:v58+s30+$0x0] =	vst.idx.msk $0xffff, v57  }
0x4bf: {  	v45 =	vshll.u32 v50, v1;
	v39 =	vmov s8;
	s8 =	sadd.s32 $0x7, s7;
	s7 =	sadd.s32 $0x8, s7;
	v52 =	vadd.s32 v12, v55;
	v50 =	vld [tilespmem:s6+$0xFFFFFEC0];
	[tilespmem:v60+s30+$0x0] =	vst.idx.msk $0xffff, v59  }
0x4c0: {  	_ =	sdelay $0x2  }
0x4c1: {  	v53 =	vshrl.u32 v53, $0x3  }
0x4c2: {  	v55 =	vmov s8;
	v56 =	vld [tilespmem:s6+$0xFFFFFF00];
	v35 =	vadd.s32 v16, v35;
	[tilespmem:v41+s30+$0x0] =	vst.idx.msk $0xffff, v40;
	v57 =	vshrl.u32 v54, $0x3  }
0x4c3: {  	v59 =	vld [tilespmem:s6+$0xFFFFFF40];
	v34 =	vadd.s32 v20, v34;
	v60 =	vshrl.u32 v44, $0x3;
	v58 =	vshrl.u32 v55, $0x3;
	[tilespmem:v43+s30+$0x0] =	vst.idx.msk $0xffff, v42  }
0x4c4: {  	v37 =	vadd.s32 v24, v37;
	v62 =	vshrl.u32 v47, $0x3;
	v61 =	vld [tilespmem:s6+$0xFFFFFF80];
	v41 =	vshll.u32 v58, v1;
	[tilespmem:v48+s30+$0x0] =	vst.idx.msk $0xffff, v46  }
0x4c5: {  	v36 =	vadd.s32 v28, v36;
	v45 =	vbroadcast v45, $0x0;
	v63 =	vld [tilespmem:s6+$0xFFFFFFC0];
	v41 =	vbroadcast v41, $0x0;
	[tilespmem:v51+s30+$0x0] =	vst.idx.msk $0xffff, v49  }
0x4c6: {  	v33 =	vadd.s32 v4, v33;
	s15 =	sadd.s32 $0x200, s6;
	v38 =	vshrl.u32 v38, $0x3;
	v55 =	vshll.u32 v53, v1;
	v48 =	vld [tilespmem:s6+$0xFFFFFE40];
	[tilespmem:v52+s30+$0x0] =	vst.idx.msk $0xffff, v50  }
0x4c7: {  	v40 =	vshll.u32 v57, v1;
	v47 =	vbroadcast v55, $0x0;
	v49 =	vld [tilespmem:s15+$0xFFFFFFD0];
	v50 =	vadd.s32 v29, v41;
	[tilespmem:v35+s30+$0x0] =	vst.idx.msk $0xffff, v56  }
0x4c8: {  	v42 =	vshll.u32 v60, v1;
	v40 =	vbroadcast v40, $0x0;
	v35 =	vld [tilespmem:s15+$0xFFFFFE10];
	v56 =	vadd.s32 v0, v45;
	[tilespmem:v34+s30+$0x0] =	vst.idx.msk $0xffff, v59  }
0x4c9: {  	v57 =	vld [tilespmem:s15+$0xFFFFFE50];
	v44 =	vshll.u32 v62, v1;
	v42 =	vbroadcast v42, $0x0;
	v58 =	vadd.s32 v5, v47;
	[tilespmem:v37+s30+$0x0] =	vst.idx.msk $0xffff, v61  }
0x4ca: {  	v38 =	vshll.u32 v38, v1;
	v44 =	vbroadcast v44, $0x0;
	v60 =	vadd.s32 v9, v40;
	v59 =	vld [tilespmem:s15+$0xFFFFFE90];
	[tilespmem:v36+s30+$0x0] =	vst.idx.msk $0xffff, v63  }
0x4cb: {  	v38 =	vbroadcast v38, $0x0;
	v62 =	vadd.s32 v13, v42;
	v61 =	vld [tilespmem:s15+$0xFFFFFED0];
	[tilespmem:v33+s30+$0x0] =	vst.idx.msk $0xffff, v48  }
0x4cc: {  	v39 =	vshrl.u32 v39, $0x3;
	v63 =	vadd.s32 v17, v44;
	v33 =	vld [tilespmem:s15+$0xFFFFFF10];
	[tilespmem:v50+s30+$0x0] =	vst.idx.msk $0xffff, v49  }
0x4cd: {  	v39 =	vshll.u32 v39, v1;
	v34 =	vld [tilespmem:s15+$0xFFFFFF50];
	[tilespmem:v56+s30+$0x0] =	vst.idx.msk $0xffff, v35;
	v56 =	vadd.s32 v21, v38  }
0x4ce: {  	[tilespmem:v58+s30+$0x0] =	vst.idx.msk $0xffff, v57;
	v35 =	vbroadcast v39, $0x0;
	v49 =	vadd.s32 v30, v41;
	v39 =	vld [tilespmem:s15+$0xFFFFFFE0]  }
0x4cf: {  	[tilespmem:v60+s30+$0x0] =	vst.idx.msk $0xffff, v59;
	v59 =	vld [tilespmem:s15+$0xFFFFFE60];
	v60 =	vadd.s32 v6, v47  }
0x4d0: {  	v57 =	vld [tilespmem:s15+$0xFFFFFF90];
	[tilespmem:v62+s30+$0x0] =	vst.idx.msk $0xffff, v61;
	v58 =	vadd.s32 v25, v35  }
0x4d1: {  	v61 =	vld [tilespmem:s15+$0xFFFFFEA0];
	v62 =	vadd.s32 v10, v40;
	[tilespmem:v63+s30+$0x0] =	vst.idx.msk $0xffff, v33  }
0x4d2: {  	v33 =	vld [tilespmem:s15+$0xFFFFFEE0];
	v63 =	vadd.s32 v14, v42;
	[tilespmem:v56+s30+$0x0] =	vst.idx.msk $0xffff, v34  }
0x4d3: {  	v56 =	vadd.s32 v18, v44;
	[tilespmem:v49+s30+$0x0] =	vst.idx.msk $0xffff, v39;
	v49 =	vld [tilespmem:s15+$0xFFFFFF20]  }
0x4d4: {  	[tilespmem:v60+s30+$0x0] =	vst.idx.msk $0xffff, v59;
	v39 =	vadd.s32 v31, v41;
	v34 =	vld [tilespmem:s15+$0xFFFFFFF0]  }
0x4d5: {  	[tilespmem:v58+s30+$0x0] =	vst.idx.msk $0xffff, v57;
	v57 =	vld [tilespmem:s15+$0xFFFFFF60];
	v58 =	vadd.s32 v22, v38  }
0x4d6: {  	[tilespmem:v62+s30+$0x0] =	vst.idx.msk $0xffff, v61;
	v61 =	vld [tilespmem:s15+$0xFFFFFE20];
	v62 =	vadd.s32 v2, v45  }
0x4d7: {  	v60 =	vadd.s32 v26, v35;
	v59 =	vld [tilespmem:s15+$0xFFFFFFA0];
	[tilespmem:v63+s30+$0x0] =	vst.idx.msk $0xffff, v33  }
0x4d8: {  	v55 =	vadd.s32 v11, v40;
	v54 =	vadd.s32 v32, v41;
	v41 =	vld [tilespmem:s15+$0xFFFFFEB0];
	[tilespmem:v56+s30+$0x0] =	vst.idx.msk $0xffff, v49  }
0x4d9: {  	v53 =	vadd.s32 v7, v47;
	v63 =	vld [tilespmem:s15+$0xFFFFFE70];
	[tilespmem:v39+s30+$0x0] =	vst.idx.msk $0xffff, v34  }
0x4da: {  	v56 =	vld [tilespmem:s15+$0xFFFFFEF0];
	[tilespmem:v58+s30+$0x0] =	vst.idx.msk $0xffff, v57;
	v57 =	vadd.s32 v15, v42  }
0x4db: {  	[tilespmem:v62+s30+$0x0] =	vst.idx.msk $0xffff, v61;
	v34 =	vld [tilespmem:s15+$0x0]  }
0x4dc: {  	v58 =	vld [tilespmem:s15+$0xFFFFFF30];
	[tilespmem:v60+s30+$0x0] =	vst.idx.msk $0xffff, v59;
	v59 =	vadd.s32 v19, v44  }
0x4dd: {  	v61 =	vadd.s32 v23, v38;
	[tilespmem:v55+s30+$0x0] =	vst.idx.msk $0xffff, v41;
	v60 =	vld [tilespmem:s15+$0xFFFFFF70]  }
0x4de: {  	[tilespmem:v53+s30+$0x0] =	vst.idx.msk $0xffff, v63;
	v63 =	vadd.s32 v27, v35;
	v62 =	vld [tilespmem:s15+$0xFFFFFFB0]  }
0x4df: {  	v47 =	vadd.s32 v8, v47;
	v55 =	vld [tilespmem:s15+$0xFFFFFE80];
	[tilespmem:v57+s30+$0x0] =	vst.idx.msk $0xffff, v56  }
0x4e0: {  	v53 =	vld [tilespmem:s15+$0xFFFFFE30];
	[tilespmem:v54+s30+$0x0] =	vst.idx.msk $0xffff, v34;
	v54 =	vadd.s32 v3, v45  }
0x4e1: {  	v40 =	vadd.s32 v12, v40;
	v56 =	vld [tilespmem:s15+$0xFFFFFEC0];
	[tilespmem:v59+s30+$0x0] =	vst.idx.msk $0xffff, v58  }
0x4e2: {  	v42 =	vadd.s32 v16, v42;
	v57 =	vld [tilespmem:s15+$0xFFFFFF00];
	[tilespmem:v61+s30+$0x0] =	vst.idx.msk $0xffff, v60  }
0x4e3: {  	v59 =	vadd.s32 v20, v44;
	v58 =	vld [tilespmem:s15+$0xFFFFFF40];
	[tilespmem:v63+s30+$0x0] =	vst.idx.msk $0xffff, v62  }
0x4e4: {  	v38 =	vadd.s32 v24, v38;
	v60 =	vld [tilespmem:s15+$0xFFFFFF80];
	[tilespmem:v47+s30+$0x0] =	vst.idx.msk $0xffff, v55  }
0x4e5: {  	v35 =	vadd.s32 v28, v35;
	v61 =	vld [tilespmem:s15+$0xFFFFFFC0];
	[tilespmem:v54+s30+$0x0] =	vst.idx.msk $0xffff, v53  }
0x4e6: {  	v63 =	vadd.s32 v4, v45;
	[tilespmem:v40+s30+$0x0] =	vst.idx.msk $0xffff, v56;
	v62 =	vld [tilespmem:s15+$0xFFFFFE40]  }
0x4e7: {  	s17 =	sadd.s32 s5, s18;
	[tilespmem:v42+s30+$0x0] =	vst.idx.msk $0xffff, v57  }
0x4e8: {  	s7 =	sshll.u32 s17, $0x7;
	[tilespmem:v59+s30+$0x0] =	vst.idx.msk $0xffff, v58  }
0x4e9: {  	s7 =	sand.u32 $0x3F80, s7;
	s6 =	sshll.u32 s17, $0xA;
	[tilespmem:v38+s30+$0x0] =	vst.idx.msk $0xffff, v60  }
0x4ea: {  	s7 =	sadd.s32 s2, s7;
	s6 =	sand.u32 $0xFFE0000, s6;
	[tilespmem:v35+s30+$0x0] =	vst.idx.msk $0xffff, v61  }
0x4eb: {  	s18 =	simm.s32 $0x1CA00;
	s7 =	sadd.s32 s6, s7;
	[tilespmem:v63+s30+$0x0] =	vst.idx.msk $0xffff, v62  }
0x4ec: {  	[hbm4b:s7+s3] =	stream.linear.scatter [tilespmem:s18], [sflag:$0xC], $0x80, $0x38;
	[tilespmem:$0x1EC00] =	vst v63  }
0x4ed: {  	s19 =	simm.s32 $0x1CA88;
	s20 =	sadd.s32 $0x10, s7  }
0x4ee: {  	[hbm4b:s20+s3] =	stream.linear.scatter [tilespmem:s19], [sflag:$0xC], $0x80, $0x38;
	[tilespmem:$0x1EC00] =	vst v63  }
0x4ef: {  	s21 =	simm.s32 $0x1CB10;
	s9 =	simm.s32 $0x1CB98;
	s24 =	sadd.s32 $0x20, s7  }
0x4f0: {  	[hbm4b:s24+s3] =	stream.linear.scatter [tilespmem:s21], [sflag:$0xC], $0x80, $0x38;
	[tilespmem:$0x1EC00] =	vst v63  }
0x4f1: {  	s8 =	simm.s32 $0x2200;
	s17 =	simm.s32 $0x1CC20;
	s15 =	sadd.s32 $0x30, s7  }
0x4f2: {  	[hbm4b:s15+s3] =	stream.linear.scatter [tilespmem:s9], [sflag:$0xC], $0x80, $0x38;
	[tilespmem:$0x1EC00] =	vst v63  }
0x4f3: {  	s6 =	simm.s32 $0x440;
	s18 =	sadd.s32 $0x40, s7;
	s19 =	simm.s32 $0x1CCA8  }
0x4f4: {  	[hbm4b:s18+s3] =	stream.linear.scatter [tilespmem:s17], [sflag:$0xC], $0x80, $0x38;
	[tilespmem:$0x1EC00] =	vst v63  }
0x4f5: {  	s20 =	sadd.s32 $0x50, s7;
	s21 =	simm.s32 $0x1CD30;
	s24 =	sadd.s32 $0x60, s7  }
0x4f6: {  	[hbm4b:s20+s3] =	stream.linear.scatter [tilespmem:s19], [sflag:$0xC], $0x80, $0x38;
	[tilespmem:$0x1EC00] =	vst v63  }
0x4f7: {  	s15 =	simm.s32 $0x1CDB8;
	s17 =	sadd.s32 $0x70, s7;
	s7 =	sadd.s32 $0x4000, s7  }
0x4f8: {  	[hbm4b:s24+s3] =	stream.linear.scatter [tilespmem:s21], [sflag:$0xC], $0x80, $0x38;
	[tilespmem:$0x1EC00] =	vst v63  }
.LBB2_33:
0x4f9: {  	[hbm4b:s17+s3] =	stream.linear.scatter [tilespmem:s15], [sflag:$0xC], $0x80, $0x38;
	[tilespmem:$0x1EC00] =	vst v63  }
0x4fa: {  	s9 =	smov.u32 s6;
	s6 =	smov.u32 s8  }
0x4fb: {  	s18 =	sadd.s32 $0x1100, s8;
	s6 =	sshra.s32 s6, $0x2;
	s15 =	sadd.s32 $0x1CA00, s9  }
0x4fc: {  	[hbm4b:s7+s3] =	stream.linear.scatter [tilespmem:s15], [sflag:$0xC], $0x80, $0x38;
	[tilespmem:$0x1EC00] =	vst v63  }
0x4fd: {  	p0 =	sne.s32 s8, $0x7700;
	s8 =	sadd.s32 $0x1CA88, s9;
	s15 =	sadd.s32 $0x10, s7  }
0x4fe: {  	[hbm4b:s15+s3] =	stream.linear.scatter [tilespmem:s8], [sflag:$0xC], $0x80, $0x38;
	[tilespmem:$0x1EC00] =	vst v63  }
0x4ff: {  	s8 =	sadd.s32 $0x1CB10, s9;
	s15 =	sadd.s32 $0x20, s7  }
0x500: {  	[hbm4b:s15+s3] =	stream.linear.scatter [tilespmem:s8], [sflag:$0xC], $0x80, $0x38;
	[tilespmem:$0x1EC00] =	vst v63  }
0x501: {  	s8 =	sadd.s32 $0x1CB98, s9;
	s15 =	sadd.s32 $0x30, s7  }
0x502: {  	[hbm4b:s15+s3] =	stream.linear.scatter [tilespmem:s8], [sflag:$0xC], $0x80, $0x38;
	[tilespmem:$0x1EC00] =	vst v63  }
0x503: {  	s8 =	sadd.s32 $0x1CC20, s9;
	s15 =	sadd.s32 $0x40, s7  }
0x504: {  	[hbm4b:s15+s3] =	stream.linear.scatter [tilespmem:s8], [sflag:$0xC], $0x80, $0x38;
	[tilespmem:$0x1EC00] =	vst v63  }
.Ltmp15:
0x505: {  	s8 =	sadd.s32 $0x1CCA8, s9;
	s15 =	sadd.s32 $0x50, s7;
	(pc) =	sbr.rel @p0 .LBB2_33-.Ltmp15, $4  }
0x506: {  	[hbm4b:s15+s3] =	stream.linear.scatter [tilespmem:s8], [sflag:$0xC], $0x80, $0x38;
	[tilespmem:$0x1EC00] =	vst v63  }
0x507: {  	s17 =	sadd.s32 $0x70, s7;
	s8 =	sadd.s32 $0x1CD30, s9;
	s15 =	sadd.s32 $0x60, s7  }
0x508: {  	[hbm4b:s15+s3] =	stream.linear.scatter [tilespmem:s8], [sflag:$0xC], $0x80, $0x38;
	[tilespmem:$0x1EC00] =	vst v63  }
0x509: {  	s7 =	sadd.s32 $0x4000, s7;
	s15 =	sadd.s32 $0x1CDB8, s9;
	s8 =	smov.u32 s18  }
0x50a: {  	[hbm4b:s17+s3] =	stream.linear.scatter [tilespmem:s15], [sflag:$0xC], $0x80, $0x38;
	[tilespmem:$0x1EC00] =	vst v63  }
0x50b: {  	s8 =	sadd.s32 $0x1CA00, s6  }
0x50c: {  	[hbm4b:s7+s3] =	stream.linear.scatter [tilespmem:s8], [sflag:$0xC], $0x80, $0x38;
	[tilespmem:$0x1EC00] =	vst v63  }
0x50d: {  	s18 =	sadd.s32 $0x1CA88, s6;
	s9 =	sadd.s32 $0x10, s7  }
0x50e: {  	[hbm4b:s9+s3] =	stream.linear.scatter [tilespmem:s18], [sflag:$0xC], $0x80, $0x38;
	[tilespmem:$0x1EC00] =	vst v63  }
0x50f: {  	s19 =	sadd.s32 $0x1CB10, s6;
	s20 =	sadd.s32 $0x20, s7  }
0x510: {  	[hbm4b:s20+s3] =	stream.linear.scatter [tilespmem:s19], [sflag:$0xC], $0x80, $0x38;
	[tilespmem:$0x1EC00] =	vst v63  }
0x511: {  	s21 =	sadd.s32 $0x1CB98, s6;
	s24 =	sadd.s32 $0x30, s7  }
0x512: {  	[hbm4b:s24+s3] =	stream.linear.scatter [tilespmem:s21], [sflag:$0xC], $0x80, $0x38;
	[tilespmem:$0x1EC00] =	vst v63  }
0x513: {  	s15 =	sadd.s32 $0x40, s7;
	s16 =	sadd.s32 $0x1, s16;
	s9 =	sadd.s32 $0x1CC20, s6  }
0x514: {  	[hbm4b:s15+s3] =	stream.linear.scatter [tilespmem:s9], [sflag:$0xC], $0x80, $0x38;
	[tilespmem:$0x1EC00] =	vst v63  }
0x515: {  	s17 =	sadd.s32 $0x1CCA8, s6;
	p0 =	sne.s32 s16, $0x19;
	s18 =	sadd.s32 $0x50, s7  }
0x516: {  	[hbm4b:s18+s3] =	stream.linear.scatter [tilespmem:s17], [sflag:$0xC], $0x80, $0x38;
	[tilespmem:$0x1EC00] =	vst v63  }
.Ltmp16:
0x517: {  	_ = 	snop;
	(pc) =	sbr.rel @p0 .LBB2_2-.Ltmp16, $4  }
0x518: {  	s19 =	sadd.s32 $0x1CD30, s6;
	s20 =	sadd.s32 $0x60, s7  }
0x519: {  	[hbm4b:s20+s3] =	stream.linear.scatter [tilespmem:s19], [sflag:$0xC], $0x80, $0x38;
	[tilespmem:$0x1EC00] =	vst v63  }
0x51a: {  	s21 =	sadd.s32 $0x1CDB8, s6;
	s24 =	sadd.s32 $0x70, s7;
	s9 =	simm.s32 $0x80  }
0x51b: {  	[hbm4b:s24+s3] =	stream.linear.scatter [tilespmem:s21], [sflag:$0xC], $0x80, $0x38;
	[tilespmem:$0x1EC00] =	vst v63  }
0x51c: {  	_ =	swait.ge [sflag:s0], $0x2000  }
0x51d: {  	[sflag:s0] =	ssyncset.done $0x0  }
0x51e: {  	[sflag:s0] =	ssyncadd.s32 $0xFFFFE000  }
0x51f: {  	_ =	swait.ge [sflag:s10], $0x2000  }
0x520: {  	[sflag:s10] =	ssyncset.done $0x0  }
0x521: {  	[sflag:s10] =	ssyncadd.s32 $0xFFFFE000  }
0x522: {  	_ =	swait.ge [sflag:s12], $0x2000  }
0x523: {  	[sflag:s12] =	ssyncset.done $0x0  }
0x524: {  	[sflag:s12] =	ssyncadd.s32 $0xFFFFE000  }
0x525: {  	_ =	swait.ge [sflag:s14], $0x2000  }
0x526: {  	s7 =	rddreg [dreg:$0x6]  }
0x527: {  	s6 =	rddreg [dreg:$0x5];
	s7 =	sadd.s32 $0x1, s7  }
0x528: {  	p0 =	sne.s32 s7, s6  }
.Ltmp17:
0x529: {  	_ = 	snop;
	(pc) =	sbr.rel @p0 .LBB2_1-.Ltmp17, $3  }
0x52a: {  	_ =	sdelay $0x1  }
0x52b: {  	[sflag:s14] =	ssyncset.done $0x0  }
0x52c: {  	[sflag:s14] =	ssyncadd.s32 $0xFFFFE000  }
0x52d: {  	_ =	sfence.sel $0x180000  }
0x52e: {  	[bflag:$0x0] =	sbarrier.arrive $0xFFFF  }
0x52f: {  	_ =	strace $0x90000047  }
0x530: {  	s0 =	stileid.u32;
	[bflag:$0x2] =	sbarrier.arrive $0xFFFF  }
0x531: {  	p0 =	sne.s32 s0, $0x0;
	s0 =	rddreg [dreg:$0x3]  }
0x532: {  	s0 =	sadd.s32 @!p0 $0x100000, s0  }
0x533: {  	[sflag:s0] =	ssyncadd.tile.s32 @!p0 $0x1;
	_ =	shalt  }
.Lfunc_end2:
_tile_overlayer_lowered:
.L_overlay_start_2:
0x534: {  	(tag) =	ssettag $0x2  }
0x535: {  	s0 =	rddreg [dreg:$0x0];
	s2 =	stileid.u32  }
0x536: {  	s1 =	rddreg [dreg:$0x1];
	p0 =	sne.s32 s2, $0x0  }
0x537: {  	s3 =	rddreg [dreg:$0x2];
	[bflag:$0x3] =	sbarrier.arrive $0xFFFF;
	s2 =	simm.s32 @!p0 $0x1C0D  }
0x538: {  	[timem:s3], [sflag:s2] =	dma.local @!p0 [hbm:s0], s1  }
0x539: {  	s0 =	simm.s32 @!p0 $0xD  }
0x53a: {  	_ =	swait.ge @!p0 [sflag:s0], s1  }
0x53b: {  	s1 =	ssub.s32 @!p0 $0x0, s1;
	[sflag:s0] =	ssyncset.done @!p0 $0x0  }
0x53c: {  	[sflag:s0] =	ssyncadd.s32 @!p0 s1  }
0x53d: {  	[bflag:$0x3] =	sbarrier.arrive $0xFFFF  }
0x53e: {  	_ =	shalt  }

</sc_bundles>
